<compile_context>
chip_gen: v7x
topology: tpu7x:2x2x1
jax: 0.10.2.dev20260603
libtpu: 0.0.44.dev20260713+nightly
codegen_flags: <defaults>
</compile_context>

<pallas_src>
import functools

import jax
import jax.numpy as jnp
from jax import lax
from jax.experimental import pallas as pl
from jax.experimental.pallas import tpu as pltpu
from jax.experimental.pallas import tpu_sc as plsc

N = 10000
E = 320000
IN_FEATS = 128
HEADS = 4
OUT_FEATS = 32
HD = HEADS * OUT_FEATS
NEG_SLOPE = 0.2

NW = 32
EPW = E // NW
CC = 80
NCH = EPW // CC
NGR = CC // 16
NPAIR = (NCH - 1) // 2


def _proj_body(feat_ref, w_ref, b_ref, el_ref, er_ref, v_ref):
    r = (
        jnp.dot(feat_ref[...], w_ref[...], preferred_element_type=jnp.float32)
        + b_ref[...]
    )
    el_ref[...] = r[:, :HD]
    er_ref[...] = r[:, HD:2 * HD]
    v_ref[...] = r[:, 2 * HD:]


def _project(feat, w_all_t, b_all):
    blk = 1000
    return pl.pallas_call(
        _proj_body,
        grid=(N // blk,),
        in_specs=[
            pl.BlockSpec((blk, IN_FEATS), lambda i: (i, 0)),
            pl.BlockSpec((IN_FEATS, 3 * HD), lambda i: (0, 0)),
            pl.BlockSpec((1, 3 * HD), lambda i: (0, 0)),
        ],
        out_specs=[
            pl.BlockSpec((blk, HD), lambda i: (i, 0)),
            pl.BlockSpec((blk, HD), lambda i: (i, 0)),
            pl.BlockSpec((blk, HD), lambda i: (i, 0)),
        ],
        out_shape=[
            jax.ShapeDtypeStruct((N, HD), jnp.float32),
            jax.ShapeDtypeStruct((N, HD), jnp.float32),
            jax.ShapeDtypeStruct((N, HD), jnp.float32),
        ],
    )(feat, w_all_t, b_all)


def _sc_pass_a(el, er, src, dst, attn_b, z4):
    mesh = plsc.VectorSubcoreMesh(core_axis_name="c", subcore_axis_name="s")

    @functools.partial(
        pl.kernel,
        mesh=mesh,
        compiler_params=pltpu.CompilerParams(needs_layout_passes=False),
        out_type=[
            jax.ShapeDtypeStruct((E * 4,), jnp.float32),
            jax.ShapeDtypeStruct((2, N * 4), jnp.float32),
        ],
        scratch_types=[
            pltpu.VMEM((CC,), jnp.int32),
            pltpu.VMEM((CC,), jnp.int32),
            pltpu.VMEM((CC * 4,), jnp.int32),
            pltpu.VMEM((CC, HD), jnp.float32),
            pltpu.VMEM((CC, HD), jnp.float32),
            pltpu.VMEM((CC,), jnp.int32),
            pltpu.VMEM((CC,), jnp.int32),
            pltpu.VMEM((CC * 4,), jnp.int32),
            pltpu.VMEM((CC, HD), jnp.float32),
            pltpu.VMEM((CC, HD), jnp.float32),
            pltpu.VMEM((CC * 4,), jnp.float32),
            pltpu.VMEM((HD,), jnp.float32),
            pltpu.VMEM_SHARED((N * 4,), jnp.float32),
            pltpu.SemaphoreType.DMA,
            pltpu.SemaphoreType.DMA,
        ],
    )
    def k(el_h, er_h, src_h, dst_h, attnb_h, z4_h, ex_h, segp_h,
          ids0, idd0, idx40, rel0, rer0,
          ids1, idd1, idx41, rel1, rer1,
          exflat, attn_v, seg_sh, sem0, sem1):
        c = lax.axis_index("c")
        s = lax.axis_index("s")
        w = s * 2 + c
        iota = lax.iota(jnp.int32, 16)
        zeros16 = jnp.zeros((16,), jnp.float32)
        pltpu.sync_copy(attnb_h, attn_v)

        @pl.when(s == 0)
        def _():
            pltpu.sync_copy(z4_h, seg_sh)

        plsc.subcore_barrier()

        bufs = ((ids0, idd0, idx40, rel0, rer0, sem0),
                (ids1, idd1, idx41, rel1, rer1, sem1))

        def issue(kk, b):
            ids, idd, idx4, rel, rer, sem = bufs[b]
            base = w * EPW + kk * CC
            pltpu.sync_copy(src_h.at[pl.ds(base, CC)], ids)
            pltpu.sync_copy(dst_h.at[pl.ds(base, CC)], idd)

            def mkidx(kk2, carry2):
                si = kk2 * 16 + iota
                dstv = plsc.load_gather(idd, [si >> 2])
                idx4[pl.ds(kk2 * 16, 16)] = dstv * 4 + (si & 3)
                return carry2

            lax.fori_loop(0, CC * 4 // 16, mkidx, None)
            pltpu.async_copy(el_h.at[ids], rel, sem)
            pltpu.async_copy(er_h.at[idd], rer, sem)

        av = [attn_v[pl.ds(j * 16, 16)] for j in range(8)]

        def stage(kk, b):
            ids, idd, idx4, rel, rer, sem = bufs[b]
            pltpu.make_async_copy(el_h.at[ids], rel, sem).wait()
            pltpu.make_async_copy(er_h.at[idd], rer, sem).wait()

            def zb(kk2, carry2):
                exflat[pl.ds(kk2 * 16, 16)] = zeros16
                return carry2

            lax.fori_loop(0, CC * 4 // 16, zb, None)

            def edge(e, ecarry):
                t = []
                for j in range(8):
                    sl = pl.ds(j * 16, 16)
                    x = rel[e, sl] + rer[e, sl]
                    x = jnp.maximum(x, x * NEG_SLOPE)
                    t.append(x * av[j])
                lane0 = (e & 3) * 4
                vec = zeros16
                for h in range(HEADS):
                    sh = jnp.sum(t[2 * h] + t[2 * h + 1])
                    vec = vec + jnp.where(iota == lane0 + h, sh, 0.0)
                bl = pl.ds((e >> 2) * 16, 16)
                exflat[bl] = exflat[bl] + vec
                return ecarry

            lax.fori_loop(0, CC, edge, None)

            def expp(kk2, carry2):
                sl = pl.ds(kk2 * 16, 16)
                exflat[sl] = jnp.exp(exflat[sl])
                return carry2

            lax.fori_loop(0, CC * 4 // 16, expp, None)
            base = w * EPW + kk * CC
            pltpu.sync_copy(exflat, ex_h.at[pl.ds(base * 4, CC * 4)])
            pltpu.sync_copy(exflat, seg_sh.at[idx4], add=True)

        issue(0, 0)

        def pair(jj, carry):
            issue(2 * jj + 1, 1)
            stage(2 * jj, 0)
            issue(2 * jj + 2, 0)
            stage(2 * jj + 1, 1)
            return carry

        lax.fori_loop(0, NPAIR, pair, None)
        stage(NCH - 1, 0)
        plsc.subcore_barrier()

        @pl.when(s == 0)
        def _():
            pltpu.sync_copy(seg_sh, segp_h.at[c])

    return k(el, er, src, dst, attn_b, z4)


def _recip_body(p_ref, o_ref):
    o_ref[...] = 1.0 / (p_ref[0] + p_ref[1] + 1e-9)


def _recip(segp):
    return pl.pallas_call(
        _recip_body,
        out_shape=jax.ShapeDtypeStruct((N * 4,), jnp.float32),
    )(segp)


def _sc_pass_d(v, src, dst, ex, r, z128):
    mesh = plsc.VectorSubcoreMesh(core_axis_name="c", subcore_axis_name="s")

    @functools.partial(
        pl.kernel,
        mesh=mesh,
        compiler_params=pltpu.CompilerParams(needs_layout_passes=False),
        out_type=jax.ShapeDtypeStruct((2, N, HD), jnp.float32),
        scratch_types=[
            pltpu.VMEM((CC,), jnp.int32),
            pltpu.VMEM((CC,), jnp.int32),
            pltpu.VMEM((CC * 4,), jnp.int32),
            pltpu.VMEM((CC, HD), jnp.float32),
            pltpu.VMEM((CC * 4,), jnp.float32),
            pltpu.VMEM((CC * 4,), jnp.float32),
            pltpu.VMEM((CC,), jnp.int32),
            pltpu.VMEM((CC,), jnp.int32),
            pltpu.VMEM((CC * 4,), jnp.int32),
            pltpu.VMEM((CC, HD), jnp.float32),
            pltpu.VMEM((CC * 4,), jnp.float32),
            pltpu.VMEM((CC * 4,), jnp.float32),
            pltpu.VMEM((CC, HD), jnp.float32),
            pltpu.VMEM_SHARED((N, HD), jnp.float32),
            pltpu.SemaphoreType.DMA,
            pltpu.SemaphoreType.DMA,
        ],
    )
    def k(v_h, src_h, dst_h, ex_h, r_h, z128_h, rst_h,
          ids0, idd0, idx40, vr0, exf0, rf0,
          ids1, idd1, idx41, vr1, exf1, rf1,
          msg_rows, rst_sh, sem0, sem1):
        c = lax.axis_index("c")
        s = lax.axis_index("s")
        w = s * 2 + c
        iota = lax.iota(jnp.int32, 16)

        @pl.when(s == 0)
        def _():
            pltpu.sync_copy(z128_h, rst_sh)

        plsc.subcore_barrier()

        bufs = ((ids0, idd0, idx40, vr0, exf0, rf0, sem0),
                (ids1, idd1, idx41, vr1, exf1, rf1, sem1))

        def issue(kk, b):
            ids, idd, idx4, vr, exf, rf, sem = bufs[b]
            base = w * EPW + kk * CC
            pltpu.sync_copy(src_h.at[pl.ds(base, CC)], ids)
            pltpu.sync_copy(dst_h.at[pl.ds(base, CC)], idd)

            def mkidx(kk2, carry2):
                si = kk2 * 16 + iota
                dstv = plsc.load_gather(idd, [si >> 2])
                idx4[pl.ds(kk2 * 16, 16)] = dstv * 4 + (si & 3)
                return carry2

            lax.fori_loop(0, CC * 4 // 16, mkidx, None)
            pltpu.async_copy(v_h.at[ids], vr, sem)
            pltpu.async_copy(r_h.at[idx4], rf, sem)
            pltpu.async_copy(ex_h.at[pl.ds(base * 4, CC * 4)], exf, sem)

        def stage(kk, b):
            ids, idd, idx4, vr, exf, rf, sem = bufs[b]
            base = w * EPW + kk * CC
            pltpu.make_async_copy(v_h.at[ids], vr, sem).wait()
            pltpu.make_async_copy(r_h.at[idx4], rf, sem).wait()
            pltpu.make_async_copy(ex_h.at[pl.ds(base * 4, CC * 4)], exf,
                                  sem).wait()

            def amul(kk2, carry2):
                sl = pl.ds(kk2 * 16, 16)
                exf[sl] = exf[sl] * rf[sl]
                return carry2

            lax.fori_loop(0, CC * 4 // 16, amul, None)

            def edge4(e4, ecarry):
                blk = exf[pl.ds(e4 * 16, 16)]
                for sub in range(4):
                    e = e4 * 4 + sub
                    a = [blk[sub * 4 + h] for h in range(HEADS)]
                    for j in range(8):
                        sl = pl.ds(j * 16, 16)
                        msg_rows[e, sl] = vr[e, sl] * a[j // 2]
                return ecarry

            lax.fori_loop(0, CC // 4, edge4, None)
            pltpu.sync_copy(msg_rows, rst_sh.at[idd], add=True)

        issue(0, 0)

        def pair(jj, carry):
            issue(2 * jj + 1, 1)
            stage(2 * jj, 0)
            issue(2 * jj + 2, 0)
            stage(2 * jj + 1, 1)
            return carry

        lax.fori_loop(0, NPAIR, pair, None)
        stage(NCH - 1, 0)
        plsc.subcore_barrier()

        @pl.when(s == 0)
        def _():
            pltpu.sync_copy(rst_sh, rst_h.at[c])

    return k(v, src, dst, ex, r, z128)


def _combine_body(p_ref, o_ref):
    o_ref[...] = p_ref[0] + p_ref[1]


def _combine(rstp):
    blk = 1000
    return pl.pallas_call(
        _combine_body,
        grid=(N // blk,),
        in_specs=[pl.BlockSpec((2, blk, HD), lambda i: (0, i, 0))],
        out_specs=pl.BlockSpec((blk, HD), lambda i: (i, 0)),
        out_shape=jax.ShapeDtypeStruct((N, HD), jnp.float32),
    )(rstp)


def kernel(feat, edge_index, W_src, b_src, W_dst, b_dst, W_val, b_val, attn):
    src = edge_index[0]
    dst = edge_index[1]
    w_all_t = jnp.concatenate([W_src, W_dst, W_val], axis=0).T
    b_all = jnp.concatenate([b_src, b_dst, b_val])[None, :]
    el, er, v = _project(feat, w_all_t, b_all)
    attn_b = attn.reshape(HD)
    z4 = jnp.zeros((N * 4,), jnp.float32)
    z128 = jnp.zeros((N, HD), jnp.float32)
    ex, segp = _sc_pass_a(el, er, src, dst, attn_b, z4)
    r = _recip(segp)
    rstp = _sc_pass_d(v, src, dst, ex, r, z128)
    rst = _combine(rstp)
    return rst.reshape(N, HEADS, OUT_FEATS)

# --- scband reference (transcript-rebuilt; emitter-appended) ---
"""Pipeline reference for scband-dragconv-17892833755548 (READ-ONLY COPY).

The authoritative reference and input builder live on the scoring server;
editing this copy changes nothing except your own understanding.
"""

import jax, jax.numpy as jnp
import numpy as np

N = 10000
E = 320000
IN_FEATS = 128
HEADS = 4
OUT_FEATS = 32
NEG_SLOPE = 0.2


def setup_inputs(seed: int = 0) -> dict:
    key = jax.random.key(seed)
    ks = jax.random.split(key, 8)
    feat = jax.random.normal(ks[0], (N, IN_FEATS), dtype=jnp.float32)
    edge_index = jax.random.randint(ks[1], (2, E), 0, N, dtype=jnp.int32)
    gain = float(np.sqrt(2.0))  # relu gain, matches reset_parameters

    def xavier(k, shape):
        fan_out, fan_in = shape
        std = gain * float(np.sqrt(2.0 / (fan_in + fan_out)))
        return jax.random.normal(k, shape, dtype=jnp.float32) * std

    W_src = xavier(ks[2], (HEADS * OUT_FEATS, IN_FEATS))
    b_src = jnp.zeros((HEADS * OUT_FEATS,), dtype=jnp.float32)
    W_dst = xavier(ks[3], (HEADS * OUT_FEATS, IN_FEATS))
    b_dst = jnp.zeros((HEADS * OUT_FEATS,), dtype=jnp.float32)
    W_val = xavier(ks[4], (HEADS * OUT_FEATS, IN_FEATS))
    b_val = jnp.zeros((HEADS * OUT_FEATS,), dtype=jnp.float32)
    attn_std = gain * float(np.sqrt(2.0 / (HEADS + OUT_FEATS)))
    attn = jax.random.normal(ks[5], (1, HEADS, OUT_FEATS), dtype=jnp.float32) * attn_std
    return {
        'feat': feat, 'edge_index': edge_index,
        'W_src': W_src, 'b_src': b_src,
        'W_dst': W_dst, 'b_dst': b_dst,
        'W_val': W_val, 'b_val': b_val,
        'attn': attn,
    }


def reference(feat, edge_index, W_src, b_src, W_dst, b_dst, W_val, b_val, attn):
    src = edge_index[0]
    dst = edge_index[1]
    # per-node projections (feat_drop/attn_drop are identity at p=0.0)
    feat_src = (feat @ W_src.T + b_src).reshape(-1, HEADS, OUT_FEATS)
    feat_dst = (feat @ W_dst.T + b_dst).reshape(-1, HEADS, OUT_FEATS)
    v_src = (feat @ W_val.T + b_val).reshape(-1, HEADS, OUT_FEATS)
    # apply_edges(fn.u_add_v('el','er','e')) then leaky_relu
    e = feat_src[src] + feat_dst[dst]              # (E, H, D) gather
    e = jnp.where(e > 0, e, NEG_SLOPE * e)
    # e = (e * attn).sum(-1).unsqueeze(2)
    logits = (e * attn).sum(axis=-1)               # (E, H)
    # edge_softmax over incoming edges of each dst node (numerically stable)
    seg_max = jax.ops.segment_max(logits, dst, num_segments=N)  # (N, H)
    seg_max = jnp.where(jnp.isfinite(seg_max), seg_max, 0.0)
    seg_max = jax.lax.stop_gradient(seg_max)
    ex = jnp.exp(logits - seg_max[dst])            # (E, H)
    seg_sum = jax.ops.segment_sum(ex, dst, num_segments=N)       # (N, H)
    a = ex / (seg_sum[dst] + 1e-9)                 # (E, H)
    # update_all(fn.u_mul_e('v','a','m'), fn.sum('m','ft'))
    msg = v_src[src] * a[:, :, None]               # (E, H, D)
    rst = jax.ops.segment_sum(msg, dst, num_segments=N)          # (N, H, D)
    return rst

if __name__ == "__main__":
    import jax
    _d = setup_inputs()
    print(jax.jit(kernel)(*tuple(_d.values())))

</pallas_src>

<mosaic_0001>
#map = affine_map<(d0, d1) -> (0, 0)>
#map1 = affine_map<(d0, d1) -> (0)>
module attributes {stable_mosaic.version = 14 : i64} {
  func.func @k(%arg0: i32, %arg1: i32, %arg2: memref<10000x128xf32, #tpu.memory_space<hbm>>, %arg3: memref<10000x128xf32, #tpu.memory_space<hbm>>, %arg4: memref<320000xi32, #tpu.memory_space<hbm>>, %arg5: memref<320000xi32, #tpu.memory_space<hbm>>, %arg6: memref<128xf32, #tpu.memory_space<hbm>>, %arg7: memref<40000xf32, #tpu.memory_space<hbm>>, %arg8: memref<1280000xf32, #tpu.memory_space<hbm>>, %arg9: memref<2x40000xf32, #tpu.memory_space<hbm>>, %arg10: memref<80xi32, #tpu.memory_space<vmem>>, %arg11: memref<80xi32, #tpu.memory_space<vmem>>, %arg12: memref<320xi32, #tpu.memory_space<vmem>>, %arg13: memref<80x128xf32, #tpu.memory_space<vmem>>, %arg14: memref<80x128xf32, #tpu.memory_space<vmem>>, %arg15: memref<80xi32, #tpu.memory_space<vmem>>, %arg16: memref<80xi32, #tpu.memory_space<vmem>>, %arg17: memref<320xi32, #tpu.memory_space<vmem>>, %arg18: memref<80x128xf32, #tpu.memory_space<vmem>>, %arg19: memref<80x128xf32, #tpu.memory_space<vmem>>, %arg20: memref<320xf32, #tpu.memory_space<vmem>>, %arg21: memref<128xf32, #tpu.memory_space<vmem>>, %arg22: memref<40000xf32, #tpu.memory_space<vmem_shared>>, %arg23: memref<!tpu.dma_semaphore, #tpu.memory_space<semaphore_mem>>, %arg24: memref<!tpu.dma_semaphore, #tpu.memory_space<semaphore_mem>>) attributes {dimension_semantics = [#tpu.dimension_semantics<core_parallel>, #tpu.dimension_semantics<subcore_parallel>], iteration_bounds = array<i64: 2, 16>, scalar_prefetch = 0 : i64, scratch_operands = 15 : i64, tpu.core_type = #tpu.core_type<sc_vector_subcore>, window_params = [{transform_indices = #map}, {transform_indices = #map}, {transform_indices = #map1}, {transform_indices = #map1}, {transform_indices = #map1}, {transform_indices = #map1}, {transform_indices = #map1}, {transform_indices = #map}]} {
    %mul3A = arith.constant 2 : i32
    %mul3A_0 = arith.muli %arg1, %mul3A : i32
    %add3A = arith.addi %mul3A_0, %arg0 : i32
    %iota3A = tpu.iota {dimensions = array<i32: 0>} : vector<16xi32>
    %broadcast_in_dim3A = arith.constant 0.000000e+00 : f32
    %broadcast_in_dim3A_1 = vector.broadcast %broadcast_in_dim3A : f32 to vector<16xf32>
    "tpu.region"() ({
      %run_scoped3A = tpu.sem_alloc : memref<!tpu.dma_semaphore, #tpu.memory_space<semaphore_mem>>
      tpu.enqueue_dma source(%arg6 : memref<128xf32, #tpu.memory_space<hbm>>) target(%arg21 : memref<128xf32, #tpu.memory_space<vmem>>) target_semaphore(%run_scoped3A : memref<!tpu.dma_semaphore, #tpu.memory_space<semaphore_mem>>)
      tpu.wait_dma2 semaphore(%run_scoped3A : memref<!tpu.dma_semaphore, #tpu.memory_space<semaphore_mem>>) src(%arg6 : memref<128xf32, #tpu.memory_space<hbm>>) dst(%arg21 : memref<128xf32, #tpu.memory_space<vmem>>)
      tpu.yield
    }) : () -> ()
    %eq3A = arith.constant 0 : i32
    %eq3A_2 = arith.cmpi eq, %arg1, %eq3A : i32
    %convert_element_type3A = arith.extui %eq3A_2 : i1 to i32
    %cond3A = arith.constant 0 : i32
    %cond3A_3 = arith.cmpi ne, %convert_element_type3A, %cond3A : i32
    scf.if %cond3A_3 {
      "tpu.region"() ({
        %run_scoped3A = tpu.sem_alloc : memref<!tpu.dma_semaphore, #tpu.memory_space<semaphore_mem>>
        tpu.enqueue_dma source(%arg7 : memref<40000xf32, #tpu.memory_space<hbm>>) target(%arg22 : memref<40000xf32, #tpu.memory_space<vmem_shared>>) target_semaphore(%run_scoped3A : memref<!tpu.dma_semaphore, #tpu.memory_space<semaphore_mem>>)
        tpu.wait_dma2 semaphore(%run_scoped3A : memref<!tpu.dma_semaphore, #tpu.memory_space<semaphore_mem>>) src(%arg7 : memref<40000xf32, #tpu.memory_space<hbm>>) dst(%arg22 : memref<40000xf32, #tpu.memory_space<vmem_shared>>)
        tpu.yield
      }) : () -> ()
    } else {
    }
    %barrier3A = arith.constant 0 : index
    tpu.barrier barrier_id(%barrier3A)
    %get3A = arith.constant 0 : index
    %get3A_4 = tpu.vector_load %arg21[%get3A] {strides = array<i32>} : memref<128xf32, #tpu.memory_space<vmem>>, vector<16xf32>,
    %get3A_5 = arith.constant 16 : index
    %get3A_6 = tpu.vector_load %arg21[%get3A_5] {strides = array<i32>} : memref<128xf32, #tpu.memory_space<vmem>>, vector<16xf32>,
    %get3A_7 = arith.constant 32 : index
    %get3A_8 = tpu.vector_load %arg21[%get3A_7] {strides = array<i32>} : memref<128xf32, #tpu.memory_space<vmem>>, vector<16xf32>,
    %get3A_9 = arith.constant 48 : index
    %get3A_10 = tpu.vector_load %arg21[%get3A_9] {strides = array<i32>} : memref<128xf32, #tpu.memory_space<vmem>>, vector<16xf32>,
    %get3A_11 = arith.constant 64 : index
    %get3A_12 = tpu.vector_load %arg21[%get3A_11] {strides = array<i32>} : memref<128xf32, #tpu.memory_space<vmem>>, vector<16xf32>,
    %get3A_13 = arith.constant 80 : index
    %get3A_14 = tpu.vector_load %arg21[%get3A_13] {strides = array<i32>} : memref<128xf32, #tpu.memory_space<vmem>>, vector<16xf32>,
    %get3A_15 = arith.constant 96 : index
    %get3A_16 = tpu.vector_load %arg21[%get3A_15] {strides = array<i32>} : memref<128xf32, #tpu.memory_space<vmem>>, vector<16xf32>,
    %get3A_17 = arith.constant 112 : index
    %get3A_18 = tpu.vector_load %arg21[%get3A_17] {strides = array<i32>} : memref<128xf32, #tpu.memory_space<vmem>>, vector<16xf32>,
    %mul3A_19 = arith.constant 10000 : i32
    %mul3A_20 = arith.muli %add3A, %mul3A_19 : i32
    %add3A_21 = arith.constant 0 : i32
    %add3A_22 = arith.addi %mul3A_20, %add3A_21 : i32
    "tpu.region"() ({
      %run_scoped3A = tpu.sem_alloc : memref<!tpu.dma_semaphore, #tpu.memory_space<semaphore_mem>>
      %dma_start3A_69 = tpu.memref_slice %arg4[%add3A_22] : memref<320000xi32, #tpu.memory_space<hbm>> -> memref<80xi32, #tpu.memory_space<hbm>>
      %dma_start3A_70 = tpu.memref_slice %arg4[%add3A_22] : memref<320000xi32, #tpu.memory_space<hbm>> -> memref<80xi32, #tpu.memory_space<hbm>>
      tpu.enqueue_dma source(%dma_start3A_70 : memref<80xi32, #tpu.memory_space<hbm>>) target(%arg10 : memref<80xi32, #tpu.memory_space<vmem>>) target_semaphore(%run_scoped3A : memref<!tpu.dma_semaphore, #tpu.memory_space<semaphore_mem>>)
      %dma_wait3A_71 = tpu.memref_slice %arg4[%add3A_22] : memref<320000xi32, #tpu.memory_space<hbm>> -> memref<80xi32, #tpu.memory_space<hbm>>
      %dma_wait3A_72 = tpu.memref_slice %arg4[%add3A_22] : memref<320000xi32, #tpu.memory_space<hbm>> -> memref<80xi32, #tpu.memory_space<hbm>>
      tpu.wait_dma2 semaphore(%run_scoped3A : memref<!tpu.dma_semaphore, #tpu.memory_space<semaphore_mem>>) src(%dma_wait3A_72 : memref<80xi32, #tpu.memory_space<hbm>>) dst(%arg10 : memref<80xi32, #tpu.memory_space<vmem>>)
      tpu.yield
    }) : () -> ()
    "tpu.region"() ({
      %run_scoped3A = tpu.sem_alloc : memref<!tpu.dma_semaphore, #tpu.memory_space<semaphore_mem>>
      %dma_start3A_69 = tpu.memref_slice %arg5[%add3A_22] : memref<320000xi32, #tpu.memory_space<hbm>> -> memref<80xi32, #tpu.memory_space<hbm>>
      %dma_start3A_70 = tpu.memref_slice %arg5[%add3A_22] : memref<320000xi32, #tpu.memory_space<hbm>> -> memref<80xi32, #tpu.memory_space<hbm>>
      tpu.enqueue_dma source(%dma_start3A_70 : memref<80xi32, #tpu.memory_space<hbm>>) target(%arg11 : memref<80xi32, #tpu.memory_space<vmem>>) target_semaphore(%run_scoped3A : memref<!tpu.dma_semaphore, #tpu.memory_space<semaphore_mem>>)
      %dma_wait3A_71 = tpu.memref_slice %arg5[%add3A_22] : memref<320000xi32, #tpu.memory_space<hbm>> -> memref<80xi32, #tpu.memory_space<hbm>>
      %dma_wait3A_72 = tpu.memref_slice %arg5[%add3A_22] : memref<320000xi32, #tpu.memory_space<hbm>> -> memref<80xi32, #tpu.memory_space<hbm>>
      tpu.wait_dma2 semaphore(%run_scoped3A : memref<!tpu.dma_semaphore, #tpu.memory_space<semaphore_mem>>) src(%dma_wait3A_72 : memref<80xi32, #tpu.memory_space<hbm>>) dst(%arg11 : memref<80xi32, #tpu.memory_space<vmem>>)
      tpu.yield
    }) : () -> ()
    %scan3A = arith.constant 0 : i32
    %scan3A_23 = arith.constant 20 : i32
    %scan3A_24 = arith.addi %scan3A, %scan3A_23 : i32
    %scan3A_25 = arith.constant 1 : i32
    scf.for %scan3A_69 = %scan3A to %scan3A_24 step %scan3A_25  : i32 {
      %mul3A_70 = arith.constant 16 : i32
      %mul3A_71 = arith.muli %scan3A_69, %mul3A_70 : i32
      %add3A_72 = vector.broadcast %mul3A_71 : i32 to vector<16xi32>
      %add3A_73 = arith.addi %add3A_72, %iota3A : vector<16xi32>
      %shift_right_arithmetic3A = arith.constant 2 : i32
      %shift_right_arithmetic3A_74 = vector.broadcast %shift_right_arithmetic3A : i32 to vector<16xi32>
      %shift_right_arithmetic3A_75 = arith.shrsi %add3A_73, %shift_right_arithmetic3A_74 : vector<16xi32>
      %gather3A = tpu.vector_load_idx %arg11[%shift_right_arithmetic3A_75] : memref<80xi32, #tpu.memory_space<vmem>>[vector<16xi32>], vector<16xi32>,
      %mul3A_76 = arith.constant 4 : i32
      %mul3A_77 = vector.broadcast %mul3A_76 : i32 to vector<16xi32>
      %mul3A_78 = arith.muli %gather3A, %mul3A_77 : vector<16xi32>
      %and3A = arith.constant 3 : i32
      %and3A_79 = vector.broadcast %and3A : i32 to vector<16xi32>
      %and3A_80 = arith.andi %add3A_73, %and3A_79 : vector<16xi32>
      %add3A_81 = arith.addi %mul3A_78, %and3A_80 : vector<16xi32>
      %mul3A_82 = arith.constant 16 : i32
      %mul3A_83 = arith.muli %scan3A_69, %mul3A_82 : i32
      %swap3A = arith.index_cast %mul3A_83 : i32 to index
      %swap3A_84 = tpu.vector_load %arg12[%swap3A] {strides = array<i32>} : memref<320xi32, #tpu.memory_space<vmem>>, vector<16xi32>,
      tpu.vector_store %arg12[%swap3A], %add3A_81 {strides = array<i32>} : memref<320xi32, #tpu.memory_space<vmem>>, vector<16xi32>,
    }
    %scan3A_26 = arith.constant 20 : i32
    %dma_start3A = arith.constant 0 : i32
    %dma_start3A_27 = arith.constant 0 : i32
    %dma_start3A_28 = tpu.memref_slice %arg2[%dma_start3A, %dma_start3A_27] : memref<10000x128xf32, #tpu.memory_space<hbm>> -> memref<10000x128xf32, #tpu.memory_space<hbm>>
    tpu.enqueue_indirect_dma source(%dma_start3A_28 : memref<10000x128xf32, #tpu.memory_space<hbm>>) target(%arg13 : memref<80x128xf32, #tpu.memory_space<vmem>>) offsets(%arg10 : memref<80xi32, #tpu.memory_space<vmem>>) semaphore(%arg23 : memref<!tpu.dma_semaphore, #tpu.memory_space<semaphore_mem>>)
    %dma_start3A_29 = arith.constant 0 : i32
    %dma_start3A_30 = arith.constant 0 : i32
    %dma_start3A_31 = tpu.memref_slice %arg3[%dma_start3A_29, %dma_start3A_30] : memref<10000x128xf32, #tpu.memory_space<hbm>> -> memref<10000x128xf32, #tpu.memory_space<hbm>>
    tpu.enqueue_indirect_dma source(%dma_start3A_31 : memref<10000x128xf32, #tpu.memory_space<hbm>>) target(%arg14 : memref<80x128xf32, #tpu.memory_space<vmem>>) offsets(%arg11 : memref<80xi32, #tpu.memory_space<vmem>>) semaphore(%arg23 : memref<!tpu.dma_semaphore, #tpu.memory_space<semaphore_mem>>)
    %scan3A_32 = arith.constant 0 : i32
    %scan3A_33 = arith.constant 62 : i32
    %scan3A_34 = arith.addi %scan3A_32, %scan3A_33 : i32
    %scan3A_35 = arith.constant 1 : i32
    scf.for %scan3A_69 = %scan3A_32 to %scan3A_34 step %scan3A_35  : i32 {
      %mul3A_70 = arith.constant 2 : i32
      %mul3A_71 = arith.muli %mul3A_70, %scan3A_69 : i32
      %add3A_72 = arith.constant 1 : i32
      %add3A_73 = arith.addi %mul3A_71, %add3A_72 : i32
      %mul3A_74 = arith.constant 10000 : i32
      %mul3A_75 = arith.muli %add3A, %mul3A_74 : i32
      %mul3A_76 = arith.constant 80 : i32
      %mul3A_77 = arith.muli %add3A_73, %mul3A_76 : i32
      %add3A_78 = arith.addi %mul3A_75, %mul3A_77 : i32
      "tpu.region"() ({
        %run_scoped3A = tpu.sem_alloc : memref<!tpu.dma_semaphore, #tpu.memory_space<semaphore_mem>>
        %dma_start3A_172 = tpu.memref_slice %arg4[%add3A_78] : memref<320000xi32, #tpu.memory_space<hbm>> -> memref<80xi32, #tpu.memory_space<hbm>>
        %dma_start3A_173 = tpu.memref_slice %arg4[%add3A_78] : memref<320000xi32, #tpu.memory_space<hbm>> -> memref<80xi32, #tpu.memory_space<hbm>>
        tpu.enqueue_dma source(%dma_start3A_173 : memref<80xi32, #tpu.memory_space<hbm>>) target(%arg15 : memref<80xi32, #tpu.memory_space<vmem>>) target_semaphore(%run_scoped3A : memref<!tpu.dma_semaphore, #tpu.memory_space<semaphore_mem>>)
        %dma_wait3A_174 = tpu.memref_slice %arg4[%add3A_78] : memref<320000xi32, #tpu.memory_space<hbm>> -> memref<80xi32, #tpu.memory_space<hbm>>
        %dma_wait3A_175 = tpu.memref_slice %arg4[%add3A_78] : memref<320000xi32, #tpu.memory_space<hbm>> -> memref<80xi32, #tpu.memory_space<hbm>>
        tpu.wait_dma2 semaphore(%run_scoped3A : memref<!tpu.dma_semaphore, #tpu.memory_space<semaphore_mem>>) src(%dma_wait3A_175 : memref<80xi32, #tpu.memory_space<hbm>>) dst(%arg15 : memref<80xi32, #tpu.memory_space<vmem>>)
        tpu.yield
      }) : () -> ()
      "tpu.region"() ({
        %run_scoped3A = tpu.sem_alloc : memref<!tpu.dma_semaphore, #tpu.memory_space<semaphore_mem>>
        %dma_start3A_172 = tpu.memref_slice %arg5[%add3A_78] : memref<320000xi32, #tpu.memory_space<hbm>> -> memref<80xi32, #tpu.memory_space<hbm>>
        %dma_start3A_173 = tpu.memref_slice %arg5[%add3A_78] : memref<320000xi32, #tpu.memory_space<hbm>> -> memref<80xi32, #tpu.memory_space<hbm>>
        tpu.enqueue_dma source(%dma_start3A_173 : memref<80xi32, #tpu.memory_space<hbm>>) target(%arg16 : memref<80xi32, #tpu.memory_space<vmem>>) target_semaphore(%run_scoped3A : memref<!tpu.dma_semaphore, #tpu.memory_space<semaphore_mem>>)
        %dma_wait3A_174 = tpu.memref_slice %arg5[%add3A_78] : memref<320000xi32, #tpu.memory_space<hbm>> -> memref<80xi32, #tpu.memory_space<hbm>>
        %dma_wait3A_175 = tpu.memref_slice %arg5[%add3A_78] : memref<320000xi32, #tpu.memory_space<hbm>> -> memref<80xi32, #tpu.memory_space<hbm>>
        tpu.wait_dma2 semaphore(%run_scoped3A : memref<!tpu.dma_semaphore, #tpu.memory_space<semaphore_mem>>) src(%dma_wait3A_175 : memref<80xi32, #tpu.memory_space<hbm>>) dst(%arg16 : memref<80xi32, #tpu.memory_space<vmem>>)
        tpu.yield
      }) : () -> ()
      %scan3A_79 = arith.constant 0 : i32
      %scan3A_80 = arith.constant 20 : i32
      %scan3A_81 = arith.addi %scan3A_79, %scan3A_80 : i32
      %scan3A_82 = arith.constant 1 : i32
      scf.for %scan3A_172 = %scan3A_79 to %scan3A_81 step %scan3A_82  : i32 {
        %mul3A_173 = arith.constant 16 : i32
        %mul3A_174 = arith.muli %scan3A_172, %mul3A_173 : i32
        %add3A_175 = vector.broadcast %mul3A_174 : i32 to vector<16xi32>
        %add3A_176 = arith.addi %add3A_175, %iota3A : vector<16xi32>
        %shift_right_arithmetic3A = arith.constant 2 : i32
        %shift_right_arithmetic3A_177 = vector.broadcast %shift_right_arithmetic3A : i32 to vector<16xi32>
        %shift_right_arithmetic3A_178 = arith.shrsi %add3A_176, %shift_right_arithmetic3A_177 : vector<16xi32>
        %gather3A = tpu.vector_load_idx %arg16[%shift_right_arithmetic3A_178] : memref<80xi32, #tpu.memory_space<vmem>>[vector<16xi32>], vector<16xi32>,
        %mul3A_179 = arith.constant 4 : i32
        %mul3A_180 = vector.broadcast %mul3A_179 : i32 to vector<16xi32>
        %mul3A_181 = arith.muli %gather3A, %mul3A_180 : vector<16xi32>
        %and3A = arith.constant 3 : i32
        %and3A_182 = vector.broadcast %and3A : i32 to vector<16xi32>
        %and3A_183 = arith.andi %add3A_176, %and3A_182 : vector<16xi32>
        %add3A_184 = arith.addi %mul3A_181, %and3A_183 : vector<16xi32>
        %mul3A_185 = arith.constant 16 : i32
        %mul3A_186 = arith.muli %scan3A_172, %mul3A_185 : i32
        %swap3A = arith.index_cast %mul3A_186 : i32 to index
        %swap3A_187 = tpu.vector_load %arg17[%swap3A] {strides = array<i32>} : memref<320xi32, #tpu.memory_space<vmem>>, vector<16xi32>,
        tpu.vector_store %arg17[%swap3A], %add3A_184 {strides = array<i32>} : memref<320xi32, #tpu.memory_space<vmem>>, vector<16xi32>,
      }
      %scan3A_83 = arith.constant 20 : i32
      %dma_start3A_84 = arith.constant 0 : i32
      %dma_start3A_85 = arith.constant 0 : i32
      %dma_start3A_86 = tpu.memref_slice %arg2[%dma_start3A_84, %dma_start3A_85] : memref<10000x128xf32, #tpu.memory_space<hbm>> -> memref<10000x128xf32, #tpu.memory_space<hbm>>
      tpu.enqueue_indirect_dma source(%dma_start3A_86 : memref<10000x128xf32, #tpu.memory_space<hbm>>) target(%arg18 : memref<80x128xf32, #tpu.memory_space<vmem>>) offsets(%arg15 : memref<80xi32, #tpu.memory_space<vmem>>) semaphore(%arg24 : memref<!tpu.dma_semaphore, #tpu.memory_space<semaphore_mem>>)
      %dma_start3A_87 = arith.constant 0 : i32
      %dma_start3A_88 = arith.constant 0 : i32
      %dma_start3A_89 = tpu.memref_slice %arg3[%dma_start3A_87, %dma_start3A_88] : memref<10000x128xf32, #tpu.memory_space<hbm>> -> memref<10000x128xf32, #tpu.memory_space<hbm>>
      tpu.enqueue_indirect_dma source(%dma_start3A_89 : memref<10000x128xf32, #tpu.memory_space<hbm>>) target(%arg19 : memref<80x128xf32, #tpu.memory_space<vmem>>) offsets(%arg16 : memref<80xi32, #tpu.memory_space<vmem>>) semaphore(%arg24 : memref<!tpu.dma_semaphore, #tpu.memory_space<semaphore_mem>>)
      %mul3A_90 = arith.constant 2 : i32
      %mul3A_91 = arith.muli %mul3A_90, %scan3A_69 : i32
      %dma_wait3A_92 = arith.constant 0 : i32
      %dma_wait3A_93 = arith.constant 0 : i32
      %dma_wait3A_94 = tpu.memref_slice %arg2[%dma_wait3A_92, %dma_wait3A_93] : memref<10000x128xf32, #tpu.memory_space<hbm>> -> memref<10000x128xf32, #tpu.memory_space<hbm>>
      tpu.wait_indirect_dma semaphore(%arg23 : memref<!tpu.dma_semaphore, #tpu.memory_space<semaphore_mem>>) src(%dma_wait3A_94 : memref<10000x128xf32, #tpu.memory_space<hbm>>) dst(%arg13 : memref<80x128xf32, #tpu.memory_space<vmem>>)
      %dma_wait3A_95 = arith.constant 0 : i32
      %dma_wait3A_96 = arith.constant 0 : i32
      %dma_wait3A_97 = tpu.memref_slice %arg3[%dma_wait3A_95, %dma_wait3A_96] : memref<10000x128xf32, #tpu.memory_space<hbm>> -> memref<10000x128xf32, #tpu.memory_space<hbm>>
      tpu.wait_indirect_dma semaphore(%arg23 : memref<!tpu.dma_semaphore, #tpu.memory_space<semaphore_mem>>) src(%dma_wait3A_97 : memref<10000x128xf32, #tpu.memory_space<hbm>>) dst(%arg14 : memref<80x128xf32, #tpu.memory_space<vmem>>)
      %scan3A_98 = arith.constant 0 : i32
      %scan3A_99 = arith.constant 20 : i32
      %scan3A_100 = arith.addi %scan3A_98, %scan3A_99 : i32
      %scan3A_101 = arith.constant 1 : i32
      scf.for %scan3A_172 = %scan3A_98 to %scan3A_100 step %scan3A_101  : i32 {
        %mul3A_173 = arith.constant 16 : i32
        %mul3A_174 = arith.muli %scan3A_172, %mul3A_173 : i32
        %swap3A = arith.index_cast %mul3A_174 : i32 to index
        %swap3A_175 = tpu.vector_load %arg20[%swap3A] {strides = array<i32>} : memref<320xf32, #tpu.memory_space<vmem>>, vector<16xf32>,
        tpu.vector_store %arg20[%swap3A], %broadcast_in_dim3A_1 {strides = array<i32>} : memref<320xf32, #tpu.memory_space<vmem>>, vector<16xf32>,
      }
      %scan3A_102 = arith.constant 20 : i32
      %scan3A_103 = arith.constant 0 : i32
      %scan3A_104 = arith.constant 80 : i32
      %scan3A_105 = arith.addi %scan3A_103, %scan3A_104 : i32
      %scan3A_106 = arith.constant 1 : i32
      scf.for %scan3A_172 = %scan3A_103 to %scan3A_105 step %scan3A_106  : i32 {
        %get3A_173 = arith.index_cast %scan3A_172 : i32 to index
        %get3A_174 = arith.constant 0 : index
        %get3A_175 = tpu.vector_load %arg13[%get3A_173, %get3A_174] {strides = array<i32>} : memref<80x128xf32, #tpu.memory_space<vmem>>, vector<16xf32>,
        %get3A_176 = arith.index_cast %scan3A_172 : i32 to index
        %get3A_177 = arith.constant 0 : index
        %get3A_178 = tpu.vector_load %arg14[%get3A_176, %get3A_177] {strides = array<i32>} : memref<80x128xf32, #tpu.memory_space<vmem>>, vector<16xf32>,
        %add3A_179 = arith.addf %get3A_175, %get3A_178 : vector<16xf32>
        %mul3A_180 = arith.constant 2.000000e-01 : f32
        %mul3A_181 = vector.broadcast %mul3A_180 : f32 to vector<16xf32>
        %mul3A_182 = arith.mulf %add3A_179, %mul3A_181 : vector<16xf32>
        %max3A = arith.maximumf %add3A_179, %mul3A_182 : vector<16xf32>
        %mul3A_183 = arith.mulf %max3A, %get3A_4 : vector<16xf32>
        %get3A_184 = arith.index_cast %scan3A_172 : i32 to index
        %get3A_185 = arith.constant 16 : index
        %get3A_186 = tpu.vector_load %arg13[%get3A_184, %get3A_185] {strides = array<i32>} : memref<80x128xf32, #tpu.memory_space<vmem>>, vector<16xf32>,
        %get3A_187 = arith.index_cast %scan3A_172 : i32 to index
        %get3A_188 = arith.constant 16 : index
        %get3A_189 = tpu.vector_load %arg14[%get3A_187, %get3A_188] {strides = array<i32>} : memref<80x128xf32, #tpu.memory_space<vmem>>, vector<16xf32>,
        %add3A_190 = arith.addf %get3A_186, %get3A_189 : vector<16xf32>
        %mul3A_191 = arith.constant 2.000000e-01 : f32
        %mul3A_192 = vector.broadcast %mul3A_191 : f32 to vector<16xf32>
        %mul3A_193 = arith.mulf %add3A_190, %mul3A_192 : vector<16xf32>
        %max3A_194 = arith.maximumf %add3A_190, %mul3A_193 : vector<16xf32>
        %mul3A_195 = arith.mulf %max3A_194, %get3A_6 : vector<16xf32>
        %get3A_196 = arith.index_cast %scan3A_172 : i32 to index
        %get3A_197 = arith.constant 32 : index
        %get3A_198 = tpu.vector_load %arg13[%get3A_196, %get3A_197] {strides = array<i32>} : memref<80x128xf32, #tpu.memory_space<vmem>>, vector<16xf32>,
        %get3A_199 = arith.index_cast %scan3A_172 : i32 to index
        %get3A_200 = arith.constant 32 : index
        %get3A_201 = tpu.vector_load %arg14[%get3A_199, %get3A_200] {strides = array<i32>} : memref<80x128xf32, #tpu.memory_space<vmem>>, vector<16xf32>,
        %add3A_202 = arith.addf %get3A_198, %get3A_201 : vector<16xf32>
        %mul3A_203 = arith.constant 2.000000e-01 : f32
        %mul3A_204 = vector.broadcast %mul3A_203 : f32 to vector<16xf32>
        %mul3A_205 = arith.mulf %add3A_202, %mul3A_204 : vector<16xf32>
        %max3A_206 = arith.maximumf %add3A_202, %mul3A_205 : vector<16xf32>
        %mul3A_207 = arith.mulf %max3A_206, %get3A_8 : vector<16xf32>
        %get3A_208 = arith.index_cast %scan3A_172 : i32 to index
        %get3A_209 = arith.constant 48 : index
        %get3A_210 = tpu.vector_load %arg13[%get3A_208, %get3A_209] {strides = array<i32>} : memref<80x128xf32, #tpu.memory_space<vmem>>, vector<16xf32>,
        %get3A_211 = arith.index_cast %scan3A_172 : i32 to index
        %get3A_212 = arith.constant 48 : index
        %get3A_213 = tpu.vector_load %arg14[%get3A_211, %get3A_212] {strides = array<i32>} : memref<80x128xf32, #tpu.memory_space<vmem>>, vector<16xf32>,
        %add3A_214 = arith.addf %get3A_210, %get3A_213 : vector<16xf32>
        %mul3A_215 = arith.constant 2.000000e-01 : f32
        %mul3A_216 = vector.broadcast %mul3A_215 : f32 to vector<16xf32>
        %mul3A_217 = arith.mulf %add3A_214, %mul3A_216 : vector<16xf32>
        %max3A_218 = arith.maximumf %add3A_214, %mul3A_217 : vector<16xf32>
        %mul3A_219 = arith.mulf %max3A_218, %get3A_10 : vector<16xf32>
        %get3A_220 = arith.index_cast %scan3A_172 : i32 to index
        %get3A_221 = arith.constant 64 : index
        %get3A_222 = tpu.vector_load %arg13[%get3A_220, %get3A_221] {strides = array<i32>} : memref<80x128xf32, #tpu.memory_space<vmem>>, vector<16xf32>,
        %get3A_223 = arith.index_cast %scan3A_172 : i32 to index
        %get3A_224 = arith.constant 64 : index
        %get3A_225 = tpu.vector_load %arg14[%get3A_223, %get3A_224] {strides = array<i32>} : memref<80x128xf32, #tpu.memory_space<vmem>>, vector<16xf32>,
        %add3A_226 = arith.addf %get3A_222, %get3A_225 : vector<16xf32>
        %mul3A_227 = arith.constant 2.000000e-01 : f32
        %mul3A_228 = vector.broadcast %mul3A_227 : f32 to vector<16xf32>
        %mul3A_229 = arith.mulf %add3A_226, %mul3A_228 : vector<16xf32>
        %max3A_230 = arith.maximumf %add3A_226, %mul3A_229 : vector<16xf32>
        %mul3A_231 = arith.mulf %max3A_230, %get3A_12 : vector<16xf32>
        %get3A_232 = arith.index_cast %scan3A_172 : i32 to index
        %get3A_233 = arith.constant 80 : index
        %get3A_234 = tpu.vector_load %arg13[%get3A_232, %get3A_233] {strides = array<i32>} : memref<80x128xf32, #tpu.memory_space<vmem>>, vector<16xf32>,
        %get3A_235 = arith.index_cast %scan3A_172 : i32 to index
        %get3A_236 = arith.constant 80 : index
        %get3A_237 = tpu.vector_load %arg14[%get3A_235, %get3A_236] {strides = array<i32>} : memref<80x128xf32, #tpu.memory_space<vmem>>, vector<16xf32>,
        %add3A_238 = arith.addf %get3A_234, %get3A_237 : vector<16xf32>
        %mul3A_239 = arith.constant 2.000000e-01 : f32
        %mul3A_240 = vector.broadcast %mul3A_239 : f32 to vector<16xf32>
        %mul3A_241 = arith.mulf %add3A_238, %mul3A_240 : vector<16xf32>
        %max3A_242 = arith.maximumf %add3A_238, %mul3A_241 : vector<16xf32>
        %mul3A_243 = arith.mulf %max3A_242, %get3A_14 : vector<16xf32>
        %get3A_244 = arith.index_cast %scan3A_172 : i32 to index
        %get3A_245 = arith.constant 96 : index
        %get3A_246 = tpu.vector_load %arg13[%get3A_244, %get3A_245] {strides = array<i32>} : memref<80x128xf32, #tpu.memory_space<vmem>>, vector<16xf32>,
        %get3A_247 = arith.index_cast %scan3A_172 : i32 to index
        %get3A_248 = arith.constant 96 : index
        %get3A_249 = tpu.vector_load %arg14[%get3A_247, %get3A_248] {strides = array<i32>} : memref<80x128xf32, #tpu.memory_space<vmem>>, vector<16xf32>,
        %add3A_250 = arith.addf %get3A_246, %get3A_249 : vector<16xf32>
        %mul3A_251 = arith.constant 2.000000e-01 : f32
        %mul3A_252 = vector.broadcast %mul3A_251 : f32 to vector<16xf32>
        %mul3A_253 = arith.mulf %add3A_250, %mul3A_252 : vector<16xf32>
        %max3A_254 = arith.maximumf %add3A_250, %mul3A_253 : vector<16xf32>
        %mul3A_255 = arith.mulf %max3A_254, %get3A_16 : vector<16xf32>
        %get3A_256 = arith.index_cast %scan3A_172 : i32 to index
        %get3A_257 = arith.constant 112 : index
        %get3A_258 = tpu.vector_load %arg13[%get3A_256, %get3A_257] {strides = array<i32>} : memref<80x128xf32, #tpu.memory_space<vmem>>, vector<16xf32>,
        %get3A_259 = arith.index_cast %scan3A_172 : i32 to index
        %get3A_260 = arith.constant 112 : index
        %get3A_261 = tpu.vector_load %arg14[%get3A_259, %get3A_260] {strides = array<i32>} : memref<80x128xf32, #tpu.memory_space<vmem>>, vector<16xf32>,
        %add3A_262 = arith.addf %get3A_258, %get3A_261 : vector<16xf32>
        %mul3A_263 = arith.constant 2.000000e-01 : f32
        %mul3A_264 = vector.broadcast %mul3A_263 : f32 to vector<16xf32>
        %mul3A_265 = arith.mulf %add3A_262, %mul3A_264 : vector<16xf32>
        %max3A_266 = arith.maximumf %add3A_262, %mul3A_265 : vector<16xf32>
        %mul3A_267 = arith.mulf %max3A_266, %get3A_18 : vector<16xf32>
        %and3A = arith.constant 3 : i32
        %and3A_268 = arith.andi %scan3A_172, %and3A : i32
        %mul3A_269 = arith.constant 4 : i32
        %mul3A_270 = arith.muli %and3A_268, %mul3A_269 : i32
        %add3A_271 = arith.addf %mul3A_183, %mul3A_195 : vector<16xf32>
        %reduce_sum3A = arith.constant true
        %reduce_sum3A_272 = vector.broadcast %reduce_sum3A : i1 to vector<16xi1>
        %reduce_sum3A_273 = tpu.scan <sum>, %add3A_271 masked %reduce_sum3A_272 : vector<16xf32>, vector<16xi1> -> vector<16xf32>
        %reduce_sum3A_274 = vector.extract %reduce_sum3A_273[15] : f32 from vector<16xf32>
        %add3A_275 = arith.constant 0 : i32
        %add3A_276 = arith.addi %mul3A_270, %add3A_275 : i32
        %eq3A_277 = vector.broadcast %add3A_276 : i32 to vector<16xi32>
        %eq3A_278 = arith.cmpi eq, %iota3A, %eq3A_277 : vector<16xi32>
        %jit3A = arith.constant 0.000000e+00 : f32
        %broadcast_in_dim3A_279 = vector.broadcast %reduce_sum3A_274 : f32 to vector<16xf32>
        %broadcast_in_dim3A_280 = vector.broadcast %jit3A : f32 to vector<16xf32>
        %select_n3A = arith.select %eq3A_278, %broadcast_in_dim3A_279, %broadcast_in_dim3A_280 : vector<16xi1>, vector<16xf32>
        %add3A_281 = arith.addf %broadcast_in_dim3A_1, %select_n3A : vector<16xf32>
        %add3A_282 = arith.addf %mul3A_207, %mul3A_219 : vector<16xf32>
        %reduce_sum3A_283 = arith.constant true
        %reduce_sum3A_284 = vector.broadcast %reduce_sum3A_283 : i1 to vector<16xi1>
        %reduce_sum3A_285 = tpu.scan <sum>, %add3A_282 masked %reduce_sum3A_284 : vector<16xf32>, vector<16xi1> -> vector<16xf32>
        %reduce_sum3A_286 = vector.extract %reduce_sum3A_285[15] : f32 from vector<16xf32>
        %add3A_287 = arith.constant 1 : i32
        %add3A_288 = arith.addi %mul3A_270, %add3A_287 : i32
        %eq3A_289 = vector.broadcast %add3A_288 : i32 to vector<16xi32>
        %eq3A_290 = arith.cmpi eq, %iota3A, %eq3A_289 : vector<16xi32>
        %jit3A_291 = arith.constant 0.000000e+00 : f32
        %broadcast_in_dim3A_292 = vector.broadcast %reduce_sum3A_286 : f32 to vector<16xf32>
        %broadcast_in_dim3A_293 = vector.broadcast %jit3A_291 : f32 to vector<16xf32>
        %select_n3A_294 = arith.select %eq3A_290, %broadcast_in_dim3A_292, %broadcast_in_dim3A_293 : vector<16xi1>, vector<16xf32>
        %add3A_295 = arith.addf %add3A_281, %select_n3A_294 : vector<16xf32>
        %add3A_296 = arith.addf %mul3A_231, %mul3A_243 : vector<16xf32>
        %reduce_sum3A_297 = arith.constant true
        %reduce_sum3A_298 = vector.broadcast %reduce_sum3A_297 : i1 to vector<16xi1>
        %reduce_sum3A_299 = tpu.scan <sum>, %add3A_296 masked %reduce_sum3A_298 : vector<16xf32>, vector<16xi1> -> vector<16xf32>
        %reduce_sum3A_300 = vector.extract %reduce_sum3A_299[15] : f32 from vector<16xf32>
        %add3A_301 = arith.constant 2 : i32
        %add3A_302 = arith.addi %mul3A_270, %add3A_301 : i32
        %eq3A_303 = vector.broadcast %add3A_302 : i32 to vector<16xi32>
        %eq3A_304 = arith.cmpi eq, %iota3A, %eq3A_303 : vector<16xi32>
        %jit3A_305 = arith.constant 0.000000e+00 : f32
        %broadcast_in_dim3A_306 = vector.broadcast %reduce_sum3A_300 : f32 to vector<16xf32>
        %broadcast_in_dim3A_307 = vector.broadcast %jit3A_305 : f32 to vector<16xf32>
        %select_n3A_308 = arith.select %eq3A_304, %broadcast_in_dim3A_306, %broadcast_in_dim3A_307 : vector<16xi1>, vector<16xf32>
        %add3A_309 = arith.addf %add3A_295, %select_n3A_308 : vector<16xf32>
        %add3A_310 = arith.addf %mul3A_255, %mul3A_267 : vector<16xf32>
        %reduce_sum3A_311 = arith.constant true
        %reduce_sum3A_312 = vector.broadcast %reduce_sum3A_311 : i1 to vector<16xi1>
        %reduce_sum3A_313 = tpu.scan <sum>, %add3A_310 masked %reduce_sum3A_312 : vector<16xf32>, vector<16xi1> -> vector<16xf32>
        %reduce_sum3A_314 = vector.extract %reduce_sum3A_313[15] : f32 from vector<16xf32>
        %add3A_315 = arith.constant 3 : i32
        %add3A_316 = arith.addi %mul3A_270, %add3A_315 : i32
        %eq3A_317 = vector.broadcast %add3A_316 : i32 to vector<16xi32>
        %eq3A_318 = arith.cmpi eq, %iota3A, %eq3A_317 : vector<16xi32>
        %jit3A_319 = arith.constant 0.000000e+00 : f32
        %broadcast_in_dim3A_320 = vector.broadcast %reduce_sum3A_314 : f32 to vector<16xf32>
        %broadcast_in_dim3A_321 = vector.broadcast %jit3A_319 : f32 to vector<16xf32>
        %select_n3A_322 = arith.select %eq3A_318, %broadcast_in_dim3A_320, %broadcast_in_dim3A_321 : vector<16xi1>, vector<16xf32>
        %add3A_323 = arith.addf %add3A_309, %select_n3A_322 : vector<16xf32>
        %shift_right_arithmetic3A = arith.constant 2 : i32
        %shift_right_arithmetic3A_324 = arith.shrsi %scan3A_172, %shift_right_arithmetic3A : i32
        %mul3A_325 = arith.constant 16 : i32
        %mul3A_326 = arith.muli %shift_right_arithmetic3A_324, %mul3A_325 : i32
        %get3A_327 = arith.index_cast %mul3A_326 : i32 to index
        %get3A_328 = tpu.vector_load %arg20[%get3A_327] {strides = array<i32>} : memref<320xf32, #tpu.memory_space<vmem>>, vector<16xf32>,
        %add3A_329 = arith.addf %get3A_328, %add3A_323 : vector<16xf32>
        %swap3A = arith.index_cast %mul3A_326 : i32 to index
        %swap3A_330 = tpu.vector_load %arg20[%swap3A] {strides = array<i32>} : memref<320xf32, #tpu.memory_space<vmem>>, vector<16xf32>,
        tpu.vector_store %arg20[%swap3A], %add3A_329 {strides = array<i32>} : memref<320xf32, #tpu.memory_space<vmem>>, vector<16xf32>,
      }
      %scan3A_107 = arith.constant 80 : i32
      %scan3A_108 = arith.constant 0 : i32
      %scan3A_109 = arith.constant 20 : i32
      %scan3A_110 = arith.addi %scan3A_108, %scan3A_109 : i32
      %scan3A_111 = arith.constant 1 : i32
      scf.for %scan3A_172 = %scan3A_108 to %scan3A_110 step %scan3A_111  : i32 {
        %mul3A_173 = arith.constant 16 : i32
        %mul3A_174 = arith.muli %scan3A_172, %mul3A_173 : i32
        %get3A_175 = arith.index_cast %mul3A_174 : i32 to index
        %get3A_176 = tpu.vector_load %arg20[%get3A_175] {strides = array<i32>} : memref<320xf32, #tpu.memory_space<vmem>>, vector<16xf32>,
        %exp3A = math.exp %get3A_176 : vector<16xf32>
        %swap3A = arith.index_cast %mul3A_174 : i32 to index
        %swap3A_177 = tpu.vector_load %arg20[%swap3A] {strides = array<i32>} : memref<320xf32, #tpu.memory_space<vmem>>, vector<16xf32>,
        tpu.vector_store %arg20[%swap3A], %exp3A {strides = array<i32>} : memref<320xf32, #tpu.memory_space<vmem>>, vector<16xf32>,
      }
      %scan3A_112 = arith.constant 20 : i32
      %mul3A_113 = arith.constant 10000 : i32
      %mul3A_114 = arith.muli %add3A, %mul3A_113 : i32
      %mul3A_115 = arith.constant 80 : i32
      %mul3A_116 = arith.muli %mul3A_91, %mul3A_115 : i32
      %add3A_117 = arith.addi %mul3A_114, %mul3A_116 : i32
      %mul3A_118 = arith.constant 4 : i32
      %mul3A_119 = arith.muli %add3A_117, %mul3A_118 : i32
      "tpu.region"() ({
        %run_scoped3A = tpu.sem_alloc : memref<!tpu.dma_semaphore, #tpu.memory_space<semaphore_mem>>
        %dma_start3A_172 = tpu.memref_slice %arg8[%mul3A_119] : memref<1280000xf32, #tpu.memory_space<hbm>> -> memref<320xf32, #tpu.memory_space<hbm>>
        %dma_start3A_173 = tpu.memref_slice %arg8[%mul3A_119] : memref<1280000xf32, #tpu.memory_space<hbm>> -> memref<320xf32, #tpu.memory_space<hbm>>
        tpu.enqueue_dma source(%arg20 : memref<320xf32, #tpu.memory_space<vmem>>) target(%dma_start3A_173 : memref<320xf32, #tpu.memory_space<hbm>>) target_semaphore(%run_scoped3A : memref<!tpu.dma_semaphore, #tpu.memory_space<semaphore_mem>>)
        %dma_wait3A_174 = tpu.memref_slice %arg8[%mul3A_119] : memref<1280000xf32, #tpu.memory_space<hbm>> -> memref<320xf32, #tpu.memory_space<hbm>>
        %dma_wait3A_175 = tpu.memref_slice %arg8[%mul3A_119] : memref<1280000xf32, #tpu.memory_space<hbm>> -> memref<320xf32, #tpu.memory_space<hbm>>
        tpu.wait_dma2 semaphore(%run_scoped3A : memref<!tpu.dma_semaphore, #tpu.memory_space<semaphore_mem>>) src(%arg20 : memref<320xf32, #tpu.memory_space<vmem>>) dst(%dma_wait3A_175 : memref<320xf32, #tpu.memory_space<hbm>>)
        tpu.yield
      }) : () -> ()
      "tpu.region"() ({
        %run_scoped3A = tpu.sem_alloc : memref<!tpu.dma_semaphore, #tpu.memory_space<semaphore_mem>>
        %dma_start3A_172 = arith.constant 0 : i32
        %dma_start3A_173 = tpu.memref_slice %arg22[%dma_start3A_172] : memref<40000xf32, #tpu.memory_space<vmem_shared>> -> memref<40000xf32, #tpu.memory_space<vmem_shared>>
        tpu.enqueue_indirect_dma source(%arg20 : memref<320xf32, #tpu.memory_space<vmem>>) target(%dma_start3A_173 : memref<40000xf32, #tpu.memory_space<vmem_shared>>) offsets(%arg12 : memref<320xi32, #tpu.memory_space<vmem>>) semaphore(%run_scoped3A : memref<!tpu.dma_semaphore, #tpu.memory_space<semaphore_mem>>) {add = true}
        %dma_wait3A_174 = arith.constant 0 : i32
        %dma_wait3A_175 = tpu.memref_slice %arg22[%dma_wait3A_174] : memref<40000xf32, #tpu.memory_space<vmem_shared>> -> memref<40000xf32, #tpu.memory_space<vmem_shared>>
        tpu.wait_indirect_dma semaphore(%run_scoped3A : memref<!tpu.dma_semaphore, #tpu.memory_space<semaphore_mem>>) src(%arg20 : memref<320xf32, #tpu.memory_space<vmem>>) dst(%dma_wait3A_175 : memref<40000xf32, #tpu.memory_space<vmem_shared>>)
        tpu.yield
      }) : () -> ()
      %mul3A_120 = arith.constant 2 : i32
      %mul3A_121 = arith.muli %mul3A_120, %scan3A_69 : i32
      %add3A_122 = arith.constant 2 : i32
      %add3A_123 = arith.addi %mul3A_121, %add3A_122 : i32
      %mul3A_124 = arith.constant 10000 : i32
      %mul3A_125 = arith.muli %add3A, %mul3A_124 : i32
      %mul3A_126 = arith.constant 80 : i32
      %mul3A_127 = arith.muli %add3A_123, %mul3A_126 : i32
      %add3A_128 = arith.addi %mul3A_125, %mul3A_127 : i32
      "tpu.region"() ({
        %run_scoped3A = tpu.sem_alloc : memref<!tpu.dma_semaphore, #tpu.memory_space<semaphore_mem>>
        %dma_start3A_172 = tpu.memref_slice %arg4[%add3A_128] : memref<320000xi32, #tpu.memory_space<hbm>> -> memref<80xi32, #tpu.memory_space<hbm>>
        %dma_start3A_173 = tpu.memref_slice %arg4[%add3A_128] : memref<320000xi32, #tpu.memory_space<hbm>> -> memref<80xi32, #tpu.memory_space<hbm>>
        tpu.enqueue_dma source(%dma_start3A_173 : memref<80xi32, #tpu.memory_space<hbm>>) target(%arg10 : memref<80xi32, #tpu.memory_space<vmem>>) target_semaphore(%run_scoped3A : memref<!tpu.dma_semaphore, #tpu.memory_space<semaphore_mem>>)
        %dma_wait3A_174 = tpu.memref_slice %arg4[%add3A_128] : memref<320000xi32, #tpu.memory_space<hbm>> -> memref<80xi32, #tpu.memory_space<hbm>>
        %dma_wait3A_175 = tpu.memref_slice %arg4[%add3A_128] : memref<320000xi32, #tpu.memory_space<hbm>> -> memref<80xi32, #tpu.memory_space<hbm>>
        tpu.wait_dma2 semaphore(%run_scoped3A : memref<!tpu.dma_semaphore, #tpu.memory_space<semaphore_mem>>) src(%dma_wait3A_175 : memref<80xi32, #tpu.memory_space<hbm>>) dst(%arg10 : memref<80xi32, #tpu.memory_space<vmem>>)
        tpu.yield
      }) : () -> ()
      "tpu.region"() ({
        %run_scoped3A = tpu.sem_alloc : memref<!tpu.dma_semaphore, #tpu.memory_space<semaphore_mem>>
        %dma_start3A_172 = tpu.memref_slice %arg5[%add3A_128] : memref<320000xi32, #tpu.memory_space<hbm>> -> memref<80xi32, #tpu.memory_space<hbm>>
        %dma_start3A_173 = tpu.memref_slice %arg5[%add3A_128] : memref<320000xi32, #tpu.memory_space<hbm>> -> memref<80xi32, #tpu.memory_space<hbm>>
        tpu.enqueue_dma source(%dma_start3A_173 : memref<80xi32, #tpu.memory_space<hbm>>) target(%arg11 : memref<80xi32, #tpu.memory_space<vmem>>) target_semaphore(%run_scoped3A : memref<!tpu.dma_semaphore, #tpu.memory_space<semaphore_mem>>)
        %dma_wait3A_174 = tpu.memref_slice %arg5[%add3A_128] : memref<320000xi32, #tpu.memory_space<hbm>> -> memref<80xi32, #tpu.memory_space<hbm>>
        %dma_wait3A_175 = tpu.memref_slice %arg5[%add3A_128] : memref<320000xi32, #tpu.memory_space<hbm>> -> memref<80xi32, #tpu.memory_space<hbm>>
        tpu.wait_dma2 semaphore(%run_scoped3A : memref<!tpu.dma_semaphore, #tpu.memory_space<semaphore_mem>>) src(%dma_wait3A_175 : memref<80xi32, #tpu.memory_space<hbm>>) dst(%arg11 : memref<80xi32, #tpu.memory_space<vmem>>)
        tpu.yield
      }) : () -> ()
      %scan3A_129 = arith.constant 0 : i32
      %scan3A_130 = arith.constant 20 : i32
      %scan3A_131 = arith.addi %scan3A_129, %scan3A_130 : i32
      %scan3A_132 = arith.constant 1 : i32
      scf.for %scan3A_172 = %scan3A_129 to %scan3A_131 step %scan3A_132  : i32 {
        %mul3A_173 = arith.constant 16 : i32
        %mul3A_174 = arith.muli %scan3A_172, %mul3A_173 : i32
        %add3A_175 = vector.broadcast %mul3A_174 : i32 to vector<16xi32>
        %add3A_176 = arith.addi %add3A_175, %iota3A : vector<16xi32>
        %shift_right_arithmetic3A = arith.constant 2 : i32
        %shift_right_arithmetic3A_177 = vector.broadcast %shift_right_arithmetic3A : i32 to vector<16xi32>
        %shift_right_arithmetic3A_178 = arith.shrsi %add3A_176, %shift_right_arithmetic3A_177 : vector<16xi32>
        %gather3A = tpu.vector_load_idx %arg11[%shift_right_arithmetic3A_178] : memref<80xi32, #tpu.memory_space<vmem>>[vector<16xi32>], vector<16xi32>,
        %mul3A_179 = arith.constant 4 : i32
        %mul3A_180 = vector.broadcast %mul3A_179 : i32 to vector<16xi32>
        %mul3A_181 = arith.muli %gather3A, %mul3A_180 : vector<16xi32>
        %and3A = arith.constant 3 : i32
        %and3A_182 = vector.broadcast %and3A : i32 to vector<16xi32>
        %and3A_183 = arith.andi %add3A_176, %and3A_182 : vector<16xi32>
        %add3A_184 = arith.addi %mul3A_181, %and3A_183 : vector<16xi32>
        %mul3A_185 = arith.constant 16 : i32
        %mul3A_186 = arith.muli %scan3A_172, %mul3A_185 : i32
        %swap3A = arith.index_cast %mul3A_186 : i32 to index
        %swap3A_187 = tpu.vector_load %arg12[%swap3A] {strides = array<i32>} : memref<320xi32, #tpu.memory_space<vmem>>, vector<16xi32>,
        tpu.vector_store %arg12[%swap3A], %add3A_184 {strides = array<i32>} : memref<320xi32, #tpu.memory_space<vmem>>, vector<16xi32>,
      }
      %scan3A_133 = arith.constant 20 : i32
      %dma_start3A_134 = arith.constant 0 : i32
      %dma_start3A_135 = arith.constant 0 : i32
      %dma_start3A_136 = tpu.memref_slice %arg2[%dma_start3A_134, %dma_start3A_135] : memref<10000x128xf32, #tpu.memory_space<hbm>> -> memref<10000x128xf32, #tpu.memory_space<hbm>>
      tpu.enqueue_indirect_dma source(%dma_start3A_136 : memref<10000x128xf32, #tpu.memory_space<hbm>>) target(%arg13 : memref<80x128xf32, #tpu.memory_space<vmem>>) offsets(%arg10 : memref<80xi32, #tpu.memory_space<vmem>>) semaphore(%arg23 : memref<!tpu.dma_semaphore, #tpu.memory_space<semaphore_mem>>)
      %dma_start3A_137 = arith.constant 0 : i32
      %dma_start3A_138 = arith.constant 0 : i32
      %dma_start3A_139 = tpu.memref_slice %arg3[%dma_start3A_137, %dma_start3A_138] : memref<10000x128xf32, #tpu.memory_space<hbm>> -> memref<10000x128xf32, #tpu.memory_space<hbm>>
      tpu.enqueue_indirect_dma source(%dma_start3A_139 : memref<10000x128xf32, #tpu.memory_space<hbm>>) target(%arg14 : memref<80x128xf32, #tpu.memory_space<vmem>>) offsets(%arg11 : memref<80xi32, #tpu.memory_space<vmem>>) semaphore(%arg23 : memref<!tpu.dma_semaphore, #tpu.memory_space<semaphore_mem>>)
      %mul3A_140 = arith.constant 2 : i32
      %mul3A_141 = arith.muli %mul3A_140, %scan3A_69 : i32
      %add3A_142 = arith.constant 1 : i32
      %add3A_143 = arith.addi %mul3A_141, %add3A_142 : i32
      %dma_wait3A_144 = arith.constant 0 : i32
      %dma_wait3A_145 = arith.constant 0 : i32
      %dma_wait3A_146 = tpu.memref_slice %arg2[%dma_wait3A_144, %dma_wait3A_145] : memref<10000x128xf32, #tpu.memory_space<hbm>> -> memref<10000x128xf32, #tpu.memory_space<hbm>>
      tpu.wait_indirect_dma semaphore(%arg24 : memref<!tpu.dma_semaphore, #tpu.memory_space<semaphore_mem>>) src(%dma_wait3A_146 : memref<10000x128xf32, #tpu.memory_space<hbm>>) dst(%arg18 : memref<80x128xf32, #tpu.memory_space<vmem>>)
      %dma_wait3A_147 = arith.constant 0 : i32
      %dma_wait3A_148 = arith.constant 0 : i32
      %dma_wait3A_149 = tpu.memref_slice %arg3[%dma_wait3A_147, %dma_wait3A_148] : memref<10000x128xf32, #tpu.memory_space<hbm>> -> memref<10000x128xf32, #tpu.memory_space<hbm>>
      tpu.wait_indirect_dma semaphore(%arg24 : memref<!tpu.dma_semaphore, #tpu.memory_space<semaphore_mem>>) src(%dma_wait3A_149 : memref<10000x128xf32, #tpu.memory_space<hbm>>) dst(%arg19 : memref<80x128xf32, #tpu.memory_space<vmem>>)
      %scan3A_150 = arith.constant 0 : i32
      %scan3A_151 = arith.constant 20 : i32
      %scan3A_152 = arith.addi %scan3A_150, %scan3A_151 : i32
      %scan3A_153 = arith.constant 1 : i32
      scf.for %scan3A_172 = %scan3A_150 to %scan3A_152 step %scan3A_153  : i32 {
        %mul3A_173 = arith.constant 16 : i32
        %mul3A_174 = arith.muli %scan3A_172, %mul3A_173 : i32
        %swap3A = arith.index_cast %mul3A_174 : i32 to index
        %swap3A_175 = tpu.vector_load %arg20[%swap3A] {strides = array<i32>} : memref<320xf32, #tpu.memory_space<vmem>>, vector<16xf32>,
        tpu.vector_store %arg20[%swap3A], %broadcast_in_dim3A_1 {strides = array<i32>} : memref<320xf32, #tpu.memory_space<vmem>>, vector<16xf32>,
      }
      %scan3A_154 = arith.constant 20 : i32
      %scan3A_155 = arith.constant 0 : i32
      %scan3A_156 = arith.constant 80 : i32
      %scan3A_157 = arith.addi %scan3A_155, %scan3A_156 : i32
      %scan3A_158 = arith.constant 1 : i32
      scf.for %scan3A_172 = %scan3A_155 to %scan3A_157 step %scan3A_158  : i32 {
        %get3A_173 = arith.index_cast %scan3A_172 : i32 to index
        %get3A_174 = arith.constant 0 : index
        %get3A_175 = tpu.vector_load %arg18[%get3A_173, %get3A_174] {strides = array<i32>} : memref<80x128xf32, #tpu.memory_space<vmem>>, vector<16xf32>,
        %get3A_176 = arith.index_cast %scan3A_172 : i32 to index
        %get3A_177 = arith.constant 0 : index
        %get3A_178 = tpu.vector_load %arg19[%get3A_176, %get3A_177] {strides = array<i32>} : memref<80x128xf32, #tpu.memory_space<vmem>>, vector<16xf32>,
        %add3A_179 = arith.addf %get3A_175, %get3A_178 : vector<16xf32>
        %mul3A_180 = arith.constant 2.000000e-01 : f32
        %mul3A_181 = vector.broadcast %mul3A_180 : f32 to vector<16xf32>
        %mul3A_182 = arith.mulf %add3A_179, %mul3A_181 : vector<16xf32>
        %max3A = arith.maximumf %add3A_179, %mul3A_182 : vector<16xf32>
        %mul3A_183 = arith.mulf %max3A, %get3A_4 : vector<16xf32>
        %get3A_184 = arith.index_cast %scan3A_172 : i32 to index
        %get3A_185 = arith.constant 16 : index
        %get3A_186 = tpu.vector_load %arg18[%get3A_184, %get3A_185] {strides = array<i32>} : memref<80x128xf32, #tpu.memory_space<vmem>>, vector<16xf32>,
        %get3A_187 = arith.index_cast %scan3A_172 : i32 to index
        %get3A_188 = arith.constant 16 : index
        %get3A_189 = tpu.vector_load %arg19[%get3A_187, %get3A_188] {strides = array<i32>} : memref<80x128xf32, #tpu.memory_space<vmem>>, vector<16xf32>,
        %add3A_190 = arith.addf %get3A_186, %get3A_189 : vector<16xf32>
        %mul3A_191 = arith.constant 2.000000e-01 : f32
        %mul3A_192 = vector.broadcast %mul3A_191 : f32 to vector<16xf32>
        %mul3A_193 = arith.mulf %add3A_190, %mul3A_192 : vector<16xf32>
        %max3A_194 = arith.maximumf %add3A_190, %mul3A_193 : vector<16xf32>
        %mul3A_195 = arith.mulf %max3A_194, %get3A_6 : vector<16xf32>
        %get3A_196 = arith.index_cast %scan3A_172 : i32 to index
        %get3A_197 = arith.constant 32 : index
        %get3A_198 = tpu.vector_load %arg18[%get3A_196, %get3A_197] {strides = array<i32>} : memref<80x128xf32, #tpu.memory_space<vmem>>, vector<16xf32>,
        %get3A_199 = arith.index_cast %scan3A_172 : i32 to index
        %get3A_200 = arith.constant 32 : index
        %get3A_201 = tpu.vector_load %arg19[%get3A_199, %get3A_200] {strides = array<i32>} : memref<80x128xf32, #tpu.memory_space<vmem>>, vector<16xf32>,
        %add3A_202 = arith.addf %get3A_198, %get3A_201 : vector<16xf32>
        %mul3A_203 = arith.constant 2.000000e-01 : f32
        %mul3A_204 = vector.broadcast %mul3A_203 : f32 to vector<16xf32>
        %mul3A_205 = arith.mulf %add3A_202, %mul3A_204 : vector<16xf32>
        %max3A_206 = arith.maximumf %add3A_202, %mul3A_205 : vector<16xf32>
        %mul3A_207 = arith.mulf %max3A_206, %get3A_8 : vector<16xf32>
        %get3A_208 = arith.index_cast %scan3A_172 : i32 to index
        %get3A_209 = arith.constant 48 : index
        %get3A_210 = tpu.vector_load %arg18[%get3A_208, %get3A_209] {strides = array<i32>} : memref<80x128xf32, #tpu.memory_space<vmem>>, vector<16xf32>,
        %get3A_211 = arith.index_cast %scan3A_172 : i32 to index
        %get3A_212 = arith.constant 48 : index
        %get3A_213 = tpu.vector_load %arg19[%get3A_211, %get3A_212] {strides = array<i32>} : memref<80x128xf32, #tpu.memory_space<vmem>>, vector<16xf32>,
        %add3A_214 = arith.addf %get3A_210, %get3A_213 : vector<16xf32>
        %mul3A_215 = arith.constant 2.000000e-01 : f32
        %mul3A_216 = vector.broadcast %mul3A_215 : f32 to vector<16xf32>
        %mul3A_217 = arith.mulf %add3A_214, %mul3A_216 : vector<16xf32>
        %max3A_218 = arith.maximumf %add3A_214, %mul3A_217 : vector<16xf32>
        %mul3A_219 = arith.mulf %max3A_218, %get3A_10 : vector<16xf32>
        %get3A_220 = arith.index_cast %scan3A_172 : i32 to index
        %get3A_221 = arith.constant 64 : index
        %get3A_222 = tpu.vector_load %arg18[%get3A_220, %get3A_221] {strides = array<i32>} : memref<80x128xf32, #tpu.memory_space<vmem>>, vector<16xf32>,
        %get3A_223 = arith.index_cast %scan3A_172 : i32 to index
        %get3A_224 = arith.constant 64 : index
        %get3A_225 = tpu.vector_load %arg19[%get3A_223, %get3A_224] {strides = array<i32>} : memref<80x128xf32, #tpu.memory_space<vmem>>, vector<16xf32>,
        %add3A_226 = arith.addf %get3A_222, %get3A_225 : vector<16xf32>
        %mul3A_227 = arith.constant 2.000000e-01 : f32
        %mul3A_228 = vector.broadcast %mul3A_227 : f32 to vector<16xf32>
        %mul3A_229 = arith.mulf %add3A_226, %mul3A_228 : vector<16xf32>
        %max3A_230 = arith.maximumf %add3A_226, %mul3A_229 : vector<16xf32>
        %mul3A_231 = arith.mulf %max3A_230, %get3A_12 : vector<16xf32>
        %get3A_232 = arith.index_cast %scan3A_172 : i32 to index
        %get3A_233 = arith.constant 80 : index
        %get3A_234 = tpu.vector_load %arg18[%get3A_232, %get3A_233] {strides = array<i32>} : memref<80x128xf32, #tpu.memory_space<vmem>>, vector<16xf32>,
        %get3A_235 = arith.index_cast %scan3A_172 : i32 to index
        %get3A_236 = arith.constant 80 : index
        %get3A_237 = tpu.vector_load %arg19[%get3A_235, %get3A_236] {strides = array<i32>} : memref<80x128xf32, #tpu.memory_space<vmem>>, vector<16xf32>,
        %add3A_238 = arith.addf %get3A_234, %get3A_237 : vector<16xf32>
        %mul3A_239 = arith.constant 2.000000e-01 : f32
        %mul3A_240 = vector.broadcast %mul3A_239 : f32 to vector<16xf32>
        %mul3A_241 = arith.mulf %add3A_238, %mul3A_240 : vector<16xf32>
        %max3A_242 = arith.maximumf %add3A_238, %mul3A_241 : vector<16xf32>
        %mul3A_243 = arith.mulf %max3A_242, %get3A_14 : vector<16xf32>
        %get3A_244 = arith.index_cast %scan3A_172 : i32 to index
        %get3A_245 = arith.constant 96 : index
        %get3A_246 = tpu.vector_load %arg18[%get3A_244, %get3A_245] {strides = array<i32>} : memref<80x128xf32, #tpu.memory_space<vmem>>, vector<16xf32>,
        %get3A_247 = arith.index_cast %scan3A_172 : i32 to index
        %get3A_248 = arith.constant 96 : index
        %get3A_249 = tpu.vector_load %arg19[%get3A_247, %get3A_248] {strides = array<i32>} : memref<80x128xf32, #tpu.memory_space<vmem>>, vector<16xf32>,
        %add3A_250 = arith.addf %get3A_246, %get3A_249 : vector<16xf32>
        %mul3A_251 = arith.constant 2.000000e-01 : f32
        %mul3A_252 = vector.broadcast %mul3A_251 : f32 to vector<16xf32>
        %mul3A_253 = arith.mulf %add3A_250, %mul3A_252 : vector<16xf32>
        %max3A_254 = arith.maximumf %add3A_250, %mul3A_253 : vector<16xf32>
        %mul3A_255 = arith.mulf %max3A_254, %get3A_16 : vector<16xf32>
        %get3A_256 = arith.index_cast %scan3A_172 : i32 to index
        %get3A_257 = arith.constant 112 : index
        %get3A_258 = tpu.vector_load %arg18[%get3A_256, %get3A_257] {strides = array<i32>} : memref<80x128xf32, #tpu.memory_space<vmem>>, vector<16xf32>,
        %get3A_259 = arith.index_cast %scan3A_172 : i32 to index
        %get3A_260 = arith.constant 112 : index
        %get3A_261 = tpu.vector_load %arg19[%get3A_259, %get3A_260] {strides = array<i32>} : memref<80x128xf32, #tpu.memory_space<vmem>>, vector<16xf32>,
        %add3A_262 = arith.addf %get3A_258, %get3A_261 : vector<16xf32>
        %mul3A_263 = arith.constant 2.000000e-01 : f32
        %mul3A_264 = vector.broadcast %mul3A_263 : f32 to vector<16xf32>
        %mul3A_265 = arith.mulf %add3A_262, %mul3A_264 : vector<16xf32>
        %max3A_266 = arith.maximumf %add3A_262, %mul3A_265 : vector<16xf32>
        %mul3A_267 = arith.mulf %max3A_266, %get3A_18 : vector<16xf32>
        %and3A = arith.constant 3 : i32
        %and3A_268 = arith.andi %scan3A_172, %and3A : i32
        %mul3A_269 = arith.constant 4 : i32
        %mul3A_270 = arith.muli %and3A_268, %mul3A_269 : i32
        %add3A_271 = arith.addf %mul3A_183, %mul3A_195 : vector<16xf32>
        %reduce_sum3A = arith.constant true
        %reduce_sum3A_272 = vector.broadcast %reduce_sum3A : i1 to vector<16xi1>
        %reduce_sum3A_273 = tpu.scan <sum>, %add3A_271 masked %reduce_sum3A_272 : vector<16xf32>, vector<16xi1> -> vector<16xf32>
        %reduce_sum3A_274 = vector.extract %reduce_sum3A_273[15] : f32 from vector<16xf32>
        %add3A_275 = arith.constant 0 : i32
        %add3A_276 = arith.addi %mul3A_270, %add3A_275 : i32
        %eq3A_277 = vector.broadcast %add3A_276 : i32 to vector<16xi32>
        %eq3A_278 = arith.cmpi eq, %iota3A, %eq3A_277 : vector<16xi32>
        %jit3A = arith.constant 0.000000e+00 : f32
        %broadcast_in_dim3A_279 = vector.broadcast %reduce_sum3A_274 : f32 to vector<16xf32>
        %broadcast_in_dim3A_280 = vector.broadcast %jit3A : f32 to vector<16xf32>
        %select_n3A = arith.select %eq3A_278, %broadcast_in_dim3A_279, %broadcast_in_dim3A_280 : vector<16xi1>, vector<16xf32>
        %add3A_281 = arith.addf %broadcast_in_dim3A_1, %select_n3A : vector<16xf32>
        %add3A_282 = arith.addf %mul3A_207, %mul3A_219 : vector<16xf32>
        %reduce_sum3A_283 = arith.constant true
        %reduce_sum3A_284 = vector.broadcast %reduce_sum3A_283 : i1 to vector<16xi1>
        %reduce_sum3A_285 = tpu.scan <sum>, %add3A_282 masked %reduce_sum3A_284 : vector<16xf32>, vector<16xi1> -> vector<16xf32>
        %reduce_sum3A_286 = vector.extract %reduce_sum3A_285[15] : f32 from vector<16xf32>
        %add3A_287 = arith.constant 1 : i32
        %add3A_288 = arith.addi %mul3A_270, %add3A_287 : i32
        %eq3A_289 = vector.broadcast %add3A_288 : i32 to vector<16xi32>
        %eq3A_290 = arith.cmpi eq, %iota3A, %eq3A_289 : vector<16xi32>
        %jit3A_291 = arith.constant 0.000000e+00 : f32
        %broadcast_in_dim3A_292 = vector.broadcast %reduce_sum3A_286 : f32 to vector<16xf32>
        %broadcast_in_dim3A_293 = vector.broadcast %jit3A_291 : f32 to vector<16xf32>
        %select_n3A_294 = arith.select %eq3A_290, %broadcast_in_dim3A_292, %broadcast_in_dim3A_293 : vector<16xi1>, vector<16xf32>
        %add3A_295 = arith.addf %add3A_281, %select_n3A_294 : vector<16xf32>
        %add3A_296 = arith.addf %mul3A_231, %mul3A_243 : vector<16xf32>
        %reduce_sum3A_297 = arith.constant true
        %reduce_sum3A_298 = vector.broadcast %reduce_sum3A_297 : i1 to vector<16xi1>
        %reduce_sum3A_299 = tpu.scan <sum>, %add3A_296 masked %reduce_sum3A_298 : vector<16xf32>, vector<16xi1> -> vector<16xf32>
        %reduce_sum3A_300 = vector.extract %reduce_sum3A_299[15] : f32 from vector<16xf32>
        %add3A_301 = arith.constant 2 : i32
        %add3A_302 = arith.addi %mul3A_270, %add3A_301 : i32
        %eq3A_303 = vector.broadcast %add3A_302 : i32 to vector<16xi32>
        %eq3A_304 = arith.cmpi eq, %iota3A, %eq3A_303 : vector<16xi32>
        %jit3A_305 = arith.constant 0.000000e+00 : f32
        %broadcast_in_dim3A_306 = vector.broadcast %reduce_sum3A_300 : f32 to vector<16xf32>
        %broadcast_in_dim3A_307 = vector.broadcast %jit3A_305 : f32 to vector<16xf32>
        %select_n3A_308 = arith.select %eq3A_304, %broadcast_in_dim3A_306, %broadcast_in_dim3A_307 : vector<16xi1>, vector<16xf32>
        %add3A_309 = arith.addf %add3A_295, %select_n3A_308 : vector<16xf32>
        %add3A_310 = arith.addf %mul3A_255, %mul3A_267 : vector<16xf32>
        %reduce_sum3A_311 = arith.constant true
        %reduce_sum3A_312 = vector.broadcast %reduce_sum3A_311 : i1 to vector<16xi1>
        %reduce_sum3A_313 = tpu.scan <sum>, %add3A_310 masked %reduce_sum3A_312 : vector<16xf32>, vector<16xi1> -> vector<16xf32>
        %reduce_sum3A_314 = vector.extract %reduce_sum3A_313[15] : f32 from vector<16xf32>
        %add3A_315 = arith.constant 3 : i32
        %add3A_316 = arith.addi %mul3A_270, %add3A_315 : i32
        %eq3A_317 = vector.broadcast %add3A_316 : i32 to vector<16xi32>
        %eq3A_318 = arith.cmpi eq, %iota3A, %eq3A_317 : vector<16xi32>
        %jit3A_319 = arith.constant 0.000000e+00 : f32
        %broadcast_in_dim3A_320 = vector.broadcast %reduce_sum3A_314 : f32 to vector<16xf32>
        %broadcast_in_dim3A_321 = vector.broadcast %jit3A_319 : f32 to vector<16xf32>
        %select_n3A_322 = arith.select %eq3A_318, %broadcast_in_dim3A_320, %broadcast_in_dim3A_321 : vector<16xi1>, vector<16xf32>
        %add3A_323 = arith.addf %add3A_309, %select_n3A_322 : vector<16xf32>
        %shift_right_arithmetic3A = arith.constant 2 : i32
        %shift_right_arithmetic3A_324 = arith.shrsi %scan3A_172, %shift_right_arithmetic3A : i32
        %mul3A_325 = arith.constant 16 : i32
        %mul3A_326 = arith.muli %shift_right_arithmetic3A_324, %mul3A_325 : i32
        %get3A_327 = arith.index_cast %mul3A_326 : i32 to index
        %get3A_328 = tpu.vector_load %arg20[%get3A_327] {strides = array<i32>} : memref<320xf32, #tpu.memory_space<vmem>>, vector<16xf32>,
        %add3A_329 = arith.addf %get3A_328, %add3A_323 : vector<16xf32>
        %swap3A = arith.index_cast %mul3A_326 : i32 to index
        %swap3A_330 = tpu.vector_load %arg20[%swap3A] {strides = array<i32>} : memref<320xf32, #tpu.memory_space<vmem>>, vector<16xf32>,
        tpu.vector_store %arg20[%swap3A], %add3A_329 {strides = array<i32>} : memref<320xf32, #tpu.memory_space<vmem>>, vector<16xf32>,
      }
      %scan3A_159 = arith.constant 80 : i32
      %scan3A_160 = arith.constant 0 : i32
      %scan3A_161 = arith.constant 20 : i32
      %scan3A_162 = arith.addi %scan3A_160, %scan3A_161 : i32
      %scan3A_163 = arith.constant 1 : i32
      scf.for %scan3A_172 = %scan3A_160 to %scan3A_162 step %scan3A_163  : i32 {
        %mul3A_173 = arith.constant 16 : i32
        %mul3A_174 = arith.muli %scan3A_172, %mul3A_173 : i32
        %get3A_175 = arith.index_cast %mul3A_174 : i32 to index
        %get3A_176 = tpu.vector_load %arg20[%get3A_175] {strides = array<i32>} : memref<320xf32, #tpu.memory_space<vmem>>, vector<16xf32>,
        %exp3A = math.exp %get3A_176 : vector<16xf32>
        %swap3A = arith.index_cast %mul3A_174 : i32 to index
        %swap3A_177 = tpu.vector_load %arg20[%swap3A] {strides = array<i32>} : memref<320xf32, #tpu.memory_space<vmem>>, vector<16xf32>,
        tpu.vector_store %arg20[%swap3A], %exp3A {strides = array<i32>} : memref<320xf32, #tpu.memory_space<vmem>>, vector<16xf32>,
      }
      %scan3A_164 = arith.constant 20 : i32
      %mul3A_165 = arith.constant 10000 : i32
      %mul3A_166 = arith.muli %add3A, %mul3A_165 : i32
      %mul3A_167 = arith.constant 80 : i32
      %mul3A_168 = arith.muli %add3A_143, %mul3A_167 : i32
      %add3A_169 = arith.addi %mul3A_166, %mul3A_168 : i32
      %mul3A_170 = arith.constant 4 : i32
      %mul3A_171 = arith.muli %add3A_169, %mul3A_170 : i32
      "tpu.region"() ({
        %run_scoped3A = tpu.sem_alloc : memref<!tpu.dma_semaphore, #tpu.memory_space<semaphore_mem>>
        %dma_start3A_172 = tpu.memref_slice %arg8[%mul3A_171] : memref<1280000xf32, #tpu.memory_space<hbm>> -> memref<320xf32, #tpu.memory_space<hbm>>
        %dma_start3A_173 = tpu.memref_slice %arg8[%mul3A_171] : memref<1280000xf32, #tpu.memory_space<hbm>> -> memref<320xf32, #tpu.memory_space<hbm>>
        tpu.enqueue_dma source(%arg20 : memref<320xf32, #tpu.memory_space<vmem>>) target(%dma_start3A_173 : memref<320xf32, #tpu.memory_space<hbm>>) target_semaphore(%run_scoped3A : memref<!tpu.dma_semaphore, #tpu.memory_space<semaphore_mem>>)
        %dma_wait3A_174 = tpu.memref_slice %arg8[%mul3A_171] : memref<1280000xf32, #tpu.memory_space<hbm>> -> memref<320xf32, #tpu.memory_space<hbm>>
        %dma_wait3A_175 = tpu.memref_slice %arg8[%mul3A_171] : memref<1280000xf32, #tpu.memory_space<hbm>> -> memref<320xf32, #tpu.memory_space<hbm>>
        tpu.wait_dma2 semaphore(%run_scoped3A : memref<!tpu.dma_semaphore, #tpu.memory_space<semaphore_mem>>) src(%arg20 : memref<320xf32, #tpu.memory_space<vmem>>) dst(%dma_wait3A_175 : memref<320xf32, #tpu.memory_space<hbm>>)
        tpu.yield
      }) : () -> ()
      "tpu.region"() ({
        %run_scoped3A = tpu.sem_alloc : memref<!tpu.dma_semaphore, #tpu.memory_space<semaphore_mem>>
        %dma_start3A_172 = arith.constant 0 : i32
        %dma_start3A_173 = tpu.memref_slice %arg22[%dma_start3A_172] : memref<40000xf32, #tpu.memory_space<vmem_shared>> -> memref<40000xf32, #tpu.memory_space<vmem_shared>>
        tpu.enqueue_indirect_dma source(%arg20 : memref<320xf32, #tpu.memory_space<vmem>>) target(%dma_start3A_173 : memref<40000xf32, #tpu.memory_space<vmem_shared>>) offsets(%arg17 : memref<320xi32, #tpu.memory_space<vmem>>) semaphore(%run_scoped3A : memref<!tpu.dma_semaphore, #tpu.memory_space<semaphore_mem>>) {add = true}
        %dma_wait3A_174 = arith.constant 0 : i32
        %dma_wait3A_175 = tpu.memref_slice %arg22[%dma_wait3A_174] : memref<40000xf32, #tpu.memory_space<vmem_shared>> -> memref<40000xf32, #tpu.memory_space<vmem_shared>>
        tpu.wait_indirect_dma semaphore(%run_scoped3A : memref<!tpu.dma_semaphore, #tpu.memory_space<semaphore_mem>>) src(%arg20 : memref<320xf32, #tpu.memory_space<vmem>>) dst(%dma_wait3A_175 : memref<40000xf32, #tpu.memory_space<vmem_shared>>)
        tpu.yield
      }) : () -> ()
    }
    %scan3A_36 = arith.constant 62 : i32
    %dma_wait3A = arith.constant 0 : i32
    %dma_wait3A_37 = arith.constant 0 : i32
    %dma_wait3A_38 = tpu.memref_slice %arg2[%dma_wait3A, %dma_wait3A_37] : memref<10000x128xf32, #tpu.memory_space<hbm>> -> memref<10000x128xf32, #tpu.memory_space<hbm>>
    tpu.wait_indirect_dma semaphore(%arg23 : memref<!tpu.dma_semaphore, #tpu.memory_space<semaphore_mem>>) src(%dma_wait3A_38 : memref<10000x128xf32, #tpu.memory_space<hbm>>) dst(%arg13 : memref<80x128xf32, #tpu.memory_space<vmem>>)
    %dma_wait3A_39 = arith.constant 0 : i32
    %dma_wait3A_40 = arith.constant 0 : i32
    %dma_wait3A_41 = tpu.memref_slice %arg3[%dma_wait3A_39, %dma_wait3A_40] : memref<10000x128xf32, #tpu.memory_space<hbm>> -> memref<10000x128xf32, #tpu.memory_space<hbm>>
    tpu.wait_indirect_dma semaphore(%arg23 : memref<!tpu.dma_semaphore, #tpu.memory_space<semaphore_mem>>) src(%dma_wait3A_41 : memref<10000x128xf32, #tpu.memory_space<hbm>>) dst(%arg14 : memref<80x128xf32, #tpu.memory_space<vmem>>)
    %scan3A_42 = arith.constant 0 : i32
    %scan3A_43 = arith.constant 20 : i32
    %scan3A_44 = arith.addi %scan3A_42, %scan3A_43 : i32
    %scan3A_45 = arith.constant 1 : i32
    scf.for %scan3A_69 = %scan3A_42 to %scan3A_44 step %scan3A_45  : i32 {
      %mul3A_70 = arith.constant 16 : i32
      %mul3A_71 = arith.muli %scan3A_69, %mul3A_70 : i32
      %swap3A = arith.index_cast %mul3A_71 : i32 to index
      %swap3A_72 = tpu.vector_load %arg20[%swap3A] {strides = array<i32>} : memref<320xf32, #tpu.memory_space<vmem>>, vector<16xf32>,
      tpu.vector_store %arg20[%swap3A], %broadcast_in_dim3A_1 {strides = array<i32>} : memref<320xf32, #tpu.memory_space<vmem>>, vector<16xf32>,
    }
    %scan3A_46 = arith.constant 20 : i32
    %scan3A_47 = arith.constant 0 : i32
    %scan3A_48 = arith.constant 80 : i32
    %scan3A_49 = arith.addi %scan3A_47, %scan3A_48 : i32
    %scan3A_50 = arith.constant 1 : i32
    scf.for %scan3A_69 = %scan3A_47 to %scan3A_49 step %scan3A_50  : i32 {
      %get3A_70 = arith.index_cast %scan3A_69 : i32 to index
      %get3A_71 = arith.constant 0 : index
      %get3A_72 = tpu.vector_load %arg13[%get3A_70, %get3A_71] {strides = array<i32>} : memref<80x128xf32, #tpu.memory_space<vmem>>, vector<16xf32>,
      %get3A_73 = arith.index_cast %scan3A_69 : i32 to index
      %get3A_74 = arith.constant 0 : index
      %get3A_75 = tpu.vector_load %arg14[%get3A_73, %get3A_74] {strides = array<i32>} : memref<80x128xf32, #tpu.memory_space<vmem>>, vector<16xf32>,
      %add3A_76 = arith.addf %get3A_72, %get3A_75 : vector<16xf32>
      %mul3A_77 = arith.constant 2.000000e-01 : f32
      %mul3A_78 = vector.broadcast %mul3A_77 : f32 to vector<16xf32>
      %mul3A_79 = arith.mulf %add3A_76, %mul3A_78 : vector<16xf32>
      %max3A = arith.maximumf %add3A_76, %mul3A_79 : vector<16xf32>
      %mul3A_80 = arith.mulf %max3A, %get3A_4 : vector<16xf32>
      %get3A_81 = arith.index_cast %scan3A_69 : i32 to index
      %get3A_82 = arith.constant 16 : index
      %get3A_83 = tpu.vector_load %arg13[%get3A_81, %get3A_82] {strides = array<i32>} : memref<80x128xf32, #tpu.memory_space<vmem>>, vector<16xf32>,
      %get3A_84 = arith.index_cast %scan3A_69 : i32 to index
      %get3A_85 = arith.constant 16 : index
      %get3A_86 = tpu.vector_load %arg14[%get3A_84, %get3A_85] {strides = array<i32>} : memref<80x128xf32, #tpu.memory_space<vmem>>, vector<16xf32>,
      %add3A_87 = arith.addf %get3A_83, %get3A_86 : vector<16xf32>
      %mul3A_88 = arith.constant 2.000000e-01 : f32
      %mul3A_89 = vector.broadcast %mul3A_88 : f32 to vector<16xf32>
      %mul3A_90 = arith.mulf %add3A_87, %mul3A_89 : vector<16xf32>
      %max3A_91 = arith.maximumf %add3A_87, %mul3A_90 : vector<16xf32>
      %mul3A_92 = arith.mulf %max3A_91, %get3A_6 : vector<16xf32>
      %get3A_93 = arith.index_cast %scan3A_69 : i32 to index
      %get3A_94 = arith.constant 32 : index
      %get3A_95 = tpu.vector_load %arg13[%get3A_93, %get3A_94] {strides = array<i32>} : memref<80x128xf32, #tpu.memory_space<vmem>>, vector<16xf32>,
      %get3A_96 = arith.index_cast %scan3A_69 : i32 to index
      %get3A_97 = arith.constant 32 : index
      %get3A_98 = tpu.vector_load %arg14[%get3A_96, %get3A_97] {strides = array<i32>} : memref<80x128xf32, #tpu.memory_space<vmem>>, vector<16xf32>,
      %add3A_99 = arith.addf %get3A_95, %get3A_98 : vector<16xf32>
      %mul3A_100 = arith.constant 2.000000e-01 : f32
      %mul3A_101 = vector.broadcast %mul3A_100 : f32 to vector<16xf32>
      %mul3A_102 = arith.mulf %add3A_99, %mul3A_101 : vector<16xf32>
      %max3A_103 = arith.maximumf %add3A_99, %mul3A_102 : vector<16xf32>
      %mul3A_104 = arith.mulf %max3A_103, %get3A_8 : vector<16xf32>
      %get3A_105 = arith.index_cast %scan3A_69 : i32 to index
      %get3A_106 = arith.constant 48 : index
      %get3A_107 = tpu.vector_load %arg13[%get3A_105, %get3A_106] {strides = array<i32>} : memref<80x128xf32, #tpu.memory_space<vmem>>, vector<16xf32>,
      %get3A_108 = arith.index_cast %scan3A_69 : i32 to index
      %get3A_109 = arith.constant 48 : index
      %get3A_110 = tpu.vector_load %arg14[%get3A_108, %get3A_109] {strides = array<i32>} : memref<80x128xf32, #tpu.memory_space<vmem>>, vector<16xf32>,
      %add3A_111 = arith.addf %get3A_107, %get3A_110 : vector<16xf32>
      %mul3A_112 = arith.constant 2.000000e-01 : f32
      %mul3A_113 = vector.broadcast %mul3A_112 : f32 to vector<16xf32>
      %mul3A_114 = arith.mulf %add3A_111, %mul3A_113 : vector<16xf32>
      %max3A_115 = arith.maximumf %add3A_111, %mul3A_114 : vector<16xf32>
      %mul3A_116 = arith.mulf %max3A_115, %get3A_10 : vector<16xf32>
      %get3A_117 = arith.index_cast %scan3A_69 : i32 to index
      %get3A_118 = arith.constant 64 : index
      %get3A_119 = tpu.vector_load %arg13[%get3A_117, %get3A_118] {strides = array<i32>} : memref<80x128xf32, #tpu.memory_space<vmem>>, vector<16xf32>,
      %get3A_120 = arith.index_cast %scan3A_69 : i32 to index
      %get3A_121 = arith.constant 64 : index
      %get3A_122 = tpu.vector_load %arg14[%get3A_120, %get3A_121] {strides = array<i32>} : memref<80x128xf32, #tpu.memory_space<vmem>>, vector<16xf32>,
      %add3A_123 = arith.addf %get3A_119, %get3A_122 : vector<16xf32>
      %mul3A_124 = arith.constant 2.000000e-01 : f32
      %mul3A_125 = vector.broadcast %mul3A_124 : f32 to vector<16xf32>
      %mul3A_126 = arith.mulf %add3A_123, %mul3A_125 : vector<16xf32>
      %max3A_127 = arith.maximumf %add3A_123, %mul3A_126 : vector<16xf32>
      %mul3A_128 = arith.mulf %max3A_127, %get3A_12 : vector<16xf32>
      %get3A_129 = arith.index_cast %scan3A_69 : i32 to index
      %get3A_130 = arith.constant 80 : index
      %get3A_131 = tpu.vector_load %arg13[%get3A_129, %get3A_130] {strides = array<i32>} : memref<80x128xf32, #tpu.memory_space<vmem>>, vector<16xf32>,
      %get3A_132 = arith.index_cast %scan3A_69 : i32 to index
      %get3A_133 = arith.constant 80 : index
      %get3A_134 = tpu.vector_load %arg14[%get3A_132, %get3A_133] {strides = array<i32>} : memref<80x128xf32, #tpu.memory_space<vmem>>, vector<16xf32>,
      %add3A_135 = arith.addf %get3A_131, %get3A_134 : vector<16xf32>
      %mul3A_136 = arith.constant 2.000000e-01 : f32
      %mul3A_137 = vector.broadcast %mul3A_136 : f32 to vector<16xf32>
      %mul3A_138 = arith.mulf %add3A_135, %mul3A_137 : vector<16xf32>
      %max3A_139 = arith.maximumf %add3A_135, %mul3A_138 : vector<16xf32>
      %mul3A_140 = arith.mulf %max3A_139, %get3A_14 : vector<16xf32>
      %get3A_141 = arith.index_cast %scan3A_69 : i32 to index
      %get3A_142 = arith.constant 96 : index
      %get3A_143 = tpu.vector_load %arg13[%get3A_141, %get3A_142] {strides = array<i32>} : memref<80x128xf32, #tpu.memory_space<vmem>>, vector<16xf32>,
      %get3A_144 = arith.index_cast %scan3A_69 : i32 to index
      %get3A_145 = arith.constant 96 : index
      %get3A_146 = tpu.vector_load %arg14[%get3A_144, %get3A_145] {strides = array<i32>} : memref<80x128xf32, #tpu.memory_space<vmem>>, vector<16xf32>,
      %add3A_147 = arith.addf %get3A_143, %get3A_146 : vector<16xf32>
      %mul3A_148 = arith.constant 2.000000e-01 : f32
      %mul3A_149 = vector.broadcast %mul3A_148 : f32 to vector<16xf32>
      %mul3A_150 = arith.mulf %add3A_147, %mul3A_149 : vector<16xf32>
      %max3A_151 = arith.maximumf %add3A_147, %mul3A_150 : vector<16xf32>
      %mul3A_152 = arith.mulf %max3A_151, %get3A_16 : vector<16xf32>
      %get3A_153 = arith.index_cast %scan3A_69 : i32 to index
      %get3A_154 = arith.constant 112 : index
      %get3A_155 = tpu.vector_load %arg13[%get3A_153, %get3A_154] {strides = array<i32>} : memref<80x128xf32, #tpu.memory_space<vmem>>, vector<16xf32>,
      %get3A_156 = arith.index_cast %scan3A_69 : i32 to index
      %get3A_157 = arith.constant 112 : index
      %get3A_158 = tpu.vector_load %arg14[%get3A_156, %get3A_157] {strides = array<i32>} : memref<80x128xf32, #tpu.memory_space<vmem>>, vector<16xf32>,
      %add3A_159 = arith.addf %get3A_155, %get3A_158 : vector<16xf32>
      %mul3A_160 = arith.constant 2.000000e-01 : f32
      %mul3A_161 = vector.broadcast %mul3A_160 : f32 to vector<16xf32>
      %mul3A_162 = arith.mulf %add3A_159, %mul3A_161 : vector<16xf32>
      %max3A_163 = arith.maximumf %add3A_159, %mul3A_162 : vector<16xf32>
      %mul3A_164 = arith.mulf %max3A_163, %get3A_18 : vector<16xf32>
      %and3A = arith.constant 3 : i32
      %and3A_165 = arith.andi %scan3A_69, %and3A : i32
      %mul3A_166 = arith.constant 4 : i32
      %mul3A_167 = arith.muli %and3A_165, %mul3A_166 : i32
      %add3A_168 = arith.addf %mul3A_80, %mul3A_92 : vector<16xf32>
      %reduce_sum3A = arith.constant true
      %reduce_sum3A_169 = vector.broadcast %reduce_sum3A : i1 to vector<16xi1>
      %reduce_sum3A_170 = tpu.scan <sum>, %add3A_168 masked %reduce_sum3A_169 : vector<16xf32>, vector<16xi1> -> vector<16xf32>
      %reduce_sum3A_171 = vector.extract %reduce_sum3A_170[15] : f32 from vector<16xf32>
      %add3A_172 = arith.constant 0 : i32
      %add3A_173 = arith.addi %mul3A_167, %add3A_172 : i32
      %eq3A_174 = vector.broadcast %add3A_173 : i32 to vector<16xi32>
      %eq3A_175 = arith.cmpi eq, %iota3A, %eq3A_174 : vector<16xi32>
      %jit3A = arith.constant 0.000000e+00 : f32
      %broadcast_in_dim3A_176 = vector.broadcast %reduce_sum3A_171 : f32 to vector<16xf32>
      %broadcast_in_dim3A_177 = vector.broadcast %jit3A : f32 to vector<16xf32>
      %select_n3A = arith.select %eq3A_175, %broadcast_in_dim3A_176, %broadcast_in_dim3A_177 : vector<16xi1>, vector<16xf32>
      %add3A_178 = arith.addf %broadcast_in_dim3A_1, %select_n3A : vector<16xf32>
      %add3A_179 = arith.addf %mul3A_104, %mul3A_116 : vector<16xf32>
      %reduce_sum3A_180 = arith.constant true
      %reduce_sum3A_181 = vector.broadcast %reduce_sum3A_180 : i1 to vector<16xi1>
      %reduce_sum3A_182 = tpu.scan <sum>, %add3A_179 masked %reduce_sum3A_181 : vector<16xf32>, vector<16xi1> -> vector<16xf32>
      %reduce_sum3A_183 = vector.extract %reduce_sum3A_182[15] : f32 from vector<16xf32>
      %add3A_184 = arith.constant 1 : i32
      %add3A_185 = arith.addi %mul3A_167, %add3A_184 : i32
      %eq3A_186 = vector.broadcast %add3A_185 : i32 to vector<16xi32>
      %eq3A_187 = arith.cmpi eq, %iota3A, %eq3A_186 : vector<16xi32>
      %jit3A_188 = arith.constant 0.000000e+00 : f32
      %broadcast_in_dim3A_189 = vector.broadcast %reduce_sum3A_183 : f32 to vector<16xf32>
      %broadcast_in_dim3A_190 = vector.broadcast %jit3A_188 : f32 to vector<16xf32>
      %select_n3A_191 = arith.select %eq3A_187, %broadcast_in_dim3A_189, %broadcast_in_dim3A_190 : vector<16xi1>, vector<16xf32>
      %add3A_192 = arith.addf %add3A_178, %select_n3A_191 : vector<16xf32>
      %add3A_193 = arith.addf %mul3A_128, %mul3A_140 : vector<16xf32>
      %reduce_sum3A_194 = arith.constant true
      %reduce_sum3A_195 = vector.broadcast %reduce_sum3A_194 : i1 to vector<16xi1>
      %reduce_sum3A_196 = tpu.scan <sum>, %add3A_193 masked %reduce_sum3A_195 : vector<16xf32>, vector<16xi1> -> vector<16xf32>
      %reduce_sum3A_197 = vector.extract %reduce_sum3A_196[15] : f32 from vector<16xf32>
      %add3A_198 = arith.constant 2 : i32
      %add3A_199 = arith.addi %mul3A_167, %add3A_198 : i32
      %eq3A_200 = vector.broadcast %add3A_199 : i32 to vector<16xi32>
      %eq3A_201 = arith.cmpi eq, %iota3A, %eq3A_200 : vector<16xi32>
      %jit3A_202 = arith.constant 0.000000e+00 : f32
      %broadcast_in_dim3A_203 = vector.broadcast %reduce_sum3A_197 : f32 to vector<16xf32>
      %broadcast_in_dim3A_204 = vector.broadcast %jit3A_202 : f32 to vector<16xf32>
      %select_n3A_205 = arith.select %eq3A_201, %broadcast_in_dim3A_203, %broadcast_in_dim3A_204 : vector<16xi1>, vector<16xf32>
      %add3A_206 = arith.addf %add3A_192, %select_n3A_205 : vector<16xf32>
      %add3A_207 = arith.addf %mul3A_152, %mul3A_164 : vector<16xf32>
      %reduce_sum3A_208 = arith.constant true
      %reduce_sum3A_209 = vector.broadcast %reduce_sum3A_208 : i1 to vector<16xi1>
      %reduce_sum3A_210 = tpu.scan <sum>, %add3A_207 masked %reduce_sum3A_209 : vector<16xf32>, vector<16xi1> -> vector<16xf32>
      %reduce_sum3A_211 = vector.extract %reduce_sum3A_210[15] : f32 from vector<16xf32>
      %add3A_212 = arith.constant 3 : i32
      %add3A_213 = arith.addi %mul3A_167, %add3A_212 : i32
      %eq3A_214 = vector.broadcast %add3A_213 : i32 to vector<16xi32>
      %eq3A_215 = arith.cmpi eq, %iota3A, %eq3A_214 : vector<16xi32>
      %jit3A_216 = arith.constant 0.000000e+00 : f32
      %broadcast_in_dim3A_217 = vector.broadcast %reduce_sum3A_211 : f32 to vector<16xf32>
      %broadcast_in_dim3A_218 = vector.broadcast %jit3A_216 : f32 to vector<16xf32>
      %select_n3A_219 = arith.select %eq3A_215, %broadcast_in_dim3A_217, %broadcast_in_dim3A_218 : vector<16xi1>, vector<16xf32>
      %add3A_220 = arith.addf %add3A_206, %select_n3A_219 : vector<16xf32>
      %shift_right_arithmetic3A = arith.constant 2 : i32
      %shift_right_arithmetic3A_221 = arith.shrsi %scan3A_69, %shift_right_arithmetic3A : i32
      %mul3A_222 = arith.constant 16 : i32
      %mul3A_223 = arith.muli %shift_right_arithmetic3A_221, %mul3A_222 : i32
      %get3A_224 = arith.index_cast %mul3A_223 : i32 to index
      %get3A_225 = tpu.vector_load %arg20[%get3A_224] {strides = array<i32>} : memref<320xf32, #tpu.memory_space<vmem>>, vector<16xf32>,
      %add3A_226 = arith.addf %get3A_225, %add3A_220 : vector<16xf32>
      %swap3A = arith.index_cast %mul3A_223 : i32 to index
      %swap3A_227 = tpu.vector_load %arg20[%swap3A] {strides = array<i32>} : memref<320xf32, #tpu.memory_space<vmem>>, vector<16xf32>,
      tpu.vector_store %arg20[%swap3A], %add3A_226 {strides = array<i32>} : memref<320xf32, #tpu.memory_space<vmem>>, vector<16xf32>,
    }
    %scan3A_51 = arith.constant 80 : i32
    %scan3A_52 = arith.constant 0 : i32
    %scan3A_53 = arith.constant 20 : i32
    %scan3A_54 = arith.addi %scan3A_52, %scan3A_53 : i32
    %scan3A_55 = arith.constant 1 : i32
    scf.for %scan3A_69 = %scan3A_52 to %scan3A_54 step %scan3A_55  : i32 {
      %mul3A_70 = arith.constant 16 : i32
      %mul3A_71 = arith.muli %scan3A_69, %mul3A_70 : i32
      %get3A_72 = arith.index_cast %mul3A_71 : i32 to index
      %get3A_73 = tpu.vector_load %arg20[%get3A_72] {strides = array<i32>} : memref<320xf32, #tpu.memory_space<vmem>>, vector<16xf32>,
      %exp3A = math.exp %get3A_73 : vector<16xf32>
      %swap3A = arith.index_cast %mul3A_71 : i32 to index
      %swap3A_74 = tpu.vector_load %arg20[%swap3A] {strides = array<i32>} : memref<320xf32, #tpu.memory_space<vmem>>, vector<16xf32>,
      tpu.vector_store %arg20[%swap3A], %exp3A {strides = array<i32>} : memref<320xf32, #tpu.memory_space<vmem>>, vector<16xf32>,
    }
    %scan3A_56 = arith.constant 20 : i32
    %mul3A_57 = arith.constant 10000 : i32
    %mul3A_58 = arith.muli %add3A, %mul3A_57 : i32
    %add3A_59 = arith.constant 9920 : i32
    %add3A_60 = arith.addi %mul3A_58, %add3A_59 : i32
    %mul3A_61 = arith.constant 4 : i32
    %mul3A_62 = arith.muli %add3A_60, %mul3A_61 : i32
    "tpu.region"() ({
      %run_scoped3A = tpu.sem_alloc : memref<!tpu.dma_semaphore, #tpu.memory_space<semaphore_mem>>
      %dma_start3A_69 = tpu.memref_slice %arg8[%mul3A_62] : memref<1280000xf32, #tpu.memory_space<hbm>> -> memref<320xf32, #tpu.memory_space<hbm>>
      %dma_start3A_70 = tpu.memref_slice %arg8[%mul3A_62] : memref<1280000xf32, #tpu.memory_space<hbm>> -> memref<320xf32, #tpu.memory_space<hbm>>
      tpu.enqueue_dma source(%arg20 : memref<320xf32, #tpu.memory_space<vmem>>) target(%dma_start3A_70 : memref<320xf32, #tpu.memory_space<hbm>>) target_semaphore(%run_scoped3A : memref<!tpu.dma_semaphore, #tpu.memory_space<semaphore_mem>>)
      %dma_wait3A_71 = tpu.memref_slice %arg8[%mul3A_62] : memref<1280000xf32, #tpu.memory_space<hbm>> -> memref<320xf32, #tpu.memory_space<hbm>>
      %dma_wait3A_72 = tpu.memref_slice %arg8[%mul3A_62] : memref<1280000xf32, #tpu.memory_space<hbm>> -> memref<320xf32, #tpu.memory_space<hbm>>
      tpu.wait_dma2 semaphore(%run_scoped3A : memref<!tpu.dma_semaphore, #tpu.memory_space<semaphore_mem>>) src(%arg20 : memref<320xf32, #tpu.memory_space<vmem>>) dst(%dma_wait3A_72 : memref<320xf32, #tpu.memory_space<hbm>>)
      tpu.yield
    }) : () -> ()
    "tpu.region"() ({
      %run_scoped3A = tpu.sem_alloc : memref<!tpu.dma_semaphore, #tpu.memory_space<semaphore_mem>>
      %dma_start3A_69 = arith.constant 0 : i32
      %dma_start3A_70 = tpu.memref_slice %arg22[%dma_start3A_69] : memref<40000xf32, #tpu.memory_space<vmem_shared>> -> memref<40000xf32, #tpu.memory_space<vmem_shared>>
      tpu.enqueue_indirect_dma source(%arg20 : memref<320xf32, #tpu.memory_space<vmem>>) target(%dma_start3A_70 : memref<40000xf32, #tpu.memory_space<vmem_shared>>) offsets(%arg12 : memref<320xi32, #tpu.memory_space<vmem>>) semaphore(%run_scoped3A : memref<!tpu.dma_semaphore, #tpu.memory_space<semaphore_mem>>) {add = true}
      %dma_wait3A_71 = arith.constant 0 : i32
      %dma_wait3A_72 = tpu.memref_slice %arg22[%dma_wait3A_71] : memref<40000xf32, #tpu.memory_space<vmem_shared>> -> memref<40000xf32, #tpu.memory_space<vmem_shared>>
      tpu.wait_indirect_dma semaphore(%run_scoped3A : memref<!tpu.dma_semaphore, #tpu.memory_space<semaphore_mem>>) src(%arg20 : memref<320xf32, #tpu.memory_space<vmem>>) dst(%dma_wait3A_72 : memref<40000xf32, #tpu.memory_space<vmem_shared>>)
      tpu.yield
    }) : () -> ()
    %barrier3A_63 = arith.constant 0 : index
    tpu.barrier barrier_id(%barrier3A_63)
    %eq3A_64 = arith.constant 0 : i32
    %eq3A_65 = arith.cmpi eq, %arg1, %eq3A_64 : i32
    %convert_element_type3A_66 = arith.extui %eq3A_65 : i1 to i32
    %cond3A_67 = arith.constant 0 : i32
    %cond3A_68 = arith.cmpi ne, %convert_element_type3A_66, %cond3A_67 : i32
    scf.if %cond3A_68 {
      "tpu.region"() ({
        %run_scoped3A = tpu.sem_alloc : memref<!tpu.dma_semaphore, #tpu.memory_space<semaphore_mem>>
        %dma_start3A_69 = arith.constant 0 : i32
        %dma_start3A_70 = tpu.memref_slice %arg9[%arg0, %dma_start3A_69] : memref<2x40000xf32, #tpu.memory_space<hbm>> -> memref<1x40000xf32, #tpu.memory_space<hbm>>
        %dma_start3A_71 = tpu.memref_squeeze %dma_start3A_70 : memref<1x40000xf32, #tpu.memory_space<hbm>> -> memref<40000xf32, #tpu.memory_space<hbm>>
        tpu.enqueue_dma source(%arg22 : memref<40000xf32, #tpu.memory_space<vmem_shared>>) target(%dma_start3A_71 : memref<40000xf32, #tpu.memory_space<hbm>>) target_semaphore(%run_scoped3A : memref<!tpu.dma_semaphore, #tpu.memory_space<semaphore_mem>>)
        %dma_wait3A_72 = arith.constant 0 : i32
        %dma_wait3A_73 = tpu.memref_slice %arg9[%arg0, %dma_wait3A_72] : memref<2x40000xf32, #tpu.memory_space<hbm>> -> memref<1x40000xf32, #tpu.memory_space<hbm>>
        %dma_wait3A_74 = tpu.memref_squeeze %dma_wait3A_73 : memref<1x40000xf32, #tpu.memory_space<hbm>> -> memref<40000xf32, #tpu.memory_space<hbm>>
        tpu.wait_dma2 semaphore(%run_scoped3A : memref<!tpu.dma_semaphore, #tpu.memory_space<semaphore_mem>>) src(%arg22 : memref<40000xf32, #tpu.memory_space<vmem_shared>>) dst(%dma_wait3A_74 : memref<40000xf32, #tpu.memory_space<hbm>>)
        tpu.yield
      }) : () -> ()
    } else {
    }
    return
  }
}

#map = affine_map<(d0, d1) -> (0, 0)>
#map1 = affine_map<(d0, d1) -> (0)>
#map2 = affine_map<(d0, d1) -> (0, 0, 0)>
module attributes {stable_mosaic.version = 14 : i64} {
  func.func @k(%arg0: i32, %arg1: i32, %arg2: memref<10000x128xf32, #tpu.memory_space<hbm>>, %arg3: memref<320000xi32, #tpu.memory_space<hbm>>, %arg4: memref<320000xi32, #tpu.memory_space<hbm>>, %arg5: memref<1280000xf32, #tpu.memory_space<hbm>>, %arg6: memref<40000xf32, #tpu.memory_space<hbm>>, %arg7: memref<10000x128xf32, #tpu.memory_space<hbm>>, %arg8: memref<2x10000x128xf32, #tpu.memory_space<hbm>>, %arg9: memref<80xi32, #tpu.memory_space<vmem>>, %arg10: memref<80xi32, #tpu.memory_space<vmem>>, %arg11: memref<320xi32, #tpu.memory_space<vmem>>, %arg12: memref<80x128xf32, #tpu.memory_space<vmem>>, %arg13: memref<320xf32, #tpu.memory_space<vmem>>, %arg14: memref<320xf32, #tpu.memory_space<vmem>>, %arg15: memref<80xi32, #tpu.memory_space<vmem>>, %arg16: memref<80xi32, #tpu.memory_space<vmem>>, %arg17: memref<320xi32, #tpu.memory_space<vmem>>, %arg18: memref<80x128xf32, #tpu.memory_space<vmem>>, %arg19: memref<320xf32, #tpu.memory_space<vmem>>, %arg20: memref<320xf32, #tpu.memory_space<vmem>>, %arg21: memref<80x128xf32, #tpu.memory_space<vmem>>, %arg22: memref<10000x128xf32, #tpu.memory_space<vmem_shared>>, %arg23: memref<!tpu.dma_semaphore, #tpu.memory_space<semaphore_mem>>, %arg24: memref<!tpu.dma_semaphore, #tpu.memory_space<semaphore_mem>>) attributes {dimension_semantics = [#tpu.dimension_semantics<core_parallel>, #tpu.dimension_semantics<subcore_parallel>], iteration_bounds = array<i64: 2, 16>, scalar_prefetch = 0 : i64, scratch_operands = 16 : i64, tpu.core_type = #tpu.core_type<sc_vector_subcore>, window_params = [{transform_indices = #map}, {transform_indices = #map1}, {transform_indices = #map1}, {transform_indices = #map1}, {transform_indices = #map1}, {transform_indices = #map}, {transform_indices = #map2}]} {
    %mul3A = arith.constant 2 : i32
    %mul3A_0 = arith.muli %arg1, %mul3A : i32
    %add3A = arith.addi %mul3A_0, %arg0 : i32
    %iota3A = tpu.iota {dimensions = array<i32: 0>} : vector<16xi32>
    %eq3A = arith.constant 0 : i32
    %eq3A_1 = arith.cmpi eq, %arg1, %eq3A : i32
    %convert_element_type3A = arith.extui %eq3A_1 : i1 to i32
    %cond3A = arith.constant 0 : i32
    %cond3A_2 = arith.cmpi ne, %convert_element_type3A, %cond3A : i32
    scf.if %cond3A_2 {
      "tpu.region"() ({
        %run_scoped3A = tpu.sem_alloc : memref<!tpu.dma_semaphore, #tpu.memory_space<semaphore_mem>>
        tpu.enqueue_dma source(%arg7 : memref<10000x128xf32, #tpu.memory_space<hbm>>) target(%arg22 : memref<10000x128xf32, #tpu.memory_space<vmem_shared>>) target_semaphore(%run_scoped3A : memref<!tpu.dma_semaphore, #tpu.memory_space<semaphore_mem>>)
        tpu.wait_dma2 semaphore(%run_scoped3A : memref<!tpu.dma_semaphore, #tpu.memory_space<semaphore_mem>>) src(%arg7 : memref<10000x128xf32, #tpu.memory_space<hbm>>) dst(%arg22 : memref<10000x128xf32, #tpu.memory_space<vmem_shared>>)
        tpu.yield
      }) : () -> ()
    } else {
    }
    %barrier3A = arith.constant 0 : index
    tpu.barrier barrier_id(%barrier3A)
    %mul3A_3 = arith.constant 10000 : i32
    %mul3A_4 = arith.muli %add3A, %mul3A_3 : i32
    %add3A_5 = arith.constant 0 : i32
    %add3A_6 = arith.addi %mul3A_4, %add3A_5 : i32
    "tpu.region"() ({
      %run_scoped3A = tpu.sem_alloc : memref<!tpu.dma_semaphore, #tpu.memory_space<semaphore_mem>>
      %dma_start3A_52 = tpu.memref_slice %arg3[%add3A_6] : memref<320000xi32, #tpu.memory_space<hbm>> -> memref<80xi32, #tpu.memory_space<hbm>>
      %dma_start3A_53 = tpu.memref_slice %arg3[%add3A_6] : memref<320000xi32, #tpu.memory_space<hbm>> -> memref<80xi32, #tpu.memory_space<hbm>>
      tpu.enqueue_dma source(%dma_start3A_53 : memref<80xi32, #tpu.memory_space<hbm>>) target(%arg9 : memref<80xi32, #tpu.memory_space<vmem>>) target_semaphore(%run_scoped3A : memref<!tpu.dma_semaphore, #tpu.memory_space<semaphore_mem>>)
      %dma_wait3A_54 = tpu.memref_slice %arg3[%add3A_6] : memref<320000xi32, #tpu.memory_space<hbm>> -> memref<80xi32, #tpu.memory_space<hbm>>
      %dma_wait3A_55 = tpu.memref_slice %arg3[%add3A_6] : memref<320000xi32, #tpu.memory_space<hbm>> -> memref<80xi32, #tpu.memory_space<hbm>>
      tpu.wait_dma2 semaphore(%run_scoped3A : memref<!tpu.dma_semaphore, #tpu.memory_space<semaphore_mem>>) src(%dma_wait3A_55 : memref<80xi32, #tpu.memory_space<hbm>>) dst(%arg9 : memref<80xi32, #tpu.memory_space<vmem>>)
      tpu.yield
    }) : () -> ()
    "tpu.region"() ({
      %run_scoped3A = tpu.sem_alloc : memref<!tpu.dma_semaphore, #tpu.memory_space<semaphore_mem>>
      %dma_start3A_52 = tpu.memref_slice %arg4[%add3A_6] : memref<320000xi32, #tpu.memory_space<hbm>> -> memref<80xi32, #tpu.memory_space<hbm>>
      %dma_start3A_53 = tpu.memref_slice %arg4[%add3A_6] : memref<320000xi32, #tpu.memory_space<hbm>> -> memref<80xi32, #tpu.memory_space<hbm>>
      tpu.enqueue_dma source(%dma_start3A_53 : memref<80xi32, #tpu.memory_space<hbm>>) target(%arg10 : memref<80xi32, #tpu.memory_space<vmem>>) target_semaphore(%run_scoped3A : memref<!tpu.dma_semaphore, #tpu.memory_space<semaphore_mem>>)
      %dma_wait3A_54 = tpu.memref_slice %arg4[%add3A_6] : memref<320000xi32, #tpu.memory_space<hbm>> -> memref<80xi32, #tpu.memory_space<hbm>>
      %dma_wait3A_55 = tpu.memref_slice %arg4[%add3A_6] : memref<320000xi32, #tpu.memory_space<hbm>> -> memref<80xi32, #tpu.memory_space<hbm>>
      tpu.wait_dma2 semaphore(%run_scoped3A : memref<!tpu.dma_semaphore, #tpu.memory_space<semaphore_mem>>) src(%dma_wait3A_55 : memref<80xi32, #tpu.memory_space<hbm>>) dst(%arg10 : memref<80xi32, #tpu.memory_space<vmem>>)
      tpu.yield
    }) : () -> ()
    %scan3A = arith.constant 0 : i32
    %scan3A_7 = arith.constant 20 : i32
    %scan3A_8 = arith.addi %scan3A, %scan3A_7 : i32
    %scan3A_9 = arith.constant 1 : i32
    scf.for %scan3A_52 = %scan3A to %scan3A_8 step %scan3A_9  : i32 {
      %mul3A_53 = arith.constant 16 : i32
      %mul3A_54 = arith.muli %scan3A_52, %mul3A_53 : i32
      %add3A_55 = vector.broadcast %mul3A_54 : i32 to vector<16xi32>
      %add3A_56 = arith.addi %add3A_55, %iota3A : vector<16xi32>
      %shift_right_arithmetic3A = arith.constant 2 : i32
      %shift_right_arithmetic3A_57 = vector.broadcast %shift_right_arithmetic3A : i32 to vector<16xi32>
      %shift_right_arithmetic3A_58 = arith.shrsi %add3A_56, %shift_right_arithmetic3A_57 : vector<16xi32>
      %gather3A = tpu.vector_load_idx %arg10[%shift_right_arithmetic3A_58] : memref<80xi32, #tpu.memory_space<vmem>>[vector<16xi32>], vector<16xi32>,
      %mul3A_59 = arith.constant 4 : i32
      %mul3A_60 = vector.broadcast %mul3A_59 : i32 to vector<16xi32>
      %mul3A_61 = arith.muli %gather3A, %mul3A_60 : vector<16xi32>
      %and3A = arith.constant 3 : i32
      %and3A_62 = vector.broadcast %and3A : i32 to vector<16xi32>
      %and3A_63 = arith.andi %add3A_56, %and3A_62 : vector<16xi32>
      %add3A_64 = arith.addi %mul3A_61, %and3A_63 : vector<16xi32>
      %mul3A_65 = arith.constant 16 : i32
      %mul3A_66 = arith.muli %scan3A_52, %mul3A_65 : i32
      %swap3A = arith.index_cast %mul3A_66 : i32 to index
      %swap3A_67 = tpu.vector_load %arg11[%swap3A] {strides = array<i32>} : memref<320xi32, #tpu.memory_space<vmem>>, vector<16xi32>,
      tpu.vector_store %arg11[%swap3A], %add3A_64 {strides = array<i32>} : memref<320xi32, #tpu.memory_space<vmem>>, vector<16xi32>,
    }
    %scan3A_10 = arith.constant 20 : i32
    %dma_start3A = arith.constant 0 : i32
    %dma_start3A_11 = arith.constant 0 : i32
    %dma_start3A_12 = tpu.memref_slice %arg2[%dma_start3A, %dma_start3A_11] : memref<10000x128xf32, #tpu.memory_space<hbm>> -> memref<10000x128xf32, #tpu.memory_space<hbm>>
    tpu.enqueue_indirect_dma source(%dma_start3A_12 : memref<10000x128xf32, #tpu.memory_space<hbm>>) target(%arg12 : memref<80x128xf32, #tpu.memory_space<vmem>>) offsets(%arg9 : memref<80xi32, #tpu.memory_space<vmem>>) semaphore(%arg23 : memref<!tpu.dma_semaphore, #tpu.memory_space<semaphore_mem>>)
    %dma_start3A_13 = arith.constant 0 : i32
    %dma_start3A_14 = tpu.memref_slice %arg6[%dma_start3A_13] : memref<40000xf32, #tpu.memory_space<hbm>> -> memref<40000xf32, #tpu.memory_space<hbm>>
    tpu.enqueue_indirect_dma source(%dma_start3A_14 : memref<40000xf32, #tpu.memory_space<hbm>>) target(%arg14 : memref<320xf32, #tpu.memory_space<vmem>>) offsets(%arg11 : memref<320xi32, #tpu.memory_space<vmem>>) semaphore(%arg23 : memref<!tpu.dma_semaphore, #tpu.memory_space<semaphore_mem>>)
    %mul3A_15 = arith.constant 4 : i32
    %mul3A_16 = arith.muli %add3A_6, %mul3A_15 : i32
    %dma_start3A_17 = tpu.memref_slice %arg5[%mul3A_16] : memref<1280000xf32, #tpu.memory_space<hbm>> -> memref<320xf32, #tpu.memory_space<hbm>>
    %dma_start3A_18 = tpu.memref_slice %arg5[%mul3A_16] : memref<1280000xf32, #tpu.memory_space<hbm>> -> memref<320xf32, #tpu.memory_space<hbm>>
    tpu.enqueue_dma source(%dma_start3A_18 : memref<320xf32, #tpu.memory_space<hbm>>) target(%arg13 : memref<320xf32, #tpu.memory_space<vmem>>) target_semaphore(%arg23 : memref<!tpu.dma_semaphore, #tpu.memory_space<semaphore_mem>>)
    %scan3A_19 = arith.constant 0 : i32
    %scan3A_20 = arith.constant 62 : i32
    %scan3A_21 = arith.addi %scan3A_19, %scan3A_20 : i32
    %scan3A_22 = arith.constant 1 : i32
    scf.for %scan3A_52 = %scan3A_19 to %scan3A_21 step %scan3A_22  : i32 {
      %mul3A_53 = arith.constant 2 : i32
      %mul3A_54 = arith.muli %mul3A_53, %scan3A_52 : i32
      %add3A_55 = arith.constant 1 : i32
      %add3A_56 = arith.addi %mul3A_54, %add3A_55 : i32
      %mul3A_57 = arith.constant 10000 : i32
      %mul3A_58 = arith.muli %add3A, %mul3A_57 : i32
      %mul3A_59 = arith.constant 80 : i32
      %mul3A_60 = arith.muli %add3A_56, %mul3A_59 : i32
      %add3A_61 = arith.addi %mul3A_58, %mul3A_60 : i32
      "tpu.region"() ({
        %run_scoped3A = tpu.sem_alloc : memref<!tpu.dma_semaphore, #tpu.memory_space<semaphore_mem>>
        %dma_start3A_153 = tpu.memref_slice %arg3[%add3A_61] : memref<320000xi32, #tpu.memory_space<hbm>> -> memref<80xi32, #tpu.memory_space<hbm>>
        %dma_start3A_154 = tpu.memref_slice %arg3[%add3A_61] : memref<320000xi32, #tpu.memory_space<hbm>> -> memref<80xi32, #tpu.memory_space<hbm>>
        tpu.enqueue_dma source(%dma_start3A_154 : memref<80xi32, #tpu.memory_space<hbm>>) target(%arg15 : memref<80xi32, #tpu.memory_space<vmem>>) target_semaphore(%run_scoped3A : memref<!tpu.dma_semaphore, #tpu.memory_space<semaphore_mem>>)
        %dma_wait3A_155 = tpu.memref_slice %arg3[%add3A_61] : memref<320000xi32, #tpu.memory_space<hbm>> -> memref<80xi32, #tpu.memory_space<hbm>>
        %dma_wait3A_156 = tpu.memref_slice %arg3[%add3A_61] : memref<320000xi32, #tpu.memory_space<hbm>> -> memref<80xi32, #tpu.memory_space<hbm>>
        tpu.wait_dma2 semaphore(%run_scoped3A : memref<!tpu.dma_semaphore, #tpu.memory_space<semaphore_mem>>) src(%dma_wait3A_156 : memref<80xi32, #tpu.memory_space<hbm>>) dst(%arg15 : memref<80xi32, #tpu.memory_space<vmem>>)
        tpu.yield
      }) : () -> ()
      "tpu.region"() ({
        %run_scoped3A = tpu.sem_alloc : memref<!tpu.dma_semaphore, #tpu.memory_space<semaphore_mem>>
        %dma_start3A_153 = tpu.memref_slice %arg4[%add3A_61] : memref<320000xi32, #tpu.memory_space<hbm>> -> memref<80xi32, #tpu.memory_space<hbm>>
        %dma_start3A_154 = tpu.memref_slice %arg4[%add3A_61] : memref<320000xi32, #tpu.memory_space<hbm>> -> memref<80xi32, #tpu.memory_space<hbm>>
        tpu.enqueue_dma source(%dma_start3A_154 : memref<80xi32, #tpu.memory_space<hbm>>) target(%arg16 : memref<80xi32, #tpu.memory_space<vmem>>) target_semaphore(%run_scoped3A : memref<!tpu.dma_semaphore, #tpu.memory_space<semaphore_mem>>)
        %dma_wait3A_155 = tpu.memref_slice %arg4[%add3A_61] : memref<320000xi32, #tpu.memory_space<hbm>> -> memref<80xi32, #tpu.memory_space<hbm>>
        %dma_wait3A_156 = tpu.memref_slice %arg4[%add3A_61] : memref<320000xi32, #tpu.memory_space<hbm>> -> memref<80xi32, #tpu.memory_space<hbm>>
        tpu.wait_dma2 semaphore(%run_scoped3A : memref<!tpu.dma_semaphore, #tpu.memory_space<semaphore_mem>>) src(%dma_wait3A_156 : memref<80xi32, #tpu.memory_space<hbm>>) dst(%arg16 : memref<80xi32, #tpu.memory_space<vmem>>)
        tpu.yield
      }) : () -> ()
      %scan3A_62 = arith.constant 0 : i32
      %scan3A_63 = arith.constant 20 : i32
      %scan3A_64 = arith.addi %scan3A_62, %scan3A_63 : i32
      %scan3A_65 = arith.constant 1 : i32
      scf.for %scan3A_153 = %scan3A_62 to %scan3A_64 step %scan3A_65  : i32 {
        %mul3A_154 = arith.constant 16 : i32
        %mul3A_155 = arith.muli %scan3A_153, %mul3A_154 : i32
        %add3A_156 = vector.broadcast %mul3A_155 : i32 to vector<16xi32>
        %add3A_157 = arith.addi %add3A_156, %iota3A : vector<16xi32>
        %shift_right_arithmetic3A = arith.constant 2 : i32
        %shift_right_arithmetic3A_158 = vector.broadcast %shift_right_arithmetic3A : i32 to vector<16xi32>
        %shift_right_arithmetic3A_159 = arith.shrsi %add3A_157, %shift_right_arithmetic3A_158 : vector<16xi32>
        %gather3A = tpu.vector_load_idx %arg16[%shift_right_arithmetic3A_159] : memref<80xi32, #tpu.memory_space<vmem>>[vector<16xi32>], vector<16xi32>,
        %mul3A_160 = arith.constant 4 : i32
        %mul3A_161 = vector.broadcast %mul3A_160 : i32 to vector<16xi32>
        %mul3A_162 = arith.muli %gather3A, %mul3A_161 : vector<16xi32>
        %and3A = arith.constant 3 : i32
        %and3A_163 = vector.broadcast %and3A : i32 to vector<16xi32>
        %and3A_164 = arith.andi %add3A_157, %and3A_163 : vector<16xi32>
        %add3A_165 = arith.addi %mul3A_162, %and3A_164 : vector<16xi32>
        %mul3A_166 = arith.constant 16 : i32
        %mul3A_167 = arith.muli %scan3A_153, %mul3A_166 : i32
        %swap3A = arith.index_cast %mul3A_167 : i32 to index
        %swap3A_168 = tpu.vector_load %arg17[%swap3A] {strides = array<i32>} : memref<320xi32, #tpu.memory_space<vmem>>, vector<16xi32>,
        tpu.vector_store %arg17[%swap3A], %add3A_165 {strides = array<i32>} : memref<320xi32, #tpu.memory_space<vmem>>, vector<16xi32>,
      }
      %scan3A_66 = arith.constant 20 : i32
      %dma_start3A_67 = arith.constant 0 : i32
      %dma_start3A_68 = arith.constant 0 : i32
      %dma_start3A_69 = tpu.memref_slice %arg2[%dma_start3A_67, %dma_start3A_68] : memref<10000x128xf32, #tpu.memory_space<hbm>> -> memref<10000x128xf32, #tpu.memory_space<hbm>>
      tpu.enqueue_indirect_dma source(%dma_start3A_69 : memref<10000x128xf32, #tpu.memory_space<hbm>>) target(%arg18 : memref<80x128xf32, #tpu.memory_space<vmem>>) offsets(%arg15 : memref<80xi32, #tpu.memory_space<vmem>>) semaphore(%arg24 : memref<!tpu.dma_semaphore, #tpu.memory_space<semaphore_mem>>)
      %dma_start3A_70 = arith.constant 0 : i32
      %dma_start3A_71 = tpu.memref_slice %arg6[%dma_start3A_70] : memref<40000xf32, #tpu.memory_space<hbm>> -> memref<40000xf32, #tpu.memory_space<hbm>>
      tpu.enqueue_indirect_dma source(%dma_start3A_71 : memref<40000xf32, #tpu.memory_space<hbm>>) target(%arg20 : memref<320xf32, #tpu.memory_space<vmem>>) offsets(%arg17 : memref<320xi32, #tpu.memory_space<vmem>>) semaphore(%arg24 : memref<!tpu.dma_semaphore, #tpu.memory_space<semaphore_mem>>)
      %mul3A_72 = arith.constant 4 : i32
      %mul3A_73 = arith.muli %add3A_61, %mul3A_72 : i32
      %dma_start3A_74 = tpu.memref_slice %arg5[%mul3A_73] : memref<1280000xf32, #tpu.memory_space<hbm>> -> memref<320xf32, #tpu.memory_space<hbm>>
      %dma_start3A_75 = tpu.memref_slice %arg5[%mul3A_73] : memref<1280000xf32, #tpu.memory_space<hbm>> -> memref<320xf32, #tpu.memory_space<hbm>>
      tpu.enqueue_dma source(%dma_start3A_75 : memref<320xf32, #tpu.memory_space<hbm>>) target(%arg19 : memref<320xf32, #tpu.memory_space<vmem>>) target_semaphore(%arg24 : memref<!tpu.dma_semaphore, #tpu.memory_space<semaphore_mem>>)
      %mul3A_76 = arith.constant 2 : i32
      %mul3A_77 = arith.muli %mul3A_76, %scan3A_52 : i32
      %mul3A_78 = arith.constant 10000 : i32
      %mul3A_79 = arith.muli %add3A, %mul3A_78 : i32
      %mul3A_80 = arith.constant 80 : i32
      %mul3A_81 = arith.muli %mul3A_77, %mul3A_80 : i32
      %add3A_82 = arith.addi %mul3A_79, %mul3A_81 : i32
      %dma_wait3A_83 = arith.constant 0 : i32
      %dma_wait3A_84 = arith.constant 0 : i32
      %dma_wait3A_85 = tpu.memref_slice %arg2[%dma_wait3A_83, %dma_wait3A_84] : memref<10000x128xf32, #tpu.memory_space<hbm>> -> memref<10000x128xf32, #tpu.memory_space<hbm>>
      tpu.wait_indirect_dma semaphore(%arg23 : memref<!tpu.dma_semaphore, #tpu.memory_space<semaphore_mem>>) src(%dma_wait3A_85 : memref<10000x128xf32, #tpu.memory_space<hbm>>) dst(%arg12 : memref<80x128xf32, #tpu.memory_space<vmem>>)
      %dma_wait3A_86 = arith.constant 0 : i32
      %dma_wait3A_87 = tpu.memref_slice %arg6[%dma_wait3A_86] : memref<40000xf32, #tpu.memory_space<hbm>> -> memref<40000xf32, #tpu.memory_space<hbm>>
      tpu.wait_indirect_dma semaphore(%arg23 : memref<!tpu.dma_semaphore, #tpu.memory_space<semaphore_mem>>) src(%dma_wait3A_87 : memref<40000xf32, #tpu.memory_space<hbm>>) dst(%arg14 : memref<320xf32, #tpu.memory_space<vmem>>)
      %mul3A_88 = arith.constant 4 : i32
      %mul3A_89 = arith.muli %add3A_82, %mul3A_88 : i32
      %dma_wait3A_90 = tpu.memref_slice %arg5[%mul3A_89] : memref<1280000xf32, #tpu.memory_space<hbm>> -> memref<320xf32, #tpu.memory_space<hbm>>
      %dma_wait3A_91 = tpu.memref_slice %arg5[%mul3A_89] : memref<1280000xf32, #tpu.memory_space<hbm>> -> memref<320xf32, #tpu.memory_space<hbm>>
      tpu.wait_dma2 semaphore(%arg23 : memref<!tpu.dma_semaphore, #tpu.memory_space<semaphore_mem>>) src(%dma_wait3A_91 : memref<320xf32, #tpu.memory_space<hbm>>) dst(%arg13 : memref<320xf32, #tpu.memory_space<vmem>>)
      %scan3A_92 = arith.constant 0 : i32
      %scan3A_93 = arith.constant 20 : i32
      %scan3A_94 = arith.addi %scan3A_92, %scan3A_93 : i32
      %scan3A_95 = arith.constant 1 : i32
      scf.for %scan3A_153 = %scan3A_92 to %scan3A_94 step %scan3A_95  : i32 {
        %mul3A_154 = arith.constant 16 : i32
        %mul3A_155 = arith.muli %scan3A_153, %mul3A_154 : i32
        %get3A = arith.index_cast %mul3A_155 : i32 to index
        %get3A_156 = tpu.vector_load %arg13[%get3A] {strides = array<i32>} : memref<320xf32, #tpu.memory_space<vmem>>, vector<16xf32>,
        %get3A_157 = arith.index_cast %mul3A_155 : i32 to index
        %get3A_158 = tpu.vector_load %arg14[%get3A_157] {strides = array<i32>} : memref<320xf32, #tpu.memory_space<vmem>>, vector<16xf32>,
        %mul3A_159 = arith.mulf %get3A_156, %get3A_158 : vector<16xf32>
        %swap3A = arith.index_cast %mul3A_155 : i32 to index
        %swap3A_160 = tpu.vector_load %arg13[%swap3A] {strides = array<i32>} : memref<320xf32, #tpu.memory_space<vmem>>, vector<16xf32>,
        tpu.vector_store %arg13[%swap3A], %mul3A_159 {strides = array<i32>} : memref<320xf32, #tpu.memory_space<vmem>>, vector<16xf32>,
      }
      %scan3A_96 = arith.constant 20 : i32
      %scan3A_97 = arith.constant 0 : i32
      %scan3A_98 = arith.constant 20 : i32
      %scan3A_99 = arith.addi %scan3A_97, %scan3A_98 : i32
      %scan3A_100 = arith.constant 1 : i32
      scf.for %scan3A_153 = %scan3A_97 to %scan3A_99 step %scan3A_100  : i32 {
        %mul3A_154 = arith.constant 16 : i32
        %mul3A_155 = arith.muli %scan3A_153, %mul3A_154 : i32
        %get3A = arith.index_cast %mul3A_155 : i32 to index
        %get3A_156 = tpu.vector_load %arg13[%get3A] {strides = array<i32>} : memref<320xf32, #tpu.memory_space<vmem>>, vector<16xf32>,
        %mul3A_157 = arith.constant 4 : i32
        %mul3A_158 = arith.muli %scan3A_153, %mul3A_157 : i32
        %add3A_159 = arith.constant 0 : i32
        %add3A_160 = arith.addi %mul3A_158, %add3A_159 : i32
        %slice3A = vector.extract_strided_slice %get3A_156 {offsets = [0], sizes = [1], strides = [1]} : vector<16xf32> to vector<1xf32>
        %squeeze3A = vector.extract %slice3A[0] : f32 from vector<1xf32>
        %slice3A_161 = vector.extract_strided_slice %get3A_156 {offsets = [1], sizes = [1], strides = [1]} : vector<16xf32> to vector<1xf32>
        %squeeze3A_162 = vector.extract %slice3A_161[0] : f32 from vector<1xf32>
        %slice3A_163 = vector.extract_strided_slice %get3A_156 {offsets = [2], sizes = [1], strides = [1]} : vector<16xf32> to vector<1xf32>
        %squeeze3A_164 = vector.extract %slice3A_163[0] : f32 from vector<1xf32>
        %slice3A_165 = vector.extract_strided_slice %get3A_156 {offsets = [3], sizes = [1], strides = [1]} : vector<16xf32> to vector<1xf32>
        %squeeze3A_166 = vector.extract %slice3A_165[0] : f32 from vector<1xf32>
        %get3A_167 = arith.index_cast %add3A_160 : i32 to index
        %get3A_168 = arith.constant 0 : index
        %get3A_169 = tpu.vector_load %arg12[%get3A_167, %get3A_168] {strides = array<i32>} : memref<80x128xf32, #tpu.memory_space<vmem>>, vector<16xf32>,
        %mul3A_170 = vector.broadcast %squeeze3A : f32 to vector<16xf32>
        %mul3A_171 = arith.mulf %get3A_169, %mul3A_170 : vector<16xf32>
        %swap3A = arith.index_cast %add3A_160 : i32 to index
        %swap3A_172 = arith.constant 0 : index
        %swap3A_173 = tpu.vector_load %arg21[%swap3A, %swap3A_172] {strides = array<i32>} : memref<80x128xf32, #tpu.memory_space<vmem>>, vector<16xf32>,
        tpu.vector_store %arg21[%swap3A, %swap3A_172], %mul3A_171 {strides = array<i32>} : memref<80x128xf32, #tpu.memory_space<vmem>>, vector<16xf32>,
        %get3A_174 = arith.index_cast %add3A_160 : i32 to index
        %get3A_175 = arith.constant 16 : index
        %get3A_176 = tpu.vector_load %arg12[%get3A_174, %get3A_175] {strides = array<i32>} : memref<80x128xf32, #tpu.memory_space<vmem>>, vector<16xf32>,
        %mul3A_177 = vector.broadcast %squeeze3A : f32 to vector<16xf32>
        %mul3A_178 = arith.mulf %get3A_176, %mul3A_177 : vector<16xf32>
        %swap3A_179 = arith.index_cast %add3A_160 : i32 to index
        %swap3A_180 = arith.constant 16 : index
        %swap3A_181 = tpu.vector_load %arg21[%swap3A_179, %swap3A_180] {strides = array<i32>} : memref<80x128xf32, #tpu.memory_space<vmem>>, vector<16xf32>,
        tpu.vector_store %arg21[%swap3A_179, %swap3A_180], %mul3A_178 {strides = array<i32>} : memref<80x128xf32, #tpu.memory_space<vmem>>, vector<16xf32>,
        %get3A_182 = arith.index_cast %add3A_160 : i32 to index
        %get3A_183 = arith.constant 32 : index
        %get3A_184 = tpu.vector_load %arg12[%get3A_182, %get3A_183] {strides = array<i32>} : memref<80x128xf32, #tpu.memory_space<vmem>>, vector<16xf32>,
        %mul3A_185 = vector.broadcast %squeeze3A_162 : f32 to vector<16xf32>
        %mul3A_186 = arith.mulf %get3A_184, %mul3A_185 : vector<16xf32>
        %swap3A_187 = arith.index_cast %add3A_160 : i32 to index
        %swap3A_188 = arith.constant 32 : index
        %swap3A_189 = tpu.vector_load %arg21[%swap3A_187, %swap3A_188] {strides = array<i32>} : memref<80x128xf32, #tpu.memory_space<vmem>>, vector<16xf32>,
        tpu.vector_store %arg21[%swap3A_187, %swap3A_188], %mul3A_186 {strides = array<i32>} : memref<80x128xf32, #tpu.memory_space<vmem>>, vector<16xf32>,
        %get3A_190 = arith.index_cast %add3A_160 : i32 to index
        %get3A_191 = arith.constant 48 : index
        %get3A_192 = tpu.vector_load %arg12[%get3A_190, %get3A_191] {strides = array<i32>} : memref<80x128xf32, #tpu.memory_space<vmem>>, vector<16xf32>,
        %mul3A_193 = vector.broadcast %squeeze3A_162 : f32 to vector<16xf32>
        %mul3A_194 = arith.mulf %get3A_192, %mul3A_193 : vector<16xf32>
        %swap3A_195 = arith.index_cast %add3A_160 : i32 to index
        %swap3A_196 = arith.constant 48 : index
        %swap3A_197 = tpu.vector_load %arg21[%swap3A_195, %swap3A_196] {strides = array<i32>} : memref<80x128xf32, #tpu.memory_space<vmem>>, vector<16xf32>,
        tpu.vector_store %arg21[%swap3A_195, %swap3A_196], %mul3A_194 {strides = array<i32>} : memref<80x128xf32, #tpu.memory_space<vmem>>, vector<16xf32>,
        %get3A_198 = arith.index_cast %add3A_160 : i32 to index
        %get3A_199 = arith.constant 64 : index
        %get3A_200 = tpu.vector_load %arg12[%get3A_198, %get3A_199] {strides = array<i32>} : memref<80x128xf32, #tpu.memory_space<vmem>>, vector<16xf32>,
        %mul3A_201 = vector.broadcast %squeeze3A_164 : f32 to vector<16xf32>
        %mul3A_202 = arith.mulf %get3A_200, %mul3A_201 : vector<16xf32>
        %swap3A_203 = arith.index_cast %add3A_160 : i32 to index
        %swap3A_204 = arith.constant 64 : index
        %swap3A_205 = tpu.vector_load %arg21[%swap3A_203, %swap3A_204] {strides = array<i32>} : memref<80x128xf32, #tpu.memory_space<vmem>>, vector<16xf32>,
        tpu.vector_store %arg21[%swap3A_203, %swap3A_204], %mul3A_202 {strides = array<i32>} : memref<80x128xf32, #tpu.memory_space<vmem>>, vector<16xf32>,
        %get3A_206 = arith.index_cast %add3A_160 : i32 to index
        %get3A_207 = arith.constant 80 : index
        %get3A_208 = tpu.vector_load %arg12[%get3A_206, %get3A_207] {strides = array<i32>} : memref<80x128xf32, #tpu.memory_space<vmem>>, vector<16xf32>,
        %mul3A_209 = vector.broadcast %squeeze3A_164 : f32 to vector<16xf32>
        %mul3A_210 = arith.mulf %get3A_208, %mul3A_209 : vector<16xf32>
        %swap3A_211 = arith.index_cast %add3A_160 : i32 to index
        %swap3A_212 = arith.constant 80 : index
        %swap3A_213 = tpu.vector_load %arg21[%swap3A_211, %swap3A_212] {strides = array<i32>} : memref<80x128xf32, #tpu.memory_space<vmem>>, vector<16xf32>,
        tpu.vector_store %arg21[%swap3A_211, %swap3A_212], %mul3A_210 {strides = array<i32>} : memref<80x128xf32, #tpu.memory_space<vmem>>, vector<16xf32>,
        %get3A_214 = arith.index_cast %add3A_160 : i32 to index
        %get3A_215 = arith.constant 96 : index
        %get3A_216 = tpu.vector_load %arg12[%get3A_214, %get3A_215] {strides = array<i32>} : memref<80x128xf32, #tpu.memory_space<vmem>>, vector<16xf32>,
        %mul3A_217 = vector.broadcast %squeeze3A_166 : f32 to vector<16xf32>
        %mul3A_218 = arith.mulf %get3A_216, %mul3A_217 : vector<16xf32>
        %swap3A_219 = arith.index_cast %add3A_160 : i32 to index
        %swap3A_220 = arith.constant 96 : index
        %swap3A_221 = tpu.vector_load %arg21[%swap3A_219, %swap3A_220] {strides = array<i32>} : memref<80x128xf32, #tpu.memory_space<vmem>>, vector<16xf32>,
        tpu.vector_store %arg21[%swap3A_219, %swap3A_220], %mul3A_218 {strides = array<i32>} : memref<80x128xf32, #tpu.memory_space<vmem>>, vector<16xf32>,
        %get3A_222 = arith.index_cast %add3A_160 : i32 to index
        %get3A_223 = arith.constant 112 : index
        %get3A_224 = tpu.vector_load %arg12[%get3A_222, %get3A_223] {strides = array<i32>} : memref<80x128xf32, #tpu.memory_space<vmem>>, vector<16xf32>,
        %mul3A_225 = vector.broadcast %squeeze3A_166 : f32 to vector<16xf32>
        %mul3A_226 = arith.mulf %get3A_224, %mul3A_225 : vector<16xf32>
        %swap3A_227 = arith.index_cast %add3A_160 : i32 to index
        %swap3A_228 = arith.constant 112 : index
        %swap3A_229 = tpu.vector_load %arg21[%swap3A_227, %swap3A_228] {strides = array<i32>} : memref<80x128xf32, #tpu.memory_space<vmem>>, vector<16xf32>,
        tpu.vector_store %arg21[%swap3A_227, %swap3A_228], %mul3A_226 {strides = array<i32>} : memref<80x128xf32, #tpu.memory_space<vmem>>, vector<16xf32>,
        %mul3A_230 = arith.constant 4 : i32
        %mul3A_231 = arith.muli %scan3A_153, %mul3A_230 : i32
        %add3A_232 = arith.constant 1 : i32
        %add3A_233 = arith.addi %mul3A_231, %add3A_232 : i32
        %slice3A_234 = vector.extract_strided_slice %get3A_156 {offsets = [4], sizes = [1], strides = [1]} : vector<16xf32> to vector<1xf32>
        %squeeze3A_235 = vector.extract %slice3A_234[0] : f32 from vector<1xf32>
        %slice3A_236 = vector.extract_strided_slice %get3A_156 {offsets = [5], sizes = [1], strides = [1]} : vector<16xf32> to vector<1xf32>
        %squeeze3A_237 = vector.extract %slice3A_236[0] : f32 from vector<1xf32>
        %slice3A_238 = vector.extract_strided_slice %get3A_156 {offsets = [6], sizes = [1], strides = [1]} : vector<16xf32> to vector<1xf32>
        %squeeze3A_239 = vector.extract %slice3A_238[0] : f32 from vector<1xf32>
        %slice3A_240 = vector.extract_strided_slice %get3A_156 {offsets = [7], sizes = [1], strides = [1]} : vector<16xf32> to vector<1xf32>
        %squeeze3A_241 = vector.extract %slice3A_240[0] : f32 from vector<1xf32>
        %get3A_242 = arith.index_cast %add3A_233 : i32 to index
        %get3A_243 = arith.constant 0 : index
        %get3A_244 = tpu.vector_load %arg12[%get3A_242, %get3A_243] {strides = array<i32>} : memref<80x128xf32, #tpu.memory_space<vmem>>, vector<16xf32>,
        %mul3A_245 = vector.broadcast %squeeze3A_235 : f32 to vector<16xf32>
        %mul3A_246 = arith.mulf %get3A_244, %mul3A_245 : vector<16xf32>
        %swap3A_247 = arith.index_cast %add3A_233 : i32 to index
        %swap3A_248 = arith.constant 0 : index
        %swap3A_249 = tpu.vector_load %arg21[%swap3A_247, %swap3A_248] {strides = array<i32>} : memref<80x128xf32, #tpu.memory_space<vmem>>, vector<16xf32>,
        tpu.vector_store %arg21[%swap3A_247, %swap3A_248], %mul3A_246 {strides = array<i32>} : memref<80x128xf32, #tpu.memory_space<vmem>>, vector<16xf32>,
        %get3A_250 = arith.index_cast %add3A_233 : i32 to index
        %get3A_251 = arith.constant 16 : index
        %get3A_252 = tpu.vector_load %arg12[%get3A_250, %get3A_251] {strides = array<i32>} : memref<80x128xf32, #tpu.memory_space<vmem>>, vector<16xf32>,
        %mul3A_253 = vector.broadcast %squeeze3A_235 : f32 to vector<16xf32>
        %mul3A_254 = arith.mulf %get3A_252, %mul3A_253 : vector<16xf32>
        %swap3A_255 = arith.index_cast %add3A_233 : i32 to index
        %swap3A_256 = arith.constant 16 : index
        %swap3A_257 = tpu.vector_load %arg21[%swap3A_255, %swap3A_256] {strides = array<i32>} : memref<80x128xf32, #tpu.memory_space<vmem>>, vector<16xf32>,
        tpu.vector_store %arg21[%swap3A_255, %swap3A_256], %mul3A_254 {strides = array<i32>} : memref<80x128xf32, #tpu.memory_space<vmem>>, vector<16xf32>,
        %get3A_258 = arith.index_cast %add3A_233 : i32 to index
        %get3A_259 = arith.constant 32 : index
        %get3A_260 = tpu.vector_load %arg12[%get3A_258, %get3A_259] {strides = array<i32>} : memref<80x128xf32, #tpu.memory_space<vmem>>, vector<16xf32>,
        %mul3A_261 = vector.broadcast %squeeze3A_237 : f32 to vector<16xf32>
        %mul3A_262 = arith.mulf %get3A_260, %mul3A_261 : vector<16xf32>
        %swap3A_263 = arith.index_cast %add3A_233 : i32 to index
        %swap3A_264 = arith.constant 32 : index
        %swap3A_265 = tpu.vector_load %arg21[%swap3A_263, %swap3A_264] {strides = array<i32>} : memref<80x128xf32, #tpu.memory_space<vmem>>, vector<16xf32>,
        tpu.vector_store %arg21[%swap3A_263, %swap3A_264], %mul3A_262 {strides = array<i32>} : memref<80x128xf32, #tpu.memory_space<vmem>>, vector<16xf32>,
        %get3A_266 = arith.index_cast %add3A_233 : i32 to index
        %get3A_267 = arith.constant 48 : index
        %get3A_268 = tpu.vector_load %arg12[%get3A_266, %get3A_267] {strides = array<i32>} : memref<80x128xf32, #tpu.memory_space<vmem>>, vector<16xf32>,
        %mul3A_269 = vector.broadcast %squeeze3A_237 : f32 to vector<16xf32>
        %mul3A_270 = arith.mulf %get3A_268, %mul3A_269 : vector<16xf32>
        %swap3A_271 = arith.index_cast %add3A_233 : i32 to index
        %swap3A_272 = arith.constant 48 : index
        %swap3A_273 = tpu.vector_load %arg21[%swap3A_271, %swap3A_272] {strides = array<i32>} : memref<80x128xf32, #tpu.memory_space<vmem>>, vector<16xf32>,
        tpu.vector_store %arg21[%swap3A_271, %swap3A_272], %mul3A_270 {strides = array<i32>} : memref<80x128xf32, #tpu.memory_space<vmem>>, vector<16xf32>,
        %get3A_274 = arith.index_cast %add3A_233 : i32 to index
        %get3A_275 = arith.constant 64 : index
        %get3A_276 = tpu.vector_load %arg12[%get3A_274, %get3A_275] {strides = array<i32>} : memref<80x128xf32, #tpu.memory_space<vmem>>, vector<16xf32>,
        %mul3A_277 = vector.broadcast %squeeze3A_239 : f32 to vector<16xf32>
        %mul3A_278 = arith.mulf %get3A_276, %mul3A_277 : vector<16xf32>
        %swap3A_279 = arith.index_cast %add3A_233 : i32 to index
        %swap3A_280 = arith.constant 64 : index
        %swap3A_281 = tpu.vector_load %arg21[%swap3A_279, %swap3A_280] {strides = array<i32>} : memref<80x128xf32, #tpu.memory_space<vmem>>, vector<16xf32>,
        tpu.vector_store %arg21[%swap3A_279, %swap3A_280], %mul3A_278 {strides = array<i32>} : memref<80x128xf32, #tpu.memory_space<vmem>>, vector<16xf32>,
        %get3A_282 = arith.index_cast %add3A_233 : i32 to index
        %get3A_283 = arith.constant 80 : index
        %get3A_284 = tpu.vector_load %arg12[%get3A_282, %get3A_283] {strides = array<i32>} : memref<80x128xf32, #tpu.memory_space<vmem>>, vector<16xf32>,
        %mul3A_285 = vector.broadcast %squeeze3A_239 : f32 to vector<16xf32>
        %mul3A_286 = arith.mulf %get3A_284, %mul3A_285 : vector<16xf32>
        %swap3A_287 = arith.index_cast %add3A_233 : i32 to index
        %swap3A_288 = arith.constant 80 : index
        %swap3A_289 = tpu.vector_load %arg21[%swap3A_287, %swap3A_288] {strides = array<i32>} : memref<80x128xf32, #tpu.memory_space<vmem>>, vector<16xf32>,
        tpu.vector_store %arg21[%swap3A_287, %swap3A_288], %mul3A_286 {strides = array<i32>} : memref<80x128xf32, #tpu.memory_space<vmem>>, vector<16xf32>,
        %get3A_290 = arith.index_cast %add3A_233 : i32 to index
        %get3A_291 = arith.constant 96 : index
        %get3A_292 = tpu.vector_load %arg12[%get3A_290, %get3A_291] {strides = array<i32>} : memref<80x128xf32, #tpu.memory_space<vmem>>, vector<16xf32>,
        %mul3A_293 = vector.broadcast %squeeze3A_241 : f32 to vector<16xf32>
        %mul3A_294 = arith.mulf %get3A_292, %mul3A_293 : vector<16xf32>
        %swap3A_295 = arith.index_cast %add3A_233 : i32 to index
        %swap3A_296 = arith.constant 96 : index
        %swap3A_297 = tpu.vector_load %arg21[%swap3A_295, %swap3A_296] {strides = array<i32>} : memref<80x128xf32, #tpu.memory_space<vmem>>, vector<16xf32>,
        tpu.vector_store %arg21[%swap3A_295, %swap3A_296], %mul3A_294 {strides = array<i32>} : memref<80x128xf32, #tpu.memory_space<vmem>>, vector<16xf32>,
        %get3A_298 = arith.index_cast %add3A_233 : i32 to index
        %get3A_299 = arith.constant 112 : index
        %get3A_300 = tpu.vector_load %arg12[%get3A_298, %get3A_299] {strides = array<i32>} : memref<80x128xf32, #tpu.memory_space<vmem>>, vector<16xf32>,
        %mul3A_301 = vector.broadcast %squeeze3A_241 : f32 to vector<16xf32>
        %mul3A_302 = arith.mulf %get3A_300, %mul3A_301 : vector<16xf32>
        %swap3A_303 = arith.index_cast %add3A_233 : i32 to index
        %swap3A_304 = arith.constant 112 : index
        %swap3A_305 = tpu.vector_load %arg21[%swap3A_303, %swap3A_304] {strides = array<i32>} : memref<80x128xf32, #tpu.memory_space<vmem>>, vector<16xf32>,
        tpu.vector_store %arg21[%swap3A_303, %swap3A_304], %mul3A_302 {strides = array<i32>} : memref<80x128xf32, #tpu.memory_space<vmem>>, vector<16xf32>,
        %mul3A_306 = arith.constant 4 : i32
        %mul3A_307 = arith.muli %scan3A_153, %mul3A_306 : i32
        %add3A_308 = arith.constant 2 : i32
        %add3A_309 = arith.addi %mul3A_307, %add3A_308 : i32
        %slice3A_310 = vector.extract_strided_slice %get3A_156 {offsets = [8], sizes = [1], strides = [1]} : vector<16xf32> to vector<1xf32>
        %squeeze3A_311 = vector.extract %slice3A_310[0] : f32 from vector<1xf32>
        %slice3A_312 = vector.extract_strided_slice %get3A_156 {offsets = [9], sizes = [1], strides = [1]} : vector<16xf32> to vector<1xf32>
        %squeeze3A_313 = vector.extract %slice3A_312[0] : f32 from vector<1xf32>
        %slice3A_314 = vector.extract_strided_slice %get3A_156 {offsets = [10], sizes = [1], strides = [1]} : vector<16xf32> to vector<1xf32>
        %squeeze3A_315 = vector.extract %slice3A_314[0] : f32 from vector<1xf32>
        %slice3A_316 = vector.extract_strided_slice %get3A_156 {offsets = [11], sizes = [1], strides = [1]} : vector<16xf32> to vector<1xf32>
        %squeeze3A_317 = vector.extract %slice3A_316[0] : f32 from vector<1xf32>
        %get3A_318 = arith.index_cast %add3A_309 : i32 to index
        %get3A_319 = arith.constant 0 : index
        %get3A_320 = tpu.vector_load %arg12[%get3A_318, %get3A_319] {strides = array<i32>} : memref<80x128xf32, #tpu.memory_space<vmem>>, vector<16xf32>,
        %mul3A_321 = vector.broadcast %squeeze3A_311 : f32 to vector<16xf32>
        %mul3A_322 = arith.mulf %get3A_320, %mul3A_321 : vector<16xf32>
        %swap3A_323 = arith.index_cast %add3A_309 : i32 to index
        %swap3A_324 = arith.constant 0 : index
        %swap3A_325 = tpu.vector_load %arg21[%swap3A_323, %swap3A_324] {strides = array<i32>} : memref<80x128xf32, #tpu.memory_space<vmem>>, vector<16xf32>,
        tpu.vector_store %arg21[%swap3A_323, %swap3A_324], %mul3A_322 {strides = array<i32>} : memref<80x128xf32, #tpu.memory_space<vmem>>, vector<16xf32>,
        %get3A_326 = arith.index_cast %add3A_309 : i32 to index
        %get3A_327 = arith.constant 16 : index
        %get3A_328 = tpu.vector_load %arg12[%get3A_326, %get3A_327] {strides = array<i32>} : memref<80x128xf32, #tpu.memory_space<vmem>>, vector<16xf32>,
        %mul3A_329 = vector.broadcast %squeeze3A_311 : f32 to vector<16xf32>
        %mul3A_330 = arith.mulf %get3A_328, %mul3A_329 : vector<16xf32>
        %swap3A_331 = arith.index_cast %add3A_309 : i32 to index
        %swap3A_332 = arith.constant 16 : index
        %swap3A_333 = tpu.vector_load %arg21[%swap3A_331, %swap3A_332] {strides = array<i32>} : memref<80x128xf32, #tpu.memory_space<vmem>>, vector<16xf32>,
        tpu.vector_store %arg21[%swap3A_331, %swap3A_332], %mul3A_330 {strides = array<i32>} : memref<80x128xf32, #tpu.memory_space<vmem>>, vector<16xf32>,
        %get3A_334 = arith.index_cast %add3A_309 : i32 to index
        %get3A_335 = arith.constant 32 : index
        %get3A_336 = tpu.vector_load %arg12[%get3A_334, %get3A_335] {strides = array<i32>} : memref<80x128xf32, #tpu.memory_space<vmem>>, vector<16xf32>,
        %mul3A_337 = vector.broadcast %squeeze3A_313 : f32 to vector<16xf32>
        %mul3A_338 = arith.mulf %get3A_336, %mul3A_337 : vector<16xf32>
        %swap3A_339 = arith.index_cast %add3A_309 : i32 to index
        %swap3A_340 = arith.constant 32 : index
        %swap3A_341 = tpu.vector_load %arg21[%swap3A_339, %swap3A_340] {strides = array<i32>} : memref<80x128xf32, #tpu.memory_space<vmem>>, vector<16xf32>,
        tpu.vector_store %arg21[%swap3A_339, %swap3A_340], %mul3A_338 {strides = array<i32>} : memref<80x128xf32, #tpu.memory_space<vmem>>, vector<16xf32>,
        %get3A_342 = arith.index_cast %add3A_309 : i32 to index
        %get3A_343 = arith.constant 48 : index
        %get3A_344 = tpu.vector_load %arg12[%get3A_342, %get3A_343] {strides = array<i32>} : memref<80x128xf32, #tpu.memory_space<vmem>>, vector<16xf32>,
        %mul3A_345 = vector.broadcast %squeeze3A_313 : f32 to vector<16xf32>
        %mul3A_346 = arith.mulf %get3A_344, %mul3A_345 : vector<16xf32>
        %swap3A_347 = arith.index_cast %add3A_309 : i32 to index
        %swap3A_348 = arith.constant 48 : index
        %swap3A_349 = tpu.vector_load %arg21[%swap3A_347, %swap3A_348] {strides = array<i32>} : memref<80x128xf32, #tpu.memory_space<vmem>>, vector<16xf32>,
        tpu.vector_store %arg21[%swap3A_347, %swap3A_348], %mul3A_346 {strides = array<i32>} : memref<80x128xf32, #tpu.memory_space<vmem>>, vector<16xf32>,
        %get3A_350 = arith.index_cast %add3A_309 : i32 to index
        %get3A_351 = arith.constant 64 : index
        %get3A_352 = tpu.vector_load %arg12[%get3A_350, %get3A_351] {strides = array<i32>} : memref<80x128xf32, #tpu.memory_space<vmem>>, vector<16xf32>,
        %mul3A_353 = vector.broadcast %squeeze3A_315 : f32 to vector<16xf32>
        %mul3A_354 = arith.mulf %get3A_352, %mul3A_353 : vector<16xf32>
        %swap3A_355 = arith.index_cast %add3A_309 : i32 to index
        %swap3A_356 = arith.constant 64 : index
        %swap3A_357 = tpu.vector_load %arg21[%swap3A_355, %swap3A_356] {strides = array<i32>} : memref<80x128xf32, #tpu.memory_space<vmem>>, vector<16xf32>,
        tpu.vector_store %arg21[%swap3A_355, %swap3A_356], %mul3A_354 {strides = array<i32>} : memref<80x128xf32, #tpu.memory_space<vmem>>, vector<16xf32>,
        %get3A_358 = arith.index_cast %add3A_309 : i32 to index
        %get3A_359 = arith.constant 80 : index
        %get3A_360 = tpu.vector_load %arg12[%get3A_358, %get3A_359] {strides = array<i32>} : memref<80x128xf32, #tpu.memory_space<vmem>>, vector<16xf32>,
        %mul3A_361 = vector.broadcast %squeeze3A_315 : f32 to vector<16xf32>
        %mul3A_362 = arith.mulf %get3A_360, %mul3A_361 : vector<16xf32>
        %swap3A_363 = arith.index_cast %add3A_309 : i32 to index
        %swap3A_364 = arith.constant 80 : index
        %swap3A_365 = tpu.vector_load %arg21[%swap3A_363, %swap3A_364] {strides = array<i32>} : memref<80x128xf32, #tpu.memory_space<vmem>>, vector<16xf32>,
        tpu.vector_store %arg21[%swap3A_363, %swap3A_364], %mul3A_362 {strides = array<i32>} : memref<80x128xf32, #tpu.memory_space<vmem>>, vector<16xf32>,
        %get3A_366 = arith.index_cast %add3A_309 : i32 to index
        %get3A_367 = arith.constant 96 : index
        %get3A_368 = tpu.vector_load %arg12[%get3A_366, %get3A_367] {strides = array<i32>} : memref<80x128xf32, #tpu.memory_space<vmem>>, vector<16xf32>,
        %mul3A_369 = vector.broadcast %squeeze3A_317 : f32 to vector<16xf32>
        %mul3A_370 = arith.mulf %get3A_368, %mul3A_369 : vector<16xf32>
        %swap3A_371 = arith.index_cast %add3A_309 : i32 to index
        %swap3A_372 = arith.constant 96 : index
        %swap3A_373 = tpu.vector_load %arg21[%swap3A_371, %swap3A_372] {strides = array<i32>} : memref<80x128xf32, #tpu.memory_space<vmem>>, vector<16xf32>,
        tpu.vector_store %arg21[%swap3A_371, %swap3A_372], %mul3A_370 {strides = array<i32>} : memref<80x128xf32, #tpu.memory_space<vmem>>, vector<16xf32>,
        %get3A_374 = arith.index_cast %add3A_309 : i32 to index
        %get3A_375 = arith.constant 112 : index
        %get3A_376 = tpu.vector_load %arg12[%get3A_374, %get3A_375] {strides = array<i32>} : memref<80x128xf32, #tpu.memory_space<vmem>>, vector<16xf32>,
        %mul3A_377 = vector.broadcast %squeeze3A_317 : f32 to vector<16xf32>
        %mul3A_378 = arith.mulf %get3A_376, %mul3A_377 : vector<16xf32>
        %swap3A_379 = arith.index_cast %add3A_309 : i32 to index
        %swap3A_380 = arith.constant 112 : index
        %swap3A_381 = tpu.vector_load %arg21[%swap3A_379, %swap3A_380] {strides = array<i32>} : memref<80x128xf32, #tpu.memory_space<vmem>>, vector<16xf32>,
        tpu.vector_store %arg21[%swap3A_379, %swap3A_380], %mul3A_378 {strides = array<i32>} : memref<80x128xf32, #tpu.memory_space<vmem>>, vector<16xf32>,
        %mul3A_382 = arith.constant 4 : i32
        %mul3A_383 = arith.muli %scan3A_153, %mul3A_382 : i32
        %add3A_384 = arith.constant 3 : i32
        %add3A_385 = arith.addi %mul3A_383, %add3A_384 : i32
        %slice3A_386 = vector.extract_strided_slice %get3A_156 {offsets = [12], sizes = [1], strides = [1]} : vector<16xf32> to vector<1xf32>
        %squeeze3A_387 = vector.extract %slice3A_386[0] : f32 from vector<1xf32>
        %slice3A_388 = vector.extract_strided_slice %get3A_156 {offsets = [13], sizes = [1], strides = [1]} : vector<16xf32> to vector<1xf32>
        %squeeze3A_389 = vector.extract %slice3A_388[0] : f32 from vector<1xf32>
        %slice3A_390 = vector.extract_strided_slice %get3A_156 {offsets = [14], sizes = [1], strides = [1]} : vector<16xf32> to vector<1xf32>
        %squeeze3A_391 = vector.extract %slice3A_390[0] : f32 from vector<1xf32>
        %slice3A_392 = vector.extract_strided_slice %get3A_156 {offsets = [15], sizes = [1], strides = [1]} : vector<16xf32> to vector<1xf32>
        %squeeze3A_393 = vector.extract %slice3A_392[0] : f32 from vector<1xf32>
        %get3A_394 = arith.index_cast %add3A_385 : i32 to index
        %get3A_395 = arith.constant 0 : index
        %get3A_396 = tpu.vector_load %arg12[%get3A_394, %get3A_395] {strides = array<i32>} : memref<80x128xf32, #tpu.memory_space<vmem>>, vector<16xf32>,
        %mul3A_397 = vector.broadcast %squeeze3A_387 : f32 to vector<16xf32>
        %mul3A_398 = arith.mulf %get3A_396, %mul3A_397 : vector<16xf32>
        %swap3A_399 = arith.index_cast %add3A_385 : i32 to index
        %swap3A_400 = arith.constant 0 : index
        %swap3A_401 = tpu.vector_load %arg21[%swap3A_399, %swap3A_400] {strides = array<i32>} : memref<80x128xf32, #tpu.memory_space<vmem>>, vector<16xf32>,
        tpu.vector_store %arg21[%swap3A_399, %swap3A_400], %mul3A_398 {strides = array<i32>} : memref<80x128xf32, #tpu.memory_space<vmem>>, vector<16xf32>,
        %get3A_402 = arith.index_cast %add3A_385 : i32 to index
        %get3A_403 = arith.constant 16 : index
        %get3A_404 = tpu.vector_load %arg12[%get3A_402, %get3A_403] {strides = array<i32>} : memref<80x128xf32, #tpu.memory_space<vmem>>, vector<16xf32>,
        %mul3A_405 = vector.broadcast %squeeze3A_387 : f32 to vector<16xf32>
        %mul3A_406 = arith.mulf %get3A_404, %mul3A_405 : vector<16xf32>
        %swap3A_407 = arith.index_cast %add3A_385 : i32 to index
        %swap3A_408 = arith.constant 16 : index
        %swap3A_409 = tpu.vector_load %arg21[%swap3A_407, %swap3A_408] {strides = array<i32>} : memref<80x128xf32, #tpu.memory_space<vmem>>, vector<16xf32>,
        tpu.vector_store %arg21[%swap3A_407, %swap3A_408], %mul3A_406 {strides = array<i32>} : memref<80x128xf32, #tpu.memory_space<vmem>>, vector<16xf32>,
        %get3A_410 = arith.index_cast %add3A_385 : i32 to index
        %get3A_411 = arith.constant 32 : index
        %get3A_412 = tpu.vector_load %arg12[%get3A_410, %get3A_411] {strides = array<i32>} : memref<80x128xf32, #tpu.memory_space<vmem>>, vector<16xf32>,
        %mul3A_413 = vector.broadcast %squeeze3A_389 : f32 to vector<16xf32>
        %mul3A_414 = arith.mulf %get3A_412, %mul3A_413 : vector<16xf32>
        %swap3A_415 = arith.index_cast %add3A_385 : i32 to index
        %swap3A_416 = arith.constant 32 : index
        %swap3A_417 = tpu.vector_load %arg21[%swap3A_415, %swap3A_416] {strides = array<i32>} : memref<80x128xf32, #tpu.memory_space<vmem>>, vector<16xf32>,
        tpu.vector_store %arg21[%swap3A_415, %swap3A_416], %mul3A_414 {strides = array<i32>} : memref<80x128xf32, #tpu.memory_space<vmem>>, vector<16xf32>,
        %get3A_418 = arith.index_cast %add3A_385 : i32 to index
        %get3A_419 = arith.constant 48 : index
        %get3A_420 = tpu.vector_load %arg12[%get3A_418, %get3A_419] {strides = array<i32>} : memref<80x128xf32, #tpu.memory_space<vmem>>, vector<16xf32>,
        %mul3A_421 = vector.broadcast %squeeze3A_389 : f32 to vector<16xf32>
        %mul3A_422 = arith.mulf %get3A_420, %mul3A_421 : vector<16xf32>
        %swap3A_423 = arith.index_cast %add3A_385 : i32 to index
        %swap3A_424 = arith.constant 48 : index
        %swap3A_425 = tpu.vector_load %arg21[%swap3A_423, %swap3A_424] {strides = array<i32>} : memref<80x128xf32, #tpu.memory_space<vmem>>, vector<16xf32>,
        tpu.vector_store %arg21[%swap3A_423, %swap3A_424], %mul3A_422 {strides = array<i32>} : memref<80x128xf32, #tpu.memory_space<vmem>>, vector<16xf32>,
        %get3A_426 = arith.index_cast %add3A_385 : i32 to index
        %get3A_427 = arith.constant 64 : index
        %get3A_428 = tpu.vector_load %arg12[%get3A_426, %get3A_427] {strides = array<i32>} : memref<80x128xf32, #tpu.memory_space<vmem>>, vector<16xf32>,
        %mul3A_429 = vector.broadcast %squeeze3A_391 : f32 to vector<16xf32>
        %mul3A_430 = arith.mulf %get3A_428, %mul3A_429 : vector<16xf32>
        %swap3A_431 = arith.index_cast %add3A_385 : i32 to index
        %swap3A_432 = arith.constant 64 : index
        %swap3A_433 = tpu.vector_load %arg21[%swap3A_431, %swap3A_432] {strides = array<i32>} : memref<80x128xf32, #tpu.memory_space<vmem>>, vector<16xf32>,
        tpu.vector_store %arg21[%swap3A_431, %swap3A_432], %mul3A_430 {strides = array<i32>} : memref<80x128xf32, #tpu.memory_space<vmem>>, vector<16xf32>,
        %get3A_434 = arith.index_cast %add3A_385 : i32 to index
        %get3A_435 = arith.constant 80 : index
        %get3A_436 = tpu.vector_load %arg12[%get3A_434, %get3A_435] {strides = array<i32>} : memref<80x128xf32, #tpu.memory_space<vmem>>, vector<16xf32>,
        %mul3A_437 = vector.broadcast %squeeze3A_391 : f32 to vector<16xf32>
        %mul3A_438 = arith.mulf %get3A_436, %mul3A_437 : vector<16xf32>
        %swap3A_439 = arith.index_cast %add3A_385 : i32 to index
        %swap3A_440 = arith.constant 80 : index
        %swap3A_441 = tpu.vector_load %arg21[%swap3A_439, %swap3A_440] {strides = array<i32>} : memref<80x128xf32, #tpu.memory_space<vmem>>, vector<16xf32>,
        tpu.vector_store %arg21[%swap3A_439, %swap3A_440], %mul3A_438 {strides = array<i32>} : memref<80x128xf32, #tpu.memory_space<vmem>>, vector<16xf32>,
        %get3A_442 = arith.index_cast %add3A_385 : i32 to index
        %get3A_443 = arith.constant 96 : index
        %get3A_444 = tpu.vector_load %arg12[%get3A_442, %get3A_443] {strides = array<i32>} : memref<80x128xf32, #tpu.memory_space<vmem>>, vector<16xf32>,
        %mul3A_445 = vector.broadcast %squeeze3A_393 : f32 to vector<16xf32>
        %mul3A_446 = arith.mulf %get3A_444, %mul3A_445 : vector<16xf32>
        %swap3A_447 = arith.index_cast %add3A_385 : i32 to index
        %swap3A_448 = arith.constant 96 : index
        %swap3A_449 = tpu.vector_load %arg21[%swap3A_447, %swap3A_448] {strides = array<i32>} : memref<80x128xf32, #tpu.memory_space<vmem>>, vector<16xf32>,
        tpu.vector_store %arg21[%swap3A_447, %swap3A_448], %mul3A_446 {strides = array<i32>} : memref<80x128xf32, #tpu.memory_space<vmem>>, vector<16xf32>,
        %get3A_450 = arith.index_cast %add3A_385 : i32 to index
        %get3A_451 = arith.constant 112 : index
        %get3A_452 = tpu.vector_load %arg12[%get3A_450, %get3A_451] {strides = array<i32>} : memref<80x128xf32, #tpu.memory_space<vmem>>, vector<16xf32>,
        %mul3A_453 = vector.broadcast %squeeze3A_393 : f32 to vector<16xf32>
        %mul3A_454 = arith.mulf %get3A_452, %mul3A_453 : vector<16xf32>
        %swap3A_455 = arith.index_cast %add3A_385 : i32 to index
        %swap3A_456 = arith.constant 112 : index
        %swap3A_457 = tpu.vector_load %arg21[%swap3A_455, %swap3A_456] {strides = array<i32>} : memref<80x128xf32, #tpu.memory_space<vmem>>, vector<16xf32>,
        tpu.vector_store %arg21[%swap3A_455, %swap3A_456], %mul3A_454 {strides = array<i32>} : memref<80x128xf32, #tpu.memory_space<vmem>>, vector<16xf32>,
      }
      %scan3A_101 = arith.constant 20 : i32
      "tpu.region"() ({
        %run_scoped3A = tpu.sem_alloc : memref<!tpu.dma_semaphore, #tpu.memory_space<semaphore_mem>>
        %dma_start3A_153 = arith.constant 0 : i32
        %dma_start3A_154 = arith.constant 0 : i32
        %dma_start3A_155 = tpu.memref_slice %arg22[%dma_start3A_153, %dma_start3A_154] : memref<10000x128xf32, #tpu.memory_space<vmem_shared>> -> memref<10000x128xf32, #tpu.memory_space<vmem_shared>>
        tpu.enqueue_indirect_dma source(%arg21 : memref<80x128xf32, #tpu.memory_space<vmem>>) target(%dma_start3A_155 : memref<10000x128xf32, #tpu.memory_space<vmem_shared>>) offsets(%arg10 : memref<80xi32, #tpu.memory_space<vmem>>) semaphore(%run_scoped3A : memref<!tpu.dma_semaphore, #tpu.memory_space<semaphore_mem>>) {add = true}
        %dma_wait3A_156 = arith.constant 0 : i32
        %dma_wait3A_157 = arith.constant 0 : i32
        %dma_wait3A_158 = tpu.memref_slice %arg22[%dma_wait3A_156, %dma_wait3A_157] : memref<10000x128xf32, #tpu.memory_space<vmem_shared>> -> memref<10000x128xf32, #tpu.memory_space<vmem_shared>>
        tpu.wait_indirect_dma semaphore(%run_scoped3A : memref<!tpu.dma_semaphore, #tpu.memory_space<semaphore_mem>>) src(%arg21 : memref<80x128xf32, #tpu.memory_space<vmem>>) dst(%dma_wait3A_158 : memref<10000x128xf32, #tpu.memory_space<vmem_shared>>)
        tpu.yield
      }) : () -> ()
      %mul3A_102 = arith.constant 2 : i32
      %mul3A_103 = arith.muli %mul3A_102, %scan3A_52 : i32
      %add3A_104 = arith.constant 2 : i32
      %add3A_105 = arith.addi %mul3A_103, %add3A_104 : i32
      %mul3A_106 = arith.constant 10000 : i32
      %mul3A_107 = arith.muli %add3A, %mul3A_106 : i32
      %mul3A_108 = arith.constant 80 : i32
      %mul3A_109 = arith.muli %add3A_105, %mul3A_108 : i32
      %add3A_110 = arith.addi %mul3A_107, %mul3A_109 : i32
      "tpu.region"() ({
        %run_scoped3A = tpu.sem_alloc : memref<!tpu.dma_semaphore, #tpu.memory_space<semaphore_mem>>
        %dma_start3A_153 = tpu.memref_slice %arg3[%add3A_110] : memref<320000xi32, #tpu.memory_space<hbm>> -> memref<80xi32, #tpu.memory_space<hbm>>
        %dma_start3A_154 = tpu.memref_slice %arg3[%add3A_110] : memref<320000xi32, #tpu.memory_space<hbm>> -> memref<80xi32, #tpu.memory_space<hbm>>
        tpu.enqueue_dma source(%dma_start3A_154 : memref<80xi32, #tpu.memory_space<hbm>>) target(%arg9 : memref<80xi32, #tpu.memory_space<vmem>>) target_semaphore(%run_scoped3A : memref<!tpu.dma_semaphore, #tpu.memory_space<semaphore_mem>>)
        %dma_wait3A_155 = tpu.memref_slice %arg3[%add3A_110] : memref<320000xi32, #tpu.memory_space<hbm>> -> memref<80xi32, #tpu.memory_space<hbm>>
        %dma_wait3A_156 = tpu.memref_slice %arg3[%add3A_110] : memref<320000xi32, #tpu.memory_space<hbm>> -> memref<80xi32, #tpu.memory_space<hbm>>
        tpu.wait_dma2 semaphore(%run_scoped3A : memref<!tpu.dma_semaphore, #tpu.memory_space<semaphore_mem>>) src(%dma_wait3A_156 : memref<80xi32, #tpu.memory_space<hbm>>) dst(%arg9 : memref<80xi32, #tpu.memory_space<vmem>>)
        tpu.yield
      }) : () -> ()
      "tpu.region"() ({
        %run_scoped3A = tpu.sem_alloc : memref<!tpu.dma_semaphore, #tpu.memory_space<semaphore_mem>>
        %dma_start3A_153 = tpu.memref_slice %arg4[%add3A_110] : memref<320000xi32, #tpu.memory_space<hbm>> -> memref<80xi32, #tpu.memory_space<hbm>>
        %dma_start3A_154 = tpu.memref_slice %arg4[%add3A_110] : memref<320000xi32, #tpu.memory_space<hbm>> -> memref<80xi32, #tpu.memory_space<hbm>>
        tpu.enqueue_dma source(%dma_start3A_154 : memref<80xi32, #tpu.memory_space<hbm>>) target(%arg10 : memref<80xi32, #tpu.memory_space<vmem>>) target_semaphore(%run_scoped3A : memref<!tpu.dma_semaphore, #tpu.memory_space<semaphore_mem>>)
        %dma_wait3A_155 = tpu.memref_slice %arg4[%add3A_110] : memref<320000xi32, #tpu.memory_space<hbm>> -> memref<80xi32, #tpu.memory_space<hbm>>
        %dma_wait3A_156 = tpu.memref_slice %arg4[%add3A_110] : memref<320000xi32, #tpu.memory_space<hbm>> -> memref<80xi32, #tpu.memory_space<hbm>>
        tpu.wait_dma2 semaphore(%run_scoped3A : memref<!tpu.dma_semaphore, #tpu.memory_space<semaphore_mem>>) src(%dma_wait3A_156 : memref<80xi32, #tpu.memory_space<hbm>>) dst(%arg10 : memref<80xi32, #tpu.memory_space<vmem>>)
        tpu.yield
      }) : () -> ()
      %scan3A_111 = arith.constant 0 : i32
      %scan3A_112 = arith.constant 20 : i32
      %scan3A_113 = arith.addi %scan3A_111, %scan3A_112 : i32
      %scan3A_114 = arith.constant 1 : i32
      scf.for %scan3A_153 = %scan3A_111 to %scan3A_113 step %scan3A_114  : i32 {
        %mul3A_154 = arith.constant 16 : i32
        %mul3A_155 = arith.muli %scan3A_153, %mul3A_154 : i32
        %add3A_156 = vector.broadcast %mul3A_155 : i32 to vector<16xi32>
        %add3A_157 = arith.addi %add3A_156, %iota3A : vector<16xi32>
        %shift_right_arithmetic3A = arith.constant 2 : i32
        %shift_right_arithmetic3A_158 = vector.broadcast %shift_right_arithmetic3A : i32 to vector<16xi32>
        %shift_right_arithmetic3A_159 = arith.shrsi %add3A_157, %shift_right_arithmetic3A_158 : vector<16xi32>
        %gather3A = tpu.vector_load_idx %arg10[%shift_right_arithmetic3A_159] : memref<80xi32, #tpu.memory_space<vmem>>[vector<16xi32>], vector<16xi32>,
        %mul3A_160 = arith.constant 4 : i32
        %mul3A_161 = vector.broadcast %mul3A_160 : i32 to vector<16xi32>
        %mul3A_162 = arith.muli %gather3A, %mul3A_161 : vector<16xi32>
        %and3A = arith.constant 3 : i32
        %and3A_163 = vector.broadcast %and3A : i32 to vector<16xi32>
        %and3A_164 = arith.andi %add3A_157, %and3A_163 : vector<16xi32>
        %add3A_165 = arith.addi %mul3A_162, %and3A_164 : vector<16xi32>
        %mul3A_166 = arith.constant 16 : i32
        %mul3A_167 = arith.muli %scan3A_153, %mul3A_166 : i32
        %swap3A = arith.index_cast %mul3A_167 : i32 to index
        %swap3A_168 = tpu.vector_load %arg11[%swap3A] {strides = array<i32>} : memref<320xi32, #tpu.memory_space<vmem>>, vector<16xi32>,
        tpu.vector_store %arg11[%swap3A], %add3A_165 {strides = array<i32>} : memref<320xi32, #tpu.memory_space<vmem>>, vector<16xi32>,
      }
      %scan3A_115 = arith.constant 20 : i32
      %dma_start3A_116 = arith.constant 0 : i32
      %dma_start3A_117 = arith.constant 0 : i32
      %dma_start3A_118 = tpu.memref_slice %arg2[%dma_start3A_116, %dma_start3A_117] : memref<10000x128xf32, #tpu.memory_space<hbm>> -> memref<10000x128xf32, #tpu.memory_space<hbm>>
      tpu.enqueue_indirect_dma source(%dma_start3A_118 : memref<10000x128xf32, #tpu.memory_space<hbm>>) target(%arg12 : memref<80x128xf32, #tpu.memory_space<vmem>>) offsets(%arg9 : memref<80xi32, #tpu.memory_space<vmem>>) semaphore(%arg23 : memref<!tpu.dma_semaphore, #tpu.memory_space<semaphore_mem>>)
      %dma_start3A_119 = arith.constant 0 : i32
      %dma_start3A_120 = tpu.memref_slice %arg6[%dma_start3A_119] : memref<40000xf32, #tpu.memory_space<hbm>> -> memref<40000xf32, #tpu.memory_space<hbm>>
      tpu.enqueue_indirect_dma source(%dma_start3A_120 : memref<40000xf32, #tpu.memory_space<hbm>>) target(%arg14 : memref<320xf32, #tpu.memory_space<vmem>>) offsets(%arg11 : memref<320xi32, #tpu.memory_space<vmem>>) semaphore(%arg23 : memref<!tpu.dma_semaphore, #tpu.memory_space<semaphore_mem>>)
      %mul3A_121 = arith.constant 4 : i32
      %mul3A_122 = arith.muli %add3A_110, %mul3A_121 : i32
      %dma_start3A_123 = tpu.memref_slice %arg5[%mul3A_122] : memref<1280000xf32, #tpu.memory_space<hbm>> -> memref<320xf32, #tpu.memory_space<hbm>>
      %dma_start3A_124 = tpu.memref_slice %arg5[%mul3A_122] : memref<1280000xf32, #tpu.memory_space<hbm>> -> memref<320xf32, #tpu.memory_space<hbm>>
      tpu.enqueue_dma source(%dma_start3A_124 : memref<320xf32, #tpu.memory_space<hbm>>) target(%arg13 : memref<320xf32, #tpu.memory_space<vmem>>) target_semaphore(%arg23 : memref<!tpu.dma_semaphore, #tpu.memory_space<semaphore_mem>>)
      %mul3A_125 = arith.constant 2 : i32
      %mul3A_126 = arith.muli %mul3A_125, %scan3A_52 : i32
      %add3A_127 = arith.constant 1 : i32
      %add3A_128 = arith.addi %mul3A_126, %add3A_127 : i32
      %mul3A_129 = arith.constant 10000 : i32
      %mul3A_130 = arith.muli %add3A, %mul3A_129 : i32
      %mul3A_131 = arith.constant 80 : i32
      %mul3A_132 = arith.muli %add3A_128, %mul3A_131 : i32
      %add3A_133 = arith.addi %mul3A_130, %mul3A_132 : i32
      %dma_wait3A_134 = arith.constant 0 : i32
      %dma_wait3A_135 = arith.constant 0 : i32
      %dma_wait3A_136 = tpu.memref_slice %arg2[%dma_wait3A_134, %dma_wait3A_135] : memref<10000x128xf32, #tpu.memory_space<hbm>> -> memref<10000x128xf32, #tpu.memory_space<hbm>>
      tpu.wait_indirect_dma semaphore(%arg24 : memref<!tpu.dma_semaphore, #tpu.memory_space<semaphore_mem>>) src(%dma_wait3A_136 : memref<10000x128xf32, #tpu.memory_space<hbm>>) dst(%arg18 : memref<80x128xf32, #tpu.memory_space<vmem>>)
      %dma_wait3A_137 = arith.constant 0 : i32
      %dma_wait3A_138 = tpu.memref_slice %arg6[%dma_wait3A_137] : memref<40000xf32, #tpu.memory_space<hbm>> -> memref<40000xf32, #tpu.memory_space<hbm>>
      tpu.wait_indirect_dma semaphore(%arg24 : memref<!tpu.dma_semaphore, #tpu.memory_space<semaphore_mem>>) src(%dma_wait3A_138 : memref<40000xf32, #tpu.memory_space<hbm>>) dst(%arg20 : memref<320xf32, #tpu.memory_space<vmem>>)
      %mul3A_139 = arith.constant 4 : i32
      %mul3A_140 = arith.muli %add3A_133, %mul3A_139 : i32
      %dma_wait3A_141 = tpu.memref_slice %arg5[%mul3A_140] : memref<1280000xf32, #tpu.memory_space<hbm>> -> memref<320xf32, #tpu.memory_space<hbm>>
      %dma_wait3A_142 = tpu.memref_slice %arg5[%mul3A_140] : memref<1280000xf32, #tpu.memory_space<hbm>> -> memref<320xf32, #tpu.memory_space<hbm>>
      tpu.wait_dma2 semaphore(%arg24 : memref<!tpu.dma_semaphore, #tpu.memory_space<semaphore_mem>>) src(%dma_wait3A_142 : memref<320xf32, #tpu.memory_space<hbm>>) dst(%arg19 : memref<320xf32, #tpu.memory_space<vmem>>)
      %scan3A_143 = arith.constant 0 : i32
      %scan3A_144 = arith.constant 20 : i32
      %scan3A_145 = arith.addi %scan3A_143, %scan3A_144 : i32
      %scan3A_146 = arith.constant 1 : i32
      scf.for %scan3A_153 = %scan3A_143 to %scan3A_145 step %scan3A_146  : i32 {
        %mul3A_154 = arith.constant 16 : i32
        %mul3A_155 = arith.muli %scan3A_153, %mul3A_154 : i32
        %get3A = arith.index_cast %mul3A_155 : i32 to index
        %get3A_156 = tpu.vector_load %arg19[%get3A] {strides = array<i32>} : memref<320xf32, #tpu.memory_space<vmem>>, vector<16xf32>,
        %get3A_157 = arith.index_cast %mul3A_155 : i32 to index
        %get3A_158 = tpu.vector_load %arg20[%get3A_157] {strides = array<i32>} : memref<320xf32, #tpu.memory_space<vmem>>, vector<16xf32>,
        %mul3A_159 = arith.mulf %get3A_156, %get3A_158 : vector<16xf32>
        %swap3A = arith.index_cast %mul3A_155 : i32 to index
        %swap3A_160 = tpu.vector_load %arg19[%swap3A] {strides = array<i32>} : memref<320xf32, #tpu.memory_space<vmem>>, vector<16xf32>,
        tpu.vector_store %arg19[%swap3A], %mul3A_159 {strides = array<i32>} : memref<320xf32, #tpu.memory_space<vmem>>, vector<16xf32>,
      }
      %scan3A_147 = arith.constant 20 : i32
      %scan3A_148 = arith.constant 0 : i32
      %scan3A_149 = arith.constant 20 : i32
      %scan3A_150 = arith.addi %scan3A_148, %scan3A_149 : i32
      %scan3A_151 = arith.constant 1 : i32
      scf.for %scan3A_153 = %scan3A_148 to %scan3A_150 step %scan3A_151  : i32 {
        %mul3A_154 = arith.constant 16 : i32
        %mul3A_155 = arith.muli %scan3A_153, %mul3A_154 : i32
        %get3A = arith.index_cast %mul3A_155 : i32 to index
        %get3A_156 = tpu.vector_load %arg19[%get3A] {strides = array<i32>} : memref<320xf32, #tpu.memory_space<vmem>>, vector<16xf32>,
        %mul3A_157 = arith.constant 4 : i32
        %mul3A_158 = arith.muli %scan3A_153, %mul3A_157 : i32
        %add3A_159 = arith.constant 0 : i32
        %add3A_160 = arith.addi %mul3A_158, %add3A_159 : i32
        %slice3A = vector.extract_strided_slice %get3A_156 {offsets = [0], sizes = [1], strides = [1]} : vector<16xf32> to vector<1xf32>
        %squeeze3A = vector.extract %slice3A[0] : f32 from vector<1xf32>
        %slice3A_161 = vector.extract_strided_slice %get3A_156 {offsets = [1], sizes = [1], strides = [1]} : vector<16xf32> to vector<1xf32>
        %squeeze3A_162 = vector.extract %slice3A_161[0] : f32 from vector<1xf32>
        %slice3A_163 = vector.extract_strided_slice %get3A_156 {offsets = [2], sizes = [1], strides = [1]} : vector<16xf32> to vector<1xf32>
        %squeeze3A_164 = vector.extract %slice3A_163[0] : f32 from vector<1xf32>
        %slice3A_165 = vector.extract_strided_slice %get3A_156 {offsets = [3], sizes = [1], strides = [1]} : vector<16xf32> to vector<1xf32>
        %squeeze3A_166 = vector.extract %slice3A_165[0] : f32 from vector<1xf32>
        %get3A_167 = arith.index_cast %add3A_160 : i32 to index
        %get3A_168 = arith.constant 0 : index
        %get3A_169 = tpu.vector_load %arg18[%get3A_167, %get3A_168] {strides = array<i32>} : memref<80x128xf32, #tpu.memory_space<vmem>>, vector<16xf32>,
        %mul3A_170 = vector.broadcast %squeeze3A : f32 to vector<16xf32>
        %mul3A_171 = arith.mulf %get3A_169, %mul3A_170 : vector<16xf32>
        %swap3A = arith.index_cast %add3A_160 : i32 to index
        %swap3A_172 = arith.constant 0 : index
        %swap3A_173 = tpu.vector_load %arg21[%swap3A, %swap3A_172] {strides = array<i32>} : memref<80x128xf32, #tpu.memory_space<vmem>>, vector<16xf32>,
        tpu.vector_store %arg21[%swap3A, %swap3A_172], %mul3A_171 {strides = array<i32>} : memref<80x128xf32, #tpu.memory_space<vmem>>, vector<16xf32>,
        %get3A_174 = arith.index_cast %add3A_160 : i32 to index
        %get3A_175 = arith.constant 16 : index
        %get3A_176 = tpu.vector_load %arg18[%get3A_174, %get3A_175] {strides = array<i32>} : memref<80x128xf32, #tpu.memory_space<vmem>>, vector<16xf32>,
        %mul3A_177 = vector.broadcast %squeeze3A : f32 to vector<16xf32>
        %mul3A_178 = arith.mulf %get3A_176, %mul3A_177 : vector<16xf32>
        %swap3A_179 = arith.index_cast %add3A_160 : i32 to index
        %swap3A_180 = arith.constant 16 : index
        %swap3A_181 = tpu.vector_load %arg21[%swap3A_179, %swap3A_180] {strides = array<i32>} : memref<80x128xf32, #tpu.memory_space<vmem>>, vector<16xf32>,
        tpu.vector_store %arg21[%swap3A_179, %swap3A_180], %mul3A_178 {strides = array<i32>} : memref<80x128xf32, #tpu.memory_space<vmem>>, vector<16xf32>,
        %get3A_182 = arith.index_cast %add3A_160 : i32 to index
        %get3A_183 = arith.constant 32 : index
        %get3A_184 = tpu.vector_load %arg18[%get3A_182, %get3A_183] {strides = array<i32>} : memref<80x128xf32, #tpu.memory_space<vmem>>, vector<16xf32>,
        %mul3A_185 = vector.broadcast %squeeze3A_162 : f32 to vector<16xf32>
        %mul3A_186 = arith.mulf %get3A_184, %mul3A_185 : vector<16xf32>
        %swap3A_187 = arith.index_cast %add3A_160 : i32 to index
        %swap3A_188 = arith.constant 32 : index
        %swap3A_189 = tpu.vector_load %arg21[%swap3A_187, %swap3A_188] {strides = array<i32>} : memref<80x128xf32, #tpu.memory_space<vmem>>, vector<16xf32>,
        tpu.vector_store %arg21[%swap3A_187, %swap3A_188], %mul3A_186 {strides = array<i32>} : memref<80x128xf32, #tpu.memory_space<vmem>>, vector<16xf32>,
        %get3A_190 = arith.index_cast %add3A_160 : i32 to index
        %get3A_191 = arith.constant 48 : index
        %get3A_192 = tpu.vector_load %arg18[%get3A_190, %get3A_191] {strides = array<i32>} : memref<80x128xf32, #tpu.memory_space<vmem>>, vector<16xf32>,
        %mul3A_193 = vector.broadcast %squeeze3A_162 : f32 to vector<16xf32>
        %mul3A_194 = arith.mulf %get3A_192, %mul3A_193 : vector<16xf32>
        %swap3A_195 = arith.index_cast %add3A_160 : i32 to index
        %swap3A_196 = arith.constant 48 : index
        %swap3A_197 = tpu.vector_load %arg21[%swap3A_195, %swap3A_196] {strides = array<i32>} : memref<80x128xf32, #tpu.memory_space<vmem>>, vector<16xf32>,
        tpu.vector_store %arg21[%swap3A_195, %swap3A_196], %mul3A_194 {strides = array<i32>} : memref<80x128xf32, #tpu.memory_space<vmem>>, vector<16xf32>,
        %get3A_198 = arith.index_cast %add3A_160 : i32 to index
        %get3A_199 = arith.constant 64 : index
        %get3A_200 = tpu.vector_load %arg18[%get3A_198, %get3A_199] {strides = array<i32>} : memref<80x128xf32, #tpu.memory_space<vmem>>, vector<16xf32>,
        %mul3A_201 = vector.broadcast %squeeze3A_164 : f32 to vector<16xf32>
        %mul3A_202 = arith.mulf %get3A_200, %mul3A_201 : vector<16xf32>
        %swap3A_203 = arith.index_cast %add3A_160 : i32 to index
        %swap3A_204 = arith.constant 64 : index
        %swap3A_205 = tpu.vector_load %arg21[%swap3A_203, %swap3A_204] {strides = array<i32>} : memref<80x128xf32, #tpu.memory_space<vmem>>, vector<16xf32>,
        tpu.vector_store %arg21[%swap3A_203, %swap3A_204], %mul3A_202 {strides = array<i32>} : memref<80x128xf32, #tpu.memory_space<vmem>>, vector<16xf32>,
        %get3A_206 = arith.index_cast %add3A_160 : i32 to index
        %get3A_207 = arith.constant 80 : index
        %get3A_208 = tpu.vector_load %arg18[%get3A_206, %get3A_207] {strides = array<i32>} : memref<80x128xf32, #tpu.memory_space<vmem>>, vector<16xf32>,
        %mul3A_209 = vector.broadcast %squeeze3A_164 : f32 to vector<16xf32>
        %mul3A_210 = arith.mulf %get3A_208, %mul3A_209 : vector<16xf32>
        %swap3A_211 = arith.index_cast %add3A_160 : i32 to index
        %swap3A_212 = arith.constant 80 : index
        %swap3A_213 = tpu.vector_load %arg21[%swap3A_211, %swap3A_212] {strides = array<i32>} : memref<80x128xf32, #tpu.memory_space<vmem>>, vector<16xf32>,
        tpu.vector_store %arg21[%swap3A_211, %swap3A_212], %mul3A_210 {strides = array<i32>} : memref<80x128xf32, #tpu.memory_space<vmem>>, vector<16xf32>,
        %get3A_214 = arith.index_cast %add3A_160 : i32 to index
        %get3A_215 = arith.constant 96 : index
        %get3A_216 = tpu.vector_load %arg18[%get3A_214, %get3A_215] {strides = array<i32>} : memref<80x128xf32, #tpu.memory_space<vmem>>, vector<16xf32>,
        %mul3A_217 = vector.broadcast %squeeze3A_166 : f32 to vector<16xf32>
        %mul3A_218 = arith.mulf %get3A_216, %mul3A_217 : vector<16xf32>
        %swap3A_219 = arith.index_cast %add3A_160 : i32 to index
        %swap3A_220 = arith.constant 96 : index
        %swap3A_221 = tpu.vector_load %arg21[%swap3A_219, %swap3A_220] {strides = array<i32>} : memref<80x128xf32, #tpu.memory_space<vmem>>, vector<16xf32>,
        tpu.vector_store %arg21[%swap3A_219, %swap3A_220], %mul3A_218 {strides = array<i32>} : memref<80x128xf32, #tpu.memory_space<vmem>>, vector<16xf32>,
        %get3A_222 = arith.index_cast %add3A_160 : i32 to index
        %get3A_223 = arith.constant 112 : index
        %get3A_224 = tpu.vector_load %arg18[%get3A_222, %get3A_223] {strides = array<i32>} : memref<80x128xf32, #tpu.memory_space<vmem>>, vector<16xf32>,
        %mul3A_225 = vector.broadcast %squeeze3A_166 : f32 to vector<16xf32>
        %mul3A_226 = arith.mulf %get3A_224, %mul3A_225 : vector<16xf32>
        %swap3A_227 = arith.index_cast %add3A_160 : i32 to index
        %swap3A_228 = arith.constant 112 : index
        %swap3A_229 = tpu.vector_load %arg21[%swap3A_227, %swap3A_228] {strides = array<i32>} : memref<80x128xf32, #tpu.memory_space<vmem>>, vector<16xf32>,
        tpu.vector_store %arg21[%swap3A_227, %swap3A_228], %mul3A_226 {strides = array<i32>} : memref<80x128xf32, #tpu.memory_space<vmem>>, vector<16xf32>,
        %mul3A_230 = arith.constant 4 : i32
        %mul3A_231 = arith.muli %scan3A_153, %mul3A_230 : i32
        %add3A_232 = arith.constant 1 : i32
        %add3A_233 = arith.addi %mul3A_231, %add3A_232 : i32
        %slice3A_234 = vector.extract_strided_slice %get3A_156 {offsets = [4], sizes = [1], strides = [1]} : vector<16xf32> to vector<1xf32>
        %squeeze3A_235 = vector.extract %slice3A_234[0] : f32 from vector<1xf32>
        %slice3A_236 = vector.extract_strided_slice %get3A_156 {offsets = [5], sizes = [1], strides = [1]} : vector<16xf32> to vector<1xf32>
        %squeeze3A_237 = vector.extract %slice3A_236[0] : f32 from vector<1xf32>
        %slice3A_238 = vector.extract_strided_slice %get3A_156 {offsets = [6], sizes = [1], strides = [1]} : vector<16xf32> to vector<1xf32>
        %squeeze3A_239 = vector.extract %slice3A_238[0] : f32 from vector<1xf32>
        %slice3A_240 = vector.extract_strided_slice %get3A_156 {offsets = [7], sizes = [1], strides = [1]} : vector<16xf32> to vector<1xf32>
        %squeeze3A_241 = vector.extract %slice3A_240[0] : f32 from vector<1xf32>
        %get3A_242 = arith.index_cast %add3A_233 : i32 to index
        %get3A_243 = arith.constant 0 : index
        %get3A_244 = tpu.vector_load %arg18[%get3A_242, %get3A_243] {strides = array<i32>} : memref<80x128xf32, #tpu.memory_space<vmem>>, vector<16xf32>,
        %mul3A_245 = vector.broadcast %squeeze3A_235 : f32 to vector<16xf32>
        %mul3A_246 = arith.mulf %get3A_244, %mul3A_245 : vector<16xf32>
        %swap3A_247 = arith.index_cast %add3A_233 : i32 to index
        %swap3A_248 = arith.constant 0 : index
        %swap3A_249 = tpu.vector_load %arg21[%swap3A_247, %swap3A_248] {strides = array<i32>} : memref<80x128xf32, #tpu.memory_space<vmem>>, vector<16xf32>,
        tpu.vector_store %arg21[%swap3A_247, %swap3A_248], %mul3A_246 {strides = array<i32>} : memref<80x128xf32, #tpu.memory_space<vmem>>, vector<16xf32>,
        %get3A_250 = arith.index_cast %add3A_233 : i32 to index
        %get3A_251 = arith.constant 16 : index
        %get3A_252 = tpu.vector_load %arg18[%get3A_250, %get3A_251] {strides = array<i32>} : memref<80x128xf32, #tpu.memory_space<vmem>>, vector<16xf32>,
        %mul3A_253 = vector.broadcast %squeeze3A_235 : f32 to vector<16xf32>
        %mul3A_254 = arith.mulf %get3A_252, %mul3A_253 : vector<16xf32>
        %swap3A_255 = arith.index_cast %add3A_233 : i32 to index
        %swap3A_256 = arith.constant 16 : index
        %swap3A_257 = tpu.vector_load %arg21[%swap3A_255, %swap3A_256] {strides = array<i32>} : memref<80x128xf32, #tpu.memory_space<vmem>>, vector<16xf32>,
        tpu.vector_store %arg21[%swap3A_255, %swap3A_256], %mul3A_254 {strides = array<i32>} : memref<80x128xf32, #tpu.memory_space<vmem>>, vector<16xf32>,
        %get3A_258 = arith.index_cast %add3A_233 : i32 to index
        %get3A_259 = arith.constant 32 : index
        %get3A_260 = tpu.vector_load %arg18[%get3A_258, %get3A_259] {strides = array<i32>} : memref<80x128xf32, #tpu.memory_space<vmem>>, vector<16xf32>,
        %mul3A_261 = vector.broadcast %squeeze3A_237 : f32 to vector<16xf32>
        %mul3A_262 = arith.mulf %get3A_260, %mul3A_261 : vector<16xf32>
        %swap3A_263 = arith.index_cast %add3A_233 : i32 to index
        %swap3A_264 = arith.constant 32 : index
        %swap3A_265 = tpu.vector_load %arg21[%swap3A_263, %swap3A_264] {strides = array<i32>} : memref<80x128xf32, #tpu.memory_space<vmem>>, vector<16xf32>,
        tpu.vector_store %arg21[%swap3A_263, %swap3A_264], %mul3A_262 {strides = array<i32>} : memref<80x128xf32, #tpu.memory_space<vmem>>, vector<16xf32>,
        %get3A_266 = arith.index_cast %add3A_233 : i32 to index
        %get3A_267 = arith.constant 48 : index
        %get3A_268 = tpu.vector_load %arg18[%get3A_266, %get3A_267] {strides = array<i32>} : memref<80x128xf32, #tpu.memory_space<vmem>>, vector<16xf32>,
        %mul3A_269 = vector.broadcast %squeeze3A_237 : f32 to vector<16xf32>
        %mul3A_270 = arith.mulf %get3A_268, %mul3A_269 : vector<16xf32>
        %swap3A_271 = arith.index_cast %add3A_233 : i32 to index
        %swap3A_272 = arith.constant 48 : index
        %swap3A_273 = tpu.vector_load %arg21[%swap3A_271, %swap3A_272] {strides = array<i32>} : memref<80x128xf32, #tpu.memory_space<vmem>>, vector<16xf32>,
        tpu.vector_store %arg21[%swap3A_271, %swap3A_272], %mul3A_270 {strides = array<i32>} : memref<80x128xf32, #tpu.memory_space<vmem>>, vector<16xf32>,
        %get3A_274 = arith.index_cast %add3A_233 : i32 to index
        %get3A_275 = arith.constant 64 : index
        %get3A_276 = tpu.vector_load %arg18[%get3A_274, %get3A_275] {strides = array<i32>} : memref<80x128xf32, #tpu.memory_space<vmem>>, vector<16xf32>,
        %mul3A_277 = vector.broadcast %squeeze3A_239 : f32 to vector<16xf32>
        %mul3A_278 = arith.mulf %get3A_276, %mul3A_277 : vector<16xf32>
        %swap3A_279 = arith.index_cast %add3A_233 : i32 to index
        %swap3A_280 = arith.constant 64 : index
        %swap3A_281 = tpu.vector_load %arg21[%swap3A_279, %swap3A_280] {strides = array<i32>} : memref<80x128xf32, #tpu.memory_space<vmem>>, vector<16xf32>,
        tpu.vector_store %arg21[%swap3A_279, %swap3A_280], %mul3A_278 {strides = array<i32>} : memref<80x128xf32, #tpu.memory_space<vmem>>, vector<16xf32>,
        %get3A_282 = arith.index_cast %add3A_233 : i32 to index
        %get3A_283 = arith.constant 80 : index
        %get3A_284 = tpu.vector_load %arg18[%get3A_282, %get3A_283] {strides = array<i32>} : memref<80x128xf32, #tpu.memory_space<vmem>>, vector<16xf32>,
        %mul3A_285 = vector.broadcast %squeeze3A_239 : f32 to vector<16xf32>
        %mul3A_286 = arith.mulf %get3A_284, %mul3A_285 : vector<16xf32>
        %swap3A_287 = arith.index_cast %add3A_233 : i32 to index
        %swap3A_288 = arith.constant 80 : index
        %swap3A_289 = tpu.vector_load %arg21[%swap3A_287, %swap3A_288] {strides = array<i32>} : memref<80x128xf32, #tpu.memory_space<vmem>>, vector<16xf32>,
        tpu.vector_store %arg21[%swap3A_287, %swap3A_288], %mul3A_286 {strides = array<i32>} : memref<80x128xf32, #tpu.memory_space<vmem>>, vector<16xf32>,
        %get3A_290 = arith.index_cast %add3A_233 : i32 to index
        %get3A_291 = arith.constant 96 : index
        %get3A_292 = tpu.vector_load %arg18[%get3A_290, %get3A_291] {strides = array<i32>} : memref<80x128xf32, #tpu.memory_space<vmem>>, vector<16xf32>,
        %mul3A_293 = vector.broadcast %squeeze3A_241 : f32 to vector<16xf32>
        %mul3A_294 = arith.mulf %get3A_292, %mul3A_293 : vector<16xf32>
        %swap3A_295 = arith.index_cast %add3A_233 : i32 to index
        %swap3A_296 = arith.constant 96 : index
        %swap3A_297 = tpu.vector_load %arg21[%swap3A_295, %swap3A_296] {strides = array<i32>} : memref<80x128xf32, #tpu.memory_space<vmem>>, vector<16xf32>,
        tpu.vector_store %arg21[%swap3A_295, %swap3A_296], %mul3A_294 {strides = array<i32>} : memref<80x128xf32, #tpu.memory_space<vmem>>, vector<16xf32>,
        %get3A_298 = arith.index_cast %add3A_233 : i32 to index
        %get3A_299 = arith.constant 112 : index
        %get3A_300 = tpu.vector_load %arg18[%get3A_298, %get3A_299] {strides = array<i32>} : memref<80x128xf32, #tpu.memory_space<vmem>>, vector<16xf32>,
        %mul3A_301 = vector.broadcast %squeeze3A_241 : f32 to vector<16xf32>
        %mul3A_302 = arith.mulf %get3A_300, %mul3A_301 : vector<16xf32>
        %swap3A_303 = arith.index_cast %add3A_233 : i32 to index
        %swap3A_304 = arith.constant 112 : index
        %swap3A_305 = tpu.vector_load %arg21[%swap3A_303, %swap3A_304] {strides = array<i32>} : memref<80x128xf32, #tpu.memory_space<vmem>>, vector<16xf32>,
        tpu.vector_store %arg21[%swap3A_303, %swap3A_304], %mul3A_302 {strides = array<i32>} : memref<80x128xf32, #tpu.memory_space<vmem>>, vector<16xf32>,
        %mul3A_306 = arith.constant 4 : i32
        %mul3A_307 = arith.muli %scan3A_153, %mul3A_306 : i32
        %add3A_308 = arith.constant 2 : i32
        %add3A_309 = arith.addi %mul3A_307, %add3A_308 : i32
        %slice3A_310 = vector.extract_strided_slice %get3A_156 {offsets = [8], sizes = [1], strides = [1]} : vector<16xf32> to vector<1xf32>
        %squeeze3A_311 = vector.extract %slice3A_310[0] : f32 from vector<1xf32>
        %slice3A_312 = vector.extract_strided_slice %get3A_156 {offsets = [9], sizes = [1], strides = [1]} : vector<16xf32> to vector<1xf32>
        %squeeze3A_313 = vector.extract %slice3A_312[0] : f32 from vector<1xf32>
        %slice3A_314 = vector.extract_strided_slice %get3A_156 {offsets = [10], sizes = [1], strides = [1]} : vector<16xf32> to vector<1xf32>
        %squeeze3A_315 = vector.extract %slice3A_314[0] : f32 from vector<1xf32>
        %slice3A_316 = vector.extract_strided_slice %get3A_156 {offsets = [11], sizes = [1], strides = [1]} : vector<16xf32> to vector<1xf32>
        %squeeze3A_317 = vector.extract %slice3A_316[0] : f32 from vector<1xf32>
        %get3A_318 = arith.index_cast %add3A_309 : i32 to index
        %get3A_319 = arith.constant 0 : index
        %get3A_320 = tpu.vector_load %arg18[%get3A_318, %get3A_319] {strides = array<i32>} : memref<80x128xf32, #tpu.memory_space<vmem>>, vector<16xf32>,
        %mul3A_321 = vector.broadcast %squeeze3A_311 : f32 to vector<16xf32>
        %mul3A_322 = arith.mulf %get3A_320, %mul3A_321 : vector<16xf32>
        %swap3A_323 = arith.index_cast %add3A_309 : i32 to index
        %swap3A_324 = arith.constant 0 : index
        %swap3A_325 = tpu.vector_load %arg21[%swap3A_323, %swap3A_324] {strides = array<i32>} : memref<80x128xf32, #tpu.memory_space<vmem>>, vector<16xf32>,
        tpu.vector_store %arg21[%swap3A_323, %swap3A_324], %mul3A_322 {strides = array<i32>} : memref<80x128xf32, #tpu.memory_space<vmem>>, vector<16xf32>,
        %get3A_326 = arith.index_cast %add3A_309 : i32 to index
        %get3A_327 = arith.constant 16 : index
        %get3A_328 = tpu.vector_load %arg18[%get3A_326, %get3A_327] {strides = array<i32>} : memref<80x128xf32, #tpu.memory_space<vmem>>, vector<16xf32>,
        %mul3A_329 = vector.broadcast %squeeze3A_311 : f32 to vector<16xf32>
        %mul3A_330 = arith.mulf %get3A_328, %mul3A_329 : vector<16xf32>
        %swap3A_331 = arith.index_cast %add3A_309 : i32 to index
        %swap3A_332 = arith.constant 16 : index
        %swap3A_333 = tpu.vector_load %arg21[%swap3A_331, %swap3A_332] {strides = array<i32>} : memref<80x128xf32, #tpu.memory_space<vmem>>, vector<16xf32>,
        tpu.vector_store %arg21[%swap3A_331, %swap3A_332], %mul3A_330 {strides = array<i32>} : memref<80x128xf32, #tpu.memory_space<vmem>>, vector<16xf32>,
        %get3A_334 = arith.index_cast %add3A_309 : i32 to index
        %get3A_335 = arith.constant 32 : index
        %get3A_336 = tpu.vector_load %arg18[%get3A_334, %get3A_335] {strides = array<i32>} : memref<80x128xf32, #tpu.memory_space<vmem>>, vector<16xf32>,
        %mul3A_337 = vector.broadcast %squeeze3A_313 : f32 to vector<16xf32>
        %mul3A_338 = arith.mulf %get3A_336, %mul3A_337 : vector<16xf32>
        %swap3A_339 = arith.index_cast %add3A_309 : i32 to index
        %swap3A_340 = arith.constant 32 : index
        %swap3A_341 = tpu.vector_load %arg21[%swap3A_339, %swap3A_340] {strides = array<i32>} : memref<80x128xf32, #tpu.memory_space<vmem>>, vector<16xf32>,
        tpu.vector_store %arg21[%swap3A_339, %swap3A_340], %mul3A_338 {strides = array<i32>} : memref<80x128xf32, #tpu.memory_space<vmem>>, vector<16xf32>,
        %get3A_342 = arith.index_cast %add3A_309 : i32 to index
        %get3A_343 = arith.constant 48 : index
        %get3A_344 = tpu.vector_load %arg18[%get3A_342, %get3A_343] {strides = array<i32>} : memref<80x128xf32, #tpu.memory_space<vmem>>, vector<16xf32>,
        %mul3A_345 = vector.broadcast %squeeze3A_313 : f32 to vector<16xf32>
        %mul3A_346 = arith.mulf %get3A_344, %mul3A_345 : vector<16xf32>
        %swap3A_347 = arith.index_cast %add3A_309 : i32 to index
        %swap3A_348 = arith.constant 48 : index
        %swap3A_349 = tpu.vector_load %arg21[%swap3A_347, %swap3A_348] {strides = array<i32>} : memref<80x128xf32, #tpu.memory_space<vmem>>, vector<16xf32>,
        tpu.vector_store %arg21[%swap3A_347, %swap3A_348], %mul3A_346 {strides = array<i32>} : memref<80x128xf32, #tpu.memory_space<vmem>>, vector<16xf32>,
        %get3A_350 = arith.index_cast %add3A_309 : i32 to index
        %get3A_351 = arith.constant 64 : index
        %get3A_352 = tpu.vector_load %arg18[%get3A_350, %get3A_351] {strides = array<i32>} : memref<80x128xf32, #tpu.memory_space<vmem>>, vector<16xf32>,
        %mul3A_353 = vector.broadcast %squeeze3A_315 : f32 to vector<16xf32>
        %mul3A_354 = arith.mulf %get3A_352, %mul3A_353 : vector<16xf32>
        %swap3A_355 = arith.index_cast %add3A_309 : i32 to index
        %swap3A_356 = arith.constant 64 : index
        %swap3A_357 = tpu.vector_load %arg21[%swap3A_355, %swap3A_356] {strides = array<i32>} : memref<80x128xf32, #tpu.memory_space<vmem>>, vector<16xf32>,
        tpu.vector_store %arg21[%swap3A_355, %swap3A_356], %mul3A_354 {strides = array<i32>} : memref<80x128xf32, #tpu.memory_space<vmem>>, vector<16xf32>,
        %get3A_358 = arith.index_cast %add3A_309 : i32 to index
        %get3A_359 = arith.constant 80 : index
        %get3A_360 = tpu.vector_load %arg18[%get3A_358, %get3A_359] {strides = array<i32>} : memref<80x128xf32, #tpu.memory_space<vmem>>, vector<16xf32>,
        %mul3A_361 = vector.broadcast %squeeze3A_315 : f32 to vector<16xf32>
        %mul3A_362 = arith.mulf %get3A_360, %mul3A_361 : vector<16xf32>
        %swap3A_363 = arith.index_cast %add3A_309 : i32 to index
        %swap3A_364 = arith.constant 80 : index
        %swap3A_365 = tpu.vector_load %arg21[%swap3A_363, %swap3A_364] {strides = array<i32>} : memref<80x128xf32, #tpu.memory_space<vmem>>, vector<16xf32>,
        tpu.vector_store %arg21[%swap3A_363, %swap3A_364], %mul3A_362 {strides = array<i32>} : memref<80x128xf32, #tpu.memory_space<vmem>>, vector<16xf32>,
        %get3A_366 = arith.index_cast %add3A_309 : i32 to index
        %get3A_367 = arith.constant 96 : index
        %get3A_368 = tpu.vector_load %arg18[%get3A_366, %get3A_367] {strides = array<i32>} : memref<80x128xf32, #tpu.memory_space<vmem>>, vector<16xf32>,
        %mul3A_369 = vector.broadcast %squeeze3A_317 : f32 to vector<16xf32>
        %mul3A_370 = arith.mulf %get3A_368, %mul3A_369 : vector<16xf32>
        %swap3A_371 = arith.index_cast %add3A_309 : i32 to index
        %swap3A_372 = arith.constant 96 : index
        %swap3A_373 = tpu.vector_load %arg21[%swap3A_371, %swap3A_372] {strides = array<i32>} : memref<80x128xf32, #tpu.memory_space<vmem>>, vector<16xf32>,
        tpu.vector_store %arg21[%swap3A_371, %swap3A_372], %mul3A_370 {strides = array<i32>} : memref<80x128xf32, #tpu.memory_space<vmem>>, vector<16xf32>,
        %get3A_374 = arith.index_cast %add3A_309 : i32 to index
        %get3A_375 = arith.constant 112 : index
        %get3A_376 = tpu.vector_load %arg18[%get3A_374, %get3A_375] {strides = array<i32>} : memref<80x128xf32, #tpu.memory_space<vmem>>, vector<16xf32>,
        %mul3A_377 = vector.broadcast %squeeze3A_317 : f32 to vector<16xf32>
        %mul3A_378 = arith.mulf %get3A_376, %mul3A_377 : vector<16xf32>
        %swap3A_379 = arith.index_cast %add3A_309 : i32 to index
        %swap3A_380 = arith.constant 112 : index
        %swap3A_381 = tpu.vector_load %arg21[%swap3A_379, %swap3A_380] {strides = array<i32>} : memref<80x128xf32, #tpu.memory_space<vmem>>, vector<16xf32>,
        tpu.vector_store %arg21[%swap3A_379, %swap3A_380], %mul3A_378 {strides = array<i32>} : memref<80x128xf32, #tpu.memory_space<vmem>>, vector<16xf32>,
        %mul3A_382 = arith.constant 4 : i32
        %mul3A_383 = arith.muli %scan3A_153, %mul3A_382 : i32
        %add3A_384 = arith.constant 3 : i32
        %add3A_385 = arith.addi %mul3A_383, %add3A_384 : i32
        %slice3A_386 = vector.extract_strided_slice %get3A_156 {offsets = [12], sizes = [1], strides = [1]} : vector<16xf32> to vector<1xf32>
        %squeeze3A_387 = vector.extract %slice3A_386[0] : f32 from vector<1xf32>
        %slice3A_388 = vector.extract_strided_slice %get3A_156 {offsets = [13], sizes = [1], strides = [1]} : vector<16xf32> to vector<1xf32>
        %squeeze3A_389 = vector.extract %slice3A_388[0] : f32 from vector<1xf32>
        %slice3A_390 = vector.extract_strided_slice %get3A_156 {offsets = [14], sizes = [1], strides = [1]} : vector<16xf32> to vector<1xf32>
        %squeeze3A_391 = vector.extract %slice3A_390[0] : f32 from vector<1xf32>
        %slice3A_392 = vector.extract_strided_slice %get3A_156 {offsets = [15], sizes = [1], strides = [1]} : vector<16xf32> to vector<1xf32>
        %squeeze3A_393 = vector.extract %slice3A_392[0] : f32 from vector<1xf32>
        %get3A_394 = arith.index_cast %add3A_385 : i32 to index
        %get3A_395 = arith.constant 0 : index
        %get3A_396 = tpu.vector_load %arg18[%get3A_394, %get3A_395] {strides = array<i32>} : memref<80x128xf32, #tpu.memory_space<vmem>>, vector<16xf32>,
        %mul3A_397 = vector.broadcast %squeeze3A_387 : f32 to vector<16xf32>
        %mul3A_398 = arith.mulf %get3A_396, %mul3A_397 : vector<16xf32>
        %swap3A_399 = arith.index_cast %add3A_385 : i32 to index
        %swap3A_400 = arith.constant 0 : index
        %swap3A_401 = tpu.vector_load %arg21[%swap3A_399, %swap3A_400] {strides = array<i32>} : memref<80x128xf32, #tpu.memory_space<vmem>>, vector<16xf32>,
        tpu.vector_store %arg21[%swap3A_399, %swap3A_400], %mul3A_398 {strides = array<i32>} : memref<80x128xf32, #tpu.memory_space<vmem>>, vector<16xf32>,
        %get3A_402 = arith.index_cast %add3A_385 : i32 to index
        %get3A_403 = arith.constant 16 : index
        %get3A_404 = tpu.vector_load %arg18[%get3A_402, %get3A_403] {strides = array<i32>} : memref<80x128xf32, #tpu.memory_space<vmem>>, vector<16xf32>,
        %mul3A_405 = vector.broadcast %squeeze3A_387 : f32 to vector<16xf32>
        %mul3A_406 = arith.mulf %get3A_404, %mul3A_405 : vector<16xf32>
        %swap3A_407 = arith.index_cast %add3A_385 : i32 to index
        %swap3A_408 = arith.constant 16 : index
        %swap3A_409 = tpu.vector_load %arg21[%swap3A_407, %swap3A_408] {strides = array<i32>} : memref<80x128xf32, #tpu.memory_space<vmem>>, vector<16xf32>,
        tpu.vector_store %arg21[%swap3A_407, %swap3A_408], %mul3A_406 {strides = array<i32>} : memref<80x128xf32, #tpu.memory_space<vmem>>, vector<16xf32>,
        %get3A_410 = arith.index_cast %add3A_385 : i32 to index
        %get3A_411 = arith.constant 32 : index
        %get3A_412 = tpu.vector_load %arg18[%get3A_410, %get3A_411] {strides = array<i32>} : memref<80x128xf32, #tpu.memory_space<vmem>>, vector<16xf32>,
        %mul3A_413 = vector.broadcast %squeeze3A_389 : f32 to vector<16xf32>
        %mul3A_414 = arith.mulf %get3A_412, %mul3A_413 : vector<16xf32>
        %swap3A_415 = arith.index_cast %add3A_385 : i32 to index
        %swap3A_416 = arith.constant 32 : index
        %swap3A_417 = tpu.vector_load %arg21[%swap3A_415, %swap3A_416] {strides = array<i32>} : memref<80x128xf32, #tpu.memory_space<vmem>>, vector<16xf32>,
        tpu.vector_store %arg21[%swap3A_415, %swap3A_416], %mul3A_414 {strides = array<i32>} : memref<80x128xf32, #tpu.memory_space<vmem>>, vector<16xf32>,
        %get3A_418 = arith.index_cast %add3A_385 : i32 to index
        %get3A_419 = arith.constant 48 : index
        %get3A_420 = tpu.vector_load %arg18[%get3A_418, %get3A_419] {strides = array<i32>} : memref<80x128xf32, #tpu.memory_space<vmem>>, vector<16xf32>,
        %mul3A_421 = vector.broadcast %squeeze3A_389 : f32 to vector<16xf32>
        %mul3A_422 = arith.mulf %get3A_420, %mul3A_421 : vector<16xf32>
        %swap3A_423 = arith.index_cast %add3A_385 : i32 to index
        %swap3A_424 = arith.constant 48 : index
        %swap3A_425 = tpu.vector_load %arg21[%swap3A_423, %swap3A_424] {strides = array<i32>} : memref<80x128xf32, #tpu.memory_space<vmem>>, vector<16xf32>,
        tpu.vector_store %arg21[%swap3A_423, %swap3A_424], %mul3A_422 {strides = array<i32>} : memref<80x128xf32, #tpu.memory_space<vmem>>, vector<16xf32>,
        %get3A_426 = arith.index_cast %add3A_385 : i32 to index
        %get3A_427 = arith.constant 64 : index
        %get3A_428 = tpu.vector_load %arg18[%get3A_426, %get3A_427] {strides = array<i32>} : memref<80x128xf32, #tpu.memory_space<vmem>>, vector<16xf32>,
        %mul3A_429 = vector.broadcast %squeeze3A_391 : f32 to vector<16xf32>
        %mul3A_430 = arith.mulf %get3A_428, %mul3A_429 : vector<16xf32>
        %swap3A_431 = arith.index_cast %add3A_385 : i32 to index
        %swap3A_432 = arith.constant 64 : index
        %swap3A_433 = tpu.vector_load %arg21[%swap3A_431, %swap3A_432] {strides = array<i32>} : memref<80x128xf32, #tpu.memory_space<vmem>>, vector<16xf32>,
        tpu.vector_store %arg21[%swap3A_431, %swap3A_432], %mul3A_430 {strides = array<i32>} : memref<80x128xf32, #tpu.memory_space<vmem>>, vector<16xf32>,
        %get3A_434 = arith.index_cast %add3A_385 : i32 to index
        %get3A_435 = arith.constant 80 : index
        %get3A_436 = tpu.vector_load %arg18[%get3A_434, %get3A_435] {strides = array<i32>} : memref<80x128xf32, #tpu.memory_space<vmem>>, vector<16xf32>,
        %mul3A_437 = vector.broadcast %squeeze3A_391 : f32 to vector<16xf32>
        %mul3A_438 = arith.mulf %get3A_436, %mul3A_437 : vector<16xf32>
        %swap3A_439 = arith.index_cast %add3A_385 : i32 to index
        %swap3A_440 = arith.constant 80 : index
        %swap3A_441 = tpu.vector_load %arg21[%swap3A_439, %swap3A_440] {strides = array<i32>} : memref<80x128xf32, #tpu.memory_space<vmem>>, vector<16xf32>,
        tpu.vector_store %arg21[%swap3A_439, %swap3A_440], %mul3A_438 {strides = array<i32>} : memref<80x128xf32, #tpu.memory_space<vmem>>, vector<16xf32>,
        %get3A_442 = arith.index_cast %add3A_385 : i32 to index
        %get3A_443 = arith.constant 96 : index
        %get3A_444 = tpu.vector_load %arg18[%get3A_442, %get3A_443] {strides = array<i32>} : memref<80x128xf32, #tpu.memory_space<vmem>>, vector<16xf32>,
        %mul3A_445 = vector.broadcast %squeeze3A_393 : f32 to vector<16xf32>
        %mul3A_446 = arith.mulf %get3A_444, %mul3A_445 : vector<16xf32>
        %swap3A_447 = arith.index_cast %add3A_385 : i32 to index
        %swap3A_448 = arith.constant 96 : index
        %swap3A_449 = tpu.vector_load %arg21[%swap3A_447, %swap3A_448] {strides = array<i32>} : memref<80x128xf32, #tpu.memory_space<vmem>>, vector<16xf32>,
        tpu.vector_store %arg21[%swap3A_447, %swap3A_448], %mul3A_446 {strides = array<i32>} : memref<80x128xf32, #tpu.memory_space<vmem>>, vector<16xf32>,
        %get3A_450 = arith.index_cast %add3A_385 : i32 to index
        %get3A_451 = arith.constant 112 : index
        %get3A_452 = tpu.vector_load %arg18[%get3A_450, %get3A_451] {strides = array<i32>} : memref<80x128xf32, #tpu.memory_space<vmem>>, vector<16xf32>,
        %mul3A_453 = vector.broadcast %squeeze3A_393 : f32 to vector<16xf32>
        %mul3A_454 = arith.mulf %get3A_452, %mul3A_453 : vector<16xf32>
        %swap3A_455 = arith.index_cast %add3A_385 : i32 to index
        %swap3A_456 = arith.constant 112 : index
        %swap3A_457 = tpu.vector_load %arg21[%swap3A_455, %swap3A_456] {strides = array<i32>} : memref<80x128xf32, #tpu.memory_space<vmem>>, vector<16xf32>,
        tpu.vector_store %arg21[%swap3A_455, %swap3A_456], %mul3A_454 {strides = array<i32>} : memref<80x128xf32, #tpu.memory_space<vmem>>, vector<16xf32>,
      }
      %scan3A_152 = arith.constant 20 : i32
      "tpu.region"() ({
        %run_scoped3A = tpu.sem_alloc : memref<!tpu.dma_semaphore, #tpu.memory_space<semaphore_mem>>
        %dma_start3A_153 = arith.constant 0 : i32
        %dma_start3A_154 = arith.constant 0 : i32
        %dma_start3A_155 = tpu.memref_slice %arg22[%dma_start3A_153, %dma_start3A_154] : memref<10000x128xf32, #tpu.memory_space<vmem_shared>> -> memref<10000x128xf32, #tpu.memory_space<vmem_shared>>
        tpu.enqueue_indirect_dma source(%arg21 : memref<80x128xf32, #tpu.memory_space<vmem>>) target(%dma_start3A_155 : memref<10000x128xf32, #tpu.memory_space<vmem_shared>>) offsets(%arg16 : memref<80xi32, #tpu.memory_space<vmem>>) semaphore(%run_scoped3A : memref<!tpu.dma_semaphore, #tpu.memory_space<semaphore_mem>>) {add = true}
        %dma_wait3A_156 = arith.constant 0 : i32
        %dma_wait3A_157 = arith.constant 0 : i32
        %dma_wait3A_158 = tpu.memref_slice %arg22[%dma_wait3A_156, %dma_wait3A_157] : memref<10000x128xf32, #tpu.memory_space<vmem_shared>> -> memref<10000x128xf32, #tpu.memory_space<vmem_shared>>
        tpu.wait_indirect_dma semaphore(%run_scoped3A : memref<!tpu.dma_semaphore, #tpu.memory_space<semaphore_mem>>) src(%arg21 : memref<80x128xf32, #tpu.memory_space<vmem>>) dst(%dma_wait3A_158 : memref<10000x128xf32, #tpu.memory_space<vmem_shared>>)
        tpu.yield
      }) : () -> ()
    }
    %scan3A_23 = arith.constant 62 : i32
    %mul3A_24 = arith.constant 10000 : i32
    %mul3A_25 = arith.muli %add3A, %mul3A_24 : i32
    %add3A_26 = arith.constant 9920 : i32
    %add3A_27 = arith.addi %mul3A_25, %add3A_26 : i32
    %dma_wait3A = arith.constant 0 : i32
    %dma_wait3A_28 = arith.constant 0 : i32
    %dma_wait3A_29 = tpu.memref_slice %arg2[%dma_wait3A, %dma_wait3A_28] : memref<10000x128xf32, #tpu.memory_space<hbm>> -> memref<10000x128xf32, #tpu.memory_space<hbm>>
    tpu.wait_indirect_dma semaphore(%arg23 : memref<!tpu.dma_semaphore, #tpu.memory_space<semaphore_mem>>) src(%dma_wait3A_29 : memref<10000x128xf32, #tpu.memory_space<hbm>>) dst(%arg12 : memref<80x128xf32, #tpu.memory_space<vmem>>)
    %dma_wait3A_30 = arith.constant 0 : i32
    %dma_wait3A_31 = tpu.memref_slice %arg6[%dma_wait3A_30] : memref<40000xf32, #tpu.memory_space<hbm>> -> memref<40000xf32, #tpu.memory_space<hbm>>
    tpu.wait_indirect_dma semaphore(%arg23 : memref<!tpu.dma_semaphore, #tpu.memory_space<semaphore_mem>>) src(%dma_wait3A_31 : memref<40000xf32, #tpu.memory_space<hbm>>) dst(%arg14 : memref<320xf32, #tpu.memory_space<vmem>>)
    %mul3A_32 = arith.constant 4 : i32
    %mul3A_33 = arith.muli %add3A_27, %mul3A_32 : i32
    %dma_wait3A_34 = tpu.memref_slice %arg5[%mul3A_33] : memref<1280000xf32, #tpu.memory_space<hbm>> -> memref<320xf32, #tpu.memory_space<hbm>>
    %dma_wait3A_35 = tpu.memref_slice %arg5[%mul3A_33] : memref<1280000xf32, #tpu.memory_space<hbm>> -> memref<320xf32, #tpu.memory_space<hbm>>
    tpu.wait_dma2 semaphore(%arg23 : memref<!tpu.dma_semaphore, #tpu.memory_space<semaphore_mem>>) src(%dma_wait3A_35 : memref<320xf32, #tpu.memory_space<hbm>>) dst(%arg13 : memref<320xf32, #tpu.memory_space<vmem>>)
    %scan3A_36 = arith.constant 0 : i32
    %scan3A_37 = arith.constant 20 : i32
    %scan3A_38 = arith.addi %scan3A_36, %scan3A_37 : i32
    %scan3A_39 = arith.constant 1 : i32
    scf.for %scan3A_52 = %scan3A_36 to %scan3A_38 step %scan3A_39  : i32 {
      %mul3A_53 = arith.constant 16 : i32
      %mul3A_54 = arith.muli %scan3A_52, %mul3A_53 : i32
      %get3A = arith.index_cast %mul3A_54 : i32 to index
      %get3A_55 = tpu.vector_load %arg13[%get3A] {strides = array<i32>} : memref<320xf32, #tpu.memory_space<vmem>>, vector<16xf32>,
      %get3A_56 = arith.index_cast %mul3A_54 : i32 to index
      %get3A_57 = tpu.vector_load %arg14[%get3A_56] {strides = array<i32>} : memref<320xf32, #tpu.memory_space<vmem>>, vector<16xf32>,
      %mul3A_58 = arith.mulf %get3A_55, %get3A_57 : vector<16xf32>
      %swap3A = arith.index_cast %mul3A_54 : i32 to index
      %swap3A_59 = tpu.vector_load %arg13[%swap3A] {strides = array<i32>} : memref<320xf32, #tpu.memory_space<vmem>>, vector<16xf32>,
      tpu.vector_store %arg13[%swap3A], %mul3A_58 {strides = array<i32>} : memref<320xf32, #tpu.memory_space<vmem>>, vector<16xf32>,
    }
    %scan3A_40 = arith.constant 20 : i32
    %scan3A_41 = arith.constant 0 : i32
    %scan3A_42 = arith.constant 20 : i32
    %scan3A_43 = arith.addi %scan3A_41, %scan3A_42 : i32
    %scan3A_44 = arith.constant 1 : i32
    scf.for %scan3A_52 = %scan3A_41 to %scan3A_43 step %scan3A_44  : i32 {
      %mul3A_53 = arith.constant 16 : i32
      %mul3A_54 = arith.muli %scan3A_52, %mul3A_53 : i32
      %get3A = arith.index_cast %mul3A_54 : i32 to index
      %get3A_55 = tpu.vector_load %arg13[%get3A] {strides = array<i32>} : memref<320xf32, #tpu.memory_space<vmem>>, vector<16xf32>,
      %mul3A_56 = arith.constant 4 : i32
      %mul3A_57 = arith.muli %scan3A_52, %mul3A_56 : i32
      %add3A_58 = arith.constant 0 : i32
      %add3A_59 = arith.addi %mul3A_57, %add3A_58 : i32
      %slice3A = vector.extract_strided_slice %get3A_55 {offsets = [0], sizes = [1], strides = [1]} : vector<16xf32> to vector<1xf32>
      %squeeze3A = vector.extract %slice3A[0] : f32 from vector<1xf32>
      %slice3A_60 = vector.extract_strided_slice %get3A_55 {offsets = [1], sizes = [1], strides = [1]} : vector<16xf32> to vector<1xf32>
      %squeeze3A_61 = vector.extract %slice3A_60[0] : f32 from vector<1xf32>
      %slice3A_62 = vector.extract_strided_slice %get3A_55 {offsets = [2], sizes = [1], strides = [1]} : vector<16xf32> to vector<1xf32>
      %squeeze3A_63 = vector.extract %slice3A_62[0] : f32 from vector<1xf32>
      %slice3A_64 = vector.extract_strided_slice %get3A_55 {offsets = [3], sizes = [1], strides = [1]} : vector<16xf32> to vector<1xf32>
      %squeeze3A_65 = vector.extract %slice3A_64[0] : f32 from vector<1xf32>
      %get3A_66 = arith.index_cast %add3A_59 : i32 to index
      %get3A_67 = arith.constant 0 : index
      %get3A_68 = tpu.vector_load %arg12[%get3A_66, %get3A_67] {strides = array<i32>} : memref<80x128xf32, #tpu.memory_space<vmem>>, vector<16xf32>,
      %mul3A_69 = vector.broadcast %squeeze3A : f32 to vector<16xf32>
      %mul3A_70 = arith.mulf %get3A_68, %mul3A_69 : vector<16xf32>
      %swap3A = arith.index_cast %add3A_59 : i32 to index
      %swap3A_71 = arith.constant 0 : index
      %swap3A_72 = tpu.vector_load %arg21[%swap3A, %swap3A_71] {strides = array<i32>} : memref<80x128xf32, #tpu.memory_space<vmem>>, vector<16xf32>,
      tpu.vector_store %arg21[%swap3A, %swap3A_71], %mul3A_70 {strides = array<i32>} : memref<80x128xf32, #tpu.memory_space<vmem>>, vector<16xf32>,
      %get3A_73 = arith.index_cast %add3A_59 : i32 to index
      %get3A_74 = arith.constant 16 : index
      %get3A_75 = tpu.vector_load %arg12[%get3A_73, %get3A_74] {strides = array<i32>} : memref<80x128xf32, #tpu.memory_space<vmem>>, vector<16xf32>,
      %mul3A_76 = vector.broadcast %squeeze3A : f32 to vector<16xf32>
      %mul3A_77 = arith.mulf %get3A_75, %mul3A_76 : vector<16xf32>
      %swap3A_78 = arith.index_cast %add3A_59 : i32 to index
      %swap3A_79 = arith.constant 16 : index
      %swap3A_80 = tpu.vector_load %arg21[%swap3A_78, %swap3A_79] {strides = array<i32>} : memref<80x128xf32, #tpu.memory_space<vmem>>, vector<16xf32>,
      tpu.vector_store %arg21[%swap3A_78, %swap3A_79], %mul3A_77 {strides = array<i32>} : memref<80x128xf32, #tpu.memory_space<vmem>>, vector<16xf32>,
      %get3A_81 = arith.index_cast %add3A_59 : i32 to index
      %get3A_82 = arith.constant 32 : index
      %get3A_83 = tpu.vector_load %arg12[%get3A_81, %get3A_82] {strides = array<i32>} : memref<80x128xf32, #tpu.memory_space<vmem>>, vector<16xf32>,
      %mul3A_84 = vector.broadcast %squeeze3A_61 : f32 to vector<16xf32>
      %mul3A_85 = arith.mulf %get3A_83, %mul3A_84 : vector<16xf32>
      %swap3A_86 = arith.index_cast %add3A_59 : i32 to index
      %swap3A_87 = arith.constant 32 : index
      %swap3A_88 = tpu.vector_load %arg21[%swap3A_86, %swap3A_87] {strides = array<i32>} : memref<80x128xf32, #tpu.memory_space<vmem>>, vector<16xf32>,
      tpu.vector_store %arg21[%swap3A_86, %swap3A_87], %mul3A_85 {strides = array<i32>} : memref<80x128xf32, #tpu.memory_space<vmem>>, vector<16xf32>,
      %get3A_89 = arith.index_cast %add3A_59 : i32 to index
      %get3A_90 = arith.constant 48 : index
      %get3A_91 = tpu.vector_load %arg12[%get3A_89, %get3A_90] {strides = array<i32>} : memref<80x128xf32, #tpu.memory_space<vmem>>, vector<16xf32>,
      %mul3A_92 = vector.broadcast %squeeze3A_61 : f32 to vector<16xf32>
      %mul3A_93 = arith.mulf %get3A_91, %mul3A_92 : vector<16xf32>
      %swap3A_94 = arith.index_cast %add3A_59 : i32 to index
      %swap3A_95 = arith.constant 48 : index
      %swap3A_96 = tpu.vector_load %arg21[%swap3A_94, %swap3A_95] {strides = array<i32>} : memref<80x128xf32, #tpu.memory_space<vmem>>, vector<16xf32>,
      tpu.vector_store %arg21[%swap3A_94, %swap3A_95], %mul3A_93 {strides = array<i32>} : memref<80x128xf32, #tpu.memory_space<vmem>>, vector<16xf32>,
      %get3A_97 = arith.index_cast %add3A_59 : i32 to index
      %get3A_98 = arith.constant 64 : index
      %get3A_99 = tpu.vector_load %arg12[%get3A_97, %get3A_98] {strides = array<i32>} : memref<80x128xf32, #tpu.memory_space<vmem>>, vector<16xf32>,
      %mul3A_100 = vector.broadcast %squeeze3A_63 : f32 to vector<16xf32>
      %mul3A_101 = arith.mulf %get3A_99, %mul3A_100 : vector<16xf32>
      %swap3A_102 = arith.index_cast %add3A_59 : i32 to index
      %swap3A_103 = arith.constant 64 : index
      %swap3A_104 = tpu.vector_load %arg21[%swap3A_102, %swap3A_103] {strides = array<i32>} : memref<80x128xf32, #tpu.memory_space<vmem>>, vector<16xf32>,
      tpu.vector_store %arg21[%swap3A_102, %swap3A_103], %mul3A_101 {strides = array<i32>} : memref<80x128xf32, #tpu.memory_space<vmem>>, vector<16xf32>,
      %get3A_105 = arith.index_cast %add3A_59 : i32 to index
      %get3A_106 = arith.constant 80 : index
      %get3A_107 = tpu.vector_load %arg12[%get3A_105, %get3A_106] {strides = array<i32>} : memref<80x128xf32, #tpu.memory_space<vmem>>, vector<16xf32>,
      %mul3A_108 = vector.broadcast %squeeze3A_63 : f32 to vector<16xf32>
      %mul3A_109 = arith.mulf %get3A_107, %mul3A_108 : vector<16xf32>
      %swap3A_110 = arith.index_cast %add3A_59 : i32 to index
      %swap3A_111 = arith.constant 80 : index
      %swap3A_112 = tpu.vector_load %arg21[%swap3A_110, %swap3A_111] {strides = array<i32>} : memref<80x128xf32, #tpu.memory_space<vmem>>, vector<16xf32>,
      tpu.vector_store %arg21[%swap3A_110, %swap3A_111], %mul3A_109 {strides = array<i32>} : memref<80x128xf32, #tpu.memory_space<vmem>>, vector<16xf32>,
      %get3A_113 = arith.index_cast %add3A_59 : i32 to index
      %get3A_114 = arith.constant 96 : index
      %get3A_115 = tpu.vector_load %arg12[%get3A_113, %get3A_114] {strides = array<i32>} : memref<80x128xf32, #tpu.memory_space<vmem>>, vector<16xf32>,
      %mul3A_116 = vector.broadcast %squeeze3A_65 : f32 to vector<16xf32>
      %mul3A_117 = arith.mulf %get3A_115, %mul3A_116 : vector<16xf32>
      %swap3A_118 = arith.index_cast %add3A_59 : i32 to index
      %swap3A_119 = arith.constant 96 : index
      %swap3A_120 = tpu.vector_load %arg21[%swap3A_118, %swap3A_119] {strides = array<i32>} : memref<80x128xf32, #tpu.memory_space<vmem>>, vector<16xf32>,
      tpu.vector_store %arg21[%swap3A_118, %swap3A_119], %mul3A_117 {strides = array<i32>} : memref<80x128xf32, #tpu.memory_space<vmem>>, vector<16xf32>,
      %get3A_121 = arith.index_cast %add3A_59 : i32 to index
      %get3A_122 = arith.constant 112 : index
      %get3A_123 = tpu.vector_load %arg12[%get3A_121, %get3A_122] {strides = array<i32>} : memref<80x128xf32, #tpu.memory_space<vmem>>, vector<16xf32>,
      %mul3A_124 = vector.broadcast %squeeze3A_65 : f32 to vector<16xf32>
      %mul3A_125 = arith.mulf %get3A_123, %mul3A_124 : vector<16xf32>
      %swap3A_126 = arith.index_cast %add3A_59 : i32 to index
      %swap3A_127 = arith.constant 112 : index
      %swap3A_128 = tpu.vector_load %arg21[%swap3A_126, %swap3A_127] {strides = array<i32>} : memref<80x128xf32, #tpu.memory_space<vmem>>, vector<16xf32>,
      tpu.vector_store %arg21[%swap3A_126, %swap3A_127], %mul3A_125 {strides = array<i32>} : memref<80x128xf32, #tpu.memory_space<vmem>>, vector<16xf32>,
      %mul3A_129 = arith.constant 4 : i32
      %mul3A_130 = arith.muli %scan3A_52, %mul3A_129 : i32
      %add3A_131 = arith.constant 1 : i32
      %add3A_132 = arith.addi %mul3A_130, %add3A_131 : i32
      %slice3A_133 = vector.extract_strided_slice %get3A_55 {offsets = [4], sizes = [1], strides = [1]} : vector<16xf32> to vector<1xf32>
      %squeeze3A_134 = vector.extract %slice3A_133[0] : f32 from vector<1xf32>
      %slice3A_135 = vector.extract_strided_slice %get3A_55 {offsets = [5], sizes = [1], strides = [1]} : vector<16xf32> to vector<1xf32>
      %squeeze3A_136 = vector.extract %slice3A_135[0] : f32 from vector<1xf32>
      %slice3A_137 = vector.extract_strided_slice %get3A_55 {offsets = [6], sizes = [1], strides = [1]} : vector<16xf32> to vector<1xf32>
      %squeeze3A_138 = vector.extract %slice3A_137[0] : f32 from vector<1xf32>
      %slice3A_139 = vector.extract_strided_slice %get3A_55 {offsets = [7], sizes = [1], strides = [1]} : vector<16xf32> to vector<1xf32>
      %squeeze3A_140 = vector.extract %slice3A_139[0] : f32 from vector<1xf32>
      %get3A_141 = arith.index_cast %add3A_132 : i32 to index
      %get3A_142 = arith.constant 0 : index
      %get3A_143 = tpu.vector_load %arg12[%get3A_141, %get3A_142] {strides = array<i32>} : memref<80x128xf32, #tpu.memory_space<vmem>>, vector<16xf32>,
      %mul3A_144 = vector.broadcast %squeeze3A_134 : f32 to vector<16xf32>
      %mul3A_145 = arith.mulf %get3A_143, %mul3A_144 : vector<16xf32>
      %swap3A_146 = arith.index_cast %add3A_132 : i32 to index
      %swap3A_147 = arith.constant 0 : index
      %swap3A_148 = tpu.vector_load %arg21[%swap3A_146, %swap3A_147] {strides = array<i32>} : memref<80x128xf32, #tpu.memory_space<vmem>>, vector<16xf32>,
      tpu.vector_store %arg21[%swap3A_146, %swap3A_147], %mul3A_145 {strides = array<i32>} : memref<80x128xf32, #tpu.memory_space<vmem>>, vector<16xf32>,
      %get3A_149 = arith.index_cast %add3A_132 : i32 to index
      %get3A_150 = arith.constant 16 : index
      %get3A_151 = tpu.vector_load %arg12[%get3A_149, %get3A_150] {strides = array<i32>} : memref<80x128xf32, #tpu.memory_space<vmem>>, vector<16xf32>,
      %mul3A_152 = vector.broadcast %squeeze3A_134 : f32 to vector<16xf32>
      %mul3A_153 = arith.mulf %get3A_151, %mul3A_152 : vector<16xf32>
      %swap3A_154 = arith.index_cast %add3A_132 : i32 to index
      %swap3A_155 = arith.constant 16 : index
      %swap3A_156 = tpu.vector_load %arg21[%swap3A_154, %swap3A_155] {strides = array<i32>} : memref<80x128xf32, #tpu.memory_space<vmem>>, vector<16xf32>,
      tpu.vector_store %arg21[%swap3A_154, %swap3A_155], %mul3A_153 {strides = array<i32>} : memref<80x128xf32, #tpu.memory_space<vmem>>, vector<16xf32>,
      %get3A_157 = arith.index_cast %add3A_132 : i32 to index
      %get3A_158 = arith.constant 32 : index
      %get3A_159 = tpu.vector_load %arg12[%get3A_157, %get3A_158] {strides = array<i32>} : memref<80x128xf32, #tpu.memory_space<vmem>>, vector<16xf32>,
      %mul3A_160 = vector.broadcast %squeeze3A_136 : f32 to vector<16xf32>
      %mul3A_161 = arith.mulf %get3A_159, %mul3A_160 : vector<16xf32>
      %swap3A_162 = arith.index_cast %add3A_132 : i32 to index
      %swap3A_163 = arith.constant 32 : index
      %swap3A_164 = tpu.vector_load %arg21[%swap3A_162, %swap3A_163] {strides = array<i32>} : memref<80x128xf32, #tpu.memory_space<vmem>>, vector<16xf32>,
      tpu.vector_store %arg21[%swap3A_162, %swap3A_163], %mul3A_161 {strides = array<i32>} : memref<80x128xf32, #tpu.memory_space<vmem>>, vector<16xf32>,
      %get3A_165 = arith.index_cast %add3A_132 : i32 to index
      %get3A_166 = arith.constant 48 : index
      %get3A_167 = tpu.vector_load %arg12[%get3A_165, %get3A_166] {strides = array<i32>} : memref<80x128xf32, #tpu.memory_space<vmem>>, vector<16xf32>,
      %mul3A_168 = vector.broadcast %squeeze3A_136 : f32 to vector<16xf32>
      %mul3A_169 = arith.mulf %get3A_167, %mul3A_168 : vector<16xf32>
      %swap3A_170 = arith.index_cast %add3A_132 : i32 to index
      %swap3A_171 = arith.constant 48 : index
      %swap3A_172 = tpu.vector_load %arg21[%swap3A_170, %swap3A_171] {strides = array<i32>} : memref<80x128xf32, #tpu.memory_space<vmem>>, vector<16xf32>,
      tpu.vector_store %arg21[%swap3A_170, %swap3A_171], %mul3A_169 {strides = array<i32>} : memref<80x128xf32, #tpu.memory_space<vmem>>, vector<16xf32>,
      %get3A_173 = arith.index_cast %add3A_132 : i32 to index
      %get3A_174 = arith.constant 64 : index
      %get3A_175 = tpu.vector_load %arg12[%get3A_173, %get3A_174] {strides = array<i32>} : memref<80x128xf32, #tpu.memory_space<vmem>>, vector<16xf32>,
      %mul3A_176 = vector.broadcast %squeeze3A_138 : f32 to vector<16xf32>
      %mul3A_177 = arith.mulf %get3A_175, %mul3A_176 : vector<16xf32>
      %swap3A_178 = arith.index_cast %add3A_132 : i32 to index
      %swap3A_179 = arith.constant 64 : index
      %swap3A_180 = tpu.vector_load %arg21[%swap3A_178, %swap3A_179] {strides = array<i32>} : memref<80x128xf32, #tpu.memory_space<vmem>>, vector<16xf32>,
      tpu.vector_store %arg21[%swap3A_178, %swap3A_179], %mul3A_177 {strides = array<i32>} : memref<80x128xf32, #tpu.memory_space<vmem>>, vector<16xf32>,
      %get3A_181 = arith.index_cast %add3A_132 : i32 to index
      %get3A_182 = arith.constant 80 : index
      %get3A_183 = tpu.vector_load %arg12[%get3A_181, %get3A_182] {strides = array<i32>} : memref<80x128xf32, #tpu.memory_space<vmem>>, vector<16xf32>,
      %mul3A_184 = vector.broadcast %squeeze3A_138 : f32 to vector<16xf32>
      %mul3A_185 = arith.mulf %get3A_183, %mul3A_184 : vector<16xf32>
      %swap3A_186 = arith.index_cast %add3A_132 : i32 to index
      %swap3A_187 = arith.constant 80 : index
      %swap3A_188 = tpu.vector_load %arg21[%swap3A_186, %swap3A_187] {strides = array<i32>} : memref<80x128xf32, #tpu.memory_space<vmem>>, vector<16xf32>,
      tpu.vector_store %arg21[%swap3A_186, %swap3A_187], %mul3A_185 {strides = array<i32>} : memref<80x128xf32, #tpu.memory_space<vmem>>, vector<16xf32>,
      %get3A_189 = arith.index_cast %add3A_132 : i32 to index
      %get3A_190 = arith.constant 96 : index
      %get3A_191 = tpu.vector_load %arg12[%get3A_189, %get3A_190] {strides = array<i32>} : memref<80x128xf32, #tpu.memory_space<vmem>>, vector<16xf32>,
      %mul3A_192 = vector.broadcast %squeeze3A_140 : f32 to vector<16xf32>
      %mul3A_193 = arith.mulf %get3A_191, %mul3A_192 : vector<16xf32>
      %swap3A_194 = arith.index_cast %add3A_132 : i32 to index
      %swap3A_195 = arith.constant 96 : index
      %swap3A_196 = tpu.vector_load %arg21[%swap3A_194, %swap3A_195] {strides = array<i32>} : memref<80x128xf32, #tpu.memory_space<vmem>>, vector<16xf32>,
      tpu.vector_store %arg21[%swap3A_194, %swap3A_195], %mul3A_193 {strides = array<i32>} : memref<80x128xf32, #tpu.memory_space<vmem>>, vector<16xf32>,
      %get3A_197 = arith.index_cast %add3A_132 : i32 to index
      %get3A_198 = arith.constant 112 : index
      %get3A_199 = tpu.vector_load %arg12[%get3A_197, %get3A_198] {strides = array<i32>} : memref<80x128xf32, #tpu.memory_space<vmem>>, vector<16xf32>,
      %mul3A_200 = vector.broadcast %squeeze3A_140 : f32 to vector<16xf32>
      %mul3A_201 = arith.mulf %get3A_199, %mul3A_200 : vector<16xf32>
      %swap3A_202 = arith.index_cast %add3A_132 : i32 to index
      %swap3A_203 = arith.constant 112 : index
      %swap3A_204 = tpu.vector_load %arg21[%swap3A_202, %swap3A_203] {strides = array<i32>} : memref<80x128xf32, #tpu.memory_space<vmem>>, vector<16xf32>,
      tpu.vector_store %arg21[%swap3A_202, %swap3A_203], %mul3A_201 {strides = array<i32>} : memref<80x128xf32, #tpu.memory_space<vmem>>, vector<16xf32>,
      %mul3A_205 = arith.constant 4 : i32
      %mul3A_206 = arith.muli %scan3A_52, %mul3A_205 : i32
      %add3A_207 = arith.constant 2 : i32
      %add3A_208 = arith.addi %mul3A_206, %add3A_207 : i32
      %slice3A_209 = vector.extract_strided_slice %get3A_55 {offsets = [8], sizes = [1], strides = [1]} : vector<16xf32> to vector<1xf32>
      %squeeze3A_210 = vector.extract %slice3A_209[0] : f32 from vector<1xf32>
      %slice3A_211 = vector.extract_strided_slice %get3A_55 {offsets = [9], sizes = [1], strides = [1]} : vector<16xf32> to vector<1xf32>
      %squeeze3A_212 = vector.extract %slice3A_211[0] : f32 from vector<1xf32>
      %slice3A_213 = vector.extract_strided_slice %get3A_55 {offsets = [10], sizes = [1], strides = [1]} : vector<16xf32> to vector<1xf32>
      %squeeze3A_214 = vector.extract %slice3A_213[0] : f32 from vector<1xf32>
      %slice3A_215 = vector.extract_strided_slice %get3A_55 {offsets = [11], sizes = [1], strides = [1]} : vector<16xf32> to vector<1xf32>
      %squeeze3A_216 = vector.extract %slice3A_215[0] : f32 from vector<1xf32>
      %get3A_217 = arith.index_cast %add3A_208 : i32 to index
      %get3A_218 = arith.constant 0 : index
      %get3A_219 = tpu.vector_load %arg12[%get3A_217, %get3A_218] {strides = array<i32>} : memref<80x128xf32, #tpu.memory_space<vmem>>, vector<16xf32>,
      %mul3A_220 = vector.broadcast %squeeze3A_210 : f32 to vector<16xf32>
      %mul3A_221 = arith.mulf %get3A_219, %mul3A_220 : vector<16xf32>
      %swap3A_222 = arith.index_cast %add3A_208 : i32 to index
      %swap3A_223 = arith.constant 0 : index
      %swap3A_224 = tpu.vector_load %arg21[%swap3A_222, %swap3A_223] {strides = array<i32>} : memref<80x128xf32, #tpu.memory_space<vmem>>, vector<16xf32>,
      tpu.vector_store %arg21[%swap3A_222, %swap3A_223], %mul3A_221 {strides = array<i32>} : memref<80x128xf32, #tpu.memory_space<vmem>>, vector<16xf32>,
      %get3A_225 = arith.index_cast %add3A_208 : i32 to index
      %get3A_226 = arith.constant 16 : index
      %get3A_227 = tpu.vector_load %arg12[%get3A_225, %get3A_226] {strides = array<i32>} : memref<80x128xf32, #tpu.memory_space<vmem>>, vector<16xf32>,
      %mul3A_228 = vector.broadcast %squeeze3A_210 : f32 to vector<16xf32>
      %mul3A_229 = arith.mulf %get3A_227, %mul3A_228 : vector<16xf32>
      %swap3A_230 = arith.index_cast %add3A_208 : i32 to index
      %swap3A_231 = arith.constant 16 : index
      %swap3A_232 = tpu.vector_load %arg21[%swap3A_230, %swap3A_231] {strides = array<i32>} : memref<80x128xf32, #tpu.memory_space<vmem>>, vector<16xf32>,
      tpu.vector_store %arg21[%swap3A_230, %swap3A_231], %mul3A_229 {strides = array<i32>} : memref<80x128xf32, #tpu.memory_space<vmem>>, vector<16xf32>,
      %get3A_233 = arith.index_cast %add3A_208 : i32 to index
      %get3A_234 = arith.constant 32 : index
      %get3A_235 = tpu.vector_load %arg12[%get3A_233, %get3A_234] {strides = array<i32>} : memref<80x128xf32, #tpu.memory_space<vmem>>, vector<16xf32>,
      %mul3A_236 = vector.broadcast %squeeze3A_212 : f32 to vector<16xf32>
      %mul3A_237 = arith.mulf %get3A_235, %mul3A_236 : vector<16xf32>
      %swap3A_238 = arith.index_cast %add3A_208 : i32 to index
      %swap3A_239 = arith.constant 32 : index
      %swap3A_240 = tpu.vector_load %arg21[%swap3A_238, %swap3A_239] {strides = array<i32>} : memref<80x128xf32, #tpu.memory_space<vmem>>, vector<16xf32>,
      tpu.vector_store %arg21[%swap3A_238, %swap3A_239], %mul3A_237 {strides = array<i32>} : memref<80x128xf32, #tpu.memory_space<vmem>>, vector<16xf32>,
      %get3A_241 = arith.index_cast %add3A_208 : i32 to index
      %get3A_242 = arith.constant 48 : index
      %get3A_243 = tpu.vector_load %arg12[%get3A_241, %get3A_242] {strides = array<i32>} : memref<80x128xf32, #tpu.memory_space<vmem>>, vector<16xf32>,
      %mul3A_244 = vector.broadcast %squeeze3A_212 : f32 to vector<16xf32>
      %mul3A_245 = arith.mulf %get3A_243, %mul3A_244 : vector<16xf32>
      %swap3A_246 = arith.index_cast %add3A_208 : i32 to index
      %swap3A_247 = arith.constant 48 : index
      %swap3A_248 = tpu.vector_load %arg21[%swap3A_246, %swap3A_247] {strides = array<i32>} : memref<80x128xf32, #tpu.memory_space<vmem>>, vector<16xf32>,
      tpu.vector_store %arg21[%swap3A_246, %swap3A_247], %mul3A_245 {strides = array<i32>} : memref<80x128xf32, #tpu.memory_space<vmem>>, vector<16xf32>,
      %get3A_249 = arith.index_cast %add3A_208 : i32 to index
      %get3A_250 = arith.constant 64 : index
      %get3A_251 = tpu.vector_load %arg12[%get3A_249, %get3A_250] {strides = array<i32>} : memref<80x128xf32, #tpu.memory_space<vmem>>, vector<16xf32>,
      %mul3A_252 = vector.broadcast %squeeze3A_214 : f32 to vector<16xf32>
      %mul3A_253 = arith.mulf %get3A_251, %mul3A_252 : vector<16xf32>
      %swap3A_254 = arith.index_cast %add3A_208 : i32 to index
      %swap3A_255 = arith.constant 64 : index
      %swap3A_256 = tpu.vector_load %arg21[%swap3A_254, %swap3A_255] {strides = array<i32>} : memref<80x128xf32, #tpu.memory_space<vmem>>, vector<16xf32>,
      tpu.vector_store %arg21[%swap3A_254, %swap3A_255], %mul3A_253 {strides = array<i32>} : memref<80x128xf32, #tpu.memory_space<vmem>>, vector<16xf32>,
      %get3A_257 = arith.index_cast %add3A_208 : i32 to index
      %get3A_258 = arith.constant 80 : index
      %get3A_259 = tpu.vector_load %arg12[%get3A_257, %get3A_258] {strides = array<i32>} : memref<80x128xf32, #tpu.memory_space<vmem>>, vector<16xf32>,
      %mul3A_260 = vector.broadcast %squeeze3A_214 : f32 to vector<16xf32>
      %mul3A_261 = arith.mulf %get3A_259, %mul3A_260 : vector<16xf32>
      %swap3A_262 = arith.index_cast %add3A_208 : i32 to index
      %swap3A_263 = arith.constant 80 : index
      %swap3A_264 = tpu.vector_load %arg21[%swap3A_262, %swap3A_263] {strides = array<i32>} : memref<80x128xf32, #tpu.memory_space<vmem>>, vector<16xf32>,
      tpu.vector_store %arg21[%swap3A_262, %swap3A_263], %mul3A_261 {strides = array<i32>} : memref<80x128xf32, #tpu.memory_space<vmem>>, vector<16xf32>,
      %get3A_265 = arith.index_cast %add3A_208 : i32 to index
      %get3A_266 = arith.constant 96 : index
      %get3A_267 = tpu.vector_load %arg12[%get3A_265, %get3A_266] {strides = array<i32>} : memref<80x128xf32, #tpu.memory_space<vmem>>, vector<16xf32>,
      %mul3A_268 = vector.broadcast %squeeze3A_216 : f32 to vector<16xf32>
      %mul3A_269 = arith.mulf %get3A_267, %mul3A_268 : vector<16xf32>
      %swap3A_270 = arith.index_cast %add3A_208 : i32 to index
      %swap3A_271 = arith.constant 96 : index
      %swap3A_272 = tpu.vector_load %arg21[%swap3A_270, %swap3A_271] {strides = array<i32>} : memref<80x128xf32, #tpu.memory_space<vmem>>, vector<16xf32>,
      tpu.vector_store %arg21[%swap3A_270, %swap3A_271], %mul3A_269 {strides = array<i32>} : memref<80x128xf32, #tpu.memory_space<vmem>>, vector<16xf32>,
      %get3A_273 = arith.index_cast %add3A_208 : i32 to index
      %get3A_274 = arith.constant 112 : index
      %get3A_275 = tpu.vector_load %arg12[%get3A_273, %get3A_274] {strides = array<i32>} : memref<80x128xf32, #tpu.memory_space<vmem>>, vector<16xf32>,
      %mul3A_276 = vector.broadcast %squeeze3A_216 : f32 to vector<16xf32>
      %mul3A_277 = arith.mulf %get3A_275, %mul3A_276 : vector<16xf32>
      %swap3A_278 = arith.index_cast %add3A_208 : i32 to index
      %swap3A_279 = arith.constant 112 : index
      %swap3A_280 = tpu.vector_load %arg21[%swap3A_278, %swap3A_279] {strides = array<i32>} : memref<80x128xf32, #tpu.memory_space<vmem>>, vector<16xf32>,
      tpu.vector_store %arg21[%swap3A_278, %swap3A_279], %mul3A_277 {strides = array<i32>} : memref<80x128xf32, #tpu.memory_space<vmem>>, vector<16xf32>,
      %mul3A_281 = arith.constant 4 : i32
      %mul3A_282 = arith.muli %scan3A_52, %mul3A_281 : i32
      %add3A_283 = arith.constant 3 : i32
      %add3A_284 = arith.addi %mul3A_282, %add3A_283 : i32
      %slice3A_285 = vector.extract_strided_slice %get3A_55 {offsets = [12], sizes = [1], strides = [1]} : vector<16xf32> to vector<1xf32>
      %squeeze3A_286 = vector.extract %slice3A_285[0] : f32 from vector<1xf32>
      %slice3A_287 = vector.extract_strided_slice %get3A_55 {offsets = [13], sizes = [1], strides = [1]} : vector<16xf32> to vector<1xf32>
      %squeeze3A_288 = vector.extract %slice3A_287[0] : f32 from vector<1xf32>
      %slice3A_289 = vector.extract_strided_slice %get3A_55 {offsets = [14], sizes = [1], strides = [1]} : vector<16xf32> to vector<1xf32>
      %squeeze3A_290 = vector.extract %slice3A_289[0] : f32 from vector<1xf32>
      %slice3A_291 = vector.extract_strided_slice %get3A_55 {offsets = [15], sizes = [1], strides = [1]} : vector<16xf32> to vector<1xf32>
      %squeeze3A_292 = vector.extract %slice3A_291[0] : f32 from vector<1xf32>
      %get3A_293 = arith.index_cast %add3A_284 : i32 to index
      %get3A_294 = arith.constant 0 : index
      %get3A_295 = tpu.vector_load %arg12[%get3A_293, %get3A_294] {strides = array<i32>} : memref<80x128xf32, #tpu.memory_space<vmem>>, vector<16xf32>,
      %mul3A_296 = vector.broadcast %squeeze3A_286 : f32 to vector<16xf32>
      %mul3A_297 = arith.mulf %get3A_295, %mul3A_296 : vector<16xf32>
      %swap3A_298 = arith.index_cast %add3A_284 : i32 to index
      %swap3A_299 = arith.constant 0 : index
      %swap3A_300 = tpu.vector_load %arg21[%swap3A_298, %swap3A_299] {strides = array<i32>} : memref<80x128xf32, #tpu.memory_space<vmem>>, vector<16xf32>,
      tpu.vector_store %arg21[%swap3A_298, %swap3A_299], %mul3A_297 {strides = array<i32>} : memref<80x128xf32, #tpu.memory_space<vmem>>, vector<16xf32>,
      %get3A_301 = arith.index_cast %add3A_284 : i32 to index
      %get3A_302 = arith.constant 16 : index
      %get3A_303 = tpu.vector_load %arg12[%get3A_301, %get3A_302] {strides = array<i32>} : memref<80x128xf32, #tpu.memory_space<vmem>>, vector<16xf32>,
      %mul3A_304 = vector.broadcast %squeeze3A_286 : f32 to vector<16xf32>
      %mul3A_305 = arith.mulf %get3A_303, %mul3A_304 : vector<16xf32>
      %swap3A_306 = arith.index_cast %add3A_284 : i32 to index
      %swap3A_307 = arith.constant 16 : index
      %swap3A_308 = tpu.vector_load %arg21[%swap3A_306, %swap3A_307] {strides = array<i32>} : memref<80x128xf32, #tpu.memory_space<vmem>>, vector<16xf32>,
      tpu.vector_store %arg21[%swap3A_306, %swap3A_307], %mul3A_305 {strides = array<i32>} : memref<80x128xf32, #tpu.memory_space<vmem>>, vector<16xf32>,
      %get3A_309 = arith.index_cast %add3A_284 : i32 to index
      %get3A_310 = arith.constant 32 : index
      %get3A_311 = tpu.vector_load %arg12[%get3A_309, %get3A_310] {strides = array<i32>} : memref<80x128xf32, #tpu.memory_space<vmem>>, vector<16xf32>,
      %mul3A_312 = vector.broadcast %squeeze3A_288 : f32 to vector<16xf32>
      %mul3A_313 = arith.mulf %get3A_311, %mul3A_312 : vector<16xf32>
      %swap3A_314 = arith.index_cast %add3A_284 : i32 to index
      %swap3A_315 = arith.constant 32 : index
      %swap3A_316 = tpu.vector_load %arg21[%swap3A_314, %swap3A_315] {strides = array<i32>} : memref<80x128xf32, #tpu.memory_space<vmem>>, vector<16xf32>,
      tpu.vector_store %arg21[%swap3A_314, %swap3A_315], %mul3A_313 {strides = array<i32>} : memref<80x128xf32, #tpu.memory_space<vmem>>, vector<16xf32>,
      %get3A_317 = arith.index_cast %add3A_284 : i32 to index
      %get3A_318 = arith.constant 48 : index
      %get3A_319 = tpu.vector_load %arg12[%get3A_317, %get3A_318] {strides = array<i32>} : memref<80x128xf32, #tpu.memory_space<vmem>>, vector<16xf32>,
      %mul3A_320 = vector.broadcast %squeeze3A_288 : f32 to vector<16xf32>
      %mul3A_321 = arith.mulf %get3A_319, %mul3A_320 : vector<16xf32>
      %swap3A_322 = arith.index_cast %add3A_284 : i32 to index
      %swap3A_323 = arith.constant 48 : index
      %swap3A_324 = tpu.vector_load %arg21[%swap3A_322, %swap3A_323] {strides = array<i32>} : memref<80x128xf32, #tpu.memory_space<vmem>>, vector<16xf32>,
      tpu.vector_store %arg21[%swap3A_322, %swap3A_323], %mul3A_321 {strides = array<i32>} : memref<80x128xf32, #tpu.memory_space<vmem>>, vector<16xf32>,
      %get3A_325 = arith.index_cast %add3A_284 : i32 to index
      %get3A_326 = arith.constant 64 : index
      %get3A_327 = tpu.vector_load %arg12[%get3A_325, %get3A_326] {strides = array<i32>} : memref<80x128xf32, #tpu.memory_space<vmem>>, vector<16xf32>,
      %mul3A_328 = vector.broadcast %squeeze3A_290 : f32 to vector<16xf32>
      %mul3A_329 = arith.mulf %get3A_327, %mul3A_328 : vector<16xf32>
      %swap3A_330 = arith.index_cast %add3A_284 : i32 to index
      %swap3A_331 = arith.constant 64 : index
      %swap3A_332 = tpu.vector_load %arg21[%swap3A_330, %swap3A_331] {strides = array<i32>} : memref<80x128xf32, #tpu.memory_space<vmem>>, vector<16xf32>,
      tpu.vector_store %arg21[%swap3A_330, %swap3A_331], %mul3A_329 {strides = array<i32>} : memref<80x128xf32, #tpu.memory_space<vmem>>, vector<16xf32>,
      %get3A_333 = arith.index_cast %add3A_284 : i32 to index
      %get3A_334 = arith.constant 80 : index
      %get3A_335 = tpu.vector_load %arg12[%get3A_333, %get3A_334] {strides = array<i32>} : memref<80x128xf32, #tpu.memory_space<vmem>>, vector<16xf32>,
      %mul3A_336 = vector.broadcast %squeeze3A_290 : f32 to vector<16xf32>
      %mul3A_337 = arith.mulf %get3A_335, %mul3A_336 : vector<16xf32>
      %swap3A_338 = arith.index_cast %add3A_284 : i32 to index
      %swap3A_339 = arith.constant 80 : index
      %swap3A_340 = tpu.vector_load %arg21[%swap3A_338, %swap3A_339] {strides = array<i32>} : memref<80x128xf32, #tpu.memory_space<vmem>>, vector<16xf32>,
      tpu.vector_store %arg21[%swap3A_338, %swap3A_339], %mul3A_337 {strides = array<i32>} : memref<80x128xf32, #tpu.memory_space<vmem>>, vector<16xf32>,
      %get3A_341 = arith.index_cast %add3A_284 : i32 to index
      %get3A_342 = arith.constant 96 : index
      %get3A_343 = tpu.vector_load %arg12[%get3A_341, %get3A_342] {strides = array<i32>} : memref<80x128xf32, #tpu.memory_space<vmem>>, vector<16xf32>,
      %mul3A_344 = vector.broadcast %squeeze3A_292 : f32 to vector<16xf32>
      %mul3A_345 = arith.mulf %get3A_343, %mul3A_344 : vector<16xf32>
      %swap3A_346 = arith.index_cast %add3A_284 : i32 to index
      %swap3A_347 = arith.constant 96 : index
      %swap3A_348 = tpu.vector_load %arg21[%swap3A_346, %swap3A_347] {strides = array<i32>} : memref<80x128xf32, #tpu.memory_space<vmem>>, vector<16xf32>,
      tpu.vector_store %arg21[%swap3A_346, %swap3A_347], %mul3A_345 {strides = array<i32>} : memref<80x128xf32, #tpu.memory_space<vmem>>, vector<16xf32>,
      %get3A_349 = arith.index_cast %add3A_284 : i32 to index
      %get3A_350 = arith.constant 112 : index
      %get3A_351 = tpu.vector_load %arg12[%get3A_349, %get3A_350] {strides = array<i32>} : memref<80x128xf32, #tpu.memory_space<vmem>>, vector<16xf32>,
      %mul3A_352 = vector.broadcast %squeeze3A_292 : f32 to vector<16xf32>
      %mul3A_353 = arith.mulf %get3A_351, %mul3A_352 : vector<16xf32>
      %swap3A_354 = arith.index_cast %add3A_284 : i32 to index
      %swap3A_355 = arith.constant 112 : index
      %swap3A_356 = tpu.vector_load %arg21[%swap3A_354, %swap3A_355] {strides = array<i32>} : memref<80x128xf32, #tpu.memory_space<vmem>>, vector<16xf32>,
      tpu.vector_store %arg21[%swap3A_354, %swap3A_355], %mul3A_353 {strides = array<i32>} : memref<80x128xf32, #tpu.memory_space<vmem>>, vector<16xf32>,
    }
    %scan3A_45 = arith.constant 20 : i32
    "tpu.region"() ({
      %run_scoped3A = tpu.sem_alloc : memref<!tpu.dma_semaphore, #tpu.memory_space<semaphore_mem>>
      %dma_start3A_52 = arith.constant 0 : i32
      %dma_start3A_53 = arith.constant 0 : i32
      %dma_start3A_54 = tpu.memref_slice %arg22[%dma_start3A_52, %dma_start3A_53] : memref<10000x128xf32, #tpu.memory_space<vmem_shared>> -> memref<10000x128xf32, #tpu.memory_space<vmem_shared>>
      tpu.enqueue_indirect_dma source(%arg21 : memref<80x128xf32, #tpu.memory_space<vmem>>) target(%dma_start3A_54 : memref<10000x128xf32, #tpu.memory_space<vmem_shared>>) offsets(%arg10 : memref<80xi32, #tpu.memory_space<vmem>>) semaphore(%run_scoped3A : memref<!tpu.dma_semaphore, #tpu.memory_space<semaphore_mem>>) {add = true}
      %dma_wait3A_55 = arith.constant 0 : i32
      %dma_wait3A_56 = arith.constant 0 : i32
      %dma_wait3A_57 = tpu.memref_slice %arg22[%dma_wait3A_55, %dma_wait3A_56] : memref<10000x128xf32, #tpu.memory_space<vmem_shared>> -> memref<10000x128xf32, #tpu.memory_space<vmem_shared>>
      tpu.wait_indirect_dma semaphore(%run_scoped3A : memref<!tpu.dma_semaphore, #tpu.memory_space<semaphore_mem>>) src(%arg21 : memref<80x128xf32, #tpu.memory_space<vmem>>) dst(%dma_wait3A_57 : memref<10000x128xf32, #tpu.memory_space<vmem_shared>>)
      tpu.yield
    }) : () -> ()
    %barrier3A_46 = arith.constant 0 : index
    tpu.barrier barrier_id(%barrier3A_46)
    %eq3A_47 = arith.constant 0 : i32
    %eq3A_48 = arith.cmpi eq, %arg1, %eq3A_47 : i32
    %convert_element_type3A_49 = arith.extui %eq3A_48 : i1 to i32
    %cond3A_50 = arith.constant 0 : i32
    %cond3A_51 = arith.cmpi ne, %convert_element_type3A_49, %cond3A_50 : i32
    scf.if %cond3A_51 {
      "tpu.region"() ({
        %run_scoped3A = tpu.sem_alloc : memref<!tpu.dma_semaphore, #tpu.memory_space<semaphore_mem>>
        %dma_start3A_52 = arith.constant 0 : i32
        %dma_start3A_53 = arith.constant 0 : i32
        %dma_start3A_54 = tpu.memref_slice %arg8[%arg0, %dma_start3A_52, %dma_start3A_53] : memref<2x10000x128xf32, #tpu.memory_space<hbm>> -> memref<1x10000x128xf32, #tpu.memory_space<hbm>>
        %dma_start3A_55 = tpu.memref_squeeze %dma_start3A_54 : memref<1x10000x128xf32, #tpu.memory_space<hbm>> -> memref<10000x128xf32, #tpu.memory_space<hbm>>
        tpu.enqueue_dma source(%arg22 : memref<10000x128xf32, #tpu.memory_space<vmem_shared>>) target(%dma_start3A_55 : memref<10000x128xf32, #tpu.memory_space<hbm>>) target_semaphore(%run_scoped3A : memref<!tpu.dma_semaphore, #tpu.memory_space<semaphore_mem>>)
        %dma_wait3A_56 = arith.constant 0 : i32
        %dma_wait3A_57 = arith.constant 0 : i32
        %dma_wait3A_58 = tpu.memref_slice %arg8[%arg0, %dma_wait3A_56, %dma_wait3A_57] : memref<2x10000x128xf32, #tpu.memory_space<hbm>> -> memref<1x10000x128xf32, #tpu.memory_space<hbm>>
        %dma_wait3A_59 = tpu.memref_squeeze %dma_wait3A_58 : memref<1x10000x128xf32, #tpu.memory_space<hbm>> -> memref<10000x128xf32, #tpu.memory_space<hbm>>
        tpu.wait_dma2 semaphore(%run_scoped3A : memref<!tpu.dma_semaphore, #tpu.memory_space<semaphore_mem>>) src(%arg22 : memref<10000x128xf32, #tpu.memory_space<vmem_shared>>) dst(%dma_wait3A_59 : memref<10000x128xf32, #tpu.memory_space<hbm>>)
        tpu.yield
      }) : () -> ()
    } else {
    }
    return
  }
}

module attributes {stable_mosaic.version = 14 : i64} {
  func.func @_recip_body(%arg0: memref<2x40000xf32, #tpu.memory_space<vmem>>, %arg1: memref<40000xf32, #tpu.memory_space<vmem>>) attributes {dimension_semantics = [], scalar_prefetch = 0 : i64, scratch_operands = 0 : i64, tpu.core_type = #tpu.core_type<tc>} {
    %get3A = arith.constant 0 : index
    %get3A_0 = arith.constant 0 : index
    %get3A_1 = vector.load %arg0[%get3A, %get3A_0] : memref<2x40000xf32, #tpu.memory_space<vmem>>, vector<1x40000xf32>
    %get3A_2 = vector.shape_cast %get3A_1 : vector<1x40000xf32> to vector<40000xf32>
    %get3A_3 = arith.constant 1 : index
    %get3A_4 = arith.constant 0 : index
    %get3A_5 = vector.load %arg0[%get3A_3, %get3A_4] : memref<2x40000xf32, #tpu.memory_space<vmem>>, vector<1x40000xf32>
    %get3A_6 = vector.shape_cast %get3A_5 : vector<1x40000xf32> to vector<40000xf32>
    %add3A = arith.addf %get3A_2, %get3A_6 : vector<40000xf32>
    %add3A_7 = arith.constant 9.99999971E-10 : f32
    %add3A_8 = vector.broadcast %add3A_7 : f32 to vector<40000xf32>
    %add3A_9 = arith.addf %add3A, %add3A_8 : vector<40000xf32>
    %div3A = arith.constant 1.000000e+00 : f32
    %div3A_10 = vector.broadcast %div3A : f32 to vector<40000xf32>
    %div3A_11 = arith.divf %div3A_10, %add3A_9 : vector<40000xf32>
    %swap3A = arith.constant 0 : index
    %swap3A_12 = vector.load %arg1[%swap3A] : memref<40000xf32, #tpu.memory_space<vmem>>, vector<40000xf32>
    tpu.vector_store %arg1[%swap3A], %div3A_11 {strides = array<i32>} : memref<40000xf32, #tpu.memory_space<vmem>>, vector<40000xf32>,
    return
  }
}

module attributes {stable_mosaic.version = 14 : i64} {
  func.func @_proj_body(%arg0: i32, %arg1: memref<1000x128xf32, #tpu.memory_space<vmem>>, %arg2: memref<128x384xf32, #tpu.memory_space<vmem>>, %arg3: memref<1x384xf32, #tpu.memory_space<vmem>>, %arg4: memref<1000x128xf32, #tpu.memory_space<vmem>>, %arg5: memref<1000x128xf32, #tpu.memory_space<vmem>>, %arg6: memref<1000x128xf32, #tpu.memory_space<vmem>>) attributes {dimension_semantics = [#tpu.dimension_semantics<arbitrary>], iteration_bounds = array<i64: 10>, scalar_prefetch = 0 : i64, scratch_operands = 0 : i64, tpu.core_type = #tpu.core_type<tc>, window_params = [{transform_indices = @transform_0, window_bounds = array<i64: 1000, 128>}, {pipeline_mode = #tpu.pipeline_mode<synchronous>, transform_indices = @transform_1, window_bounds = array<i64: 128, 384>}, {pipeline_mode = #tpu.pipeline_mode<synchronous>, transform_indices = @transform_2, window_bounds = array<i64: 1, 384>}, {transform_indices = @transform_3, window_bounds = array<i64: 1000, 128>}, {transform_indices = @transform_4, window_bounds = array<i64: 1000, 128>}, {transform_indices = @transform_5, window_bounds = array<i64: 1000, 128>}]} {
    %get3A = arith.constant 0 : index
    %get3A_0 = arith.constant 0 : index
    %get3A_1 = vector.load %arg1[%get3A, %get3A_0] : memref<1000x128xf32, #tpu.memory_space<vmem>>, vector<1000x128xf32>
    %get3A_2 = arith.constant 0 : index
    %get3A_3 = arith.constant 0 : index
    %get3A_4 = vector.load %arg2[%get3A_2, %get3A_3] : memref<128x384xf32, #tpu.memory_space<vmem>>, vector<128x384xf32>
    %dot_general3A = arith.constant dense<0.000000e+00> : vector<1000x384xf32>
    %dot_general3A_5 = tpu.matmul %get3A_1, %get3A_4, %dot_general3A {dimension_numbers = #tpu.dot_dimension_numbers<[1], [0], [0], [1], [0, 0, 1, 1], [], []>, transpose_lhs_hint = false} : vector<1000x128xf32>, vector<128x384xf32>, vector<1000x384xf32> -> vector<1000x384xf32>
    %get3A_6 = arith.constant 0 : index
    %get3A_7 = arith.constant 0 : index
    %get3A_8 = vector.load %arg3[%get3A_6, %get3A_7] : memref<1x384xf32, #tpu.memory_space<vmem>>, vector<1x384xf32>
    %add3A = vector.broadcast %get3A_8 : vector<1x384xf32> to vector<1000x384xf32>
    %add3A_9 = arith.addf %dot_general3A_5, %add3A : vector<1000x384xf32>
    %slice3A = vector.extract_strided_slice %add3A_9 {offsets = [0, 0], sizes = [1000, 128], strides = [1, 1]} : vector<1000x384xf32> to vector<1000x128xf32>
    %swap3A = arith.constant 0 : index
    %swap3A_10 = arith.constant 0 : index
    %swap3A_11 = vector.load %arg4[%swap3A, %swap3A_10] : memref<1000x128xf32, #tpu.memory_space<vmem>>, vector<1000x128xf32>
    tpu.vector_store %arg4[%swap3A, %swap3A_10], %slice3A {strides = array<i32>} : memref<1000x128xf32, #tpu.memory_space<vmem>>, vector<1000x128xf32>,
    %slice3A_12 = vector.extract_strided_slice %add3A_9 {offsets = [0, 128], sizes = [1000, 128], strides = [1, 1]} : vector<1000x384xf32> to vector<1000x128xf32>
    %swap3A_13 = arith.constant 0 : index
    %swap3A_14 = arith.constant 0 : index
    %swap3A_15 = vector.load %arg5[%swap3A_13, %swap3A_14] : memref<1000x128xf32, #tpu.memory_space<vmem>>, vector<1000x128xf32>
    tpu.vector_store %arg5[%swap3A_13, %swap3A_14], %slice3A_12 {strides = array<i32>} : memref<1000x128xf32, #tpu.memory_space<vmem>>, vector<1000x128xf32>,
    %slice3A_16 = vector.extract_strided_slice %add3A_9 {offsets = [0, 256], sizes = [1000, 128], strides = [1, 1]} : vector<1000x384xf32> to vector<1000x128xf32>
    %swap3A_17 = arith.constant 0 : index
    %swap3A_18 = arith.constant 0 : index
    %swap3A_19 = vector.load %arg6[%swap3A_17, %swap3A_18] : memref<1000x128xf32, #tpu.memory_space<vmem>>, vector<1000x128xf32>
    tpu.vector_store %arg6[%swap3A_17, %swap3A_18], %slice3A_16 {strides = array<i32>} : memref<1000x128xf32, #tpu.memory_space<vmem>>, vector<1000x128xf32>,
    return
  }
  func.func @transform_0(%arg0: i32) -> (i32, i32) {
    %c0_i32 = arith.constant 0 : i32
    %c0_i32_0 = arith.constant 0 : i32
    return %arg0, %c0_i32 : i32, i32
  }
  func.func @transform_1(%arg0: i32) -> (i32, i32) {
    %c0_i32 = arith.constant 0 : i32
    %c0_i32_0 = arith.constant 0 : i32
    %c0_i32_1 = arith.constant 0 : i32
    return %c0_i32, %c0_i32_0 : i32, i32
  }
  func.func @transform_2(%arg0: i32) -> (i32, i32) {
    %c0_i32 = arith.constant 0 : i32
    %c0_i32_0 = arith.constant 0 : i32
    %c0_i32_1 = arith.constant 0 : i32
    return %c0_i32, %c0_i32_0 : i32, i32
  }
  func.func @transform_3(%arg0: i32) -> (i32, i32) {
    %c0_i32 = arith.constant 0 : i32
    %c0_i32_0 = arith.constant 0 : i32
    return %arg0, %c0_i32 : i32, i32
  }
  func.func @transform_4(%arg0: i32) -> (i32, i32) {
    %c0_i32 = arith.constant 0 : i32
    %c0_i32_0 = arith.constant 0 : i32
    return %arg0, %c0_i32 : i32, i32
  }
  func.func @transform_5(%arg0: i32) -> (i32, i32) {
    %c0_i32 = arith.constant 0 : i32
    %c0_i32_0 = arith.constant 0 : i32
    return %arg0, %c0_i32 : i32, i32
  }
}

module attributes {stable_mosaic.version = 14 : i64} {
  func.func @_combine_body(%arg0: i32, %arg1: memref<2x1000x128xf32, #tpu.memory_space<vmem>>, %arg2: memref<1000x128xf32, #tpu.memory_space<vmem>>) attributes {dimension_semantics = [#tpu.dimension_semantics<arbitrary>], iteration_bounds = array<i64: 10>, scalar_prefetch = 0 : i64, scratch_operands = 0 : i64, tpu.core_type = #tpu.core_type<tc>, window_params = [{transform_indices = @transform_0, window_bounds = array<i64: 2, 1000, 128>}, {transform_indices = @transform_1, window_bounds = array<i64: 1000, 128>}]} {
    %get3A = arith.constant 0 : index
    %get3A_0 = arith.constant 0 : index
    %get3A_1 = arith.constant 0 : index
    %get3A_2 = vector.load %arg1[%get3A, %get3A_0, %get3A_1] : memref<2x1000x128xf32, #tpu.memory_space<vmem>>, vector<1x1000x128xf32>
    %get3A_3 = vector.shape_cast %get3A_2 : vector<1x1000x128xf32> to vector<1000x128xf32>
    %get3A_4 = arith.constant 1 : index
    %get3A_5 = arith.constant 0 : index
    %get3A_6 = arith.constant 0 : index
    %get3A_7 = vector.load %arg1[%get3A_4, %get3A_5, %get3A_6] : memref<2x1000x128xf32, #tpu.memory_space<vmem>>, vector<1x1000x128xf32>
    %get3A_8 = vector.shape_cast %get3A_7 : vector<1x1000x128xf32> to vector<1000x128xf32>
    %add3A = arith.addf %get3A_3, %get3A_8 : vector<1000x128xf32>
    %swap3A = arith.constant 0 : index
    %swap3A_9 = arith.constant 0 : index
    %swap3A_10 = vector.load %arg2[%swap3A, %swap3A_9] : memref<1000x128xf32, #tpu.memory_space<vmem>>, vector<1000x128xf32>
    tpu.vector_store %arg2[%swap3A, %swap3A_9], %add3A {strides = array<i32>} : memref<1000x128xf32, #tpu.memory_space<vmem>>, vector<1000x128xf32>,
    return
  }
  func.func @transform_0(%arg0: i32) -> (i32, i32, i32) {
    %c0_i32 = arith.constant 0 : i32
    %c0_i32_0 = arith.constant 0 : i32
    %c0_i32_1 = arith.constant 0 : i32
    return %c0_i32, %arg0, %c0_i32_0 : i32, i32, i32
  }
  func.func @transform_1(%arg0: i32) -> (i32, i32) {
    %c0_i32 = arith.constant 0 : i32
    %c0_i32_0 = arith.constant 0 : i32
    return %arg0, %c0_i32 : i32, i32
  }
}

</mosaic_0001>

<sc_bundles>
// kernel: kernel.10.cloned.1.call-start
scs
__scs_entry_jumppad:
0x0: {  	(pc) =	sbr.rel $0x88, $3  }
0x1: {  	(tag) =	ssettag $0x0;
	lr =	simm.s32 $0x1  }
0x2: {  	[smem:$0x3F98] =	sst lr;
	_ =	strace $0xD0000000  }
0x3: {  	_ = 	snop  }
0x4: {  	_ = 	snop  }
0x5: {  	_ = 	snop  }
0x6: {  	_ = 	snop  }
0x7: {  	_ = 	snop  }
__scs_overlays_trampoline_lowered:
0x8: {  	[smem:$0x3FA7] =	sst s0  }
0x9: {  	[smem:$0x3FA8] =	sst s1  }
0xa: {  	[smem:$0x3FA9] =	sst s2  }
0xb: {  	[smem:$0x3FAA] =	sst s3  }
0xc: {  	[smem:$0x3FAB] =	sst s4  }
0xd: {  	[smem:$0x3FAC] =	sst s5  }
0xe: {  	[smem:$0x3FAD] =	sst s6  }
0xf: {  	[smem:$0x3FAE] =	sst s7  }
0x10: {  	[smem:$0x3FAF] =	sst s8  }
0x11: {  	[smem:$0x3FB0] =	sst s9;
	s0 =	simm.s32 @!p0 $0x0  }
0x12: {  	s1 =	sld [smem:$0x3F96];
	s0 =	simm.s32 @p0 $0x1  }
0x13: {  	[smem:$0x3FB1] =	sst s0;
	s0 =	simm.s32 @!p1 $0x0  }
0x14: {  	s2 =	sld [smem:$0x3F95];
	s0 =	simm.s32 @p1 $0x1  }
0x15: {  	[smem:$0x3FB2] =	sst s0;
	s0 =	simm.s32 @!p2 $0x0  }
0x16: {  	s3 =	sld [smem:$0x3FDB];
	s0 =	simm.s32 @p2 $0x1  }
0x17: {  	s4 =	simm.s32 $0x1BF5;
	[smem:$0x3FB4] =	sst s0  }
0x18: {  	s0 =	sld [smem:$0x3F97];
	_ =	swait.ge [sflag:s4], $0x0  }
0x19: {  	s7 =	sld [smem:$0x3F98]  }
0x1a: {  	s8 =	sadd.s32 $0xFFFFE003, lr  }
0x1b: {  	s9 =	sadd.s32 $0xFFFFFEF7, lr;
	s5 =	simm.s32 $0xFFFFFFFF;
	p2 =	slt.u32 s8, $0xFFFFF086  }
0x1c: {  	p1 =	slt.u32 s9, $0xF7A;
	s5 =	simm.s32 @!p2 $0x0  }
0x1d: {  	s5 =	simm.s32 @p1 $0x1;
	p0 =	seq.s32 s7, s2  }
0x1e: {  	s7 =	smul.u32 @!p0 $0xF7A, s2;
	p2 =	seq.s32 @!p0 s5, $0x0  }
0x1f: {  	s9 =	smul.u32 $0xF7A, s1;
	s8 =	simm.s32 @!p0 $0x1BF5;
	p2 =	por !p2, p0  }
0x20: {  	[sflag:s8] =	ssyncset.s32 @!p0 $0xFFFFF086;
	s6 =	sadd.s32 @!p0 s3, s7;
	s7 =	simm.s32 @!p0 $0x108  }
0x21: {  	s3 =	sadd.s32 s3, s9;
	s6 =	sadd.s32 @!p0 $0x88, s6;
	s7 =	simm.s32 @p2 $0x1082  }
0x22: {  	[simem:s7], [sflag:s8] =	dma.local @!p0 [hbm:s6], $0xF7A  }
0x23: {  	s9 =	sor.u32 $0xD0000000, s2;
	s6 =	simm.s32 $0x108;
	_ =	swait.ge @!p0 [sflag:s8], $0x0  }
0x24: {  	s3 =	sadd.s32 $0x88, s3;
	s6 =	simm.s32 @!p1 $0x1082;
	[sflag:s4] =	ssyncset.s32 $0xFFFFF086  }
0x25: {  	[simem:s6], [sflag:s4] =	dma.local [hbm:s3], $0xF7A  }
0x26: {  	[smem:$0x3F98] =	sst s1;
	(tag) =	ssettag s2;
	_ =	strace s9  }
0x27: {  	s1 =	sld [smem:$0x3FA8]  }
0x28: {  	s2 =	sld [smem:$0x3FA9]  }
0x29: {  	s4 =	sld [smem:$0x3FAB]  }
0x2a: {  	p0 =	seq.s32 s5, $0x0;
	s5 =	sld [smem:$0x3FAC]  }
0x2b: {  	s6 =	sld [smem:$0x3FAD]  }
0x2c: {  	s7 =	sld [smem:$0x3FAE]  }
0x2d: {  	s3 =	simm.s32 $0x108;
	s8 =	sld [smem:$0x3FAF]  }
0x2e: {  	s3 =	simm.s32 @!p0 $0x1082;
	s9 =	sld [smem:$0x3FB0]  }
0x2f: {  	lr =	sadd.s32 s0, s3;
	s0 =	sld [smem:$0x3FA7]  }
0x30: {  	s3 =	sld [smem:$0x3FAA]  }
0x31: {  	[smem:$0x3FB3] =	sst s10  }
0x32: {  	s10 =	sld [smem:$0x3FB1];
	_ =	sdelay $0x3  }
0x33: {  	p0 =	seq.s32 s10, $0x1;
	s10 =	sld [smem:$0x3FB3];
	_ =	sdelay $0x3  }
0x34: {  	[smem:$0x3FB3] =	sst s10  }
0x35: {  	s10 =	sld [smem:$0x3FB2];
	_ =	sdelay $0x3  }
0x36: {  	p1 =	seq.s32 s10, $0x1;
	s10 =	sld [smem:$0x3FB3];
	_ =	sdelay $0x3  }
0x37: {  	[smem:$0x3FB3] =	sst s10  }
0x38: {  	s10 =	sld [smem:$0x3FB4]  }
0x39: {  	_ = 	snop;
	(pc) =	sbr.ind lr, $3  }
0x3a: {  	_ = 	snop  }
0x3b: {  	_ = 	snop  }
0x3c: {  	p2 =	seq.s32 s10, $0x1;
	s10 =	sld [smem:$0x3FB3]  }
0x3d: {  	_ =	shalt  }
0x3e: {  	_ =	shalt  }
0x3f: {  	_ =	shalt  }
0x40: {  	_ =	shalt  }
0x41: {  	_ =	shalt  }
0x42: {  	_ =	shalt  }
0x43: {  	_ =	shalt  }
0x44: {  	_ =	shalt  }
0x45: {  	_ =	shalt  }
0x46: {  	_ =	shalt  }
0x47: {  	_ =	shalt  }
0x48: {  	_ =	shalt  }
0x49: {  	_ =	shalt  }
0x4a: {  	_ =	shalt  }
0x4b: {  	_ =	shalt  }
0x4c: {  	_ =	shalt  }
0x4d: {  	_ =	shalt  }
0x4e: {  	_ =	shalt  }
0x4f: {  	_ =	shalt  }
0x50: {  	_ =	shalt  }
0x51: {  	_ =	shalt  }
0x52: {  	_ =	shalt  }
0x53: {  	_ =	shalt  }
0x54: {  	_ =	shalt  }
0x55: {  	_ =	shalt  }
0x56: {  	_ =	shalt  }
0x57: {  	_ =	shalt  }
0x58: {  	_ =	shalt  }
0x59: {  	_ =	shalt  }
0x5a: {  	_ =	shalt  }
0x5b: {  	_ =	shalt  }
0x5c: {  	_ =	shalt  }
0x5d: {  	_ =	shalt  }
0x5e: {  	_ =	shalt  }
0x5f: {  	_ =	shalt  }
0x60: {  	_ =	shalt  }
0x61: {  	_ =	shalt  }
0x62: {  	_ =	shalt  }
0x63: {  	_ =	shalt  }
0x64: {  	_ =	shalt  }
0x65: {  	_ =	shalt  }
0x66: {  	_ =	shalt  }
0x67: {  	_ =	shalt  }
0x68: {  	_ =	shalt  }
0x69: {  	_ =	shalt  }
0x6a: {  	_ =	shalt  }
0x6b: {  	_ =	shalt  }
0x6c: {  	_ =	shalt  }
0x6d: {  	_ =	shalt  }
0x6e: {  	_ =	shalt  }
0x6f: {  	_ =	shalt  }
0x70: {  	_ =	shalt  }
0x71: {  	_ =	shalt  }
0x72: {  	_ =	shalt  }
0x73: {  	_ =	shalt  }
0x74: {  	_ =	shalt  }
0x75: {  	_ =	shalt  }
0x76: {  	_ =	shalt  }
0x77: {  	_ =	shalt  }
0x78: {  	_ =	shalt  }
0x79: {  	_ =	shalt  }
0x7a: {  	_ =	shalt  }
0x7b: {  	_ =	shalt  }
0x7c: {  	_ =	shalt  }
0x7d: {  	_ =	shalt  }
0x7e: {  	_ =	shalt  }
0x7f: {  	_ =	shalt  }
0x80: {  	_ =	shalt  }
0x81: {  	_ =	shalt  }
0x82: {  	_ =	shalt  }
0x83: {  	_ =	shalt  }
0x84: {  	_ =	shalt  }
0x85: {  	_ =	shalt  }
0x86: {  	_ =	shalt  }
0x87: {  	_ =	shalt  }
.Lfunc_end0:
.L_simem_size_0:
called_computation.1_lowered:
.L_overlay_start_0:
0x88: {  	s2 =	sld [smem:$0x3FD9]  }
0x89: {  	s3 =	sld [smem:$0x3FFE];
	_ =	sdelay $0x1  }
0x8a: {  	s1 =	srdreg.scid  }
0x8b: {  	s0 =	sand.u32 $0x1, s1  }
0x8c: {  	s17 =	sshll.u32 s0, $0xA;
	s2 =	sadd.s32 s3, s2  }
0x8d: {  	s2 =	sadd.s32 s2, s17  }
0x8e: {  	[smem:$0x3FBF] =	sst s2  }
0x8f: {  	_ = 	snop  }
0x90: {  	s2 =	sld [smem:$0x3FD0];
	(tm) =	ssettm $0x1  }
0x91: {  	s18 =	sld [smem:$0x3FFB];
	_ =	sdelay $0x3  }
0x92: {  	_ =	strace s18  }
0x93: {  	s3 =	sld [smem:$0x3FFC];
	_ =	sdelay $0x3  }
0x94: {  	_ =	strace s3  }
0x95: {  	s3 =	sld [smem:$0x3FFD];
	_ =	sdelay $0x3  }
0x96: {  	_ =	strace s3  }
0x97: {  	_ =	strace $0x8FFFFFFF  }
0x98: {  	s19 =	sld [smem:$0x3FDB];
	_ =	sdelay $0x1  }
0x99: {  	s4 =	simm.s32 $_scs_section_size  }
0x9a: {  	s5 =	simm.s32 $_size__tile_overlayer_lowered;
	s6 =	simm.s32 $_tile_overlayer_lowered  }
0x9b: {  	s22 =	simm.s32 $0x1BFF;
	s21 =	sshll.u32 s6, $0x1;
	s3 =	sadd.s32 s4, s19  }
0x9c: {  	s7 =	simm.s32 $0x0;
	s20 =	sshll.u32 s5, $0x1;
	s5 =	sadd.s32 s21, s3  }
0x9d: {  	[timem:s7], [sflag:s22] =	dma.local [hbm:s5], s20  }
0x9e: {  	_ =	swait.ge [sflag:s22], s20  }
0x9f: {  	s4 =	ssub.s32 $0x0, s20;
	[sflag:s22] =	ssyncset.done $0x0  }
0xa0: {  	[sflag:s22] =	ssyncadd.s32 s4;
	_ =	sdelay $0x1  }
0xa1: {  	s23 =	simm.s32 $0x1B8B  }
0xa2: {  	_ =	swait.ge [sflag:s23], $0x1  }
0xa3: {  	[sflag:s23] =	ssyncset.done $0x0  }
0xa4: {  	s25 =	simm.s32 $0x1B8E;
	s24 =	sld [smem:$0x3FFE];
	[sflag:s23] =	ssyncadd.s32 $0xFFFFFFFF  }
0xa5: {  	s26 =	simm.s32 $execute0_lowered;
	[smem:$0x3FD2] =	sst s25  }
0xa6: {  	s5 =	sshll.u32 s26, $0x1;
	_ =	strace $0x80000049;
	[dreg:$0x1] =	wrdreg $0xFFFFFFFF  }
0xa7: {  	s28 =	simm.s32 $_size_execute0_lowered;
	s3 =	sadd.s32 s3, s5;
	[dreg:$0x0] =	wrdreg $0x0  }
0xa8: {  	s5 =	sshll.u32 s28, $0x1;
	[dreg:$0x2] =	wrdreg s3  }
0xa9: {  	[dreg:$0x3] =	wrdreg s5  }
0xaa: {  	[dreg:$0x4] =	wrdreg $0xC0  }
0xab: {  	_ =	task [dreg:s7], $0x5FFFF  }
0xac: {  	[dreg:$0x1] =	wrdreg $0xFFFFFFFF  }
0xad: {  	[dreg:$0x0] =	wrdreg $0x60  }
0xae: {  	[dreg:$0x2] =	wrdreg s2  }
0xaf: {  	[dreg:$0x3] =	wrdreg s24  }
0xb0: {  	[dreg:$0x4] =	wrdreg $0x83000  }
0xb1: {  	[dreg:$0x5] =	wrdreg $0x9  }
0xb2: {  	_ =	task.clear_ibuf [dreg:s7], $0x6FFFF;
	_ =	strace $0x90000049  }
0xb3: {  	s29 =	simm.s32 $0x9;
	_ =	strace $0x8000004B  }
0xb4: {  	_ =	swait.ge [sflag:s29], $0x1  }
0xb5: {  	[sflag:s29] =	ssyncadd.s32 $0xFFFFFFFF  }
0xb6: {  	_ =	strace $0x9000004B  }
0xb7: {  	_ =	sfence  }
0xb8: {  	s30 =	sld [smem:$0x0];
	_ =	sdelay $0x2  }
0xb9: {  	s31 =	sshll.u32 s1, $0xD;
	s1 =	sshrl.u32 s1, $0x2  }
0xba: {  	s3 =	sand.u32 $0x4000, s31;
	s1 =	sadd.s32 s1, s30  }
0xbb: {  	s0 =	sor.u32 s3, s0;
	s1 =	sshll.u32 s1, $0x11  }
0xbc: {  	s0 =	sor.u32 s1, s0  }
0xbd: {  	s0 =	sadd.s32 $0x8F2B, s0  }
0xbe: {  	[sflag:s0] =	ssyncadd.remote.s32 $0x1  }
0xbf: {  	_ =	sfence.sel $0xFFFF  }
0xc0: {  	[dreg:$0x0] =	wrdreg $0xFFFFFFFF;
	(pc) =	sbr.abs _section_cstart, $3  }
0xc1: {  	[dreg:$0x1] =	wrdreg $0xFFFFFFFF  }
0xc2: {  	_ =	task.clear_ibuf [dreg:s7], $0x2FFFF;
	_ =	strace $0x9FFFFFFF  }
0xc3: {  	(tm) =	ssettm $0x7FFFFFFF  }
tec
execute0_lowered:
.L_overlay_start_1:
0x0: {  	(tag) =	ssettag $0x1  }
0x1: {  	s1 =	rddreg [dreg:$0x0]  }
0x2: {  	s0 =	rddreg [dreg:$0x1]  }
0x3: {  	s2 =	rddreg [dreg:$0x2]  }
0x4: {  	s3 =	simm.s32 $0x0;
	s22 =	srdreg.scid;
	s8 =	stileid.u32  }
0x5: {  	s17 =	simm.s32 $0x3;
	s18 =	simm.s32 $0x80;
	s19 =	simm.s32 $0x50  }
0x6: {  	s20 =	simm.s32 $0x280;
	s21 =	simm.s32 $0x140;
	s29 =	simm.s32 $0x2E80  }
0x7: {  	s30 =	simm.s32 $0x5980;
	s31 =	simm.s32 $0x5800;
	s14 =	simm.s32 $0x0  }
0x8: {  	[smem:$0x7FF] =	sst s3;
	s4 =	sadd.s32 $0xB400, s0;
	s5 =	sadd.s32 $0x1600, s0  }
0x9: {  	s3 =	sand.u32 $0x1, s22;
	s7 =	sshll.u32 s8, $0x1;
	s6 =	sadd.s32 $0x67400, s0  }
0xa: {  	s12 =	sadd.s32 $0x16600, s0;
	p0 =	sne.s32 s8, $0x0;
	s22 =	simm.s32 $0x100  }
0xb: {  	s8 =	simm.s32 $0x5B00;
	s9 =	smul.u32 $0x27100, s3;
	s10 =	sor.u32 s3, s7  }
0xc: {  	_ =	strace $0x8000004A;
	s3 =	ssub.s32 $0x2, s3;
	s11 =	smul.u32 $0x2710, s10  }
0xd: {  	s7 =	sadd.s32 $0x15200, s0;
	s23 =	sshrl.u32 s3, $0x1;
	s10 =	smul.u32 $0x1388, s10  }
0xe: {  	[dreg:$0x4] =	wrdreg s12;
	s0 =	sadd.s32 s9, s0;
	s3 =	ssub.s32 s3, s23  }
0xf: {  	s23 =	simm.s32 $0x2C00;
	s24 =	sshrl.u32 s11, $0x3;
	s26 =	sadd.s32 s6, s10  }
0x10: {  	s12 =	sadd.s32 $0x50, s11;
	s0 =	sadd.s32 $0x8E600, s0;
	[dreg:$0x7] =	wrdreg s26  }
0x11: {  	s13 =	sadd.s32 $0xA0, s11;
	s28 =	smax.u32 s3, $0x1;
	[dreg:$0x8] =	wrdreg s0  }
0x12: {  	s11 =	sshrl.u32 @!p0 s2, $0x3;
	s25 =	sadd.s32 s4, s24;
	[dreg:$0x9] =	wrdreg s28  }
0x13: {  	s9 =	sadd.s32 s5, s24;
	s24 =	simm.s32 $0x2A80;
	[dreg:$0xa] =	wrdreg s11  }
0x14: {  	v0 =	vlaneseq.u32;
	s26 =	simm.s32 $0x2E00;
	s0 =	simm.s32 $0x1;
	[dreg:$0x5] =	wrdreg s25  }
0x15: {  	v1 =	vand.u32 $0x3, v0;
	[dreg:$0x6] =	wrdreg s9;
	s25 =	simm.s32 $0x2D80;
	s9 =	simm.s32 $0x2  }
.LBB2_1:
0x16: {  	[dreg:$0xb] =	wrdreg s14  }
0x17: {  	s3 =	simm.s32 @!p0 $0x1C03;
	s10 =	rddreg [dreg:$0x4]  }
0x18: {  	[spmem:s11], [sflag:s3] =	dma.local @!p0 [hbm:s10], $0x27100  }
0x19: {  	s3 =	simm.s32 @!p0 $0x3  }
0x1a: {  	_ =	swait.ge @!p0 [sflag:s3], $0x27100  }
0x1b: {  	[sflag:s3] =	ssyncset.done @!p0 $0x0  }
0x1c: {  	[sflag:s3] =	ssyncadd.s32 @!p0 $0xFFFD8F00  }
0x1d: {  	[bflag:$0x0] =	sbarrier.arrive $0xFFFF  }
0x1e: {  	s11 =	simm.s32 $0x0;
	s14 =	rddreg [dreg:$0x5]  }
0x1f: {  	[tilespmem:s11], [sflag:$0x3] =	stream.linear.gather [hbm4b:s14+s11], $0x50, $0x38;
	[tilespmem:$0x1BB80] =	vst v63  }
0x20: {  	_ =	swait.ge [sflag:s17], $0x50  }
0x21: {  	v2 =	vor.u32 s11, v0;
	[sflag:s17] =	ssyncset.done $0x0  }
0x22: {  	v2 =	vshrl.u32 v2, $0x2;
	s15 =	rddreg [dreg:$0x6];
	[sflag:s17] =	ssyncadd.s32 $0xFFFFFFB0  }
0x23: {  	[tilespmem:s18], [sflag:$0x3] =	stream.linear.gather [hbm4b:s15+s11], $0x50, $0x38;
	[tilespmem:$0x1BB80] =	vst v63  }
0x24: {  	_ =	swait.ge [sflag:s17], $0x50  }
0x25: {  	[sflag:s17] =	ssyncset.done $0x0  }
0x26: {  	[sflag:s17] =	ssyncadd.s32 $0xFFFFFFB0  }
0x27: {  	v2 =	vld.idx.msk [tilespmem:v2+s18+$0x0], $0xffff  }
0x28: {  	s16 =	simm.s32 $0x10  }
0x29: {  	v3 =	vor.u32 s16, v0  }
0x2a: {  	v3 =	vshrl.u32 v3, $0x2;
	_ =	sdelay $0x1  }
0x2b: {  	v2 =	vshll.u32 v2, $0x2  }
0x2c: {  	v2 =	vor.u32 v1, v2  }
0x2d: {  	[tilespmem:s22+$0x0] =	vst v2  }
0x2e: {  	v2 =	vld.idx.msk [tilespmem:v3+s18+$0x0], $0xffff  }
0x2f: {  	s28 =	simm.s32 $0x20  }
0x30: {  	s10 =	simm.s32 $0x30;
	s3 =	simm.s32 $0x100;
	v3 =	vor.u32 s28, v0  }
.LBB2_2:
0x31: {  	p1 =	sne.s32 s10, $0x130;
	v3 =	vshrl.u32 v3, $0x2;
	_ =	sdelay $0x1  }
0x32: {  	v2 =	vshll.u32 v2, $0x2  }
0x33: {  	s3 =	sadd.s32 $0x10, s3;
	v2 =	vor.u32 v1, v2  }
.Ltmp0:
0x34: {  	[tilespmem:s3+$0x0] =	vst v2;
	(pc) =	sbr.rel @p1 .LBB2_2-.Ltmp0, $2  }
0x35: {  	v2 =	vld.idx.msk [tilespmem:v3+s18+$0x0], $0xffff;
	_ =	sdelay $0x2  }
0x36: {  	v3 =	vor.u32 s10, v0;
	s10 =	sadd.s32 $0x10, s10  }
0x37: {  	v3 =	vshrl.u32 v3, $0x2;
	_ =	sdelay $0x1  }
0x38: {  	v2 =	vshll.u32 v2, $0x2  }
0x39: {  	s3 =	sadd.s32 $0x10, s3;
	v2 =	vor.u32 v1, v2  }
0x3a: {  	[tilespmem:s3+$0x0] =	vst v2  }
0x3b: {  	v2 =	vld.idx.msk [tilespmem:v3+s18+$0x0], $0xffff;
	_ =	sdelay $0x4  }
0x3c: {  	v2 =	vshll.u32 v2, $0x2  }
0x3d: {  	s3 =	sadd.s32 $0x10, s3;
	v2 =	vor.u32 v1, v2  }
0x3e: {  	s11 =	simm.s32 $0x0;
	[tilespmem:s3+$0x0] =	vst v2  }
0x3f: {  	[tilespmem:s20], [sflag:$0x1] =	stream.indirect.gather [hbm4b:s1+s19], $0x80, s11, s19, $0xb8;
	[tilespmem:$0x1BB80] =	vst v63  }
0x40: {  	_ = 	snop  }
0x41: {  	[tilespmem:s23], [sflag:$0x1] =	stream.indirect.gather [hbm4b:s7+s21], $0x1, s22, s21, $0xb8;
	[tilespmem:$0x1BB80] =	vst v63  }
0x42: {  	s28 =	rddreg [dreg:$0x7];
	s14 =	simm.s32 $0x0  }
0x43: {  	[tilespmem:s24], [sflag:$0x1] =	stream.linear.gather [hbm4b:s28+s11], $0x140, $0x38;
	[tilespmem:$0x1BB80] =	vst v63  }
.LBB2_4:
0x44: {  	s15 =	smul.u32 $0xA0, s14;
	_ =	sdelay $0x1  }
0x45: {  	s3 =	sadd.s32 s15, s12  }
0x46: {  	s10 =	sshrl.u32 s3, $0x3  }
0x47: {  	s16 =	sadd.s32 s4, s10  }
0x48: {  	[tilespmem:s25], [sflag:$0x3] =	stream.linear.gather [hbm4b:s16+s11], $0x50, $0x38;
	[tilespmem:$0x1BB80] =	vst v63  }
0x49: {  	_ =	swait.ge [sflag:s17], $0x50  }
0x4a: {  	v2 =	vor.u32 s11, v0;
	[sflag:s17] =	ssyncset.done $0x0  }
0x4b: {  	v2 =	vshrl.u32 v2, $0x2;
	s10 =	sadd.s32 s5, s10;
	[sflag:s17] =	ssyncadd.s32 $0xFFFFFFB0  }
0x4c: {  	[tilespmem:s26], [sflag:$0x3] =	stream.linear.gather [hbm4b:s10+s11], $0x50, $0x38;
	[tilespmem:$0x1BB80] =	vst v63  }
0x4d: {  	_ =	swait.ge [sflag:s17], $0x50  }
0x4e: {  	[sflag:s17] =	ssyncset.done $0x0  }
0x4f: {  	[sflag:s17] =	ssyncadd.s32 $0xFFFFFFB0  }
0x50: {  	v2 =	vld.idx.msk [tilespmem:v2+s26+$0x0], $0xffff  }
0x51: {  	s16 =	simm.s32 $0x10  }
0x52: {  	v3 =	vor.u32 s16, v0  }
0x53: {  	v3 =	vshrl.u32 v3, $0x2;
	_ =	sdelay $0x1  }
0x54: {  	v2 =	vshll.u32 v2, $0x2  }
0x55: {  	s10 =	simm.s32 $0x2E80;
	v2 =	vor.u32 v1, v2  }
0x56: {  	[tilespmem:s10+$0x0] =	vst v2  }
0x57: {  	v2 =	vld.idx.msk [tilespmem:v3+s26+$0x0], $0xffff  }
0x58: {  	s28 =	simm.s32 $0x20  }
0x59: {  	s16 =	simm.s32 $0x30;
	v3 =	vor.u32 s28, v0  }
.LBB2_5:
0x5a: {  	p1 =	sne.s32 s16, $0x130;
	v3 =	vshrl.u32 v3, $0x2;
	_ =	sdelay $0x1  }
0x5b: {  	v2 =	vshll.u32 v2, $0x2  }
0x5c: {  	s10 =	sadd.s32 $0x10, s10;
	v2 =	vor.u32 v1, v2  }
.Ltmp1:
0x5d: {  	[tilespmem:s10+$0x0] =	vst v2;
	(pc) =	sbr.rel @p1 .LBB2_5-.Ltmp1, $2  }
0x5e: {  	v2 =	vld.idx.msk [tilespmem:v3+s26+$0x0], $0xffff;
	_ =	sdelay $0x2  }
0x5f: {  	v3 =	vor.u32 s16, v0;
	s16 =	sadd.s32 $0x10, s16  }
0x60: {  	v3 =	vshrl.u32 v3, $0x2;
	_ =	sdelay $0x1  }
0x61: {  	v2 =	vshll.u32 v2, $0x2  }
0x62: {  	s10 =	sadd.s32 $0x10, s10;
	v2 =	vor.u32 v1, v2  }
0x63: {  	[tilespmem:s10+$0x0] =	vst v2  }
0x64: {  	v2 =	vld.idx.msk [tilespmem:v3+s26+$0x0], $0xffff;
	_ =	sdelay $0x4  }
0x65: {  	v2 =	vshll.u32 v2, $0x2  }
0x66: {  	s10 =	sadd.s32 $0x10, s10;
	v2 =	vor.u32 v1, v2  }
0x67: {  	s16 =	simm.s32 $0x3000;
	[tilespmem:s10+$0x0] =	vst v2  }
0x68: {  	[tilespmem:s16], [sflag:$0x2] =	stream.indirect.gather [hbm4b:s1+s19], $0x80, s25, s19, $0xb8;
	[tilespmem:$0x1BB80] =	vst v63  }
0x69: {  	s3 =	sshrl.u32 s3, $0x1  }
0x6a: {  	[tilespmem:s30], [sflag:$0x2] =	stream.indirect.gather [hbm4b:s7+s21], $0x1, s29, s21, $0xb8;
	[tilespmem:$0x1BB80] =	vst v63  }
0x6b: {  	s28 =	simm.s32 $0x0;
	s3 =	sadd.s32 s6, s3  }
0x6c: {  	[tilespmem:s31], [sflag:$0x2] =	stream.linear.gather [hbm4b:s3+s28], $0x140, $0x38;
	[tilespmem:$0x1BB80] =	vst v63  }
0x6d: {  	_ =	swait.ge [sflag:s0], $0x2800  }
0x6e: {  	[sflag:s0] =	ssyncset.done $0x0  }
0x6f: {  	[sflag:s0] =	ssyncadd.s32 $0xFFFFD800  }
0x70: {  	_ =	swait.ge [sflag:s0], $0x140  }
0x71: {  	[sflag:s0] =	ssyncset.done $0x0  }
0x72: {  	[sflag:s0] =	ssyncadd.s32 $0xFFFFFEC0  }
0x73: {  	_ =	swait.ge [sflag:s0], $0x140  }
0x74: {  	[sflag:s0] =	ssyncset.done $0x0  }
0x75: {  	s3 =	simm.s32 $0x0;
	[sflag:s0] =	ssyncadd.s32 $0xFFFFFEC0  }
0x76: {  	s10 =	simm.s32 $0x0;
	s16 =	simm.s32 $0x40;
	v2 =	vld [tilespmem:s3+$0x2C00]  }
.LBB2_7:
0x77: {  	p1 =	sne.s32 s16, $0x4C0;
	v3 =	vld [tilespmem:s10+$0x2A80];
	_ =	sdelay $0x2  }
.Ltmp2:
0x78: {  	(pc) =	sbr.rel @p1 .LBB2_7-.Ltmp2, $4  }
0x79: {  	_ = 	snop  }
0x7a: {  	v3 =	vmul.f32 v2, v3  }
0x7b: {  	s28 =	sshra.s32 s16, $0x2  }
0x7c: {  	s16 =	sadd.s32 $0x40, s16;
	v2 =	vld [tilespmem:s28+$0x2C00];
	[tilespmem:s10+$0x2A80] =	vst v3;
	s10 =	smov.u32 s28  }
0x7d: {  	v3 =	vld [tilespmem:s10+$0x2A80];
	_ =	sdelay $0x4  }
0x7e: {  	v2 =	vmul.f32 v2, v3;
	_ =	sdelay $0x1  }
0x7f: {  	[tilespmem:s10+$0x2A80] =	vst v2  }
0x80: {  	v11 =	vld [tilespmem:s3+$0x280]  }
0x81: {  	v10 =	vld [tilespmem:s3+$0x290]  }
0x82: {  	v9 =	vld [tilespmem:s3+$0x2A0]  }
0x83: {  	v8 =	vld [tilespmem:s3+$0x2B0]  }
0x84: {  	v7 =	vld [tilespmem:s3+$0x2C0]  }
0x85: {  	v6 =	vld [tilespmem:s3+$0x2D0]  }
0x86: {  	v4 =	vld [tilespmem:s3+$0x2E0]  }
0x87: {  	v5 =	vld [tilespmem:s3+$0x2F0]  }
0x88: {  	s16 =	simm.s32 $0x2A80;
	v3 =	vld [tilespmem:s3+$0x300]  }
0x89: {  	s10 =	simm.s32 $0x800;
	v2 =	vld [tilespmem:s16+$0x0]  }
.LBB2_9:
0x8a: {  	p1 =	sne.s32 s10, $0x9800;
	v12 =	vld [tilespmem:s3+$0x310]  }
0x8b: {  	v13 =	vld [tilespmem:s3+$0x320]  }
0x8c: {  	v14 =	vld [tilespmem:s3+$0x330]  }
0x8d: {  	v15 =	vld [tilespmem:s3+$0x340]  }
0x8e: {  	v16 =	vbroadcast v2, $0x0;
	v17 =	vbroadcast v2, $0x1;
	v18 =	vld [tilespmem:s3+$0x350]  }
0x8f: {  	v19 =	vbroadcast v2, $0x2;
	v20 =	vbroadcast v2, $0x3;
	v21 =	vld [tilespmem:s3+$0x360]  }
0x90: {  	v11 =	vmul.f32 v16, v11;
	v10 =	vmul.f32 v10, v16;
	v16 =	vld [tilespmem:s3+$0x370]  }
0x91: {  	v9 =	vmul.f32 v9, v17;
	v8 =	vmul.f32 v8, v17;
	v17 =	vld [tilespmem:s3+$0x380]  }
0x92: {  	v7 =	vmul.f32 v7, v19;
	v6 =	vmul.f32 v6, v19;
	[tilespmem:s3+$0x5B00] =	vst v11;
	v11 =	vld [tilespmem:s3+$0x390]  }
0x93: {  	v4 =	vmul.f32 v4, v20;
	v5 =	vmul.f32 v5, v20;
	[tilespmem:s3+$0x5B10] =	vst v10;
	v10 =	vld [tilespmem:s3+$0x3A0]  }
0x94: {  	v19 =	vbroadcast v2, $0x5;
	[tilespmem:s3+$0x5B20] =	vst v9;
	v9 =	vbroadcast v2, $0x4;
	v20 =	vld [tilespmem:s3+$0x3B0]  }
0x95: {  	v22 =	vbroadcast v2, $0x7;
	[tilespmem:s3+$0x5B30] =	vst v8;
	v8 =	vbroadcast v2, $0x6;
	v23 =	vld [tilespmem:s3+$0x3C0]  }
0x96: {  	[tilespmem:s3+$0x5B40] =	vst v7;
	v3 =	vmul.f32 v3, v9;
	v7 =	vmul.f32 v12, v9;
	v9 =	vld [tilespmem:s3+$0x3D0]  }
0x97: {  	v12 =	vmul.f32 v14, v19;
	[tilespmem:s3+$0x5B50] =	vst v6;
	v6 =	vmul.f32 v13, v19;
	v13 =	vld [tilespmem:s3+$0x3E0]  }
0x98: {  	[tilespmem:s3+$0x5B60] =	vst v4;
	v4 =	vmul.f32 v15, v8;
	v8 =	vmul.f32 v18, v8;
	v14 =	vld [tilespmem:s3+$0x3F0]  }
0x99: {  	v15 =	vmul.f32 v16, v22;
	[tilespmem:s3+$0x5B70] =	vst v5;
	v5 =	vmul.f32 v21, v22;
	v16 =	vld [tilespmem:s3+$0x400]  }
0x9a: {  	v18 =	vbroadcast v2, $0x9;
	[tilespmem:s3+$0x5B80] =	vst v3;
	v3 =	vbroadcast v2, $0x8;
	v19 =	vld [tilespmem:s3+$0x410]  }
0x9b: {  	v21 =	vbroadcast v2, $0xB;
	[tilespmem:s3+$0x5B90] =	vst v7;
	v7 =	vbroadcast v2, $0xA;
	v22 =	vld [tilespmem:s3+$0x420]  }
0x9c: {  	[tilespmem:s3+$0x5BA0] =	vst v6;
	v6 =	vmul.f32 v17, v3;
	v3 =	vmul.f32 v11, v3;
	v11 =	vld [tilespmem:s3+$0x430]  }
0x9d: {  	v10 =	vmul.f32 v10, v18;
	[tilespmem:s3+$0x5BB0] =	vst v12;
	v12 =	vmul.f32 v20, v18;
	v17 =	vld [tilespmem:s3+$0x440]  }
0x9e: {  	[tilespmem:s3+$0x5BC0] =	vst v4;
	v4 =	vmul.f32 v23, v7;
	v7 =	vmul.f32 v9, v7;
	v9 =	vld [tilespmem:s3+$0x450]  }
0x9f: {  	[tilespmem:s3+$0x5BD0] =	vst v8;
	v8 =	vmul.f32 v13, v21;
	v13 =	vmul.f32 v14, v21;
	v14 =	vld [tilespmem:s3+$0x460]  }
0xa0: {  	v18 =	vbroadcast v2, $0xD;
	[tilespmem:s3+$0x5BE0] =	vst v5;
	v5 =	vbroadcast v2, $0xC;
	v20 =	vld [tilespmem:s3+$0x470]  }
0xa1: {  	[tilespmem:s3+$0x5BF0] =	vst v15;
	v15 =	vbroadcast v2, $0xE;
	v2 =	vbroadcast v2, $0xF  }
0xa2: {  	[tilespmem:s3+$0x5C00] =	vst v6;
	v6 =	vmul.f32 v16, v5;
	v5 =	vmul.f32 v19, v5  }
0xa3: {  	v16 =	vmul.f32 v11, v18;
	[tilespmem:s3+$0x5C10] =	vst v3;
	v3 =	vmul.f32 v22, v18  }
0xa4: {  	v17 =	vmul.f32 v17, v15;
	v15 =	vmul.f32 v9, v15;
	[tilespmem:s3+$0x5C20] =	vst v10  }
0xa5: {  	[tilespmem:s3+$0x5C30] =	vst v12;
	v12 =	vmul.f32 v14, v2;
	v2 =	vmul.f32 v20, v2  }
0xa6: {  	[tilespmem:s3+$0x5C40] =	vst v4  }
0xa7: {  	[tilespmem:s3+$0x5C50] =	vst v7  }
0xa8: {  	s28 =	sshra.s32 s10, $0x2;
	[tilespmem:s3+$0x5C60] =	vst v8  }
0xa9: {  	v11 =	vld [tilespmem:s28+$0x280];
	[tilespmem:s3+$0x5C70] =	vst v13  }
0xaa: {  	v10 =	vld [tilespmem:s28+$0x290];
	[tilespmem:s3+$0x5C80] =	vst v6  }
0xab: {  	v9 =	vld [tilespmem:s28+$0x2A0];
	[tilespmem:s3+$0x5C90] =	vst v5  }
0xac: {  	v8 =	vld [tilespmem:s28+$0x2B0];
	[tilespmem:s3+$0x5CA0] =	vst v3  }
0xad: {  	v7 =	vld [tilespmem:s28+$0x2C0];
	[tilespmem:s3+$0x5CB0] =	vst v16  }
.Ltmp3:
0xae: {  	v6 =	vld [tilespmem:s28+$0x2D0];
	[tilespmem:s3+$0x5CC0] =	vst v17;
	(pc) =	sbr.rel @p1 .LBB2_9-.Ltmp3, $4  }
0xaf: {  	v4 =	vld [tilespmem:s28+$0x2E0];
	[tilespmem:s3+$0x5CD0] =	vst v15  }
0xb0: {  	v5 =	vld [tilespmem:s28+$0x2F0];
	[tilespmem:s3+$0x5CE0] =	vst v12  }
0xb1: {  	s16 =	sadd.s32 $0x10, s16;
	v3 =	vld [tilespmem:s28+$0x300];
	[tilespmem:s3+$0x5CF0] =	vst v2;
	s3 =	smov.u32 s28  }
0xb2: {  	s10 =	sadd.s32 $0x800, s10;
	v2 =	vld [tilespmem:s16+$0x0]  }
0xb3: {  	_ =	sdelay $0x3  }
0xb4: {  	v16 =	vbroadcast v2, $0x0;
	_ =	sdelay $0x1  }
0xb5: {  	v21 =	vbroadcast v2, $0x1;
	v11 =	vmul.f32 v16, v11  }
0xb6: {  	v10 =	vmul.f32 v10, v16  }
0xb7: {  	v40 =	vbroadcast v2, $0x2;
	v9 =	vmul.f32 v9, v21;
	[tilespmem:s3+$0x5B00] =	vst v11  }
0xb8: {  	v8 =	vmul.f32 v8, v21;
	[tilespmem:s3+$0x5B10] =	vst v10  }
0xb9: {  	v12 =	vld [tilespmem:s3+$0x310];
	v43 =	vbroadcast v2, $0x3;
	v7 =	vmul.f32 v7, v40;
	[tilespmem:s3+$0x5B20] =	vst v9  }
0xba: {  	v13 =	vld [tilespmem:s3+$0x320];
	v6 =	vmul.f32 v6, v40;
	[tilespmem:s3+$0x5B30] =	vst v8  }
0xbb: {  	v14 =	vld [tilespmem:s3+$0x330];
	v46 =	vbroadcast v2, $0x4;
	v4 =	vmul.f32 v4, v43;
	[tilespmem:s3+$0x5B40] =	vst v7  }
0xbc: {  	v15 =	vld [tilespmem:s3+$0x340];
	v5 =	vmul.f32 v5, v43;
	[tilespmem:s3+$0x5B50] =	vst v6  }
0xbd: {  	v17 =	vld [tilespmem:s3+$0x350];
	v47 =	vbroadcast v2, $0x5;
	v3 =	vmul.f32 v3, v46;
	[tilespmem:s3+$0x5B60] =	vst v4  }
0xbe: {  	v18 =	vld [tilespmem:s3+$0x360];
	v12 =	vmul.f32 v12, v46;
	[tilespmem:s3+$0x5B70] =	vst v5  }
0xbf: {  	v19 =	vld [tilespmem:s3+$0x370];
	v49 =	vbroadcast v2, $0x6;
	v13 =	vmul.f32 v13, v47;
	[tilespmem:s3+$0x5B80] =	vst v3  }
0xc0: {  	v20 =	vld [tilespmem:s3+$0x380];
	v14 =	vmul.f32 v14, v47;
	[tilespmem:s3+$0x5B90] =	vst v12  }
0xc1: {  	v48 =	vld [tilespmem:s3+$0x420];
	v52 =	vbroadcast v2, $0x7;
	v15 =	vmul.f32 v15, v49;
	[tilespmem:s3+$0x5BA0] =	vst v13  }
0xc2: {  	v38 =	vld [tilespmem:s3+$0x390];
	v16 =	vmul.f32 v17, v49;
	[tilespmem:s3+$0x5BB0] =	vst v14  }
0xc3: {  	v39 =	vld [tilespmem:s3+$0x3A0];
	v55 =	vbroadcast v2, $0x8;
	v54 =	vmul.f32 v18, v52;
	[tilespmem:s3+$0x5BC0] =	vst v15  }
0xc4: {  	v41 =	vld [tilespmem:s3+$0x3B0];
	v62 =	vbroadcast v2, $0xD;
	v19 =	vmul.f32 v19, v52;
	[tilespmem:s3+$0x5BD0] =	vst v16  }
0xc5: {  	v42 =	vld [tilespmem:s3+$0x3C0];
	v20 =	vmul.f32 v20, v55;
	[tilespmem:s3+$0x5BE0] =	vst v54  }
0xc6: {  	v44 =	vld [tilespmem:s3+$0x3D0];
	v57 =	vbroadcast v2, $0x9;
	v63 =	vmul.f32 v48, v62;
	[tilespmem:s3+$0x5BF0] =	vst v19  }
0xc7: {  	v45 =	vld [tilespmem:s3+$0x3E0];
	v11 =	vmul.f32 v38, v55;
	[tilespmem:s3+$0x5C00] =	vst v20  }
0xc8: {  	v59 =	vbroadcast v2, $0xA;
	v4 =	vld [tilespmem:s3+$0x3F0];
	v10 =	vmul.f32 v39, v57;
	[tilespmem:s3+$0x5CA0] =	vst v63  }
0xc9: {  	v5 =	vld [tilespmem:s3+$0x400];
	v9 =	vmul.f32 v41, v57;
	[tilespmem:s3+$0x5C10] =	vst v11  }
0xca: {  	v60 =	vbroadcast v2, $0xB;
	v3 =	vld [tilespmem:s3+$0x410];
	v8 =	vmul.f32 v42, v59;
	[tilespmem:s3+$0x5C20] =	vst v10  }
0xcb: {  	v50 =	vld [tilespmem:s3+$0x430];
	v7 =	vmul.f32 v44, v59;
	[tilespmem:s3+$0x5C30] =	vst v9  }
0xcc: {  	v51 =	vld [tilespmem:s3+$0x440];
	v61 =	vbroadcast v2, $0xC;
	v6 =	vmul.f32 v45, v60;
	[tilespmem:s3+$0x5C40] =	vst v8  }
0xcd: {  	v53 =	vld [tilespmem:s3+$0x450];
	[tilespmem:s3+$0x5C50] =	vst v7;
	v4 =	vmul.f32 v4, v60  }
0xce: {  	v56 =	vld [tilespmem:s3+$0x460];
	[tilespmem:s3+$0x5C60] =	vst v6;
	v5 =	vmul.f32 v5, v61  }
0xcf: {  	v58 =	vld [tilespmem:s3+$0x470];
	v3 =	vmul.f32 v3, v61;
	[tilespmem:s3+$0x5C70] =	vst v4;
	v4 =	vbroadcast v2, $0xE  }
0xd0: {  	[tilespmem:s3+$0x5C80] =	vst v5;
	v5 =	vmul.f32 v50, v62  }
0xd1: {  	[tilespmem:s3+$0x5C90] =	vst v3;
	v2 =	vbroadcast v2, $0xF;
	v3 =	vmul.f32 v51, v4  }
0xd2: {  	v4 =	vmul.f32 v53, v4;
	[tilespmem:s3+$0x5CB0] =	vst v5  }
0xd3: {  	v5 =	vmul.f32 v56, v2;
	[tilespmem:s3+$0x5CC0] =	vst v3  }
0xd4: {  	v2 =	vmul.f32 v58, v2;
	[tilespmem:s3+$0x5CD0] =	vst v4  }
0xd5: {  	[tilespmem:s3+$0x5CE0] =	vst v5  }
0xd6: {  	[tilespmem:s3+$0x5CF0] =	vst v2  }
0xd7: {  	[spmem:s2] =	stream.indirect.scatter.add.f32 [tilespmem:s8], [sflag:$0x3], $0x80, s18, s19, $0xb8;
	[tilespmem:$0x1BB80] =	vst v63  }
0xd8: {  	s3 =	sadd.s32 s15, s13;
	_ =	swait.ge [sflag:s17], $0x2800  }
0xd9: {  	s10 =	sshrl.u32 s3, $0x3;
	[sflag:s17] =	ssyncset.done $0x0  }
0xda: {  	s16 =	simm.s32 $0x0;
	s28 =	sadd.s32 s4, s10;
	[sflag:s17] =	ssyncadd.s32 $0xFFFFD800  }
0xdb: {  	[tilespmem:s16], [sflag:$0x3] =	stream.linear.gather [hbm4b:s28+s16], $0x50, $0x38;
	[tilespmem:$0x1BB80] =	vst v63  }
0xdc: {  	_ =	swait.ge [sflag:s17], $0x50  }
0xdd: {  	v2 =	vor.u32 s16, v0;
	[sflag:s17] =	ssyncset.done $0x0  }
0xde: {  	v2 =	vshrl.u32 v2, $0x2;
	s10 =	sadd.s32 s5, s10;
	[sflag:s17] =	ssyncadd.s32 $0xFFFFFFB0  }
0xdf: {  	[tilespmem:s18], [sflag:$0x3] =	stream.linear.gather [hbm4b:s10+s16], $0x50, $0x38;
	[tilespmem:$0x1BB80] =	vst v63  }
0xe0: {  	_ =	swait.ge [sflag:s17], $0x50  }
0xe1: {  	[sflag:s17] =	ssyncset.done $0x0  }
0xe2: {  	[sflag:s17] =	ssyncadd.s32 $0xFFFFFFB0  }
0xe3: {  	v2 =	vld.idx.msk [tilespmem:v2+s18+$0x0], $0xffff  }
0xe4: {  	s16 =	simm.s32 $0x10  }
0xe5: {  	v3 =	vor.u32 s16, v0  }
0xe6: {  	v3 =	vshrl.u32 v3, $0x2;
	_ =	sdelay $0x1  }
0xe7: {  	v2 =	vshll.u32 v2, $0x2  }
0xe8: {  	s10 =	simm.s32 $0x100;
	v2 =	vor.u32 v1, v2  }
0xe9: {  	[tilespmem:s10+$0x0] =	vst v2  }
0xea: {  	v2 =	vld.idx.msk [tilespmem:v3+s18+$0x0], $0xffff  }
0xeb: {  	s28 =	simm.s32 $0x20  }
0xec: {  	s15 =	simm.s32 $0x30;
	v3 =	vor.u32 s28, v0  }
.LBB2_11:
0xed: {  	p1 =	sne.s32 s15, $0x130;
	v3 =	vshrl.u32 v3, $0x2;
	_ =	sdelay $0x1  }
0xee: {  	v2 =	vshll.u32 v2, $0x2  }
0xef: {  	s10 =	sadd.s32 $0x10, s10;
	v2 =	vor.u32 v1, v2  }
.Ltmp4:
0xf0: {  	[tilespmem:s10+$0x0] =	vst v2;
	(pc) =	sbr.rel @p1 .LBB2_11-.Ltmp4, $2  }
0xf1: {  	v2 =	vld.idx.msk [tilespmem:v3+s18+$0x0], $0xffff;
	_ =	sdelay $0x2  }
0xf2: {  	v3 =	vor.u32 s15, v0;
	s15 =	sadd.s32 $0x10, s15  }
0xf3: {  	v3 =	vshrl.u32 v3, $0x2;
	_ =	sdelay $0x1  }
0xf4: {  	v2 =	vshll.u32 v2, $0x2  }
0xf5: {  	s10 =	sadd.s32 $0x10, s10;
	v2 =	vor.u32 v1, v2  }
0xf6: {  	[tilespmem:s10+$0x0] =	vst v2  }
0xf7: {  	v2 =	vld.idx.msk [tilespmem:v3+s18+$0x0], $0xffff;
	_ =	sdelay $0x4  }
0xf8: {  	v2 =	vshll.u32 v2, $0x2  }
0xf9: {  	s10 =	sadd.s32 $0x10, s10;
	v2 =	vor.u32 v1, v2  }
0xfa: {  	s28 =	simm.s32 $0x0;
	s3 =	sshrl.u32 s3, $0x1;
	[tilespmem:s10+$0x0] =	vst v2  }
0xfb: {  	[tilespmem:s20], [sflag:$0x1] =	stream.indirect.gather [hbm4b:s1+s19], $0x80, s28, s19, $0xb8;
	[tilespmem:$0x1BB80] =	vst v63  }
0xfc: {  	s3 =	sand.u32 $0x1FFFFFF8, s3  }
0xfd: {  	[tilespmem:s23], [sflag:$0x1] =	stream.indirect.gather [hbm4b:s7+s21], $0x1, s22, s21, $0xb8;
	[tilespmem:$0x1BB80] =	vst v63  }
0xfe: {  	s3 =	sadd.s32 s6, s3  }
0xff: {  	[tilespmem:s24], [sflag:$0x1] =	stream.linear.gather [hbm4b:s3+s28], $0x140, $0x38;
	[tilespmem:$0x1BB80] =	vst v63  }
0x100: {  	_ =	swait.ge [sflag:s9], $0x2800  }
0x101: {  	[sflag:s9] =	ssyncset.done $0x0  }
0x102: {  	[sflag:s9] =	ssyncadd.s32 $0xFFFFD800  }
0x103: {  	_ =	swait.ge [sflag:s9], $0x140  }
0x104: {  	[sflag:s9] =	ssyncset.done $0x0  }
0x105: {  	[sflag:s9] =	ssyncadd.s32 $0xFFFFFEC0  }
0x106: {  	_ =	swait.ge [sflag:s9], $0x140  }
0x107: {  	[sflag:s9] =	ssyncset.done $0x0  }
0x108: {  	s3 =	simm.s32 $0x0;
	[sflag:s9] =	ssyncadd.s32 $0xFFFFFEC0  }
0x109: {  	s15 =	simm.s32 $0x40;
	s10 =	simm.s32 $0x0;
	v2 =	vld [tilespmem:s3+$0x5980]  }
.LBB2_13:
0x10a: {  	p1 =	sne.s32 s15, $0x4C0;
	v3 =	vld [tilespmem:s10+$0x5800];
	_ =	sdelay $0x2  }
.Ltmp5:
0x10b: {  	(pc) =	sbr.rel @p1 .LBB2_13-.Ltmp5, $4  }
0x10c: {  	_ = 	snop  }
0x10d: {  	v3 =	vmul.f32 v2, v3  }
0x10e: {  	s16 =	sshra.s32 s15, $0x2  }
0x10f: {  	s15 =	sadd.s32 $0x40, s15;
	v2 =	vld [tilespmem:s16+$0x5980];
	[tilespmem:s10+$0x5800] =	vst v3;
	s10 =	smov.u32 s16  }
0x110: {  	v3 =	vld [tilespmem:s10+$0x5800];
	_ =	sdelay $0x4  }
0x111: {  	v2 =	vmul.f32 v2, v3;
	_ =	sdelay $0x1  }
0x112: {  	[tilespmem:s10+$0x5800] =	vst v2  }
0x113: {  	v11 =	vld [tilespmem:s3+$0x3000]  }
0x114: {  	v10 =	vld [tilespmem:s3+$0x3010]  }
0x115: {  	v9 =	vld [tilespmem:s3+$0x3020]  }
0x116: {  	v8 =	vld [tilespmem:s3+$0x3030]  }
0x117: {  	v7 =	vld [tilespmem:s3+$0x3040]  }
0x118: {  	v6 =	vld [tilespmem:s3+$0x3050]  }
0x119: {  	v4 =	vld [tilespmem:s3+$0x3060]  }
0x11a: {  	v5 =	vld [tilespmem:s3+$0x3070]  }
0x11b: {  	s15 =	simm.s32 $0x5800;
	v3 =	vld [tilespmem:s3+$0x3080]  }
0x11c: {  	s10 =	simm.s32 $0x800;
	v2 =	vld [tilespmem:s15+$0x0]  }
.LBB2_15:
0x11d: {  	p1 =	sne.s32 s10, $0x9800;
	v12 =	vld [tilespmem:s3+$0x3090]  }
0x11e: {  	v13 =	vld [tilespmem:s3+$0x30A0]  }
0x11f: {  	v14 =	vld [tilespmem:s3+$0x30B0]  }
0x120: {  	v15 =	vld [tilespmem:s3+$0x30C0]  }
0x121: {  	v16 =	vbroadcast v2, $0x0;
	v17 =	vbroadcast v2, $0x1;
	v18 =	vld [tilespmem:s3+$0x30D0]  }
0x122: {  	v19 =	vbroadcast v2, $0x2;
	v20 =	vbroadcast v2, $0x3;
	v21 =	vld [tilespmem:s3+$0x30E0]  }
0x123: {  	v11 =	vmul.f32 v16, v11;
	v10 =	vmul.f32 v10, v16;
	v16 =	vld [tilespmem:s3+$0x30F0]  }
0x124: {  	v9 =	vmul.f32 v9, v17;
	v8 =	vmul.f32 v8, v17;
	v17 =	vld [tilespmem:s3+$0x3100]  }
0x125: {  	v7 =	vmul.f32 v7, v19;
	v6 =	vmul.f32 v6, v19;
	[tilespmem:s3+$0x5B00] =	vst v11;
	v11 =	vld [tilespmem:s3+$0x3110]  }
0x126: {  	v4 =	vmul.f32 v4, v20;
	v5 =	vmul.f32 v5, v20;
	[tilespmem:s3+$0x5B10] =	vst v10;
	v10 =	vld [tilespmem:s3+$0x3120]  }
0x127: {  	v19 =	vbroadcast v2, $0x5;
	[tilespmem:s3+$0x5B20] =	vst v9;
	v9 =	vbroadcast v2, $0x4;
	v20 =	vld [tilespmem:s3+$0x3130]  }
0x128: {  	v22 =	vbroadcast v2, $0x7;
	[tilespmem:s3+$0x5B30] =	vst v8;
	v8 =	vbroadcast v2, $0x6;
	v23 =	vld [tilespmem:s3+$0x3140]  }
0x129: {  	[tilespmem:s3+$0x5B40] =	vst v7;
	v3 =	vmul.f32 v3, v9;
	v7 =	vmul.f32 v12, v9;
	v9 =	vld [tilespmem:s3+$0x3150]  }
0x12a: {  	v12 =	vmul.f32 v14, v19;
	[tilespmem:s3+$0x5B50] =	vst v6;
	v6 =	vmul.f32 v13, v19;
	v13 =	vld [tilespmem:s3+$0x3160]  }
0x12b: {  	[tilespmem:s3+$0x5B60] =	vst v4;
	v4 =	vmul.f32 v15, v8;
	v8 =	vmul.f32 v18, v8;
	v14 =	vld [tilespmem:s3+$0x3170]  }
0x12c: {  	v15 =	vmul.f32 v16, v22;
	[tilespmem:s3+$0x5B70] =	vst v5;
	v5 =	vmul.f32 v21, v22;
	v16 =	vld [tilespmem:s3+$0x3180]  }
0x12d: {  	v18 =	vbroadcast v2, $0x9;
	[tilespmem:s3+$0x5B80] =	vst v3;
	v3 =	vbroadcast v2, $0x8;
	v19 =	vld [tilespmem:s3+$0x3190]  }
0x12e: {  	v21 =	vbroadcast v2, $0xB;
	[tilespmem:s3+$0x5B90] =	vst v7;
	v7 =	vbroadcast v2, $0xA;
	v22 =	vld [tilespmem:s3+$0x31A0]  }
0x12f: {  	[tilespmem:s3+$0x5BA0] =	vst v6;
	v6 =	vmul.f32 v17, v3;
	v3 =	vmul.f32 v11, v3;
	v11 =	vld [tilespmem:s3+$0x31B0]  }
0x130: {  	v10 =	vmul.f32 v10, v18;
	[tilespmem:s3+$0x5BB0] =	vst v12;
	v12 =	vmul.f32 v20, v18;
	v17 =	vld [tilespmem:s3+$0x31C0]  }
0x131: {  	[tilespmem:s3+$0x5BC0] =	vst v4;
	v4 =	vmul.f32 v23, v7;
	v7 =	vmul.f32 v9, v7;
	v9 =	vld [tilespmem:s3+$0x31D0]  }
0x132: {  	[tilespmem:s3+$0x5BD0] =	vst v8;
	v8 =	vmul.f32 v13, v21;
	v13 =	vmul.f32 v14, v21;
	v14 =	vld [tilespmem:s3+$0x31E0]  }
0x133: {  	v18 =	vbroadcast v2, $0xD;
	[tilespmem:s3+$0x5BE0] =	vst v5;
	v5 =	vbroadcast v2, $0xC;
	v20 =	vld [tilespmem:s3+$0x31F0]  }
0x134: {  	[tilespmem:s3+$0x5BF0] =	vst v15;
	v15 =	vbroadcast v2, $0xE;
	v2 =	vbroadcast v2, $0xF  }
0x135: {  	[tilespmem:s3+$0x5C00] =	vst v6;
	v6 =	vmul.f32 v16, v5;
	v5 =	vmul.f32 v19, v5  }
0x136: {  	v16 =	vmul.f32 v11, v18;
	[tilespmem:s3+$0x5C10] =	vst v3;
	v3 =	vmul.f32 v22, v18  }
0x137: {  	v17 =	vmul.f32 v17, v15;
	v15 =	vmul.f32 v9, v15;
	[tilespmem:s3+$0x5C20] =	vst v10  }
0x138: {  	[tilespmem:s3+$0x5C30] =	vst v12;
	v12 =	vmul.f32 v14, v2;
	v2 =	vmul.f32 v20, v2  }
0x139: {  	[tilespmem:s3+$0x5C40] =	vst v4  }
0x13a: {  	[tilespmem:s3+$0x5C50] =	vst v7  }
0x13b: {  	s16 =	sshra.s32 s10, $0x2;
	[tilespmem:s3+$0x5C60] =	vst v8  }
0x13c: {  	v11 =	vld [tilespmem:s16+$0x3000];
	[tilespmem:s3+$0x5C70] =	vst v13  }
0x13d: {  	v10 =	vld [tilespmem:s16+$0x3010];
	[tilespmem:s3+$0x5C80] =	vst v6  }
0x13e: {  	v9 =	vld [tilespmem:s16+$0x3020];
	[tilespmem:s3+$0x5C90] =	vst v5  }
0x13f: {  	v8 =	vld [tilespmem:s16+$0x3030];
	[tilespmem:s3+$0x5CA0] =	vst v3  }
0x140: {  	v7 =	vld [tilespmem:s16+$0x3040];
	[tilespmem:s3+$0x5CB0] =	vst v16  }
.Ltmp6:
0x141: {  	v6 =	vld [tilespmem:s16+$0x3050];
	[tilespmem:s3+$0x5CC0] =	vst v17;
	(pc) =	sbr.rel @p1 .LBB2_15-.Ltmp6, $4  }
0x142: {  	v4 =	vld [tilespmem:s16+$0x3060];
	[tilespmem:s3+$0x5CD0] =	vst v15  }
0x143: {  	v5 =	vld [tilespmem:s16+$0x3070];
	[tilespmem:s3+$0x5CE0] =	vst v12  }
0x144: {  	s15 =	sadd.s32 $0x10, s15;
	v3 =	vld [tilespmem:s16+$0x3080];
	[tilespmem:s3+$0x5CF0] =	vst v2;
	s3 =	smov.u32 s16  }
0x145: {  	s10 =	sadd.s32 $0x800, s10;
	v2 =	vld [tilespmem:s15+$0x0]  }
0x146: {  	_ =	sdelay $0x3  }
0x147: {  	v16 =	vbroadcast v2, $0x0;
	_ =	sdelay $0x1  }
0x148: {  	v21 =	vbroadcast v2, $0x1;
	v11 =	vmul.f32 v16, v11  }
0x149: {  	v10 =	vmul.f32 v10, v16  }
0x14a: {  	v35 =	vbroadcast v2, $0x2;
	v9 =	vmul.f32 v9, v21;
	[tilespmem:s3+$0x5B00] =	vst v11  }
0x14b: {  	v8 =	vmul.f32 v8, v21;
	[tilespmem:s3+$0x5B10] =	vst v10  }
0x14c: {  	v12 =	vld [tilespmem:s3+$0x3090];
	v38 =	vbroadcast v2, $0x3;
	v7 =	vmul.f32 v7, v35;
	[tilespmem:s3+$0x5B20] =	vst v9  }
0x14d: {  	v13 =	vld [tilespmem:s3+$0x30A0];
	v6 =	vmul.f32 v6, v35;
	[tilespmem:s3+$0x5B30] =	vst v8  }
0x14e: {  	v14 =	vld [tilespmem:s3+$0x30B0];
	v41 =	vbroadcast v2, $0x4;
	v4 =	vmul.f32 v4, v38;
	[tilespmem:s3+$0x5B40] =	vst v7  }
0x14f: {  	v15 =	vld [tilespmem:s3+$0x30C0];
	v44 =	vbroadcast v2, $0x5;
	v5 =	vmul.f32 v5, v38;
	[tilespmem:s3+$0x5B50] =	vst v6  }
0x150: {  	v17 =	vld [tilespmem:s3+$0x30D0];
	v46 =	vbroadcast v2, $0x6;
	v3 =	vmul.f32 v3, v41;
	[tilespmem:s3+$0x5B60] =	vst v4  }
0x151: {  	v18 =	vld [tilespmem:s3+$0x30E0];
	v49 =	vbroadcast v2, $0x7;
	v12 =	vmul.f32 v12, v41;
	[tilespmem:s3+$0x5B70] =	vst v5  }
0x152: {  	v19 =	vld [tilespmem:s3+$0x30F0];
	v52 =	vbroadcast v2, $0x8;
	v13 =	vmul.f32 v13, v44;
	[tilespmem:s3+$0x5B80] =	vst v3  }
0x153: {  	v20 =	vld [tilespmem:s3+$0x3100];
	v54 =	vbroadcast v2, $0x9;
	v14 =	vmul.f32 v14, v44;
	[tilespmem:s3+$0x5B90] =	vst v12  }
0x154: {  	v45 =	vld [tilespmem:s3+$0x31A0];
	v56 =	vbroadcast v2, $0xA;
	v15 =	vmul.f32 v15, v46;
	[tilespmem:s3+$0x5BA0] =	vst v13  }
0x155: {  	v47 =	vld [tilespmem:s3+$0x31B0];
	v57 =	vbroadcast v2, $0xB;
	v16 =	vmul.f32 v17, v46;
	[tilespmem:s3+$0x5BB0] =	vst v14  }
0x156: {  	v53 =	vld [tilespmem:s3+$0x31E0];
	v58 =	vbroadcast v2, $0xC;
	v51 =	vmul.f32 v18, v49;
	[tilespmem:s3+$0x5BC0] =	vst v15  }
0x157: {  	v55 =	vld [tilespmem:s3+$0x31F0];
	v59 =	vbroadcast v2, $0xD;
	v19 =	vmul.f32 v19, v49;
	[tilespmem:s3+$0x5BD0] =	vst v16  }
0x158: {  	v33 =	vld [tilespmem:s3+$0x3110];
	v60 =	vbroadcast v2, $0xE;
	v20 =	vmul.f32 v20, v52;
	[tilespmem:s3+$0x5BE0] =	vst v51  }
0x159: {  	v34 =	vld [tilespmem:s3+$0x3120];
	v2 =	vbroadcast v2, $0xF;
	v61 =	vmul.f32 v45, v59;
	[tilespmem:s3+$0x5BF0] =	vst v19  }
0x15a: {  	v36 =	vld [tilespmem:s3+$0x3130];
	v62 =	vmul.f32 v47, v59;
	[tilespmem:s3+$0x5C00] =	vst v20  }
0x15b: {  	v37 =	vld [tilespmem:s3+$0x3140];
	v63 =	vmul.f32 v53, v2;
	[tilespmem:s3+$0x5CA0] =	vst v61  }
0x15c: {  	v39 =	vld [tilespmem:s3+$0x3150];
	v2 =	vmul.f32 v55, v2;
	[tilespmem:s3+$0x5CB0] =	vst v62  }
0x15d: {  	v40 =	vld [tilespmem:s3+$0x3160];
	v11 =	vmul.f32 v33, v52;
	[tilespmem:s3+$0x5CE0] =	vst v63  }
0x15e: {  	v42 =	vld [tilespmem:s3+$0x3170];
	v10 =	vmul.f32 v34, v54;
	[tilespmem:s3+$0x5CF0] =	vst v2  }
0x15f: {  	v43 =	vld [tilespmem:s3+$0x3180];
	v9 =	vmul.f32 v36, v54;
	[tilespmem:s3+$0x5C10] =	vst v11  }
0x160: {  	v3 =	vld [tilespmem:s3+$0x3190];
	v8 =	vmul.f32 v37, v56;
	[tilespmem:s3+$0x5C20] =	vst v10  }
0x161: {  	v50 =	vld [tilespmem:s3+$0x31D0];
	v7 =	vmul.f32 v39, v56;
	[tilespmem:s3+$0x5C30] =	vst v9  }
0x162: {  	v48 =	vld [tilespmem:s3+$0x31C0];
	v6 =	vmul.f32 v40, v57;
	[tilespmem:s3+$0x5C40] =	vst v8  }
0x163: {  	v4 =	vmul.f32 v42, v57;
	[tilespmem:s3+$0x5C50] =	vst v7  }
0x164: {  	v5 =	vmul.f32 v43, v58;
	[tilespmem:s3+$0x5C60] =	vst v6  }
0x165: {  	[tilespmem:s3+$0x5C70] =	vst v4;
	v3 =	vmul.f32 v3, v58  }
0x166: {  	[tilespmem:s3+$0x5C80] =	vst v5;
	v4 =	vmul.f32 v50, v60  }
0x167: {  	s14 =	sadd.s32 $0x1, s14;
	[tilespmem:s3+$0x5C90] =	vst v3;
	v3 =	vmul.f32 v48, v60  }
0x168: {  	p1 =	sne.s32 s14, $0x3E;
	[tilespmem:s3+$0x5CD0] =	vst v4  }
.Ltmp7:
0x169: {  	[tilespmem:s3+$0x5CC0] =	vst v3;
	(pc) =	sbr.rel @p1 .LBB2_4-.Ltmp7, $4  }
0x16a: {  	[spmem:s2] =	stream.indirect.scatter.add.f32 [tilespmem:s8], [sflag:$0x3], $0x80, s26, s19, $0xb8;
	[tilespmem:$0x1BB80] =	vst v63  }
0x16b: {  	_ =	swait.ge [sflag:s17], $0x2800  }
0x16c: {  	[sflag:s17] =	ssyncset.done $0x0  }
0x16d: {  	[sflag:s17] =	ssyncadd.s32 $0xFFFFD800  }
0x16e: {  	_ =	swait.ge [sflag:s0], $0x2800  }
0x16f: {  	[sflag:s0] =	ssyncset.done $0x0  }
0x170: {  	[sflag:s0] =	ssyncadd.s32 $0xFFFFD800  }
0x171: {  	_ =	swait.ge [sflag:s0], $0x140  }
0x172: {  	[sflag:s0] =	ssyncset.done $0x0  }
0x173: {  	[sflag:s0] =	ssyncadd.s32 $0xFFFFFEC0  }
0x174: {  	_ =	swait.ge [sflag:s0], $0x140  }
0x175: {  	[sflag:s0] =	ssyncset.done $0x0  }
0x176: {  	s3 =	simm.s32 $0x0;
	[sflag:s0] =	ssyncadd.s32 $0xFFFFFEC0  }
0x177: {  	s11 =	simm.s32 $0x40;
	s10 =	simm.s32 $0x0;
	v2 =	vld [tilespmem:s3+$0x2C00]  }
.LBB2_18:
0x178: {  	p1 =	sne.s32 s11, $0x4C0;
	v3 =	vld [tilespmem:s10+$0x2A80];
	_ =	sdelay $0x2  }
.Ltmp8:
0x179: {  	(pc) =	sbr.rel @p1 .LBB2_18-.Ltmp8, $4  }
0x17a: {  	_ = 	snop  }
0x17b: {  	v3 =	vmul.f32 v2, v3  }
0x17c: {  	s14 =	sshra.s32 s11, $0x2  }
0x17d: {  	s11 =	sadd.s32 $0x40, s11;
	v2 =	vld [tilespmem:s14+$0x2C00];
	[tilespmem:s10+$0x2A80] =	vst v3;
	s10 =	smov.u32 s14  }
0x17e: {  	v3 =	vld [tilespmem:s10+$0x2A80];
	_ =	sdelay $0x4  }
0x17f: {  	v2 =	vmul.f32 v2, v3;
	_ =	sdelay $0x1  }
0x180: {  	[tilespmem:s10+$0x2A80] =	vst v2  }
0x181: {  	v11 =	vld [tilespmem:s3+$0x280]  }
0x182: {  	v10 =	vld [tilespmem:s3+$0x290]  }
0x183: {  	v9 =	vld [tilespmem:s3+$0x2A0]  }
0x184: {  	v8 =	vld [tilespmem:s3+$0x2B0]  }
0x185: {  	v7 =	vld [tilespmem:s3+$0x2C0]  }
0x186: {  	v6 =	vld [tilespmem:s3+$0x2D0]  }
0x187: {  	v4 =	vld [tilespmem:s3+$0x2E0]  }
0x188: {  	v5 =	vld [tilespmem:s3+$0x2F0]  }
0x189: {  	s11 =	simm.s32 $0x2A80;
	v3 =	vld [tilespmem:s3+$0x300]  }
0x18a: {  	s10 =	simm.s32 $0x800;
	v2 =	vld [tilespmem:s11+$0x0]  }
.LBB2_20:
0x18b: {  	p1 =	sne.s32 s10, $0x9800;
	v12 =	vld [tilespmem:s3+$0x310]  }
0x18c: {  	v13 =	vld [tilespmem:s3+$0x320]  }
0x18d: {  	v14 =	vld [tilespmem:s3+$0x330]  }
0x18e: {  	v15 =	vld [tilespmem:s3+$0x340]  }
0x18f: {  	v16 =	vbroadcast v2, $0x0;
	v17 =	vbroadcast v2, $0x1;
	v18 =	vld [tilespmem:s3+$0x350]  }
0x190: {  	v19 =	vbroadcast v2, $0x2;
	v20 =	vbroadcast v2, $0x3;
	v21 =	vld [tilespmem:s3+$0x360]  }
0x191: {  	v11 =	vmul.f32 v16, v11;
	v10 =	vmul.f32 v10, v16;
	v16 =	vld [tilespmem:s3+$0x370]  }
0x192: {  	v9 =	vmul.f32 v9, v17;
	v8 =	vmul.f32 v8, v17;
	v17 =	vld [tilespmem:s3+$0x380]  }
0x193: {  	v7 =	vmul.f32 v7, v19;
	v6 =	vmul.f32 v6, v19;
	[tilespmem:s3+$0x5B00] =	vst v11;
	v11 =	vld [tilespmem:s3+$0x390]  }
0x194: {  	v4 =	vmul.f32 v4, v20;
	v5 =	vmul.f32 v5, v20;
	[tilespmem:s3+$0x5B10] =	vst v10;
	v10 =	vld [tilespmem:s3+$0x3A0]  }
0x195: {  	v19 =	vbroadcast v2, $0x5;
	[tilespmem:s3+$0x5B20] =	vst v9;
	v9 =	vbroadcast v2, $0x4;
	v20 =	vld [tilespmem:s3+$0x3B0]  }
0x196: {  	v22 =	vbroadcast v2, $0x7;
	[tilespmem:s3+$0x5B30] =	vst v8;
	v8 =	vbroadcast v2, $0x6;
	v23 =	vld [tilespmem:s3+$0x3C0]  }
0x197: {  	[tilespmem:s3+$0x5B40] =	vst v7;
	v3 =	vmul.f32 v3, v9;
	v7 =	vmul.f32 v12, v9;
	v9 =	vld [tilespmem:s3+$0x3D0]  }
0x198: {  	v12 =	vmul.f32 v14, v19;
	[tilespmem:s3+$0x5B50] =	vst v6;
	v6 =	vmul.f32 v13, v19;
	v13 =	vld [tilespmem:s3+$0x3E0]  }
0x199: {  	[tilespmem:s3+$0x5B60] =	vst v4;
	v4 =	vmul.f32 v15, v8;
	v8 =	vmul.f32 v18, v8;
	v14 =	vld [tilespmem:s3+$0x3F0]  }
0x19a: {  	v15 =	vmul.f32 v16, v22;
	[tilespmem:s3+$0x5B70] =	vst v5;
	v5 =	vmul.f32 v21, v22;
	v16 =	vld [tilespmem:s3+$0x400]  }
0x19b: {  	v18 =	vbroadcast v2, $0x9;
	[tilespmem:s3+$0x5B80] =	vst v3;
	v3 =	vbroadcast v2, $0x8;
	v19 =	vld [tilespmem:s3+$0x410]  }
0x19c: {  	v21 =	vbroadcast v2, $0xB;
	[tilespmem:s3+$0x5B90] =	vst v7;
	v7 =	vbroadcast v2, $0xA;
	v22 =	vld [tilespmem:s3+$0x420]  }
0x19d: {  	[tilespmem:s3+$0x5BA0] =	vst v6;
	v6 =	vmul.f32 v17, v3;
	v3 =	vmul.f32 v11, v3;
	v11 =	vld [tilespmem:s3+$0x430]  }
0x19e: {  	v10 =	vmul.f32 v10, v18;
	[tilespmem:s3+$0x5BB0] =	vst v12;
	v12 =	vmul.f32 v20, v18;
	v17 =	vld [tilespmem:s3+$0x440]  }
0x19f: {  	[tilespmem:s3+$0x5BC0] =	vst v4;
	v4 =	vmul.f32 v23, v7;
	v7 =	vmul.f32 v9, v7;
	v9 =	vld [tilespmem:s3+$0x450]  }
0x1a0: {  	[tilespmem:s3+$0x5BD0] =	vst v8;
	v8 =	vmul.f32 v13, v21;
	v13 =	vmul.f32 v14, v21;
	v14 =	vld [tilespmem:s3+$0x460]  }
0x1a1: {  	v18 =	vbroadcast v2, $0xD;
	[tilespmem:s3+$0x5BE0] =	vst v5;
	v5 =	vbroadcast v2, $0xC;
	v20 =	vld [tilespmem:s3+$0x470]  }
0x1a2: {  	[tilespmem:s3+$0x5BF0] =	vst v15;
	v15 =	vbroadcast v2, $0xE;
	v2 =	vbroadcast v2, $0xF  }
0x1a3: {  	[tilespmem:s3+$0x5C00] =	vst v6;
	v6 =	vmul.f32 v16, v5;
	v5 =	vmul.f32 v19, v5  }
0x1a4: {  	v16 =	vmul.f32 v11, v18;
	[tilespmem:s3+$0x5C10] =	vst v3;
	v3 =	vmul.f32 v22, v18  }
0x1a5: {  	v17 =	vmul.f32 v17, v15;
	v15 =	vmul.f32 v9, v15;
	[tilespmem:s3+$0x5C20] =	vst v10  }
0x1a6: {  	[tilespmem:s3+$0x5C30] =	vst v12;
	v12 =	vmul.f32 v14, v2;
	v2 =	vmul.f32 v20, v2  }
0x1a7: {  	[tilespmem:s3+$0x5C40] =	vst v4  }
0x1a8: {  	[tilespmem:s3+$0x5C50] =	vst v7  }
0x1a9: {  	s14 =	sshra.s32 s10, $0x2;
	[tilespmem:s3+$0x5C60] =	vst v8  }
0x1aa: {  	v11 =	vld [tilespmem:s14+$0x280];
	[tilespmem:s3+$0x5C70] =	vst v13  }
0x1ab: {  	v10 =	vld [tilespmem:s14+$0x290];
	[tilespmem:s3+$0x5C80] =	vst v6  }
0x1ac: {  	v9 =	vld [tilespmem:s14+$0x2A0];
	[tilespmem:s3+$0x5C90] =	vst v5  }
0x1ad: {  	v8 =	vld [tilespmem:s14+$0x2B0];
	[tilespmem:s3+$0x5CA0] =	vst v3  }
0x1ae: {  	v7 =	vld [tilespmem:s14+$0x2C0];
	[tilespmem:s3+$0x5CB0] =	vst v16  }
.Ltmp9:
0x1af: {  	v6 =	vld [tilespmem:s14+$0x2D0];
	[tilespmem:s3+$0x5CC0] =	vst v17;
	(pc) =	sbr.rel @p1 .LBB2_20-.Ltmp9, $4  }
0x1b0: {  	v4 =	vld [tilespmem:s14+$0x2E0];
	[tilespmem:s3+$0x5CD0] =	vst v15  }
0x1b1: {  	v5 =	vld [tilespmem:s14+$0x2F0];
	[tilespmem:s3+$0x5CE0] =	vst v12  }
0x1b2: {  	s11 =	sadd.s32 $0x10, s11;
	v3 =	vld [tilespmem:s14+$0x300];
	[tilespmem:s3+$0x5CF0] =	vst v2;
	s3 =	smov.u32 s14  }
0x1b3: {  	s10 =	sadd.s32 $0x800, s10;
	v2 =	vld [tilespmem:s11+$0x0]  }
0x1b4: {  	_ =	sdelay $0x3  }
0x1b5: {  	v16 =	vbroadcast v2, $0x0;
	_ =	sdelay $0x1  }
0x1b6: {  	v21 =	vbroadcast v2, $0x1;
	v11 =	vmul.f32 v16, v11  }
0x1b7: {  	v10 =	vmul.f32 v10, v16  }
0x1b8: {  	v35 =	vbroadcast v2, $0x2;
	v9 =	vmul.f32 v9, v21;
	[tilespmem:s3+$0x5B00] =	vst v11  }
0x1b9: {  	v8 =	vmul.f32 v8, v21;
	[tilespmem:s3+$0x5B10] =	vst v10  }
0x1ba: {  	v12 =	vld [tilespmem:s3+$0x310];
	v38 =	vbroadcast v2, $0x3;
	v7 =	vmul.f32 v7, v35;
	[tilespmem:s3+$0x5B20] =	vst v9  }
0x1bb: {  	v13 =	vld [tilespmem:s3+$0x320];
	v6 =	vmul.f32 v6, v35;
	[tilespmem:s3+$0x5B30] =	vst v8  }
0x1bc: {  	v14 =	vld [tilespmem:s3+$0x330];
	v41 =	vbroadcast v2, $0x4;
	v4 =	vmul.f32 v4, v38;
	[tilespmem:s3+$0x5B40] =	vst v7  }
0x1bd: {  	v15 =	vld [tilespmem:s3+$0x340];
	v44 =	vbroadcast v2, $0x5;
	v5 =	vmul.f32 v5, v38;
	[tilespmem:s3+$0x5B50] =	vst v6  }
0x1be: {  	v17 =	vld [tilespmem:s3+$0x350];
	v46 =	vbroadcast v2, $0x6;
	v3 =	vmul.f32 v3, v41;
	[tilespmem:s3+$0x5B60] =	vst v4  }
0x1bf: {  	v18 =	vld [tilespmem:s3+$0x360];
	v49 =	vbroadcast v2, $0x7;
	v12 =	vmul.f32 v12, v41;
	[tilespmem:s3+$0x5B70] =	vst v5  }
0x1c0: {  	v19 =	vld [tilespmem:s3+$0x370];
	v52 =	vbroadcast v2, $0x8;
	v13 =	vmul.f32 v13, v44;
	[tilespmem:s3+$0x5B80] =	vst v3  }
0x1c1: {  	v20 =	vld [tilespmem:s3+$0x380];
	v54 =	vbroadcast v2, $0x9;
	v14 =	vmul.f32 v14, v44;
	[tilespmem:s3+$0x5B90] =	vst v12  }
0x1c2: {  	v45 =	vld [tilespmem:s3+$0x420];
	v56 =	vbroadcast v2, $0xA;
	v15 =	vmul.f32 v15, v46;
	[tilespmem:s3+$0x5BA0] =	vst v13  }
0x1c3: {  	v47 =	vld [tilespmem:s3+$0x430];
	v57 =	vbroadcast v2, $0xB;
	v16 =	vmul.f32 v17, v46;
	[tilespmem:s3+$0x5BB0] =	vst v14  }
0x1c4: {  	v53 =	vld [tilespmem:s3+$0x460];
	v58 =	vbroadcast v2, $0xC;
	v51 =	vmul.f32 v18, v49;
	[tilespmem:s3+$0x5BC0] =	vst v15  }
0x1c5: {  	v55 =	vld [tilespmem:s3+$0x470];
	v59 =	vbroadcast v2, $0xD;
	v19 =	vmul.f32 v19, v49;
	[tilespmem:s3+$0x5BD0] =	vst v16  }
0x1c6: {  	v33 =	vld [tilespmem:s3+$0x390];
	v60 =	vbroadcast v2, $0xE;
	v20 =	vmul.f32 v20, v52;
	[tilespmem:s3+$0x5BE0] =	vst v51  }
0x1c7: {  	v34 =	vld [tilespmem:s3+$0x3A0];
	v2 =	vbroadcast v2, $0xF;
	v61 =	vmul.f32 v45, v59;
	[tilespmem:s3+$0x5BF0] =	vst v19  }
0x1c8: {  	v36 =	vld [tilespmem:s3+$0x3B0];
	v62 =	vmul.f32 v47, v59;
	[tilespmem:s3+$0x5C00] =	vst v20  }
0x1c9: {  	v37 =	vld [tilespmem:s3+$0x3C0];
	v63 =	vmul.f32 v53, v2;
	[tilespmem:s3+$0x5CA0] =	vst v61  }
0x1ca: {  	v39 =	vld [tilespmem:s3+$0x3D0];
	v2 =	vmul.f32 v55, v2;
	[tilespmem:s3+$0x5CB0] =	vst v62  }
0x1cb: {  	v40 =	vld [tilespmem:s3+$0x3E0];
	v11 =	vmul.f32 v33, v52;
	[tilespmem:s3+$0x5CE0] =	vst v63  }
0x1cc: {  	v42 =	vld [tilespmem:s3+$0x3F0];
	v10 =	vmul.f32 v34, v54;
	[tilespmem:s3+$0x5CF0] =	vst v2  }
0x1cd: {  	v43 =	vld [tilespmem:s3+$0x400];
	v9 =	vmul.f32 v36, v54;
	[tilespmem:s3+$0x5C10] =	vst v11  }
0x1ce: {  	v3 =	vld [tilespmem:s3+$0x410];
	v8 =	vmul.f32 v37, v56;
	[tilespmem:s3+$0x5C20] =	vst v10  }
0x1cf: {  	v50 =	vld [tilespmem:s3+$0x450];
	v7 =	vmul.f32 v39, v56;
	[tilespmem:s3+$0x5C30] =	vst v9  }
0x1d0: {  	v48 =	vld [tilespmem:s3+$0x440];
	v6 =	vmul.f32 v40, v57;
	[tilespmem:s3+$0x5C40] =	vst v8  }
0x1d1: {  	v4 =	vmul.f32 v42, v57;
	[tilespmem:s3+$0x5C50] =	vst v7  }
0x1d2: {  	v5 =	vmul.f32 v43, v58;
	[tilespmem:s3+$0x5C60] =	vst v6  }
0x1d3: {  	[tilespmem:s3+$0x5C70] =	vst v4;
	v3 =	vmul.f32 v3, v58  }
0x1d4: {  	[tilespmem:s3+$0x5C80] =	vst v5;
	v4 =	vmul.f32 v50, v60  }
0x1d5: {  	[tilespmem:s3+$0x5C90] =	vst v3;
	v3 =	vmul.f32 v48, v60  }
0x1d6: {  	[tilespmem:s3+$0x5CD0] =	vst v4  }
0x1d7: {  	[tilespmem:s3+$0x5CC0] =	vst v3  }
0x1d8: {  	[spmem:s2] =	stream.indirect.scatter.add.f32 [tilespmem:s8], [sflag:$0x3], $0x80, s18, s19, $0xb8;
	[tilespmem:$0x1BB80] =	vst v63  }
0x1d9: {  	_ =	swait.ge [sflag:s17], $0x2800  }
0x1da: {  	[sflag:s17] =	ssyncset.done $0x0  }
0x1db: {  	[sflag:s17] =	ssyncadd.s32 $0xFFFFD800  }
0x1dc: {  	[bflag:$0x0] =	sbarrier.arrive $0xFFFF  }
0x1dd: {  	s10 =	rddreg [dreg:$0x8]  }
0x1de: {  	s3 =	simm.s32 @!p0 $0x1C03;
	s11 =	rddreg [dreg:$0xa]  }
0x1df: {  	[hbm:s10], [sflag:s3] =	dma.local @!p0 [spmem:s11], $0x27100  }
0x1e0: {  	s3 =	simm.s32 @!p0 $0x3  }
0x1e1: {  	_ =	swait.ge @!p0 [sflag:s3], $0x27100  }
0x1e2: {  	s14 =	rddreg [dreg:$0xb]  }
0x1e3: {  	s28 =	rddreg [dreg:$0x9];
	s14 =	sadd.s32 $0x1, s14  }
0x1e4: {  	p1 =	sne.s32 s14, s28  }
.Ltmp10:
0x1e5: {  	_ = 	snop;
	(pc) =	sbr.rel @p1 .LBB2_1-.Ltmp10, $3  }
0x1e6: {  	_ =	sdelay $0x1  }
0x1e7: {  	[sflag:s3] =	ssyncset.done @!p0 $0x0  }
0x1e8: {  	[sflag:s3] =	ssyncadd.s32 @!p0 $0xFFFD8F00  }
0x1e9: {  	_ =	sfence.sel $0x180000  }
0x1ea: {  	[bflag:$0x0] =	sbarrier.arrive $0xFFFF  }
0x1eb: {  	_ =	strace $0x9000004A  }
0x1ec: {  	[bflag:$0x2] =	sbarrier.arrive $0xFFFF  }
0x1ed: {  	s0 =	rddreg [dreg:$0x3]  }
0x1ee: {  	s0 =	sadd.s32 @!p0 $0x100000, s0  }
0x1ef: {  	[sflag:s0] =	ssyncadd.tile.s32 @!p0 $0x1;
	_ =	shalt  }
.Lfunc_end2:
_tile_overlayer_lowered:
.L_overlay_start_2:
0x1f0: {  	(tag) =	ssettag $0x2  }
0x1f1: {  	s0 =	rddreg [dreg:$0x0];
	s2 =	stileid.u32  }
0x1f2: {  	s1 =	rddreg [dreg:$0x1];
	p0 =	sne.s32 s2, $0x0  }
0x1f3: {  	s3 =	rddreg [dreg:$0x2];
	[bflag:$0x3] =	sbarrier.arrive $0xFFFF;
	s2 =	simm.s32 @!p0 $0x1C03  }
0x1f4: {  	[timem:s3], [sflag:s2] =	dma.local @!p0 [hbm:s0], s1  }
0x1f5: {  	s0 =	simm.s32 @!p0 $0x3  }
0x1f6: {  	_ =	swait.ge @!p0 [sflag:s0], s1  }
0x1f7: {  	s1 =	ssub.s32 @!p0 $0x0, s1;
	[sflag:s0] =	ssyncset.done @!p0 $0x0  }
0x1f8: {  	[sflag:s0] =	ssyncadd.s32 @!p0 s1  }
0x1f9: {  	[bflag:$0x3] =	sbarrier.arrive $0xFFFF  }
0x1fa: {  	_ =	shalt  }

// kernel: kernel.7.cloned.1.call-start
scs
__scs_entry_jumppad:
0x0: {  	(pc) =	sbr.rel $0x88, $3  }
0x1: {  	(tag) =	ssettag $0x0;
	lr =	simm.s32 $0x1  }
0x2: {  	[smem:$0x3F98] =	sst lr;
	_ =	strace $0xD0000000  }
0x3: {  	_ = 	snop  }
0x4: {  	_ = 	snop  }
0x5: {  	_ = 	snop  }
0x6: {  	_ = 	snop  }
0x7: {  	_ = 	snop  }
__scs_overlays_trampoline_lowered:
0x8: {  	[smem:$0x3FA7] =	sst s0  }
0x9: {  	[smem:$0x3FA8] =	sst s1  }
0xa: {  	[smem:$0x3FA9] =	sst s2  }
0xb: {  	[smem:$0x3FAA] =	sst s3  }
0xc: {  	[smem:$0x3FAB] =	sst s4  }
0xd: {  	[smem:$0x3FAC] =	sst s5  }
0xe: {  	[smem:$0x3FAD] =	sst s6  }
0xf: {  	[smem:$0x3FAE] =	sst s7  }
0x10: {  	[smem:$0x3FAF] =	sst s8  }
0x11: {  	[smem:$0x3FB0] =	sst s9;
	s0 =	simm.s32 @!p0 $0x0  }
0x12: {  	s1 =	sld [smem:$0x3F96];
	s0 =	simm.s32 @p0 $0x1  }
0x13: {  	[smem:$0x3FB1] =	sst s0;
	s0 =	simm.s32 @!p1 $0x0  }
0x14: {  	s2 =	sld [smem:$0x3F95];
	s0 =	simm.s32 @p1 $0x1  }
0x15: {  	[smem:$0x3FB2] =	sst s0;
	s0 =	simm.s32 @!p2 $0x0  }
0x16: {  	s3 =	sld [smem:$0x3FDB];
	s0 =	simm.s32 @p2 $0x1  }
0x17: {  	s4 =	simm.s32 $0x1BF5;
	[smem:$0x3FB4] =	sst s0  }
0x18: {  	s0 =	sld [smem:$0x3F97];
	_ =	swait.ge [sflag:s4], $0x0  }
0x19: {  	s7 =	sld [smem:$0x3F98]  }
0x1a: {  	s8 =	sadd.s32 $0xFFFFE003, lr  }
0x1b: {  	s9 =	sadd.s32 $0xFFFFFEF7, lr;
	s5 =	simm.s32 $0xFFFFFFFF;
	p2 =	slt.u32 s8, $0xFFFFF086  }
0x1c: {  	p1 =	slt.u32 s9, $0xF7A;
	s5 =	simm.s32 @!p2 $0x0  }
0x1d: {  	s5 =	simm.s32 @p1 $0x1;
	p0 =	seq.s32 s7, s2  }
0x1e: {  	s7 =	smul.u32 @!p0 $0xF7A, s2;
	p2 =	seq.s32 @!p0 s5, $0x0  }
0x1f: {  	s9 =	smul.u32 $0xF7A, s1;
	s8 =	simm.s32 @!p0 $0x1BF5;
	p2 =	por !p2, p0  }
0x20: {  	[sflag:s8] =	ssyncset.s32 @!p0 $0xFFFFF086;
	s6 =	sadd.s32 @!p0 s3, s7;
	s7 =	simm.s32 @!p0 $0x108  }
0x21: {  	s3 =	sadd.s32 s3, s9;
	s6 =	sadd.s32 @!p0 $0x88, s6;
	s7 =	simm.s32 @p2 $0x1082  }
0x22: {  	[simem:s7], [sflag:s8] =	dma.local @!p0 [hbm:s6], $0xF7A  }
0x23: {  	s9 =	sor.u32 $0xD0000000, s2;
	s6 =	simm.s32 $0x108;
	_ =	swait.ge @!p0 [sflag:s8], $0x0  }
0x24: {  	s3 =	sadd.s32 $0x88, s3;
	s6 =	simm.s32 @!p1 $0x1082;
	[sflag:s4] =	ssyncset.s32 $0xFFFFF086  }
0x25: {  	[simem:s6], [sflag:s4] =	dma.local [hbm:s3], $0xF7A  }
0x26: {  	[smem:$0x3F98] =	sst s1;
	(tag) =	ssettag s2;
	_ =	strace s9  }
0x27: {  	s1 =	sld [smem:$0x3FA8]  }
0x28: {  	s2 =	sld [smem:$0x3FA9]  }
0x29: {  	s4 =	sld [smem:$0x3FAB]  }
0x2a: {  	p0 =	seq.s32 s5, $0x0;
	s5 =	sld [smem:$0x3FAC]  }
0x2b: {  	s6 =	sld [smem:$0x3FAD]  }
0x2c: {  	s7 =	sld [smem:$0x3FAE]  }
0x2d: {  	s3 =	simm.s32 $0x108;
	s8 =	sld [smem:$0x3FAF]  }
0x2e: {  	s3 =	simm.s32 @!p0 $0x1082;
	s9 =	sld [smem:$0x3FB0]  }
0x2f: {  	lr =	sadd.s32 s0, s3;
	s0 =	sld [smem:$0x3FA7]  }
0x30: {  	s3 =	sld [smem:$0x3FAA]  }
0x31: {  	[smem:$0x3FB3] =	sst s10  }
0x32: {  	s10 =	sld [smem:$0x3FB1];
	_ =	sdelay $0x3  }
0x33: {  	p0 =	seq.s32 s10, $0x1;
	s10 =	sld [smem:$0x3FB3];
	_ =	sdelay $0x3  }
0x34: {  	[smem:$0x3FB3] =	sst s10  }
0x35: {  	s10 =	sld [smem:$0x3FB2];
	_ =	sdelay $0x3  }
0x36: {  	p1 =	seq.s32 s10, $0x1;
	s10 =	sld [smem:$0x3FB3];
	_ =	sdelay $0x3  }
0x37: {  	[smem:$0x3FB3] =	sst s10  }
0x38: {  	s10 =	sld [smem:$0x3FB4]  }
0x39: {  	_ = 	snop;
	(pc) =	sbr.ind lr, $3  }
0x3a: {  	_ = 	snop  }
0x3b: {  	_ = 	snop  }
0x3c: {  	p2 =	seq.s32 s10, $0x1;
	s10 =	sld [smem:$0x3FB3]  }
0x3d: {  	_ =	shalt  }
0x3e: {  	_ =	shalt  }
0x3f: {  	_ =	shalt  }
0x40: {  	_ =	shalt  }
0x41: {  	_ =	shalt  }
0x42: {  	_ =	shalt  }
0x43: {  	_ =	shalt  }
0x44: {  	_ =	shalt  }
0x45: {  	_ =	shalt  }
0x46: {  	_ =	shalt  }
0x47: {  	_ =	shalt  }
0x48: {  	_ =	shalt  }
0x49: {  	_ =	shalt  }
0x4a: {  	_ =	shalt  }
0x4b: {  	_ =	shalt  }
0x4c: {  	_ =	shalt  }
0x4d: {  	_ =	shalt  }
0x4e: {  	_ =	shalt  }
0x4f: {  	_ =	shalt  }
0x50: {  	_ =	shalt  }
0x51: {  	_ =	shalt  }
0x52: {  	_ =	shalt  }
0x53: {  	_ =	shalt  }
0x54: {  	_ =	shalt  }
0x55: {  	_ =	shalt  }
0x56: {  	_ =	shalt  }
0x57: {  	_ =	shalt  }
0x58: {  	_ =	shalt  }
0x59: {  	_ =	shalt  }
0x5a: {  	_ =	shalt  }
0x5b: {  	_ =	shalt  }
0x5c: {  	_ =	shalt  }
0x5d: {  	_ =	shalt  }
0x5e: {  	_ =	shalt  }
0x5f: {  	_ =	shalt  }
0x60: {  	_ =	shalt  }
0x61: {  	_ =	shalt  }
0x62: {  	_ =	shalt  }
0x63: {  	_ =	shalt  }
0x64: {  	_ =	shalt  }
0x65: {  	_ =	shalt  }
0x66: {  	_ =	shalt  }
0x67: {  	_ =	shalt  }
0x68: {  	_ =	shalt  }
0x69: {  	_ =	shalt  }
0x6a: {  	_ =	shalt  }
0x6b: {  	_ =	shalt  }
0x6c: {  	_ =	shalt  }
0x6d: {  	_ =	shalt  }
0x6e: {  	_ =	shalt  }
0x6f: {  	_ =	shalt  }
0x70: {  	_ =	shalt  }
0x71: {  	_ =	shalt  }
0x72: {  	_ =	shalt  }
0x73: {  	_ =	shalt  }
0x74: {  	_ =	shalt  }
0x75: {  	_ =	shalt  }
0x76: {  	_ =	shalt  }
0x77: {  	_ =	shalt  }
0x78: {  	_ =	shalt  }
0x79: {  	_ =	shalt  }
0x7a: {  	_ =	shalt  }
0x7b: {  	_ =	shalt  }
0x7c: {  	_ =	shalt  }
0x7d: {  	_ =	shalt  }
0x7e: {  	_ =	shalt  }
0x7f: {  	_ =	shalt  }
0x80: {  	_ =	shalt  }
0x81: {  	_ =	shalt  }
0x82: {  	_ =	shalt  }
0x83: {  	_ =	shalt  }
0x84: {  	_ =	shalt  }
0x85: {  	_ =	shalt  }
0x86: {  	_ =	shalt  }
0x87: {  	_ =	shalt  }
.Lfunc_end0:
.L_simem_size_0:
called_computation_lowered:
.L_overlay_start_0:
0x88: {  	s2 =	sld [smem:$0x3FD9]  }
0x89: {  	s3 =	sld [smem:$0x3FFE];
	_ =	sdelay $0x1  }
0x8a: {  	s1 =	srdreg.scid  }
0x8b: {  	s0 =	sand.u32 $0x1, s1  }
0x8c: {  	s16 =	sshll.u32 s0, $0xA;
	s2 =	sadd.s32 s3, s2  }
0x8d: {  	s2 =	sadd.s32 s2, s16  }
0x8e: {  	[smem:$0x3FBF] =	sst s2  }
0x8f: {  	_ = 	snop  }
0x90: {  	(tm) =	ssettm $0x1  }
0x91: {  	s17 =	sld [smem:$0x3FFB];
	_ =	sdelay $0x3  }
0x92: {  	_ =	strace s17  }
0x93: {  	s2 =	sld [smem:$0x3FFC];
	_ =	sdelay $0x3  }
0x94: {  	_ =	strace s2  }
0x95: {  	s2 =	sld [smem:$0x3FFD];
	_ =	sdelay $0x3  }
0x96: {  	_ =	strace s2  }
0x97: {  	_ =	strace $0x8FFFFFFF  }
0x98: {  	s18 =	sld [smem:$0x3FDB];
	_ =	sdelay $0x1  }
0x99: {  	s19 =	simm.s32 $_scs_section_size  }
0x9a: {  	s4 =	simm.s32 $_size__tile_overlayer_lowered;
	s5 =	simm.s32 $_tile_overlayer_lowered  }
0x9b: {  	s22 =	simm.s32 $0x1BFF;
	s21 =	sshll.u32 s5, $0x1;
	s2 =	sadd.s32 s19, s18  }
0x9c: {  	s6 =	simm.s32 $0x0;
	s20 =	sshll.u32 s4, $0x1;
	s4 =	sadd.s32 s21, s2  }
0x9d: {  	[timem:s6], [sflag:s22] =	dma.local [hbm:s4], s20  }
0x9e: {  	_ =	swait.ge [sflag:s22], s20  }
0x9f: {  	s3 =	ssub.s32 $0x0, s20;
	[sflag:s22] =	ssyncset.done $0x0  }
0xa0: {  	[sflag:s22] =	ssyncadd.s32 s3;
	_ =	sdelay $0x1  }
0xa1: {  	s23 =	simm.s32 $0x1B8B  }
0xa2: {  	_ =	swait.ge [sflag:s23], $0x1  }
0xa3: {  	[sflag:s23] =	ssyncset.done $0x0  }
0xa4: {  	s25 =	simm.s32 $0x1B8E;
	s24 =	sld [smem:$0x3FFE];
	[sflag:s23] =	ssyncadd.s32 $0xFFFFFFFF  }
0xa5: {  	s26 =	simm.s32 $execute0_lowered;
	[smem:$0x3FD2] =	sst s25  }
0xa6: {  	s4 =	sshll.u32 s26, $0x1;
	_ =	strace $0x80000046;
	[dreg:$0x1] =	wrdreg $0xFFFFFFFF  }
0xa7: {  	s28 =	simm.s32 $_size_execute0_lowered;
	s2 =	sadd.s32 s2, s4;
	[dreg:$0x0] =	wrdreg $0x0  }
0xa8: {  	s4 =	sshll.u32 s28, $0x1;
	[dreg:$0x2] =	wrdreg s2  }
0xa9: {  	[dreg:$0x3] =	wrdreg s4  }
0xaa: {  	[dreg:$0x4] =	wrdreg $0xC0  }
0xab: {  	_ =	task [dreg:s6], $0x5FFFF  }
0xac: {  	[dreg:$0x1] =	wrdreg $0xFFFFFFFF  }
0xad: {  	[dreg:$0x0] =	wrdreg $0x60  }
0xae: {  	[dreg:$0x2] =	wrdreg s24  }
0xaf: {  	[dreg:$0x3] =	wrdreg $0xA7000  }
0xb0: {  	[dreg:$0x4] =	wrdreg $0x9  }
0xb1: {  	_ =	task.clear_ibuf [dreg:s6], $0x5FFFF;
	_ =	strace $0x90000046  }
0xb2: {  	s29 =	simm.s32 $0x9;
	_ =	strace $0x80000048  }
0xb3: {  	_ =	swait.ge [sflag:s29], $0x1  }
0xb4: {  	[sflag:s29] =	ssyncadd.s32 $0xFFFFFFFF  }
0xb5: {  	_ =	strace $0x90000048  }
0xb6: {  	_ =	sfence  }
0xb7: {  	s30 =	sld [smem:$0x0];
	_ =	sdelay $0x2  }
0xb8: {  	s31 =	sshll.u32 s1, $0xD;
	s1 =	sshrl.u32 s1, $0x2  }
0xb9: {  	s3 =	sand.u32 $0x4000, s31;
	s1 =	sadd.s32 s1, s30  }
0xba: {  	s0 =	sor.u32 s3, s0;
	s1 =	sshll.u32 s1, $0x11  }
0xbb: {  	s0 =	sor.u32 s1, s0  }
0xbc: {  	s0 =	sadd.s32 $0x8F2B, s0  }
0xbd: {  	[sflag:s0] =	ssyncadd.remote.s32 $0x1  }
0xbe: {  	_ =	sfence.sel $0xFFFF  }
0xbf: {  	[dreg:$0x0] =	wrdreg $0xFFFFFFFF;
	(pc) =	sbr.abs _section_cstart, $3  }
0xc0: {  	[dreg:$0x1] =	wrdreg $0xFFFFFFFF  }
0xc1: {  	_ =	task.clear_ibuf [dreg:s6], $0x2FFFF;
	_ =	strace $0x9FFFFFFF  }
0xc2: {  	(tm) =	ssettm $0x7FFFFFFF  }
0xc3: {  	_ =	shalt  }
tec
execute0_lowered:
.L_overlay_start_1:
0x0: {  	(tag) =	ssettag $0x1  }
0x1: {  	s0 =	rddreg [dreg:$0x0]  }
0x2: {  	s1 =	rddreg [dreg:$0x1];
	s2 =	simm.s32 $0x0;
	s5 =	srdreg.scid  }
0x3: {  	s7 =	stileid.u32;
	s19 =	simm.s32 $0x3;
	s21 =	simm.s32 $0x80  }
0x4: {  	s22 =	simm.s32 $0x50;
	s30 =	simm.s32 $0x1;
	s31 =	simm.s32 $0xA500  }
0x5: {  	s18 =	simm.s32 $0x2;
	s17 =	simm.s32 $0x100;
	[smem:$0x7FF] =	sst s2  }
0x6: {  	s3 =	sadd.s32 $0x15400, s0;
	s4 =	sadd.s32 $0x3C600, s0;
	s8 =	sand.u32 $0x1, s5  }
0x7: {  	s9 =	sshll.u32 s7, $0x1;
	s5 =	sadd.s32 $0xB400, s0;
	s6 =	sadd.s32 $0x1600, s0  }
0x8: {  	s23 =	sadd.s32 $0x15200, s0;
	s24 =	sadd.s32 $0x63800, s0;
	p0 =	sne.s32 s7, $0x0  }
0x9: {  	_ =	strace $0x80000047;
	s10 =	sor.u32 s8, s9;
	[dreg:$0x3] =	wrdreg s23  }
0xa: {  	s11 =	sshll.u32 s8, $0x4;
	s8 =	ssub.s32 $0x2, s8;
	s9 =	smul.u32 $0x2710, s10  }
0xb: {  	[dreg:$0x4] =	wrdreg s24;
	s12 =	smul.u32 $0x9C40, s10;
	s25 =	sshrl.u32 s8, $0x1  }
0xc: {  	s10 =	sadd.s32 $0x67400, s0;
	s0 =	sadd.s32 s11, s0;
	s8 =	ssub.s32 s8, s25  }
0xd: {  	s0 =	sadd.s32 $0x64C00, s0;
	s25 =	simm.s32 $0x5280;
	s26 =	sshrl.u32 s9, $0x3  }
0xe: {  	s12 =	sshrl.u32 s12, $0x3;
	[dreg:$0x8] =	wrdreg s0;
	s29 =	smax.u32 s8, $0x1  }
0xf: {  	s14 =	sadd.s32 $0xA0, s9;
	s13 =	sadd.s32 s5, s26;
	[dreg:$0x9] =	wrdreg s29  }
0x10: {  	s11 =	sadd.s32 s6, s26;
	s28 =	sadd.s32 s10, s12;
	[dreg:$0x5] =	wrdreg s13  }
0x11: {  	s0 =	simm.s32 $0x140;
	[dreg:$0x6] =	wrdreg s11;
	s11 =	sadd.s32 $0x1360, s28  }
0x12: {  	v0 =	vlaneseq.u32;
	s26 =	simm.s32 $0x5300;
	[dreg:$0x7] =	wrdreg s11;
	s11 =	sshrl.u32 @!p0 s1, $0x3  }
0x13: {  	v2 =	vimm.f32 $0.0e+00;
	v1 =	vand.u32 $0x3, v0;
	s12 =	simm.s32 $0x0;
	s13 =	sadd.s32 $0x50, s9;
	[dreg:$0xa] =	wrdreg s11  }
.LBB2_1:
0x14: {  	[dreg:$0xb] =	wrdreg s12  }
0x15: {  	s7 =	rddreg [dreg:$0x3];
	s8 =	simm.s32 $0xA680  }
0x16: {  	[tilespmem:s8], [sflag:$0x3] =	stream.linear.gather [hbm4b:s7+s2], $0x80, $0x38;
	[tilespmem:$0xB0C8] =	vst v63  }
0x17: {  	_ =	swait.ge [sflag:s19], $0x80  }
0x18: {  	[sflag:s19] =	ssyncset.done $0x0  }
0x19: {  	s8 =	simm.s32 @!p0 $0x1C03;
	s7 =	rddreg [dreg:$0x4];
	[sflag:s19] =	ssyncadd.s32 $0xFFFFFF80  }
0x1a: {  	[spmem:s11], [sflag:s8] =	dma.local @!p0 [hbm:s7], $0x1390  }
0x1b: {  	s8 =	simm.s32 @!p0 $0x3  }
0x1c: {  	_ =	swait.ge @!p0 [sflag:s8], $0x1390  }
0x1d: {  	[sflag:s8] =	ssyncset.done @!p0 $0x0  }
0x1e: {  	[sflag:s8] =	ssyncadd.s32 @!p0 $0xFFFFEC70  }
0x1f: {  	[bflag:$0x0] =	sbarrier.arrive $0xFFFF  }
0x20: {  	v3 =	vld [tilespmem:$0xA680]  }
0x21: {  	v4 =	vld [tilespmem:$0xA690]  }
0x22: {  	v5 =	vld [tilespmem:$0xA6A0]  }
0x23: {  	v6 =	vld [tilespmem:$0xA6B0]  }
0x24: {  	v7 =	vld [tilespmem:$0xA6C0]  }
0x25: {  	v8 =	vld [tilespmem:$0xA6D0]  }
0x26: {  	v9 =	vld [tilespmem:$0xA6E0];
	s23 =	rddreg [dreg:$0x5]  }
0x27: {  	v10 =	vld [tilespmem:$0xA6F0];
	[tilespmem:s2], [sflag:$0x3] =	stream.linear.gather [hbm4b:s23+s2], $0x50, $0x38  }
0x28: {  	_ =	swait.ge [sflag:s19], $0x50  }
0x29: {  	v11 =	vor.u32 s2, v0;
	[sflag:s19] =	ssyncset.done $0x0  }
0x2a: {  	v11 =	vshrl.u32 v11, $0x2;
	s24 =	rddreg [dreg:$0x6];
	[sflag:s19] =	ssyncadd.s32 $0xFFFFFFB0  }
0x2b: {  	[tilespmem:s21], [sflag:$0x3] =	stream.linear.gather [hbm4b:s24+s2], $0x50, $0x38;
	[tilespmem:$0xB0C8] =	vst v63  }
0x2c: {  	_ =	swait.ge [sflag:s19], $0x50  }
0x2d: {  	[sflag:s19] =	ssyncset.done $0x0  }
0x2e: {  	[sflag:s19] =	ssyncadd.s32 $0xFFFFFFB0  }
0x2f: {  	v11 =	vld.idx.msk [tilespmem:v11+s21+$0x0], $0xffff  }
0x30: {  	s28 =	simm.s32 $0x10  }
0x31: {  	v12 =	vor.u32 s28, v0  }
0x32: {  	v12 =	vshrl.u32 v12, $0x2;
	_ =	sdelay $0x1  }
0x33: {  	v11 =	vshll.u32 v11, $0x2  }
0x34: {  	v11 =	vor.u32 v1, v11  }
0x35: {  	[tilespmem:s17+$0x0] =	vst v11  }
0x36: {  	v11 =	vld.idx.msk [tilespmem:v12+s21+$0x0], $0xffff  }
0x37: {  	s29 =	simm.s32 $0x20  }
0x38: {  	s11 =	simm.s32 $0x30;
	s8 =	simm.s32 $0x100;
	v12 =	vor.u32 s29, v0  }
.LBB2_2:
0x39: {  	p1 =	sne.s32 s11, $0x130;
	v12 =	vshrl.u32 v12, $0x2;
	_ =	sdelay $0x1  }
0x3a: {  	v11 =	vshll.u32 v11, $0x2  }
0x3b: {  	s8 =	sadd.s32 $0x10, s8;
	v11 =	vor.u32 v1, v11  }
.Ltmp0:
0x3c: {  	[tilespmem:s8+$0x0] =	vst v11;
	(pc) =	sbr.rel @p1 .LBB2_2-.Ltmp0, $2  }
0x3d: {  	v11 =	vld.idx.msk [tilespmem:v12+s21+$0x0], $0xffff;
	_ =	sdelay $0x2  }
0x3e: {  	v12 =	vor.u32 s11, v0;
	s11 =	sadd.s32 $0x10, s11  }
0x3f: {  	v12 =	vshrl.u32 v12, $0x2;
	_ =	sdelay $0x1  }
0x40: {  	v11 =	vshll.u32 v11, $0x2  }
0x41: {  	s8 =	sadd.s32 $0x10, s8;
	v11 =	vor.u32 v1, v11  }
0x42: {  	[tilespmem:s8+$0x0] =	vst v11  }
0x43: {  	v11 =	vld.idx.msk [tilespmem:v12+s21+$0x0], $0xffff;
	_ =	sdelay $0x4  }
0x44: {  	v11 =	vshll.u32 v11, $0x2  }
0x45: {  	s8 =	sadd.s32 $0x10, s8;
	v11 =	vor.u32 v1, v11  }
0x46: {  	s12 =	simm.s32 $0x0;
	s7 =	simm.s32 $0x280;
	[tilespmem:s8+$0x0] =	vst v11  }
0x47: {  	[tilespmem:s7], [sflag:$0x1] =	stream.indirect.gather [hbm4b:s3+s22], $0x80, s12, s22, $0xb8;
	[tilespmem:$0xB0C8] =	vst v63  }
0x48: {  	s29 =	simm.s32 $0x2A80;
	s15 =	simm.s32 $0x0  }
0x49: {  	[tilespmem:s29], [sflag:$0x1] =	stream.indirect.gather [hbm4b:s4+s22], $0x80, s21, s22, $0xb8;
	[tilespmem:$0xB0C8] =	vst v63  }
.LBB2_4:
0x4a: {  	s8 =	smul.u32 $0xA0, s15;
	_ =	sdelay $0x1  }
0x4b: {  	s16 =	sadd.s32 s8, s13  }
0x4c: {  	s11 =	sshrl.u32 s16, $0x3  }
0x4d: {  	s17 =	sadd.s32 s5, s11  }
0x4e: {  	[tilespmem:s25], [sflag:$0x3] =	stream.linear.gather [hbm4b:s17+s12], $0x50, $0x38;
	[tilespmem:$0xB0C8] =	vst v63  }
0x4f: {  	_ =	swait.ge [sflag:s19], $0x50  }
0x50: {  	v11 =	vor.u32 s12, v0;
	[sflag:s19] =	ssyncset.done $0x0  }
0x51: {  	v11 =	vshrl.u32 v11, $0x2;
	s11 =	sadd.s32 s6, s11;
	[sflag:s19] =	ssyncadd.s32 $0xFFFFFFB0  }
0x52: {  	[tilespmem:s26], [sflag:$0x3] =	stream.linear.gather [hbm4b:s11+s12], $0x50, $0x38;
	[tilespmem:$0xB0C8] =	vst v63  }
0x53: {  	_ =	swait.ge [sflag:s19], $0x50  }
0x54: {  	[sflag:s19] =	ssyncset.done $0x0  }
0x55: {  	[sflag:s19] =	ssyncadd.s32 $0xFFFFFFB0  }
0x56: {  	v11 =	vld.idx.msk [tilespmem:v11+s26+$0x0], $0xffff  }
0x57: {  	s28 =	simm.s32 $0x10  }
0x58: {  	v12 =	vor.u32 s28, v0  }
0x59: {  	v12 =	vshrl.u32 v12, $0x2;
	_ =	sdelay $0x1  }
0x5a: {  	v11 =	vshll.u32 v11, $0x2  }
0x5b: {  	s11 =	simm.s32 $0x5380;
	v11 =	vor.u32 v1, v11  }
0x5c: {  	[tilespmem:s11+$0x0] =	vst v11  }
0x5d: {  	v11 =	vld.idx.msk [tilespmem:v12+s26+$0x0], $0xffff  }
0x5e: {  	s29 =	simm.s32 $0x20  }
0x5f: {  	s17 =	simm.s32 $0x30;
	v12 =	vor.u32 s29, v0  }
.LBB2_5:
0x60: {  	p1 =	sne.s32 s17, $0x130;
	v12 =	vshrl.u32 v12, $0x2;
	_ =	sdelay $0x1  }
0x61: {  	v11 =	vshll.u32 v11, $0x2  }
0x62: {  	s11 =	sadd.s32 $0x10, s11;
	v11 =	vor.u32 v1, v11  }
.Ltmp1:
0x63: {  	[tilespmem:s11+$0x0] =	vst v11;
	(pc) =	sbr.rel @p1 .LBB2_5-.Ltmp1, $2  }
0x64: {  	v11 =	vld.idx.msk [tilespmem:v12+s26+$0x0], $0xffff;
	_ =	sdelay $0x2  }
0x65: {  	v12 =	vor.u32 s17, v0;
	s17 =	sadd.s32 $0x10, s17  }
0x66: {  	v12 =	vshrl.u32 v12, $0x2;
	_ =	sdelay $0x1  }
0x67: {  	v11 =	vshll.u32 v11, $0x2  }
0x68: {  	s11 =	sadd.s32 $0x10, s11;
	v11 =	vor.u32 v1, v11  }
0x69: {  	[tilespmem:s11+$0x0] =	vst v11  }
0x6a: {  	v11 =	vld.idx.msk [tilespmem:v12+s26+$0x0], $0xffff;
	_ =	sdelay $0x4  }
0x6b: {  	v11 =	vshll.u32 v11, $0x2  }
0x6c: {  	s11 =	sadd.s32 $0x10, s11;
	v11 =	vor.u32 v1, v11  }
0x6d: {  	s7 =	simm.s32 $0x5500;
	[tilespmem:s11+$0x0] =	vst v11  }
0x6e: {  	[tilespmem:s7], [sflag:$0x2] =	stream.indirect.gather [hbm4b:s3+s22], $0x80, s25, s22, $0xb8;
	[tilespmem:$0xB0C8] =	vst v63  }
0x6f: {  	s29 =	simm.s32 $0x7D00  }
0x70: {  	[tilespmem:s29], [sflag:$0x2] =	stream.indirect.gather [hbm4b:s4+s22], $0x80, s26, s22, $0xb8;
	[tilespmem:$0xB0C8] =	vst v63  }
0x71: {  	_ =	swait.ge [sflag:s30], $0x2800  }
0x72: {  	[sflag:s30] =	ssyncset.done $0x0  }
0x73: {  	[sflag:s30] =	ssyncadd.s32 $0xFFFFD800  }
0x74: {  	_ =	swait.ge [sflag:s30], $0x2800  }
0x75: {  	[sflag:s30] =	ssyncset.done $0x0  }
0x76: {  	[sflag:s30] =	ssyncadd.s32 $0xFFFFD800  }
0x77: {  	[tilespmem:$0xA500] =	vst v2  }
0x78: {  	[tilespmem:$0xA510] =	vst v2  }
0x79: {  	[tilespmem:$0xA520] =	vst v2  }
0x7a: {  	[tilespmem:$0xA530] =	vst v2  }
0x7b: {  	[tilespmem:$0xA540] =	vst v2  }
0x7c: {  	[tilespmem:$0xA550] =	vst v2  }
0x7d: {  	[tilespmem:$0xA560] =	vst v2  }
0x7e: {  	[tilespmem:$0xA570] =	vst v2  }
0x7f: {  	[tilespmem:$0xA580] =	vst v2  }
0x80: {  	[tilespmem:$0xA590] =	vst v2  }
0x81: {  	[tilespmem:$0xA5A0] =	vst v2  }
0x82: {  	[tilespmem:$0xA5B0] =	vst v2  }
0x83: {  	[tilespmem:$0xA5C0] =	vst v2  }
0x84: {  	[tilespmem:$0xA5D0] =	vst v2  }
0x85: {  	[tilespmem:$0xA5E0] =	vst v2  }
0x86: {  	[tilespmem:$0xA5F0] =	vst v2  }
0x87: {  	[tilespmem:$0xA600] =	vst v2  }
0x88: {  	[tilespmem:$0xA610] =	vst v2  }
0x89: {  	[tilespmem:$0xA620] =	vst v2  }
0x8a: {  	s17 =	simm.s32 $0x2AC0;
	[tilespmem:$0xA630] =	vst v2  }
0x8b: {  	v11 =	vld [tilespmem:s17+$0xFFFFFFD0]  }
0x8c: {  	v47 =	vld [tilespmem:s17+$0xFFFFFFF0]  }
0x8d: {  	s20 =	simm.s32 $0x2C0;
	v13 =	vld [tilespmem:s17+$0xFFFFFFE0]  }
0x8e: {  	v14 =	vld [tilespmem:s20+$0xFFFFFFF0]  }
0x8f: {  	v15 =	vld [tilespmem:s20+$0xFFFFFFE0]  }
0x90: {  	v16 =	vld [tilespmem:s20+$0xFFFFFFD0]  }
0x91: {  	v17 =	vld [tilespmem:s17+$0xFFFFFFC0]  }
0x92: {  	v18 =	vld [tilespmem:s20+$0xFFFFFFC0]  }
0x93: {  	v19 =	vld [tilespmem:s17+$0x10]  }
0x94: {  	v20 =	vld [tilespmem:s20+$0x10]  }
0x95: {  	v48 =	vld [tilespmem:s17+$0x0]  }
0x96: {  	v49 =	vld [tilespmem:s20+$0x0]  }
0x97: {  	v23 =	vld [tilespmem:s17+$0x30];
	v12 =	vadd.f32 v47, v14;
	v13 =	vadd.f32 v13, v15  }
0x98: {  	v50 =	vld [tilespmem:s20+$0x30]  }
0x99: {  	v51 =	vld [tilespmem:s17+$0x20];
	v21 =	vmul.f32 $2.000000030e-01, v12;
	v22 =	vmul.f32 $2.000000030e-01, v13  }
0x9a: {  	v52 =	vld [tilespmem:s20+$0x20]  }
0x9b: {  	v11 =	vadd.f32 v11, v16;
	v12 =	vmax.f32 v12, v21;
	v13 =	vmax.f32 v13, v22  }
0x9c: {  	v17 =	vadd.f32 v17, v18;
	v13 =	vmul.f32 v13, v5;
	v12 =	vmul.f32 v12, v6  }
0x9d: {  	v14 =	vadd.f32 v48, v49;
	v55 =	vadd.f32 v19, v20  }
0x9e: {  	v53 =	vmul.f32 $2.000000030e-01, v11;
	v54 =	vmul.f32 $2.000000030e-01, v17;
	v12 =	vadd.f32 v12, v13  }
0x9f: {  	v56 =	vadd.f32 v23, v50;
	v16 =	vadd.f32 v51, v52;
	v15 =	vmul.f32 $2.000000030e-01, v14  }
0xa0: {  	v57 =	vmul.f32 $2.000000030e-01, v55;
	v11 =	vmax.f32 v11, v53;
	(xrf2) =	vadd.scan.msk.f32 $0xffff, v12;
	v12 =	vmax.f32 v17, v54  }
0xa1: {  	v11 =	vmul.f32 v11, v4;
	v12 =	vmul.f32 v12, v3  }
0xa2: {  	v58 =	vmul.f32 $2.000000030e-01, v16;
	v59 =	vmul.f32 $2.000000030e-01, v56  }
0xa3: {  	v14 =	vmax.f32 v14, v15;
	v13 =	vmax.f32 v55, v57;
	v11 =	vadd.f32 v11, v12  }
0xa4: {  	v14 =	vmul.f32 v14, v7;
	v13 =	vmul.f32 v13, v8  }
0xa5: {  	(xrf2) =	vadd.scan.msk.f32 $0xffff, v11  }
0xa6: {  	v15 =	vmax.f32 v16, v58;
	v60 =	vmax.f32 v56, v59;
	v13 =	vadd.f32 v13, v14  }
0xa7: {  	v61 =	vmul.f32 v15, v9;
	v62 =	vmul.f32 v60, v10  }
0xa8: {  	(xrf2) =	vadd.scan.msk.f32 $0xffff, v13  }
0xa9: {  	v11 =	vadd.f32 v62, v61;
	_ =	sdelay $0x1  }
0xaa: {  	v63, _, _ =	vpop (xrf2);
	(xrf2) =	vadd.scan.msk.f32 $0xffff, v11;
	_ =	sdelay $0x1  }
0xab: {  	s28 =	simm.s32 $0x4;
	s11 =	simm.s32 $0x0;
	v11 =	vbroadcast v63, $0xF  }
.LBB2_7:
0xac: {  	p1 =	sne.s32 s28, $0x13C;
	s20 =	sadd.s32 $0x80, s20;
	s17 =	sadd.s32 $0x80, s17  }
0xad: {  	s29 =	smov.u32 s28;
	s28 =	sadd.s32 $0x4, s28;
	v12, _, _ =	vpop (xrf2)  }
0xae: {  	s7 =	sand.u32 $0xC, s11;
	v12 =	vadd.f32 $0.0e+00, v12  }
0xaf: {  	v13 =	vmov s7;
	s23 =	sor.u32 $0x1, s7;
	s24 =	sor.u32 $0x2, s7;
	s7 =	sor.u32 $0x3, s7  }
0xb0: {  	v14 =	vmov s23;
	v15 =	vmov s24;
	v17 =	vbroadcast v12, $0xF;
	v16, _, _ =	vpop (xrf2)  }
0xb1: {  	vm0 =	veq.s32 v13, v0;
	vm1 =	veq.s32 v14, v0;
	v13 =	vbroadcast v16, $0xF  }
0xb2: {  	v14 =	vmov s7;
	v11 =	vnsel vm1, $0x0, v11;
	v16 =	vnsel vm0, $0x0, v17  }
0xb3: {  	s7 =	sand.u32 $0x1F0, s11;
	s11 =	smov.u32 s29;
	vm0 =	veq.s32 v15, v0;
	v11 =	vadd.f32 v11, v16;
	v12, _, _ =	vpop (xrf2)  }
0xb4: {  	v13 =	vnsel vm0, $0x0, v13;
	v12 =	vbroadcast v12, $0xF;
	v15 =	vld [tilespmem:s7+$0xA500]  }
0xb5: {  	vm0 =	veq.s32 v14, v0;
	v11 =	vadd.f32 v13, v11  }
0xb6: {  	v12 =	vnsel vm0, $0x0, v12  }
0xb7: {  	v11 =	vadd.f32 v12, v11;
	_ =	sdelay $0x1  }
0xb8: {  	v11 =	vadd.f32 v11, v15;
	_ =	sdelay $0x1  }
0xb9: {  	[tilespmem:s7+$0xA500] =	vst v11  }
0xba: {  	v11 =	vld [tilespmem:s17+$0xFFFFFFD0]  }
0xbb: {  	v12 =	vld [tilespmem:s20+$0xFFFFFFD0]  }
0xbc: {  	v13 =	vld [tilespmem:s17+$0xFFFFFFC0]  }
0xbd: {  	v14 =	vld [tilespmem:s17+$0xFFFFFFF0]  }
0xbe: {  	v15 =	vld [tilespmem:s17+$0xFFFFFFE0]  }
0xbf: {  	v16 =	vld [tilespmem:s20+$0xFFFFFFF0]  }
0xc0: {  	v11 =	vadd.f32 v11, v12;
	v12 =	vld [tilespmem:s20+$0xFFFFFFE0]  }
0xc1: {  	v17 =	vld [tilespmem:s20+$0xFFFFFFC0]  }
0xc2: {  	v18 =	vmul.f32 $2.000000030e-01, v11;
	v19 =	vld [tilespmem:s17+$0x10]  }
0xc3: {  	v20 =	vld [tilespmem:s20+$0x10]  }
0xc4: {  	v11 =	vmax.f32 v11, v18;
	v14 =	vadd.f32 v14, v16;
	v16 =	vld [tilespmem:s17+$0x0]  }
0xc5: {  	v12 =	vadd.f32 v15, v12;
	v15 =	vld [tilespmem:s20+$0x0]  }
0xc6: {  	v13 =	vadd.f32 v13, v17;
	v17 =	vmul.f32 $2.000000030e-01, v14;
	v18 =	vld [tilespmem:s17+$0x30]  }
0xc7: {  	v21 =	vmul.f32 $2.000000030e-01, v12;
	v22 =	vld [tilespmem:s20+$0x30]  }
0xc8: {  	v23 =	vmul.f32 $2.000000030e-01, v13;
	v14 =	vmax.f32 v14, v17;
	v17 =	vadd.f32 v19, v20;
	v19 =	vld [tilespmem:s17+$0x20]  }
0xc9: {  	v12 =	vmax.f32 v12, v21;
	v20 =	vld [tilespmem:s20+$0x20]  }
0xca: {  	v14 =	vmul.f32 v14, v6;
	v12 =	vmul.f32 v12, v5;
	v15 =	vadd.f32 v16, v15  }
0xcb: {  	v11 =	vmul.f32 v11, v4;
	v13 =	vmax.f32 v13, v23;
	v16 =	vmul.f32 $2.000000030e-01, v17  }
0xcc: {  	v13 =	vmul.f32 v13, v3;
	v21 =	vmul.f32 $2.000000030e-01, v15;
	v12 =	vadd.f32 v14, v12  }
0xcd: {  	v14 =	vmax.f32 v17, v16;
	v16 =	vadd.f32 v18, v22  }
0xce: {  	v11 =	vadd.f32 v11, v13;
	v15 =	vmax.f32 v15, v21;
	v17 =	vadd.f32 v19, v20;
	(xrf2) =	vadd.scan.msk.f32 $0xffff, v12  }
0xcf: {  	v13 =	vmul.f32 v14, v8;
	v12 =	vmul.f32 v15, v7  }
0xd0: {  	v15 =	vmul.f32 $2.000000030e-01, v16;
	v14 =	vmul.f32 $2.000000030e-01, v17  }
0xd1: {  	v12 =	vadd.f32 v13, v12;
	(xrf2) =	vadd.scan.msk.f32 $0xffff, v11  }
0xd2: {  	v13 =	vmax.f32 v16, v15;
	v11 =	vmax.f32 v17, v14  }
0xd3: {  	v13 =	vmul.f32 v13, v10;
	v11 =	vmul.f32 v11, v9  }
0xd4: {  	(xrf2) =	vadd.scan.msk.f32 $0xffff, v12  }
.Ltmp2:
0xd5: {  	v12 =	vadd.f32 v13, v11;
	(pc) =	sbr.rel @p1 .LBB2_7-.Ltmp2, $4  }
0xd6: {  	_ = 	snop  }
0xd7: {  	(xrf2) =	vadd.scan.msk.f32 $0xffff, v12  }
0xd8: {  	v11, _, _ =	vpop (xrf2)  }
0xd9: {  	v11 =	vbroadcast v11, $0xF  }
0xda: {  	_ = 	snop  }
0xdb: {  	v12, _, _ =	vpop (xrf2)  }
0xdc: {  	v12 =	vadd.f32 $0.0e+00, v12  }
0xdd: {  	s7 =	sand.u32 $0xC, s11  }
0xde: {  	v13 =	vmov s7;
	v12 =	vbroadcast v12, $0xF  }
0xdf: {  	s17 =	sor.u32 $0x1, s7;
	vm0 =	veq.s32 v13, v0  }
0xe0: {  	v14 =	vmov s17;
	v12 =	vnsel vm0, $0x0, v12  }
0xe1: {  	s20 =	sor.u32 $0x2, s7;
	vm1 =	veq.s32 v14, v0;
	v16, _, _ =	vpop (xrf2)  }
0xe2: {  	v15 =	vmov s20;
	v11 =	vnsel vm1, $0x0, v11;
	v13 =	vbroadcast v16, $0xF  }
0xe3: {  	s29 =	sand.u32 $0x1F0, s11;
	s7 =	sor.u32 $0x3, s7;
	vm14 =	veq.s32 v15, v0;
	v11 =	vadd.f32 v11, v12;
	v12, _, _ =	vpop (xrf2)  }
0xe4: {  	v14 =	vmov s7;
	v15 =	vld [tilespmem:s29+$0xA500];
	v13 =	vnsel vm14, $0x0, v13;
	v12 =	vbroadcast v12, $0xF  }
0xe5: {  	vm15 =	veq.s32 v14, v0;
	v11 =	vadd.f32 v13, v11  }
0xe6: {  	v12 =	vnsel vm15, $0x0, v12  }
0xe7: {  	v11 =	vadd.f32 v12, v11;
	_ =	sdelay $0x1  }
0xe8: {  	v11 =	vadd.f32 v11, v15;
	_ =	sdelay $0x1  }
0xe9: {  	[tilespmem:s29+$0xA500] =	vst v11  }
0xea: {  	v11 =	vld [tilespmem:$0xA500]  }
0xeb: {  	v12 =	vld [tilespmem:$0xA510]  }
0xec: {  	v13 =	vld [tilespmem:$0xA520]  }
0xed: {  	v14 =	vld [tilespmem:$0xA530]  }
0xee: {  	v15 =	vld [tilespmem:$0xA540]  }
0xef: {  	v53 =	vld [tilespmem:$0xA550];
	v11 =	vmul.f32 $1.442695020e+00, v11  }
0xf0: {  	v17 =	vld [tilespmem:$0xA560];
	v12 =	vmul.f32 $1.442695020e+00, v12  }
0xf1: {  	(erf) = vpow2.f32 v11;
	v11 =	vmul.f32 $1.442695020e+00, v13;
	v13 =	vld [tilespmem:$0xA570]  }
0xf2: {  	(erf) = vpow2.f32 v12;
	v12 =	vmul.f32 $1.442695020e+00, v14;
	v14 =	vld [tilespmem:$0xA580]  }
0xf3: {  	(erf) = vpow2.f32 v11;
	v11 =	vmul.f32 $1.442695020e+00, v15;
	v15 =	vld [tilespmem:$0xA590]  }
0xf4: {  	v54 =	vld [tilespmem:$0xA5A0];
	(erf) = vpow2.f32 v12;
	v12 =	vmul.f32 $1.442695020e+00, v53  }
0xf5: {  	v55 =	vld [tilespmem:$0xA5B0];
	(erf) = vpow2.f32 v11;
	v11 =	vmul.f32 $1.442695020e+00, v17  }
0xf6: {  	(erf) = vpow2.f32 v12;
	v12 =	vmul.f32 $1.442695020e+00, v13;
	v13 =	vld [tilespmem:$0xA5C0]  }
0xf7: {  	(erf) = vpow2.f32 v11;
	v11 =	vmul.f32 $1.442695020e+00, v14;
	v14 =	vld [tilespmem:$0xA5D0]  }
0xf8: {  	(erf) = vpow2.f32 v12;
	v12 =	vmul.f32 $1.442695020e+00, v15;
	v15 =	vld [tilespmem:$0xA5E0]  }
0xf9: {  	v56 =	vld [tilespmem:$0xA5F0];
	(erf) = vpow2.f32 v11;
	v11 =	vmul.f32 $1.442695020e+00, v54  }
0xfa: {  	v57 =	vld [tilespmem:$0xA600];
	v18 =	vpop (erf);
	(erf) = vpow2.f32 v12;
	v12 =	vmul.f32 $1.442695020e+00, v55  }
0xfb: {  	v58 =	vpop (erf);
	(erf) = vpow2.f32 v11;
	v11 =	vmul.f32 $1.442695020e+00, v13;
	v13 =	vld [tilespmem:$0xA610]  }
0xfc: {  	[tilespmem:$0xA500] =	vst v18;
	v59 =	vpop (erf);
	(erf) = vpow2.f32 v12;
	v12 =	vmul.f32 $1.442695020e+00, v14;
	v14 =	vld [tilespmem:$0xA620]  }
0xfd: {  	[tilespmem:$0xA510] =	vst v58;
	v60 =	vpop (erf);
	(erf) = vpow2.f32 v11;
	v11 =	vmul.f32 $1.442695020e+00, v15;
	v15 =	vld [tilespmem:$0xA630]  }
0xfe: {  	[tilespmem:$0xA520] =	vst v59;
	v61 =	vpop (erf);
	(erf) = vpow2.f32 v12;
	v12 =	vmul.f32 $1.442695020e+00, v56  }
0xff: {  	[tilespmem:$0xA530] =	vst v60;
	v62 =	vpop (erf);
	(erf) = vpow2.f32 v11;
	v11 =	vmul.f32 $1.442695020e+00, v57  }
0x100: {  	[tilespmem:$0xA540] =	vst v61;
	v63 =	vpop (erf);
	(erf) = vpow2.f32 v12;
	v12 =	vmul.f32 $1.442695020e+00, v13  }
0x101: {  	[tilespmem:$0xA550] =	vst v62;
	v13 =	vpop (erf);
	(erf) = vpow2.f32 v11;
	v11 =	vmul.f32 $1.442695020e+00, v14  }
0x102: {  	[tilespmem:$0xA570] =	vst v13;
	v13 =	vpop (erf);
	(erf) = vpow2.f32 v12;
	v12 =	vmul.f32 $1.442695020e+00, v15  }
0x103: {  	[tilespmem:$0xA560] =	vst v63  }
0x104: {  	[tilespmem:$0xA580] =	vst v13;
	v13 =	vpop (erf);
	(erf) = vpow2.f32 v11  }
0x105: {  	[tilespmem:$0xA590] =	vst v13;
	v11 =	vpop (erf);
	(erf) = vpow2.f32 v12  }
0x106: {  	v12 =	vpop (erf);
	[tilespmem:$0xA5A0] =	vst v11  }
0x107: {  	v11 =	vpop (erf);
	[tilespmem:$0xA5B0] =	vst v12  }
0x108: {  	v12 =	vpop (erf);
	[tilespmem:$0xA5C0] =	vst v11  }
0x109: {  	v11 =	vpop (erf);
	[tilespmem:$0xA5D0] =	vst v12  }
0x10a: {  	v12 =	vpop (erf);
	[tilespmem:$0xA5E0] =	vst v11  }
0x10b: {  	v11 =	vpop (erf);
	[tilespmem:$0xA5F0] =	vst v12  }
0x10c: {  	v12 =	vpop (erf);
	[tilespmem:$0xA600] =	vst v11  }
0x10d: {  	s17 =	sadd.s32 s9, s8;
	v11 =	vpop (erf);
	[tilespmem:$0xA610] =	vst v12  }
0x10e: {  	s7 =	sshrl.u32 s17, $0x1;
	[tilespmem:$0xA620] =	vst v11;
	v11 =	vpop (erf)  }
0x10f: {  	s20 =	simm.s32 $0x0;
	s7 =	sadd.s32 s10, s7;
	[tilespmem:$0xA630] =	vst v11  }
0x110: {  	[hbm4b:s7+s20] =	stream.linear.scatter [tilespmem:s31], [sflag:$0x3], $0x140, $0x38;
	[tilespmem:$0xB0C8] =	vst v63  }
0x111: {  	_ =	swait.ge [sflag:s19], $0x140  }
0x112: {  	[sflag:s19] =	ssyncset.done $0x0  }
0x113: {  	s11 =	simm.s32 $0x100;
	[sflag:s19] =	ssyncadd.s32 $0xFFFFFEC0  }
0x114: {  	[spmem:s1] =	stream.indirect.scatter.add.f32 [tilespmem:s31], [sflag:$0x3], $0x1, s11, s0, $0xb8;
	[tilespmem:$0xB0C8] =	vst v63  }
0x115: {  	s23 =	sadd.s32 s8, s14;
	_ =	swait.ge [sflag:s19], $0x140  }
0x116: {  	s7 =	sshrl.u32 s23, $0x3;
	[sflag:s19] =	ssyncset.done $0x0  }
0x117: {  	s24 =	sadd.s32 s5, s7;
	[sflag:s19] =	ssyncadd.s32 $0xFFFFFEC0  }
0x118: {  	[tilespmem:s20], [sflag:$0x3] =	stream.linear.gather [hbm4b:s24+s20], $0x50, $0x38;
	[tilespmem:$0xB0C8] =	vst v63  }
0x119: {  	_ =	swait.ge [sflag:s19], $0x50  }
0x11a: {  	v11 =	vor.u32 s20, v0;
	[sflag:s19] =	ssyncset.done $0x0  }
0x11b: {  	v11 =	vshrl.u32 v11, $0x2;
	s7 =	sadd.s32 s6, s7;
	[sflag:s19] =	ssyncadd.s32 $0xFFFFFFB0  }
0x11c: {  	[tilespmem:s21], [sflag:$0x3] =	stream.linear.gather [hbm4b:s7+s20], $0x50, $0x38;
	[tilespmem:$0xB0C8] =	vst v63  }
0x11d: {  	_ =	swait.ge [sflag:s19], $0x50  }
0x11e: {  	[sflag:s19] =	ssyncset.done $0x0  }
0x11f: {  	[sflag:s19] =	ssyncadd.s32 $0xFFFFFFB0  }
0x120: {  	v11 =	vld.idx.msk [tilespmem:v11+s21+$0x0], $0xffff  }
0x121: {  	s28 =	simm.s32 $0x10  }
0x122: {  	v12 =	vor.u32 s28, v0  }
0x123: {  	v12 =	vshrl.u32 v12, $0x2;
	_ =	sdelay $0x1  }
0x124: {  	v11 =	vshll.u32 v11, $0x2  }
0x125: {  	v11 =	vor.u32 v1, v11  }
0x126: {  	[tilespmem:s11+$0x0] =	vst v11  }
0x127: {  	v11 =	vld.idx.msk [tilespmem:v12+s21+$0x0], $0xffff  }
0x128: {  	s29 =	simm.s32 $0x20  }
0x129: {  	s8 =	simm.s32 $0x30;
	v12 =	vor.u32 s29, v0  }
.LBB2_9:
0x12a: {  	p1 =	sne.s32 s8, $0x130;
	v12 =	vshrl.u32 v12, $0x2;
	_ =	sdelay $0x1  }
0x12b: {  	v11 =	vshll.u32 v11, $0x2  }
0x12c: {  	s11 =	sadd.s32 $0x10, s11;
	v11 =	vor.u32 v1, v11  }
.Ltmp3:
0x12d: {  	[tilespmem:s11+$0x0] =	vst v11;
	(pc) =	sbr.rel @p1 .LBB2_9-.Ltmp3, $2  }
0x12e: {  	v11 =	vld.idx.msk [tilespmem:v12+s21+$0x0], $0xffff;
	_ =	sdelay $0x2  }
0x12f: {  	v12 =	vor.u32 s8, v0;
	s8 =	sadd.s32 $0x10, s8  }
0x130: {  	v12 =	vshrl.u32 v12, $0x2;
	_ =	sdelay $0x1  }
0x131: {  	v11 =	vshll.u32 v11, $0x2  }
0x132: {  	s7 =	sadd.s32 $0x10, s11;
	v11 =	vor.u32 v1, v11  }
0x133: {  	[tilespmem:s7+$0x0] =	vst v11  }
0x134: {  	v11 =	vld.idx.msk [tilespmem:v12+s21+$0x0], $0xffff;
	_ =	sdelay $0x4  }
0x135: {  	v11 =	vshll.u32 v11, $0x2  }
0x136: {  	s7 =	sadd.s32 $0x10, s7;
	v11 =	vor.u32 v1, v11  }
0x137: {  	s8 =	simm.s32 $0x0;
	s28 =	simm.s32 $0x280;
	[tilespmem:s7+$0x0] =	vst v11  }
0x138: {  	[tilespmem:s28], [sflag:$0x1] =	stream.indirect.gather [hbm4b:s3+s22], $0x80, s8, s22, $0xb8;
	[tilespmem:$0xB0C8] =	vst v63  }
0x139: {  	s29 =	simm.s32 $0x2A80  }
0x13a: {  	[tilespmem:s29], [sflag:$0x1] =	stream.indirect.gather [hbm4b:s4+s22], $0x80, s21, s22, $0xb8;
	[tilespmem:$0xB0C8] =	vst v63  }
0x13b: {  	_ =	swait.ge [sflag:s18], $0x2800  }
0x13c: {  	[sflag:s18] =	ssyncset.done $0x0  }
0x13d: {  	[sflag:s18] =	ssyncadd.s32 $0xFFFFD800  }
0x13e: {  	_ =	swait.ge [sflag:s18], $0x2800  }
0x13f: {  	[sflag:s18] =	ssyncset.done $0x0  }
0x140: {  	[sflag:s18] =	ssyncadd.s32 $0xFFFFD800  }
0x141: {  	[tilespmem:$0xA500] =	vst v2  }
0x142: {  	[tilespmem:$0xA510] =	vst v2  }
0x143: {  	[tilespmem:$0xA520] =	vst v2  }
0x144: {  	[tilespmem:$0xA530] =	vst v2  }
0x145: {  	[tilespmem:$0xA540] =	vst v2  }
0x146: {  	[tilespmem:$0xA550] =	vst v2  }
0x147: {  	[tilespmem:$0xA560] =	vst v2  }
0x148: {  	[tilespmem:$0xA570] =	vst v2  }
0x149: {  	[tilespmem:$0xA580] =	vst v2  }
0x14a: {  	[tilespmem:$0xA590] =	vst v2  }
0x14b: {  	[tilespmem:$0xA5A0] =	vst v2  }
0x14c: {  	[tilespmem:$0xA5B0] =	vst v2  }
0x14d: {  	[tilespmem:$0xA5C0] =	vst v2  }
0x14e: {  	[tilespmem:$0xA5D0] =	vst v2  }
0x14f: {  	[tilespmem:$0xA5E0] =	vst v2  }
0x150: {  	[tilespmem:$0xA5F0] =	vst v2  }
0x151: {  	[tilespmem:$0xA600] =	vst v2  }
0x152: {  	[tilespmem:$0xA610] =	vst v2  }
0x153: {  	[tilespmem:$0xA620] =	vst v2  }
0x154: {  	s17 =	simm.s32 $0x7D40;
	[tilespmem:$0xA630] =	vst v2  }
0x155: {  	v11 =	vld [tilespmem:s17+$0xFFFFFFD0]  }
0x156: {  	v47 =	vld [tilespmem:s17+$0xFFFFFFF0]  }
0x157: {  	s20 =	simm.s32 $0x5540;
	v13 =	vld [tilespmem:s17+$0xFFFFFFE0]  }
0x158: {  	v14 =	vld [tilespmem:s20+$0xFFFFFFF0]  }
0x159: {  	v15 =	vld [tilespmem:s20+$0xFFFFFFE0]  }
0x15a: {  	v16 =	vld [tilespmem:s20+$0xFFFFFFD0]  }
0x15b: {  	v17 =	vld [tilespmem:s17+$0xFFFFFFC0]  }
0x15c: {  	v18 =	vld [tilespmem:s20+$0xFFFFFFC0]  }
0x15d: {  	v19 =	vld [tilespmem:s17+$0x10]  }
0x15e: {  	v20 =	vld [tilespmem:s20+$0x10]  }
0x15f: {  	v48 =	vld [tilespmem:s17+$0x0]  }
0x160: {  	v49 =	vld [tilespmem:s20+$0x0]  }
0x161: {  	v23 =	vld [tilespmem:s17+$0x30];
	v12 =	vadd.f32 v47, v14;
	v13 =	vadd.f32 v13, v15  }
0x162: {  	v50 =	vld [tilespmem:s20+$0x30]  }
0x163: {  	v51 =	vld [tilespmem:s17+$0x20];
	v21 =	vmul.f32 $2.000000030e-01, v12;
	v22 =	vmul.f32 $2.000000030e-01, v13  }
0x164: {  	v52 =	vld [tilespmem:s20+$0x20]  }
0x165: {  	v11 =	vadd.f32 v11, v16;
	v12 =	vmax.f32 v12, v21;
	v13 =	vmax.f32 v13, v22  }
0x166: {  	v17 =	vadd.f32 v17, v18;
	v13 =	vmul.f32 v13, v5;
	v12 =	vmul.f32 v12, v6  }
0x167: {  	v14 =	vadd.f32 v48, v49;
	v55 =	vadd.f32 v19, v20  }
0x168: {  	v53 =	vmul.f32 $2.000000030e-01, v11;
	v54 =	vmul.f32 $2.000000030e-01, v17;
	v12 =	vadd.f32 v12, v13  }
0x169: {  	v56 =	vadd.f32 v23, v50;
	v16 =	vadd.f32 v51, v52;
	v15 =	vmul.f32 $2.000000030e-01, v14  }
0x16a: {  	v57 =	vmul.f32 $2.000000030e-01, v55;
	v11 =	vmax.f32 v11, v53;
	(xrf2) =	vadd.scan.msk.f32 $0xffff, v12;
	v12 =	vmax.f32 v17, v54  }
0x16b: {  	v11 =	vmul.f32 v11, v4;
	v12 =	vmul.f32 v12, v3  }
0x16c: {  	v58 =	vmul.f32 $2.000000030e-01, v16;
	v59 =	vmul.f32 $2.000000030e-01, v56  }
0x16d: {  	v14 =	vmax.f32 v14, v15;
	v13 =	vmax.f32 v55, v57;
	v11 =	vadd.f32 v11, v12  }
0x16e: {  	v14 =	vmul.f32 v14, v7;
	v13 =	vmul.f32 v13, v8  }
0x16f: {  	(xrf2) =	vadd.scan.msk.f32 $0xffff, v11  }
0x170: {  	v15 =	vmax.f32 v16, v58;
	v60 =	vmax.f32 v56, v59;
	v13 =	vadd.f32 v13, v14  }
0x171: {  	v61 =	vmul.f32 v15, v9;
	v62 =	vmul.f32 v60, v10  }
0x172: {  	(xrf2) =	vadd.scan.msk.f32 $0xffff, v13  }
0x173: {  	v11 =	vadd.f32 v62, v61;
	_ =	sdelay $0x1  }
0x174: {  	v63, _, _ =	vpop (xrf2);
	(xrf2) =	vadd.scan.msk.f32 $0xffff, v11;
	_ =	sdelay $0x1  }
0x175: {  	s11 =	simm.s32 $0x4;
	v11 =	vbroadcast v63, $0xF  }
.LBB2_11:
0x176: {  	p1 =	sne.s32 s11, $0x13C;
	s20 =	sadd.s32 $0x80, s20;
	s17 =	sadd.s32 $0x80, s17  }
0x177: {  	s7 =	smov.u32 s11;
	s11 =	sadd.s32 $0x4, s11;
	v12, _, _ =	vpop (xrf2)  }
0x178: {  	s23 =	sand.u32 $0xC, s8;
	v12 =	vadd.f32 $0.0e+00, v12  }
0x179: {  	v13 =	vmov s23;
	s24 =	sor.u32 $0x1, s23;
	s28 =	sor.u32 $0x2, s23;
	s23 =	sor.u32 $0x3, s23  }
0x17a: {  	v14 =	vmov s24;
	v15 =	vmov s28;
	v17 =	vbroadcast v12, $0xF;
	v16, _, _ =	vpop (xrf2)  }
0x17b: {  	vm0 =	veq.s32 v13, v0;
	vm1 =	veq.s32 v14, v0;
	v13 =	vbroadcast v16, $0xF  }
0x17c: {  	v14 =	vmov s23;
	v11 =	vnsel vm1, $0x0, v11;
	v16 =	vnsel vm0, $0x0, v17  }
0x17d: {  	s23 =	sand.u32 $0x1F0, s8;
	s8 =	smov.u32 s7;
	vm0 =	veq.s32 v15, v0;
	v11 =	vadd.f32 v11, v16;
	v12, _, _ =	vpop (xrf2)  }
0x17e: {  	v13 =	vnsel vm0, $0x0, v13;
	v12 =	vbroadcast v12, $0xF;
	v15 =	vld [tilespmem:s23+$0xA500]  }
0x17f: {  	vm0 =	veq.s32 v14, v0;
	v11 =	vadd.f32 v13, v11  }
0x180: {  	v12 =	vnsel vm0, $0x0, v12  }
0x181: {  	v11 =	vadd.f32 v12, v11;
	_ =	sdelay $0x1  }
0x182: {  	v11 =	vadd.f32 v11, v15;
	_ =	sdelay $0x1  }
0x183: {  	[tilespmem:s23+$0xA500] =	vst v11  }
0x184: {  	v11 =	vld [tilespmem:s17+$0xFFFFFFD0]  }
0x185: {  	v12 =	vld [tilespmem:s20+$0xFFFFFFD0]  }
0x186: {  	v13 =	vld [tilespmem:s17+$0xFFFFFFC0]  }
0x187: {  	v14 =	vld [tilespmem:s17+$0xFFFFFFF0]  }
0x188: {  	v15 =	vld [tilespmem:s17+$0xFFFFFFE0]  }
0x189: {  	v16 =	vld [tilespmem:s20+$0xFFFFFFF0]  }
0x18a: {  	v11 =	vadd.f32 v11, v12;
	v12 =	vld [tilespmem:s20+$0xFFFFFFE0]  }
0x18b: {  	v17 =	vld [tilespmem:s20+$0xFFFFFFC0]  }
0x18c: {  	v18 =	vmul.f32 $2.000000030e-01, v11;
	v19 =	vld [tilespmem:s17+$0x10]  }
0x18d: {  	v20 =	vld [tilespmem:s20+$0x10]  }
0x18e: {  	v11 =	vmax.f32 v11, v18;
	v14 =	vadd.f32 v14, v16;
	v16 =	vld [tilespmem:s17+$0x0]  }
0x18f: {  	v12 =	vadd.f32 v15, v12;
	v15 =	vld [tilespmem:s20+$0x0]  }
0x190: {  	v13 =	vadd.f32 v13, v17;
	v17 =	vmul.f32 $2.000000030e-01, v14;
	v18 =	vld [tilespmem:s17+$0x30]  }
0x191: {  	v21 =	vmul.f32 $2.000000030e-01, v12;
	v22 =	vld [tilespmem:s20+$0x30]  }
0x192: {  	v23 =	vmul.f32 $2.000000030e-01, v13;
	v14 =	vmax.f32 v14, v17;
	v17 =	vadd.f32 v19, v20;
	v19 =	vld [tilespmem:s17+$0x20]  }
0x193: {  	v12 =	vmax.f32 v12, v21;
	v20 =	vld [tilespmem:s20+$0x20]  }
0x194: {  	v14 =	vmul.f32 v14, v6;
	v12 =	vmul.f32 v12, v5;
	v15 =	vadd.f32 v16, v15  }
0x195: {  	v11 =	vmul.f32 v11, v4;
	v13 =	vmax.f32 v13, v23;
	v16 =	vmul.f32 $2.000000030e-01, v17  }
0x196: {  	v13 =	vmul.f32 v13, v3;
	v21 =	vmul.f32 $2.000000030e-01, v15;
	v12 =	vadd.f32 v14, v12  }
0x197: {  	v14 =	vmax.f32 v17, v16;
	v16 =	vadd.f32 v18, v22  }
0x198: {  	v11 =	vadd.f32 v11, v13;
	v15 =	vmax.f32 v15, v21;
	v17 =	vadd.f32 v19, v20;
	(xrf2) =	vadd.scan.msk.f32 $0xffff, v12  }
0x199: {  	v13 =	vmul.f32 v14, v8;
	v12 =	vmul.f32 v15, v7  }
0x19a: {  	v15 =	vmul.f32 $2.000000030e-01, v16;
	v14 =	vmul.f32 $2.000000030e-01, v17  }
0x19b: {  	v12 =	vadd.f32 v13, v12;
	(xrf2) =	vadd.scan.msk.f32 $0xffff, v11  }
0x19c: {  	v13 =	vmax.f32 v16, v15;
	v11 =	vmax.f32 v17, v14  }
0x19d: {  	v13 =	vmul.f32 v13, v10;
	v11 =	vmul.f32 v11, v9  }
0x19e: {  	(xrf2) =	vadd.scan.msk.f32 $0xffff, v12  }
.Ltmp4:
0x19f: {  	v12 =	vadd.f32 v13, v11;
	(pc) =	sbr.rel @p1 .LBB2_11-.Ltmp4, $4  }
0x1a0: {  	_ = 	snop  }
0x1a1: {  	(xrf2) =	vadd.scan.msk.f32 $0xffff, v12  }
0x1a2: {  	v11, _, _ =	vpop (xrf2)  }
0x1a3: {  	v11 =	vbroadcast v11, $0xF  }
0x1a4: {  	_ = 	snop  }
0x1a5: {  	v12, _, _ =	vpop (xrf2)  }
0x1a6: {  	s7 =	sand.u32 $0xC, s8;
	v12 =	vadd.f32 $0.0e+00, v12  }
0x1a7: {  	s11 =	sor.u32 $0x1, s7  }
0x1a8: {  	v13 =	vmov s7;
	s17 =	sor.u32 $0x2, s7;
	v14 =	vmov s11;
	v12 =	vbroadcast v12, $0xF  }
0x1a9: {  	v15 =	vmov s17;
	vm0 =	veq.s32 v13, v0;
	vm1 =	veq.s32 v14, v0;
	v16, _, _ =	vpop (xrf2)  }
0x1aa: {  	v11 =	vnsel vm1, $0x0, v11;
	v20 =	vbroadcast v16, $0xF;
	v12 =	vnsel vm0, $0x0, v12  }
0x1ab: {  	s24 =	sand.u32 $0x1F0, s8;
	s7 =	sor.u32 $0x3, s7;
	vm14 =	veq.s32 v15, v0;
	v11 =	vadd.f32 v11, v12;
	v21, _, _ =	vpop (xrf2)  }
0x1ac: {  	v23 =	vld [tilespmem:s24+$0xA500];
	v22 =	vmov s7;
	v13 =	vnsel vm14, $0x0, v20;
	v12 =	vbroadcast v21, $0xF  }
0x1ad: {  	vm15 =	veq.s32 v22, v0;
	v11 =	vadd.f32 v13, v11  }
0x1ae: {  	v12 =	vnsel vm15, $0x0, v12  }
0x1af: {  	v11 =	vadd.f32 v12, v11;
	_ =	sdelay $0x1  }
0x1b0: {  	v11 =	vadd.f32 v11, v23;
	_ =	sdelay $0x1  }
0x1b1: {  	[tilespmem:s24+$0xA500] =	vst v11  }
0x1b2: {  	v11 =	vld [tilespmem:$0xA500]  }
0x1b3: {  	v24 =	vld [tilespmem:$0xA510]  }
0x1b4: {  	v25 =	vld [tilespmem:$0xA520]  }
0x1b5: {  	v26 =	vld [tilespmem:$0xA530]  }
0x1b6: {  	v27 =	vld [tilespmem:$0xA540]  }
0x1b7: {  	v28 =	vld [tilespmem:$0xA550];
	v11 =	vmul.f32 $1.442695020e+00, v11  }
0x1b8: {  	v17 =	vld [tilespmem:$0xA560];
	v12 =	vmul.f32 $1.442695020e+00, v24  }
0x1b9: {  	v29 =	vld [tilespmem:$0xA570];
	(erf) = vpow2.f32 v11;
	v11 =	vmul.f32 $1.442695020e+00, v25  }
0x1ba: {  	v31 =	vld [tilespmem:$0xA580];
	v30 =	vmul.f32 $1.442695020e+00, v26;
	(erf) = vpow2.f32 v12  }
0x1bb: {  	v32 =	vld [tilespmem:$0xA590];
	(erf) = vpow2.f32 v11;
	v11 =	vmul.f32 $1.442695020e+00, v27  }
0x1bc: {  	v34 =	vld [tilespmem:$0xA5A0];
	v33 =	vmul.f32 $1.442695020e+00, v28;
	(erf) = vpow2.f32 v30  }
0x1bd: {  	v35 =	vld [tilespmem:$0xA5B0];
	(erf) = vpow2.f32 v11;
	v11 =	vmul.f32 $1.442695020e+00, v17  }
0x1be: {  	v37 =	vld [tilespmem:$0xA5C0];
	v36 =	vmul.f32 $1.442695020e+00, v29;
	(erf) = vpow2.f32 v33  }
0x1bf: {  	v38 =	vld [tilespmem:$0xA5D0];
	(erf) = vpow2.f32 v11;
	v11 =	vmul.f32 $1.442695020e+00, v31  }
0x1c0: {  	v40 =	vld [tilespmem:$0xA5E0];
	v39 =	vmul.f32 $1.442695020e+00, v32;
	(erf) = vpow2.f32 v36  }
0x1c1: {  	v41 =	vld [tilespmem:$0xA5F0];
	(erf) = vpow2.f32 v11;
	v11 =	vmul.f32 $1.442695020e+00, v34  }
0x1c2: {  	v43 =	vld [tilespmem:$0xA600];
	v42 =	vmul.f32 $1.442695020e+00, v35;
	v18 =	vpop (erf);
	(erf) = vpow2.f32 v39  }
0x1c3: {  	v45 =	vld [tilespmem:$0xA610];
	v44 =	vpop (erf);
	(erf) = vpow2.f32 v11;
	v11 =	vmul.f32 $1.442695020e+00, v37  }
0x1c4: {  	v48 =	vld [tilespmem:$0xA620];
	v47 =	vmul.f32 $1.442695020e+00, v38;
	[tilespmem:$0xA500] =	vst v18;
	v46 =	vpop (erf);
	(erf) = vpow2.f32 v42  }
0x1c5: {  	[tilespmem:$0xA510] =	vst v44;
	v49 =	vpop (erf);
	(erf) = vpow2.f32 v11;
	v11 =	vmul.f32 $1.442695020e+00, v40  }
0x1c6: {  	v50 =	vld [tilespmem:$0xA630];
	v52 =	vmul.f32 $1.442695020e+00, v41;
	[tilespmem:$0xA520] =	vst v46;
	v51 =	vpop (erf);
	(erf) = vpow2.f32 v47  }
0x1c7: {  	[tilespmem:$0xA530] =	vst v49;
	v53 =	vpop (erf);
	(erf) = vpow2.f32 v11;
	v11 =	vmul.f32 $1.442695020e+00, v43  }
0x1c8: {  	v55 =	vmul.f32 $1.442695020e+00, v45;
	[tilespmem:$0xA540] =	vst v51;
	v54 =	vpop (erf);
	(erf) = vpow2.f32 v52  }
0x1c9: {  	[tilespmem:$0xA550] =	vst v53;
	v56 =	vpop (erf);
	(erf) = vpow2.f32 v11;
	v11 =	vmul.f32 $1.442695020e+00, v48  }
0x1ca: {  	[tilespmem:$0xA560] =	vst v54  }
0x1cb: {  	v58 =	vmul.f32 $1.442695020e+00, v50;
	[tilespmem:$0xA570] =	vst v56;
	v57 =	vpop (erf);
	(erf) = vpow2.f32 v55  }
0x1cc: {  	[tilespmem:$0xA580] =	vst v57;
	v59 =	vpop (erf);
	(erf) = vpow2.f32 v11  }
0x1cd: {  	[tilespmem:$0xA590] =	vst v59;
	v11 =	vpop (erf);
	(erf) = vpow2.f32 v58  }
0x1ce: {  	v60 =	vpop (erf);
	[tilespmem:$0xA5A0] =	vst v11  }
0x1cf: {  	v11 =	vpop (erf);
	[tilespmem:$0xA5B0] =	vst v60  }
0x1d0: {  	v61 =	vpop (erf);
	[tilespmem:$0xA5C0] =	vst v11  }
0x1d1: {  	v11 =	vpop (erf);
	[tilespmem:$0xA5D0] =	vst v61  }
0x1d2: {  	v62 =	vpop (erf);
	[tilespmem:$0xA5E0] =	vst v11  }
0x1d3: {  	v11 =	vpop (erf);
	[tilespmem:$0xA5F0] =	vst v62  }
0x1d4: {  	v63 =	vpop (erf);
	[tilespmem:$0xA600] =	vst v11  }
0x1d5: {  	v11 =	vpop (erf);
	[tilespmem:$0xA610] =	vst v63  }
0x1d6: {  	s28 =	sshrl.u32 s16, $0x1;
	[tilespmem:$0xA620] =	vst v11;
	v11 =	vpop (erf)  }
0x1d7: {  	s7 =	sadd.s32 s10, s28;
	[tilespmem:$0xA630] =	vst v11  }
0x1d8: {  	[hbm4b:s7+s2] =	stream.linear.scatter [tilespmem:s31], [sflag:$0x3], $0x140, $0x38;
	[tilespmem:$0xB0C8] =	vst v63  }
0x1d9: {  	s15 =	sadd.s32 $0x1, s15;
	_ =	swait.ge [sflag:s19], $0x140  }
0x1da: {  	p1 =	sne.s32 s15, $0x3E;
	[sflag:s19] =	ssyncset.done $0x0  }
.Ltmp5:
0x1db: {  	s29 =	simm.s32 $0x5380;
	[sflag:s19] =	ssyncadd.s32 $0xFFFFFEC0;
	(pc) =	sbr.rel @p1 .LBB2_4-.Ltmp5, $4  }
0x1dc: {  	[spmem:s1] =	stream.indirect.scatter.add.f32 [tilespmem:s31], [sflag:$0x3], $0x1, s29, s0, $0xb8;
	[tilespmem:$0xB0C8] =	vst v63  }
0x1dd: {  	_ =	swait.ge [sflag:s19], $0x140  }
0x1de: {  	[sflag:s19] =	ssyncset.done $0x0  }
0x1df: {  	[sflag:s19] =	ssyncadd.s32 $0xFFFFFEC0  }
0x1e0: {  	_ =	swait.ge [sflag:s30], $0x2800  }
0x1e1: {  	[sflag:s30] =	ssyncset.done $0x0  }
0x1e2: {  	[sflag:s30] =	ssyncadd.s32 $0xFFFFD800  }
0x1e3: {  	_ =	swait.ge [sflag:s30], $0x2800  }
0x1e4: {  	[sflag:s30] =	ssyncset.done $0x0  }
0x1e5: {  	[sflag:s30] =	ssyncadd.s32 $0xFFFFD800  }
0x1e6: {  	[tilespmem:$0xA500] =	vst v2  }
0x1e7: {  	[tilespmem:$0xA510] =	vst v2  }
0x1e8: {  	[tilespmem:$0xA520] =	vst v2  }
0x1e9: {  	[tilespmem:$0xA530] =	vst v2  }
0x1ea: {  	[tilespmem:$0xA540] =	vst v2  }
0x1eb: {  	[tilespmem:$0xA550] =	vst v2  }
0x1ec: {  	[tilespmem:$0xA560] =	vst v2  }
0x1ed: {  	[tilespmem:$0xA570] =	vst v2  }
0x1ee: {  	[tilespmem:$0xA580] =	vst v2  }
0x1ef: {  	[tilespmem:$0xA590] =	vst v2  }
0x1f0: {  	[tilespmem:$0xA5A0] =	vst v2  }
0x1f1: {  	[tilespmem:$0xA5B0] =	vst v2  }
0x1f2: {  	[tilespmem:$0xA5C0] =	vst v2  }
0x1f3: {  	[tilespmem:$0xA5D0] =	vst v2  }
0x1f4: {  	[tilespmem:$0xA5E0] =	vst v2  }
0x1f5: {  	[tilespmem:$0xA5F0] =	vst v2  }
0x1f6: {  	[tilespmem:$0xA600] =	vst v2  }
0x1f7: {  	[tilespmem:$0xA610] =	vst v2  }
0x1f8: {  	[tilespmem:$0xA620] =	vst v2  }
0x1f9: {  	s8 =	simm.s32 $0x2AC0;
	[tilespmem:$0xA630] =	vst v2  }
0x1fa: {  	v11 =	vld [tilespmem:s8+$0xFFFFFFD0]  }
0x1fb: {  	v12 =	vld [tilespmem:s8+$0xFFFFFFF0]  }
0x1fc: {  	s12 =	simm.s32 $0x2C0;
	v13 =	vld [tilespmem:s8+$0xFFFFFFE0]  }
0x1fd: {  	v14 =	vld [tilespmem:s12+$0xFFFFFFF0]  }
0x1fe: {  	v15 =	vld [tilespmem:s12+$0xFFFFFFE0]  }
0x1ff: {  	v16 =	vld [tilespmem:s12+$0xFFFFFFD0]  }
0x200: {  	v17 =	vld [tilespmem:s8+$0xFFFFFFC0]  }
0x201: {  	v18 =	vld [tilespmem:s12+$0xFFFFFFC0]  }
0x202: {  	v19 =	vld [tilespmem:s8+$0x10]  }
0x203: {  	v20 =	vld [tilespmem:s12+$0x10]  }
0x204: {  	v48 =	vld [tilespmem:s8+$0x0]  }
0x205: {  	v49 =	vld [tilespmem:s12+$0x0]  }
0x206: {  	v23 =	vld [tilespmem:s8+$0x30];
	v12 =	vadd.f32 v12, v14;
	v13 =	vadd.f32 v13, v15  }
0x207: {  	v50 =	vld [tilespmem:s12+$0x30]  }
0x208: {  	v51 =	vld [tilespmem:s8+$0x20];
	v21 =	vmul.f32 $2.000000030e-01, v12;
	v22 =	vmul.f32 $2.000000030e-01, v13  }
0x209: {  	v52 =	vld [tilespmem:s12+$0x20]  }
0x20a: {  	v11 =	vadd.f32 v11, v16;
	v12 =	vmax.f32 v12, v21;
	v13 =	vmax.f32 v13, v22  }
0x20b: {  	v17 =	vadd.f32 v17, v18;
	v13 =	vmul.f32 v13, v5;
	v12 =	vmul.f32 v12, v6  }
0x20c: {  	v14 =	vadd.f32 v48, v49;
	v55 =	vadd.f32 v19, v20  }
0x20d: {  	v53 =	vmul.f32 $2.000000030e-01, v11;
	v54 =	vmul.f32 $2.000000030e-01, v17;
	v12 =	vadd.f32 v12, v13  }
0x20e: {  	v56 =	vadd.f32 v23, v50;
	v16 =	vadd.f32 v51, v52;
	v15 =	vmul.f32 $2.000000030e-01, v14  }
0x20f: {  	v57 =	vmul.f32 $2.000000030e-01, v55;
	v11 =	vmax.f32 v11, v53;
	(xrf2) =	vadd.scan.msk.f32 $0xffff, v12;
	v12 =	vmax.f32 v17, v54  }
0x210: {  	v11 =	vmul.f32 v11, v4;
	v12 =	vmul.f32 v12, v3  }
0x211: {  	v58 =	vmul.f32 $2.000000030e-01, v16;
	v59 =	vmul.f32 $2.000000030e-01, v56  }
0x212: {  	v14 =	vmax.f32 v14, v15;
	v13 =	vmax.f32 v55, v57;
	v11 =	vadd.f32 v11, v12  }
0x213: {  	v14 =	vmul.f32 v14, v7;
	v13 =	vmul.f32 v13, v8  }
0x214: {  	(xrf2) =	vadd.scan.msk.f32 $0xffff, v11  }
0x215: {  	v15 =	vmax.f32 v16, v58;
	v60 =	vmax.f32 v56, v59;
	v13 =	vadd.f32 v13, v14  }
0x216: {  	v61 =	vmul.f32 v15, v9;
	v62 =	vmul.f32 v60, v10  }
0x217: {  	(xrf2) =	vadd.scan.msk.f32 $0xffff, v13  }
0x218: {  	v11 =	vadd.f32 v62, v61;
	_ =	sdelay $0x1  }
0x219: {  	v63, _, _ =	vpop (xrf2);
	(xrf2) =	vadd.scan.msk.f32 $0xffff, v11;
	_ =	sdelay $0x1  }
0x21a: {  	s11 =	simm.s32 $0x0;
	s15 =	simm.s32 $0x4;
	v11 =	vbroadcast v63, $0xF  }
.LBB2_14:
0x21b: {  	p1 =	sne.s32 s15, $0x13C;
	s12 =	sadd.s32 $0x80, s12;
	s8 =	sadd.s32 $0x80, s8  }
0x21c: {  	s7 =	smov.u32 s15;
	s15 =	sadd.s32 $0x4, s15;
	v12, _, _ =	vpop (xrf2)  }
0x21d: {  	s16 =	sand.u32 $0xC, s11;
	v12 =	vadd.f32 $0.0e+00, v12  }
0x21e: {  	v13 =	vmov s16;
	s17 =	sor.u32 $0x1, s16;
	s20 =	sor.u32 $0x2, s16;
	s16 =	sor.u32 $0x3, s16  }
0x21f: {  	v14 =	vmov s17;
	v15 =	vmov s20;
	v17 =	vbroadcast v12, $0xF;
	v16, _, _ =	vpop (xrf2)  }
0x220: {  	vm0 =	veq.s32 v13, v0;
	vm1 =	veq.s32 v14, v0;
	v13 =	vbroadcast v16, $0xF  }
0x221: {  	v14 =	vmov s16;
	v11 =	vnsel vm1, $0x0, v11;
	v16 =	vnsel vm0, $0x0, v17  }
0x222: {  	s16 =	sand.u32 $0x1F0, s11;
	s11 =	smov.u32 s7;
	vm0 =	veq.s32 v15, v0;
	v11 =	vadd.f32 v11, v16;
	v12, _, _ =	vpop (xrf2)  }
0x223: {  	v13 =	vnsel vm0, $0x0, v13;
	v12 =	vbroadcast v12, $0xF;
	v15 =	vld [tilespmem:s16+$0xA500]  }
0x224: {  	vm0 =	veq.s32 v14, v0;
	v11 =	vadd.f32 v13, v11  }
0x225: {  	v12 =	vnsel vm0, $0x0, v12  }
0x226: {  	v11 =	vadd.f32 v12, v11;
	_ =	sdelay $0x1  }
0x227: {  	v11 =	vadd.f32 v11, v15;
	_ =	sdelay $0x1  }
0x228: {  	[tilespmem:s16+$0xA500] =	vst v11  }
0x229: {  	v11 =	vld [tilespmem:s8+$0xFFFFFFD0]  }
0x22a: {  	v12 =	vld [tilespmem:s12+$0xFFFFFFD0]  }
0x22b: {  	v13 =	vld [tilespmem:s8+$0xFFFFFFC0]  }
0x22c: {  	v14 =	vld [tilespmem:s8+$0xFFFFFFF0]  }
0x22d: {  	v15 =	vld [tilespmem:s8+$0xFFFFFFE0]  }
0x22e: {  	v16 =	vld [tilespmem:s12+$0xFFFFFFF0]  }
0x22f: {  	v11 =	vadd.f32 v11, v12;
	v12 =	vld [tilespmem:s12+$0xFFFFFFE0]  }
0x230: {  	v17 =	vld [tilespmem:s12+$0xFFFFFFC0]  }
0x231: {  	v18 =	vmul.f32 $2.000000030e-01, v11;
	v19 =	vld [tilespmem:s8+$0x10]  }
0x232: {  	v20 =	vld [tilespmem:s12+$0x10]  }
0x233: {  	v11 =	vmax.f32 v11, v18;
	v14 =	vadd.f32 v14, v16;
	v16 =	vld [tilespmem:s8+$0x0]  }
0x234: {  	v12 =	vadd.f32 v15, v12;
	v15 =	vld [tilespmem:s12+$0x0]  }
0x235: {  	v13 =	vadd.f32 v13, v17;
	v17 =	vmul.f32 $2.000000030e-01, v14;
	v18 =	vld [tilespmem:s8+$0x30]  }
0x236: {  	v21 =	vmul.f32 $2.000000030e-01, v12;
	v22 =	vld [tilespmem:s12+$0x30]  }
0x237: {  	v23 =	vmul.f32 $2.000000030e-01, v13;
	v14 =	vmax.f32 v14, v17;
	v17 =	vadd.f32 v19, v20;
	v19 =	vld [tilespmem:s8+$0x20]  }
0x238: {  	v12 =	vmax.f32 v12, v21;
	v20 =	vld [tilespmem:s12+$0x20]  }
0x239: {  	v14 =	vmul.f32 v14, v6;
	v12 =	vmul.f32 v12, v5;
	v15 =	vadd.f32 v16, v15  }
0x23a: {  	v11 =	vmul.f32 v11, v4;
	v13 =	vmax.f32 v13, v23;
	v16 =	vmul.f32 $2.000000030e-01, v17  }
0x23b: {  	v13 =	vmul.f32 v13, v3;
	v21 =	vmul.f32 $2.000000030e-01, v15;
	v12 =	vadd.f32 v14, v12  }
0x23c: {  	v14 =	vmax.f32 v17, v16;
	v16 =	vadd.f32 v18, v22  }
0x23d: {  	v11 =	vadd.f32 v11, v13;
	v15 =	vmax.f32 v15, v21;
	v17 =	vadd.f32 v19, v20;
	(xrf2) =	vadd.scan.msk.f32 $0xffff, v12  }
0x23e: {  	v13 =	vmul.f32 v14, v8;
	v12 =	vmul.f32 v15, v7  }
0x23f: {  	v15 =	vmul.f32 $2.000000030e-01, v16;
	v14 =	vmul.f32 $2.000000030e-01, v17  }
0x240: {  	v12 =	vadd.f32 v13, v12;
	(xrf2) =	vadd.scan.msk.f32 $0xffff, v11  }
0x241: {  	v13 =	vmax.f32 v16, v15;
	v11 =	vmax.f32 v17, v14  }
0x242: {  	v13 =	vmul.f32 v13, v10;
	v11 =	vmul.f32 v11, v9  }
0x243: {  	(xrf2) =	vadd.scan.msk.f32 $0xffff, v12  }
.Ltmp6:
0x244: {  	v12 =	vadd.f32 v13, v11;
	(pc) =	sbr.rel @p1 .LBB2_14-.Ltmp6, $4  }
0x245: {  	_ = 	snop  }
0x246: {  	(xrf2) =	vadd.scan.msk.f32 $0xffff, v12  }
0x247: {  	v11, _, _ =	vpop (xrf2)  }
0x248: {  	v11 =	vbroadcast v11, $0xF  }
0x249: {  	_ = 	snop  }
0x24a: {  	v3, _, _ =	vpop (xrf2)  }
0x24b: {  	s7 =	sand.u32 $0xC, s11;
	v3 =	vadd.f32 $0.0e+00, v3  }
0x24c: {  	s8 =	sor.u32 $0x1, s7  }
0x24d: {  	v4 =	vmov s7;
	s12 =	sor.u32 $0x2, s7;
	v5 =	vmov s8;
	v3 =	vbroadcast v3, $0xF  }
0x24e: {  	v6 =	vmov s12;
	vm0 =	veq.s32 v4, v0;
	vm1 =	veq.s32 v5, v0;
	v7, _, _ =	vpop (xrf2)  }
0x24f: {  	v5 =	vnsel vm1, $0x0, v11;
	v20 =	vbroadcast v7, $0xF;
	v3 =	vnsel vm0, $0x0, v3  }
0x250: {  	s23 =	sand.u32 $0x1F0, s11;
	s7 =	sor.u32 $0x3, s7;
	vm14 =	veq.s32 v6, v0;
	v3 =	vadd.f32 v5, v3;
	v21, _, _ =	vpop (xrf2)  }
0x251: {  	v23 =	vld [tilespmem:s23+$0xA500];
	v22 =	vmov s7;
	v4 =	vnsel vm14, $0x0, v20;
	v5 =	vbroadcast v21, $0xF  }
0x252: {  	vm15 =	veq.s32 v22, v0;
	v3 =	vadd.f32 v4, v3  }
0x253: {  	v24 =	vnsel vm15, $0x0, v5  }
0x254: {  	v3 =	vadd.f32 v24, v3;
	_ =	sdelay $0x1  }
0x255: {  	v3 =	vadd.f32 v3, v23;
	_ =	sdelay $0x1  }
0x256: {  	[tilespmem:s23+$0xA500] =	vst v3  }
0x257: {  	v3 =	vld [tilespmem:$0xA500]  }
0x258: {  	v25 =	vld [tilespmem:$0xA510]  }
0x259: {  	v26 =	vld [tilespmem:$0xA520]  }
0x25a: {  	v27 =	vld [tilespmem:$0xA530]  }
0x25b: {  	v28 =	vld [tilespmem:$0xA540]  }
0x25c: {  	v8 =	vld [tilespmem:$0xA550];
	v3 =	vmul.f32 $1.442695020e+00, v3  }
0x25d: {  	v9 =	vld [tilespmem:$0xA560];
	v4 =	vmul.f32 $1.442695020e+00, v25  }
0x25e: {  	v29 =	vld [tilespmem:$0xA570];
	(erf) = vpow2.f32 v3;
	v3 =	vmul.f32 $1.442695020e+00, v26  }
0x25f: {  	v31 =	vld [tilespmem:$0xA580];
	v30 =	vmul.f32 $1.442695020e+00, v27;
	(erf) = vpow2.f32 v4  }
0x260: {  	v32 =	vld [tilespmem:$0xA590];
	(erf) = vpow2.f32 v3;
	v3 =	vmul.f32 $1.442695020e+00, v28  }
0x261: {  	v34 =	vld [tilespmem:$0xA5A0];
	v33 =	vmul.f32 $1.442695020e+00, v8;
	(erf) = vpow2.f32 v30  }
0x262: {  	v35 =	vld [tilespmem:$0xA5B0];
	(erf) = vpow2.f32 v3;
	v3 =	vmul.f32 $1.442695020e+00, v9  }
0x263: {  	v37 =	vld [tilespmem:$0xA5C0];
	v36 =	vmul.f32 $1.442695020e+00, v29;
	(erf) = vpow2.f32 v33  }
0x264: {  	v38 =	vld [tilespmem:$0xA5D0];
	(erf) = vpow2.f32 v3;
	v3 =	vmul.f32 $1.442695020e+00, v31  }
0x265: {  	v40 =	vld [tilespmem:$0xA5E0];
	v39 =	vmul.f32 $1.442695020e+00, v32;
	(erf) = vpow2.f32 v36  }
0x266: {  	v41 =	vld [tilespmem:$0xA5F0];
	(erf) = vpow2.f32 v3;
	v3 =	vmul.f32 $1.442695020e+00, v34  }
0x267: {  	v43 =	vld [tilespmem:$0xA600];
	v42 =	vmul.f32 $1.442695020e+00, v35;
	v10 =	vpop (erf);
	(erf) = vpow2.f32 v39  }
0x268: {  	v45 =	vld [tilespmem:$0xA610];
	v44 =	vpop (erf);
	(erf) = vpow2.f32 v3;
	v3 =	vmul.f32 $1.442695020e+00, v37  }
0x269: {  	v48 =	vld [tilespmem:$0xA620];
	v47 =	vmul.f32 $1.442695020e+00, v38;
	[tilespmem:$0xA500] =	vst v10;
	v46 =	vpop (erf);
	(erf) = vpow2.f32 v42  }
0x26a: {  	[tilespmem:$0xA510] =	vst v44;
	v49 =	vpop (erf);
	(erf) = vpow2.f32 v3;
	v3 =	vmul.f32 $1.442695020e+00, v40  }
0x26b: {  	v50 =	vld [tilespmem:$0xA630];
	v52 =	vmul.f32 $1.442695020e+00, v41;
	[tilespmem:$0xA520] =	vst v46;
	v51 =	vpop (erf);
	(erf) = vpow2.f32 v47  }
0x26c: {  	[tilespmem:$0xA530] =	vst v49;
	v53 =	vpop (erf);
	(erf) = vpow2.f32 v3;
	v3 =	vmul.f32 $1.442695020e+00, v43  }
0x26d: {  	v55 =	vmul.f32 $1.442695020e+00, v45;
	[tilespmem:$0xA540] =	vst v51;
	v54 =	vpop (erf);
	(erf) = vpow2.f32 v52  }
0x26e: {  	[tilespmem:$0xA550] =	vst v53;
	v56 =	vpop (erf);
	(erf) = vpow2.f32 v3;
	v3 =	vmul.f32 $1.442695020e+00, v48  }
0x26f: {  	[tilespmem:$0xA560] =	vst v54  }
0x270: {  	v58 =	vmul.f32 $1.442695020e+00, v50;
	[tilespmem:$0xA570] =	vst v56;
	v57 =	vpop (erf);
	(erf) = vpow2.f32 v55  }
0x271: {  	[tilespmem:$0xA580] =	vst v57;
	v59 =	vpop (erf);
	(erf) = vpow2.f32 v3  }
0x272: {  	[tilespmem:$0xA590] =	vst v59;
	v3 =	vpop (erf);
	(erf) = vpow2.f32 v58  }
0x273: {  	v60 =	vpop (erf);
	[tilespmem:$0xA5A0] =	vst v3  }
0x274: {  	v3 =	vpop (erf);
	[tilespmem:$0xA5B0] =	vst v60  }
0x275: {  	v61 =	vpop (erf);
	[tilespmem:$0xA5C0] =	vst v3  }
0x276: {  	v3 =	vpop (erf);
	[tilespmem:$0xA5D0] =	vst v61  }
0x277: {  	v62 =	vpop (erf);
	[tilespmem:$0xA5E0] =	vst v3  }
0x278: {  	v3 =	vpop (erf);
	[tilespmem:$0xA5F0] =	vst v62  }
0x279: {  	v63 =	vpop (erf);
	[tilespmem:$0xA600] =	vst v3  }
0x27a: {  	v3 =	vpop (erf);
	[tilespmem:$0xA610] =	vst v63  }
0x27b: {  	[tilespmem:$0xA620] =	vst v3;
	v3 =	vpop (erf)  }
0x27c: {  	s24 =	rddreg [dreg:$0x7];
	[tilespmem:$0xA630] =	vst v3  }
0x27d: {  	[hbm4b:s24+s2] =	stream.linear.scatter [tilespmem:s31], [sflag:$0x3], $0x140, $0x38;
	[tilespmem:$0xB0C8] =	vst v63  }
0x27e: {  	_ =	swait.ge [sflag:s19], $0x140  }
0x27f: {  	[sflag:s19] =	ssyncset.done $0x0  }
0x280: {  	s17 =	simm.s32 $0x100;
	[sflag:s19] =	ssyncadd.s32 $0xFFFFFEC0  }
0x281: {  	[spmem:s1] =	stream.indirect.scatter.add.f32 [tilespmem:s31], [sflag:$0x3], $0x1, s17, s0, $0xb8;
	[tilespmem:$0xB0C8] =	vst v63  }
0x282: {  	_ =	swait.ge [sflag:s19], $0x140  }
0x283: {  	[sflag:s19] =	ssyncset.done $0x0  }
0x284: {  	[sflag:s19] =	ssyncadd.s32 $0xFFFFFEC0  }
0x285: {  	[bflag:$0x0] =	sbarrier.arrive $0xFFFF  }
0x286: {  	s11 =	simm.s32 @!p0 $0x10;
	s7 =	simm.s32 @!p0 $0x1;
	s15 =	rddreg [dreg:$0x8]  }
0x287: {  	s8 =	simm.s32 @!p0 $0x20;
	s12 =	simm.s32 @!p0 $0x1C03;
	s16 =	rddreg [dreg:$0xa]  }
0x288: {  	[hbm:s15@s8], [sflag:s12] =	dma.strided @!p0 [spmem:s16@s11], $0x1390, s7, $0x10   }
0x289: {  	s7 =	simm.s32 @!p0 $0x3  }
0x28a: {  	_ =	swait.ge @!p0 [sflag:s7], $0x1390  }
0x28b: {  	s28 =	rddreg [dreg:$0xb]  }
0x28c: {  	s29 =	rddreg [dreg:$0x9];
	s12 =	sadd.s32 $0x1, s28  }
0x28d: {  	p1 =	sne.s32 s12, s29  }
.Ltmp7:
0x28e: {  	_ = 	snop;
	(pc) =	sbr.rel @p1 .LBB2_1-.Ltmp7, $3  }
0x28f: {  	_ =	sdelay $0x1  }
0x290: {  	[sflag:s7] =	ssyncset.done @!p0 $0x0  }
0x291: {  	s11 =	smov.u32 s16;
	[sflag:s7] =	ssyncadd.s32 @!p0 $0xFFFFEC70  }
0x292: {  	_ =	sfence.sel $0x180000  }
0x293: {  	[bflag:$0x0] =	sbarrier.arrive $0xFFFF  }
0x294: {  	_ =	strace $0x90000047  }
0x295: {  	[bflag:$0x2] =	sbarrier.arrive $0xFFFF  }
0x296: {  	s0 =	rddreg [dreg:$0x2]  }
0x297: {  	s0 =	sadd.s32 @!p0 $0x100000, s0  }
0x298: {  	[sflag:s0] =	ssyncadd.tile.s32 @!p0 $0x1;
	_ =	shalt  }
.Lfunc_end2:
_tile_overlayer_lowered:
.L_overlay_start_2:
0x299: {  	(tag) =	ssettag $0x2  }
0x29a: {  	s0 =	rddreg [dreg:$0x0];
	s2 =	stileid.u32  }
0x29b: {  	s1 =	rddreg [dreg:$0x1];
	p0 =	sne.s32 s2, $0x0  }
0x29c: {  	s3 =	rddreg [dreg:$0x2];
	[bflag:$0x3] =	sbarrier.arrive $0xFFFF;
	s2 =	simm.s32 @!p0 $0x1C03  }
0x29d: {  	[timem:s3], [sflag:s2] =	dma.local @!p0 [hbm:s0], s1  }
0x29e: {  	s0 =	simm.s32 @!p0 $0x3  }
0x29f: {  	_ =	swait.ge @!p0 [sflag:s0], s1  }
0x2a0: {  	s1 =	ssub.s32 @!p0 $0x0, s1;
	[sflag:s0] =	ssyncset.done @!p0 $0x0  }
0x2a1: {  	[sflag:s0] =	ssyncadd.s32 @!p0 s1  }
0x2a2: {  	[bflag:$0x3] =	sbarrier.arrive $0xFFFF  }
0x2a3: {  	_ =	shalt  }

</sc_bundles>
